<compile_context>
chip_gen: v7x
topology: tpu7x:2x2x1
jax: 0.10.2.dev20260603
libtpu: 0.0.44.dev20260713+nightly
codegen_flags: <defaults>
</compile_context>

<pallas_src>
import functools

import jax
import jax.numpy as jnp
from jax import lax
from jax.experimental import pallas as pl
from jax.experimental.pallas import tpu as pltpu
from jax.experimental.pallas import tpu_sc as plsc

_N = 32768
_D = 256
_T = 2048
_NB = _N // _T
_CH = 128
_NW = 32
_BPW = _N // _NW


def _row_norm(r):
    xx = r * r
    h = xx[:, :128] + xx[:, 128:]
    ht = jnp.transpose(h)
    acc = ht[0:8]
    for j in range(1, 16):
        acc = acc + ht[8 * j:8 * j + 8]
    p = acc[0:4] + acc[4:8]
    q = p[0:2] + p[2:4]
    return q[0:1] + q[1:2]


def _make_tc_body(nq, K):
    def body(*refs):
        wn_ref, x_ref = refs[0], refs[1]
        q_refs = refs[2:2 + nq]
        w_ref = refs[2 + nq]
        idx_ref, msum_ref = refs[3 + nq], refs[4 + nq]
        i = pl.program_id(0)

        @pl.when(i == 0)
        def _():
            msum_ref[0] = 0.0

        r = x_ref[...]
        for q_ref in q_refs:
            r = r - q_ref[...]
        xn = _row_norm(r)
        st = jax.lax.dot_general(w_ref[...], r, (((1,), (1,)), ((), ())),
                                 preferred_element_type=jnp.float32)
        d2 = (xn - 2.0 * st) + wn_ref[...]
        m = jnp.min(d2, axis=0, keepdims=True)
        iota = jax.lax.broadcasted_iota(jnp.int32, (K, _T), 0)
        idx = jnp.min(jnp.where(d2 == m, iota, K), axis=0, keepdims=True)
        idx_ref[...] = idx[None]
        msum_ref[0] += jnp.sum(m)
        if nq == 2:
            p_ref = refs[5 + nq]
            p_ref[...] = q_refs[0][...] + q_refs[1][...]

    return body


def _tc_stage(x, qs, W):
    ntok = x.shape[0]
    K = W.shape[0]
    wn = jnp.sum(W * W, axis=1)[:, None]
    nq = len(qs)
    nb = ntok // _T
    in_specs = [
        pl.BlockSpec((K, 1), lambda i: (0, 0)),
        pl.BlockSpec((_T, _D), lambda i: (i, 0)),
    ] + [
        pl.BlockSpec((_T, _D), lambda i: (i, 0)) for _ in range(nq)
    ] + [
        pl.BlockSpec((K, _D), lambda i: (0, 0)),
    ]
    out_specs = [
        pl.BlockSpec((1, 1, _T), lambda i: (i, 0, 0)),
        pl.BlockSpec(memory_space=pltpu.SMEM),
    ]
    out_shape = [
        jax.ShapeDtypeStruct((nb, 1, _T), jnp.int32),
        jax.ShapeDtypeStruct((1,), jnp.float32),
    ]
    if nq == 2:
        out_specs.append(pl.BlockSpec((_T, _D), lambda i: (i, 0)))
        out_shape.append(jax.ShapeDtypeStruct((ntok, _D), jnp.float32))
    res = pl.pallas_call(
        _make_tc_body(nq, K),
        grid=(nb,),
        in_specs=in_specs,
        out_specs=out_specs,
        out_shape=out_shape,
    )(wn, x, *qs, W)
    if nq == 2:
        idx, msum, p01 = res
        return idx.reshape(ntok), msum[0], p01
    idx, msum = res
    return idx.reshape(ntok), msum[0]


def _sc_gather(idx, W):
    ntok = idx.shape[0]
    bpw = ntok // _NW
    mesh = plsc.VectorSubcoreMesh(core_axis_name="c", subcore_axis_name="s")

    nch = bpw // _CH

    @functools.partial(
        pl.kernel, mesh=mesh,
        out_type=jax.ShapeDtypeStruct((ntok, _D), jnp.float32),
        scratch_types=[
            pltpu.VMEM((bpw,), jnp.int32),
            pltpu.VMEM((2, _CH, _D), jnp.float32),
            pltpu.SemaphoreType.DMA,
            pltpu.SemaphoreType.DMA,
            pltpu.SemaphoreType.DMA,
            pltpu.SemaphoreType.DMA,
        ],
    )
    def k(idx_hbm, w_hbm, out_hbm, idx_v, q_v, gs0, gs1, ss0, ss1):
        wid = lax.axis_index("s") * 2 + lax.axis_index("c")
        base = wid * bpw
        pltpu.sync_copy(idx_hbm.at[pl.ds(base, bpw)], idx_v)
        gsem = (gs0, gs1)
        ssem = (ss0, ss1)
        stores = [None, None]
        for c in range(nch):
            b = c & 1
            if stores[b] is not None:
                stores[b].wait()
            g = pltpu.async_copy(
                w_hbm.at[idx_v.at[pl.ds(c * _CH, _CH)]], q_v.at[b], gsem[b])
            g.wait()
            stores[b] = pltpu.async_copy(
                q_v.at[b], out_hbm.at[pl.ds(base + c * _CH, _CH)], ssem[b])
        for s in stores:
            if s is not None:
                s.wait()

    return k(idx, W)


def _sc_gather_out(idx, W, p01):
    ntok = idx.shape[0]
    bpw = ntok // _NW
    nch = bpw // _CH
    mesh = plsc.VectorSubcoreMesh(core_axis_name="c", subcore_axis_name="s")

    @functools.partial(
        pl.kernel, mesh=mesh,
        out_type=jax.ShapeDtypeStruct((ntok, _D), jnp.float32),
        scratch_types=[
            pltpu.VMEM((bpw,), jnp.int32),
            pltpu.VMEM((_CH, _D), jnp.float32),
            pltpu.VMEM((_CH, _D), jnp.float32),
            pltpu.SemaphoreType.DMA,
        ],
    )
    def k(idx_hbm, w_hbm, p_hbm, out_hbm, idx_v, q_v, p_v, sem):
        wid = lax.axis_index("s") * 2 + lax.axis_index("c")
        base = wid * bpw
        pltpu.sync_copy(idx_hbm.at[pl.ds(base, bpw)], idx_v)

        def chunk(c, carry):
            b = base + c * _CH
            g = pltpu.async_copy(
                w_hbm.at[idx_v.at[pl.ds(c * _CH, _CH)]], q_v, sem)
            pltpu.sync_copy(p_hbm.at[pl.ds(b, _CH)], p_v)
            g.wait()

            def row(t, carry2):
                for l in range(_D // 16):
                    sl = pl.ds(l * 16, 16)
                    p_v[t, sl] = p_v[t, sl] + q_v[t, sl]
                return carry2

            lax.fori_loop(0, _CH, row, 0)
            pltpu.sync_copy(p_v, out_hbm.at[pl.ds(b, _CH)])
            return carry

        lax.fori_loop(0, nch, chunk, 0)

    return k(idx, W, p01)


_H = 2


def kernel(input, W0, W1, W2):
    nh = _N // _H
    xs = [jax.lax.slice(input, (h * nh, 0), ((h + 1) * nh, _D))
          for h in range(_H)]
    outs, msums = [], [jnp.float32(0.0)] * 3
    for x in xs:
        idx0, m0 = _tc_stage(x, [], W0)
        q0 = _sc_gather(idx0, W0)
        idx1, m1 = _tc_stage(x, [q0], W1)
        q1 = _sc_gather(idx1, W1)
        idx2, m2, p01 = _tc_stage(x, [q0, q1], W2)
        outs.append(_sc_gather_out(idx2, W2, p01))
        for j, m in enumerate((m0, m1, m2)):
            msums[j] = msums[j] + m
    out = jnp.concatenate(outs, axis=0)
    a = jnp.stack(msums) * (1.0 / (_N * _D))
    losses = 1.0 * a + 0.25 * a
    return (out, losses)

# --- scband reference (transcript-rebuilt; emitter-appended) ---
"""Pipeline reference for scband-rq-38457137168776 (READ-ONLY COPY).

The authoritative reference and input builder live on the scoring server;
editing this copy changes nothing except your own understanding.
"""

import jax, jax.numpy as jnp
import numpy as np


def setup_inputs(seed: int = 0) -> dict:
    key = jax.random.key(seed)
    k0, k1, k2, k3 = jax.random.split(key, 4)
    inp = jax.random.normal(k0, (32768, 256), dtype=jnp.float32)
    W0 = jax.random.normal(k1, (1024, 256), dtype=jnp.float32) * 0.02
    W1 = jax.random.normal(k2, (512, 256), dtype=jnp.float32) * 0.02
    W2 = jax.random.normal(k3, (256, 256), dtype=jnp.float32) * 0.02
    return {"input": inp, "W0": W0, "W1": W1, "W2": W2}


def _nearest(x, W):
    # torch.cdist(x, W, p=2) followed by argmin; argmin of squared dist == argmin of dist
    d2 = (jnp.sum(x * x, axis=1, keepdims=True)
          - 2.0 * (x @ W.T)
          + jnp.sum(W * W, axis=1)[None, :])
    return jnp.argmin(d2, axis=-1)


def reference(input, W0, W1, W2):
    beta = 1.0
    gamma = 0.25
    residual = input
    output = jnp.zeros_like(input)
    losses = []
    for W in (W0, W1, W2):
        # torch no_grad -> stop_gradient on the nearest-neighbor search
        idx = _nearest(jax.lax.stop_gradient(residual), jax.lax.stop_gradient(W))
        quantized = jnp.take(W, idx, axis=0)
        # commitment loss: beta * c2z + gamma * z2c
        z2c = jnp.mean((residual - jax.lax.stop_gradient(quantized)) ** 2)
        c2z = jnp.mean((jax.lax.stop_gradient(residual) - quantized) ** 2)
        losses.append(beta * c2z + gamma * z2c)
        output = output + quantized
        residual = residual - quantized
    return (output, jnp.stack(losses))

if __name__ == "__main__":
    import jax
    _d = setup_inputs()
    print(jax.jit(kernel)(*tuple(_d.values())))

</pallas_src>

<mosaic_0001>
#map = affine_map<(d0, d1) -> (0)>
#map1 = affine_map<(d0, d1) -> (0, 0)>
module attributes {stable_mosaic.version = 14 : i64} {
  func.func @k(%arg0: i32, %arg1: i32, %arg2: memref<16384xi32, #tpu.memory_space<hbm>>, %arg3: memref<512x256xf32, #tpu.memory_space<hbm>>, %arg4: memref<16384x256xf32, #tpu.memory_space<hbm>>, %arg5: memref<512xi32, #tpu.memory_space<vmem>>, %arg6: memref<2x128x256xf32, #tpu.memory_space<vmem>>, %arg7: memref<!tpu.dma_semaphore, #tpu.memory_space<semaphore_mem>>, %arg8: memref<!tpu.dma_semaphore, #tpu.memory_space<semaphore_mem>>, %arg9: memref<!tpu.dma_semaphore, #tpu.memory_space<semaphore_mem>>, %arg10: memref<!tpu.dma_semaphore, #tpu.memory_space<semaphore_mem>>) attributes {dimension_semantics = [#tpu.dimension_semantics<core_parallel>, #tpu.dimension_semantics<subcore_parallel>], iteration_bounds = array<i64: 2, 16>, scalar_prefetch = 0 : i64, scratch_operands = 6 : i64, tpu.core_type = #tpu.core_type<sc_vector_subcore>, window_params = [{transform_indices = #map}, {transform_indices = #map1}, {transform_indices = #map1}]} {
    %mul3A = arith.constant 2 : i32
    %mul3A_0 = arith.muli %arg1, %mul3A : i32
    %add3A = arith.addi %mul3A_0, %arg0 : i32
    %mul3A_1 = arith.constant 512 : i32
    %mul3A_2 = arith.muli %add3A, %mul3A_1 : i32
    "tpu.region"() ({
      %run_scoped3A = tpu.sem_alloc : memref<!tpu.dma_semaphore, #tpu.memory_space<semaphore_mem>>
      %dma_start3A_193 = tpu.memref_slice %arg2[%mul3A_2] : memref<16384xi32, #tpu.memory_space<hbm>> -> memref<512xi32, #tpu.memory_space<hbm>>
      %dma_start3A_194 = tpu.memref_slice %arg2[%mul3A_2] : memref<16384xi32, #tpu.memory_space<hbm>> -> memref<512xi32, #tpu.memory_space<hbm>>
      tpu.enqueue_dma source(%dma_start3A_194 : memref<512xi32, #tpu.memory_space<hbm>>) target(%arg5 : memref<512xi32, #tpu.memory_space<vmem>>) target_semaphore(%run_scoped3A : memref<!tpu.dma_semaphore, #tpu.memory_space<semaphore_mem>>)
      %dma_wait3A_195 = tpu.memref_slice %arg2[%mul3A_2] : memref<16384xi32, #tpu.memory_space<hbm>> -> memref<512xi32, #tpu.memory_space<hbm>>
      %dma_wait3A_196 = tpu.memref_slice %arg2[%mul3A_2] : memref<16384xi32, #tpu.memory_space<hbm>> -> memref<512xi32, #tpu.memory_space<hbm>>
      tpu.wait_dma2 semaphore(%run_scoped3A : memref<!tpu.dma_semaphore, #tpu.memory_space<semaphore_mem>>) src(%dma_wait3A_196 : memref<512xi32, #tpu.memory_space<hbm>>) dst(%arg5 : memref<512xi32, #tpu.memory_space<vmem>>)
      tpu.yield
    }) : () -> ()
    %dma_start3A = arith.constant 0 : i32
    %dma_start3A_3 = arith.constant 0 : i32
    %dma_start3A_4 = arith.constant 0 : i32
    %dma_start3A_5 = tpu.memref_slice %arg6[%dma_start3A, %dma_start3A_3, %dma_start3A_4] : memref<2x128x256xf32, #tpu.memory_space<vmem>> -> memref<1x128x256xf32, #tpu.memory_space<vmem>>
    %dma_start3A_6 = tpu.memref_squeeze %dma_start3A_5 : memref<1x128x256xf32, #tpu.memory_space<vmem>> -> memref<128x256xf32, #tpu.memory_space<vmem>>
    %dma_start3A_7 = arith.constant 0 : i32
    %dma_start3A_8 = tpu.memref_slice %arg5[%dma_start3A_7] : memref<512xi32, #tpu.memory_space<vmem>> -> memref<128xi32, #tpu.memory_space<vmem>>
    %dma_start3A_9 = arith.constant 0 : i32
    %dma_start3A_10 = arith.constant 0 : i32
    %dma_start3A_11 = tpu.memref_slice %arg3[%dma_start3A_9, %dma_start3A_10] : memref<512x256xf32, #tpu.memory_space<hbm>> -> memref<512x256xf32, #tpu.memory_space<hbm>>
    tpu.enqueue_indirect_dma source(%dma_start3A_11 : memref<512x256xf32, #tpu.memory_space<hbm>>) target(%dma_start3A_6 : memref<128x256xf32, #tpu.memory_space<vmem>>) offsets(%dma_start3A_8 : memref<128xi32, #tpu.memory_space<vmem>>) semaphore(%arg7 : memref<!tpu.dma_semaphore, #tpu.memory_space<semaphore_mem>>)
    %dma_wait3A = arith.constant 0 : i32
    %dma_wait3A_12 = arith.constant 0 : i32
    %dma_wait3A_13 = arith.constant 0 : i32
    %dma_wait3A_14 = tpu.memref_slice %arg6[%dma_wait3A, %dma_wait3A_12, %dma_wait3A_13] : memref<2x128x256xf32, #tpu.memory_space<vmem>> -> memref<1x128x256xf32, #tpu.memory_space<vmem>>
    %dma_wait3A_15 = tpu.memref_squeeze %dma_wait3A_14 : memref<1x128x256xf32, #tpu.memory_space<vmem>> -> memref<128x256xf32, #tpu.memory_space<vmem>>
    %dma_wait3A_16 = arith.constant 0 : i32
    %dma_wait3A_17 = tpu.memref_slice %arg5[%dma_wait3A_16] : memref<512xi32, #tpu.memory_space<vmem>> -> memref<128xi32, #tpu.memory_space<vmem>>
    %dma_wait3A_18 = arith.constant 0 : i32
    %dma_wait3A_19 = arith.constant 0 : i32
    %dma_wait3A_20 = tpu.memref_slice %arg3[%dma_wait3A_18, %dma_wait3A_19] : memref<512x256xf32, #tpu.memory_space<hbm>> -> memref<512x256xf32, #tpu.memory_space<hbm>>
    tpu.wait_indirect_dma semaphore(%arg7 : memref<!tpu.dma_semaphore, #tpu.memory_space<semaphore_mem>>) src(%dma_wait3A_20 : memref<512x256xf32, #tpu.memory_space<hbm>>) dst(%dma_wait3A_15 : memref<128x256xf32, #tpu.memory_space<vmem>>)
    %add3A_21 = arith.constant 0 : i32
    %add3A_22 = arith.addi %mul3A_2, %add3A_21 : i32
    %dma_start3A_23 = arith.constant 0 : i32
    %dma_start3A_24 = arith.constant 0 : i32
    %dma_start3A_25 = arith.constant 0 : i32
    %dma_start3A_26 = tpu.memref_slice %arg6[%dma_start3A_23, %dma_start3A_24, %dma_start3A_25] : memref<2x128x256xf32, #tpu.memory_space<vmem>> -> memref<1x128x256xf32, #tpu.memory_space<vmem>>
    %dma_start3A_27 = tpu.memref_squeeze %dma_start3A_26 : memref<1x128x256xf32, #tpu.memory_space<vmem>> -> memref<128x256xf32, #tpu.memory_space<vmem>>
    %dma_start3A_28 = arith.constant 0 : i32
    %dma_start3A_29 = tpu.memref_slice %arg4[%add3A_22, %dma_start3A_28] : memref<16384x256xf32, #tpu.memory_space<hbm>> -> memref<128x256xf32, #tpu.memory_space<hbm>>
    %dma_start3A_30 = arith.constant 0 : i32
    %dma_start3A_31 = tpu.memref_slice %arg4[%add3A_22, %dma_start3A_30] : memref<16384x256xf32, #tpu.memory_space<hbm>> -> memref<128x256xf32, #tpu.memory_space<hbm>>
    %dma_start3A_32 = arith.constant 0 : i32
    %dma_start3A_33 = arith.constant 0 : i32
    %dma_start3A_34 = tpu.memref_slice %arg6[%dma_start3A_23, %dma_start3A_32, %dma_start3A_33] : memref<2x128x256xf32, #tpu.memory_space<vmem>> -> memref<1x128x256xf32, #tpu.memory_space<vmem>>
    %dma_start3A_35 = tpu.memref_squeeze %dma_start3A_34 : memref<1x128x256xf32, #tpu.memory_space<vmem>> -> memref<128x256xf32, #tpu.memory_space<vmem>>
    tpu.enqueue_dma source(%dma_start3A_35 : memref<128x256xf32, #tpu.memory_space<vmem>>) target(%dma_start3A_31 : memref<128x256xf32, #tpu.memory_space<hbm>>) target_semaphore(%arg9 : memref<!tpu.dma_semaphore, #tpu.memory_space<semaphore_mem>>)
    %dma_start3A_36 = arith.constant 1 : i32
    %dma_start3A_37 = arith.constant 0 : i32
    %dma_start3A_38 = arith.constant 0 : i32
    %dma_start3A_39 = tpu.memref_slice %arg6[%dma_start3A_36, %dma_start3A_37, %dma_start3A_38] : memref<2x128x256xf32, #tpu.memory_space<vmem>> -> memref<1x128x256xf32, #tpu.memory_space<vmem>>
    %dma_start3A_40 = tpu.memref_squeeze %dma_start3A_39 : memref<1x128x256xf32, #tpu.memory_space<vmem>> -> memref<128x256xf32, #tpu.memory_space<vmem>>
    %dma_start3A_41 = arith.constant 128 : i32
    %dma_start3A_42 = tpu.memref_slice %arg5[%dma_start3A_41] : memref<512xi32, #tpu.memory_space<vmem>> -> memref<128xi32, #tpu.memory_space<vmem>>
    %dma_start3A_43 = arith.constant 0 : i32
    %dma_start3A_44 = arith.constant 0 : i32
    %dma_start3A_45 = tpu.memref_slice %arg3[%dma_start3A_43, %dma_start3A_44] : memref<512x256xf32, #tpu.memory_space<hbm>> -> memref<512x256xf32, #tpu.memory_space<hbm>>
    tpu.enqueue_indirect_dma source(%dma_start3A_45 : memref<512x256xf32, #tpu.memory_space<hbm>>) target(%dma_start3A_40 : memref<128x256xf32, #tpu.memory_space<vmem>>) offsets(%dma_start3A_42 : memref<128xi32, #tpu.memory_space<vmem>>) semaphore(%arg8 : memref<!tpu.dma_semaphore, #tpu.memory_space<semaphore_mem>>)
    %dma_wait3A_46 = arith.constant 1 : i32
    %dma_wait3A_47 = arith.constant 0 : i32
    %dma_wait3A_48 = arith.constant 0 : i32
    %dma_wait3A_49 = tpu.memref_slice %arg6[%dma_wait3A_46, %dma_wait3A_47, %dma_wait3A_48] : memref<2x128x256xf32, #tpu.memory_space<vmem>> -> memref<1x128x256xf32, #tpu.memory_space<vmem>>
    %dma_wait3A_50 = tpu.memref_squeeze %dma_wait3A_49 : memref<1x128x256xf32, #tpu.memory_space<vmem>> -> memref<128x256xf32, #tpu.memory_space<vmem>>
    %dma_wait3A_51 = arith.constant 128 : i32
    %dma_wait3A_52 = tpu.memref_slice %arg5[%dma_wait3A_51] : memref<512xi32, #tpu.memory_space<vmem>> -> memref<128xi32, #tpu.memory_space<vmem>>
    %dma_wait3A_53 = arith.constant 0 : i32
    %dma_wait3A_54 = arith.constant 0 : i32
    %dma_wait3A_55 = tpu.memref_slice %arg3[%dma_wait3A_53, %dma_wait3A_54] : memref<512x256xf32, #tpu.memory_space<hbm>> -> memref<512x256xf32, #tpu.memory_space<hbm>>
    tpu.wait_indirect_dma semaphore(%arg8 : memref<!tpu.dma_semaphore, #tpu.memory_space<semaphore_mem>>) src(%dma_wait3A_55 : memref<512x256xf32, #tpu.memory_space<hbm>>) dst(%dma_wait3A_50 : memref<128x256xf32, #tpu.memory_space<vmem>>)
    %add3A_56 = arith.constant 128 : i32
    %add3A_57 = arith.addi %mul3A_2, %add3A_56 : i32
    %dma_start3A_58 = arith.constant 1 : i32
    %dma_start3A_59 = arith.constant 0 : i32
    %dma_start3A_60 = arith.constant 0 : i32
    %dma_start3A_61 = tpu.memref_slice %arg6[%dma_start3A_58, %dma_start3A_59, %dma_start3A_60] : memref<2x128x256xf32, #tpu.memory_space<vmem>> -> memref<1x128x256xf32, #tpu.memory_space<vmem>>
    %dma_start3A_62 = tpu.memref_squeeze %dma_start3A_61 : memref<1x128x256xf32, #tpu.memory_space<vmem>> -> memref<128x256xf32, #tpu.memory_space<vmem>>
    %dma_start3A_63 = arith.constant 0 : i32
    %dma_start3A_64 = tpu.memref_slice %arg4[%add3A_57, %dma_start3A_63] : memref<16384x256xf32, #tpu.memory_space<hbm>> -> memref<128x256xf32, #tpu.memory_space<hbm>>
    %dma_start3A_65 = arith.constant 0 : i32
    %dma_start3A_66 = tpu.memref_slice %arg4[%add3A_57, %dma_start3A_65] : memref<16384x256xf32, #tpu.memory_space<hbm>> -> memref<128x256xf32, #tpu.memory_space<hbm>>
    %dma_start3A_67 = arith.constant 0 : i32
    %dma_start3A_68 = arith.constant 0 : i32
    %dma_start3A_69 = tpu.memref_slice %arg6[%dma_start3A_58, %dma_start3A_67, %dma_start3A_68] : memref<2x128x256xf32, #tpu.memory_space<vmem>> -> memref<1x128x256xf32, #tpu.memory_space<vmem>>
    %dma_start3A_70 = tpu.memref_squeeze %dma_start3A_69 : memref<1x128x256xf32, #tpu.memory_space<vmem>> -> memref<128x256xf32, #tpu.memory_space<vmem>>
    tpu.enqueue_dma source(%dma_start3A_70 : memref<128x256xf32, #tpu.memory_space<vmem>>) target(%dma_start3A_66 : memref<128x256xf32, #tpu.memory_space<hbm>>) target_semaphore(%arg10 : memref<!tpu.dma_semaphore, #tpu.memory_space<semaphore_mem>>)
    %dma_wait3A_71 = arith.constant 0 : i32
    %dma_wait3A_72 = arith.constant 0 : i32
    %dma_wait3A_73 = arith.constant 0 : i32
    %dma_wait3A_74 = tpu.memref_slice %arg6[%dma_wait3A_71, %dma_wait3A_72, %dma_wait3A_73] : memref<2x128x256xf32, #tpu.memory_space<vmem>> -> memref<1x128x256xf32, #tpu.memory_space<vmem>>
    %dma_wait3A_75 = tpu.memref_squeeze %dma_wait3A_74 : memref<1x128x256xf32, #tpu.memory_space<vmem>> -> memref<128x256xf32, #tpu.memory_space<vmem>>
    %dma_wait3A_76 = arith.constant 0 : i32
    %dma_wait3A_77 = tpu.memref_slice %arg4[%add3A_22, %dma_wait3A_76] : memref<16384x256xf32, #tpu.memory_space<hbm>> -> memref<128x256xf32, #tpu.memory_space<hbm>>
    %dma_wait3A_78 = arith.constant 0 : i32
    %dma_wait3A_79 = tpu.memref_slice %arg4[%add3A_22, %dma_wait3A_78] : memref<16384x256xf32, #tpu.memory_space<hbm>> -> memref<128x256xf32, #tpu.memory_space<hbm>>
    %dma_wait3A_80 = arith.constant 0 : i32
    %dma_wait3A_81 = arith.constant 0 : i32
    %dma_wait3A_82 = tpu.memref_slice %arg6[%dma_wait3A_71, %dma_wait3A_80, %dma_wait3A_81] : memref<2x128x256xf32, #tpu.memory_space<vmem>> -> memref<1x128x256xf32, #tpu.memory_space<vmem>>
    %dma_wait3A_83 = tpu.memref_squeeze %dma_wait3A_82 : memref<1x128x256xf32, #tpu.memory_space<vmem>> -> memref<128x256xf32, #tpu.memory_space<vmem>>
    tpu.wait_dma2 semaphore(%arg9 : memref<!tpu.dma_semaphore, #tpu.memory_space<semaphore_mem>>) src(%dma_wait3A_83 : memref<128x256xf32, #tpu.memory_space<vmem>>) dst(%dma_wait3A_79 : memref<128x256xf32, #tpu.memory_space<hbm>>)
    %dma_start3A_84 = arith.constant 0 : i32
    %dma_start3A_85 = arith.constant 0 : i32
    %dma_start3A_86 = arith.constant 0 : i32
    %dma_start3A_87 = tpu.memref_slice %arg6[%dma_start3A_84, %dma_start3A_85, %dma_start3A_86] : memref<2x128x256xf32, #tpu.memory_space<vmem>> -> memref<1x128x256xf32, #tpu.memory_space<vmem>>
    %dma_start3A_88 = tpu.memref_squeeze %dma_start3A_87 : memref<1x128x256xf32, #tpu.memory_space<vmem>> -> memref<128x256xf32, #tpu.memory_space<vmem>>
    %dma_start3A_89 = arith.constant 256 : i32
    %dma_start3A_90 = tpu.memref_slice %arg5[%dma_start3A_89] : memref<512xi32, #tpu.memory_space<vmem>> -> memref<128xi32, #tpu.memory_space<vmem>>
    %dma_start3A_91 = arith.constant 0 : i32
    %dma_start3A_92 = arith.constant 0 : i32
    %dma_start3A_93 = tpu.memref_slice %arg3[%dma_start3A_91, %dma_start3A_92] : memref<512x256xf32, #tpu.memory_space<hbm>> -> memref<512x256xf32, #tpu.memory_space<hbm>>
    tpu.enqueue_indirect_dma source(%dma_start3A_93 : memref<512x256xf32, #tpu.memory_space<hbm>>) target(%dma_start3A_88 : memref<128x256xf32, #tpu.memory_space<vmem>>) offsets(%dma_start3A_90 : memref<128xi32, #tpu.memory_space<vmem>>) semaphore(%arg7 : memref<!tpu.dma_semaphore, #tpu.memory_space<semaphore_mem>>)
    %dma_wait3A_94 = arith.constant 0 : i32
    %dma_wait3A_95 = arith.constant 0 : i32
    %dma_wait3A_96 = arith.constant 0 : i32
    %dma_wait3A_97 = tpu.memref_slice %arg6[%dma_wait3A_94, %dma_wait3A_95, %dma_wait3A_96] : memref<2x128x256xf32, #tpu.memory_space<vmem>> -> memref<1x128x256xf32, #tpu.memory_space<vmem>>
    %dma_wait3A_98 = tpu.memref_squeeze %dma_wait3A_97 : memref<1x128x256xf32, #tpu.memory_space<vmem>> -> memref<128x256xf32, #tpu.memory_space<vmem>>
    %dma_wait3A_99 = arith.constant 256 : i32
    %dma_wait3A_100 = tpu.memref_slice %arg5[%dma_wait3A_99] : memref<512xi32, #tpu.memory_space<vmem>> -> memref<128xi32, #tpu.memory_space<vmem>>
    %dma_wait3A_101 = arith.constant 0 : i32
    %dma_wait3A_102 = arith.constant 0 : i32
    %dma_wait3A_103 = tpu.memref_slice %arg3[%dma_wait3A_101, %dma_wait3A_102] : memref<512x256xf32, #tpu.memory_space<hbm>> -> memref<512x256xf32, #tpu.memory_space<hbm>>
    tpu.wait_indirect_dma semaphore(%arg7 : memref<!tpu.dma_semaphore, #tpu.memory_space<semaphore_mem>>) src(%dma_wait3A_103 : memref<512x256xf32, #tpu.memory_space<hbm>>) dst(%dma_wait3A_98 : memref<128x256xf32, #tpu.memory_space<vmem>>)
    %add3A_104 = arith.constant 256 : i32
    %add3A_105 = arith.addi %mul3A_2, %add3A_104 : i32
    %dma_start3A_106 = arith.constant 0 : i32
    %dma_start3A_107 = arith.constant 0 : i32
    %dma_start3A_108 = arith.constant 0 : i32
    %dma_start3A_109 = tpu.memref_slice %arg6[%dma_start3A_106, %dma_start3A_107, %dma_start3A_108] : memref<2x128x256xf32, #tpu.memory_space<vmem>> -> memref<1x128x256xf32, #tpu.memory_space<vmem>>
    %dma_start3A_110 = tpu.memref_squeeze %dma_start3A_109 : memref<1x128x256xf32, #tpu.memory_space<vmem>> -> memref<128x256xf32, #tpu.memory_space<vmem>>
    %dma_start3A_111 = arith.constant 0 : i32
    %dma_start3A_112 = tpu.memref_slice %arg4[%add3A_105, %dma_start3A_111] : memref<16384x256xf32, #tpu.memory_space<hbm>> -> memref<128x256xf32, #tpu.memory_space<hbm>>
    %dma_start3A_113 = arith.constant 0 : i32
    %dma_start3A_114 = tpu.memref_slice %arg4[%add3A_105, %dma_start3A_113] : memref<16384x256xf32, #tpu.memory_space<hbm>> -> memref<128x256xf32, #tpu.memory_space<hbm>>
    %dma_start3A_115 = arith.constant 0 : i32
    %dma_start3A_116 = arith.constant 0 : i32
    %dma_start3A_117 = tpu.memref_slice %arg6[%dma_start3A_106, %dma_start3A_115, %dma_start3A_116] : memref<2x128x256xf32, #tpu.memory_space<vmem>> -> memref<1x128x256xf32, #tpu.memory_space<vmem>>
    %dma_start3A_118 = tpu.memref_squeeze %dma_start3A_117 : memref<1x128x256xf32, #tpu.memory_space<vmem>> -> memref<128x256xf32, #tpu.memory_space<vmem>>
    tpu.enqueue_dma source(%dma_start3A_118 : memref<128x256xf32, #tpu.memory_space<vmem>>) target(%dma_start3A_114 : memref<128x256xf32, #tpu.memory_space<hbm>>) target_semaphore(%arg9 : memref<!tpu.dma_semaphore, #tpu.memory_space<semaphore_mem>>)
    %dma_wait3A_119 = arith.constant 1 : i32
    %dma_wait3A_120 = arith.constant 0 : i32
    %dma_wait3A_121 = arith.constant 0 : i32
    %dma_wait3A_122 = tpu.memref_slice %arg6[%dma_wait3A_119, %dma_wait3A_120, %dma_wait3A_121] : memref<2x128x256xf32, #tpu.memory_space<vmem>> -> memref<1x128x256xf32, #tpu.memory_space<vmem>>
    %dma_wait3A_123 = tpu.memref_squeeze %dma_wait3A_122 : memref<1x128x256xf32, #tpu.memory_space<vmem>> -> memref<128x256xf32, #tpu.memory_space<vmem>>
    %dma_wait3A_124 = arith.constant 0 : i32
    %dma_wait3A_125 = tpu.memref_slice %arg4[%add3A_57, %dma_wait3A_124] : memref<16384x256xf32, #tpu.memory_space<hbm>> -> memref<128x256xf32, #tpu.memory_space<hbm>>
    %dma_wait3A_126 = arith.constant 0 : i32
    %dma_wait3A_127 = tpu.memref_slice %arg4[%add3A_57, %dma_wait3A_126] : memref<16384x256xf32, #tpu.memory_space<hbm>> -> memref<128x256xf32, #tpu.memory_space<hbm>>
    %dma_wait3A_128 = arith.constant 0 : i32
    %dma_wait3A_129 = arith.constant 0 : i32
    %dma_wait3A_130 = tpu.memref_slice %arg6[%dma_wait3A_119, %dma_wait3A_128, %dma_wait3A_129] : memref<2x128x256xf32, #tpu.memory_space<vmem>> -> memref<1x128x256xf32, #tpu.memory_space<vmem>>
    %dma_wait3A_131 = tpu.memref_squeeze %dma_wait3A_130 : memref<1x128x256xf32, #tpu.memory_space<vmem>> -> memref<128x256xf32, #tpu.memory_space<vmem>>
    tpu.wait_dma2 semaphore(%arg10 : memref<!tpu.dma_semaphore, #tpu.memory_space<semaphore_mem>>) src(%dma_wait3A_131 : memref<128x256xf32, #tpu.memory_space<vmem>>) dst(%dma_wait3A_127 : memref<128x256xf32, #tpu.memory_space<hbm>>)
    %dma_start3A_132 = arith.constant 1 : i32
    %dma_start3A_133 = arith.constant 0 : i32
    %dma_start3A_134 = arith.constant 0 : i32
    %dma_start3A_135 = tpu.memref_slice %arg6[%dma_start3A_132, %dma_start3A_133, %dma_start3A_134] : memref<2x128x256xf32, #tpu.memory_space<vmem>> -> memref<1x128x256xf32, #tpu.memory_space<vmem>>
    %dma_start3A_136 = tpu.memref_squeeze %dma_start3A_135 : memref<1x128x256xf32, #tpu.memory_space<vmem>> -> memref<128x256xf32, #tpu.memory_space<vmem>>
    %dma_start3A_137 = arith.constant 384 : i32
    %dma_start3A_138 = tpu.memref_slice %arg5[%dma_start3A_137] : memref<512xi32, #tpu.memory_space<vmem>> -> memref<128xi32, #tpu.memory_space<vmem>>
    %dma_start3A_139 = arith.constant 0 : i32
    %dma_start3A_140 = arith.constant 0 : i32
    %dma_start3A_141 = tpu.memref_slice %arg3[%dma_start3A_139, %dma_start3A_140] : memref<512x256xf32, #tpu.memory_space<hbm>> -> memref<512x256xf32, #tpu.memory_space<hbm>>
    tpu.enqueue_indirect_dma source(%dma_start3A_141 : memref<512x256xf32, #tpu.memory_space<hbm>>) target(%dma_start3A_136 : memref<128x256xf32, #tpu.memory_space<vmem>>) offsets(%dma_start3A_138 : memref<128xi32, #tpu.memory_space<vmem>>) semaphore(%arg8 : memref<!tpu.dma_semaphore, #tpu.memory_space<semaphore_mem>>)
    %dma_wait3A_142 = arith.constant 1 : i32
    %dma_wait3A_143 = arith.constant 0 : i32
    %dma_wait3A_144 = arith.constant 0 : i32
    %dma_wait3A_145 = tpu.memref_slice %arg6[%dma_wait3A_142, %dma_wait3A_143, %dma_wait3A_144] : memref<2x128x256xf32, #tpu.memory_space<vmem>> -> memref<1x128x256xf32, #tpu.memory_space<vmem>>
    %dma_wait3A_146 = tpu.memref_squeeze %dma_wait3A_145 : memref<1x128x256xf32, #tpu.memory_space<vmem>> -> memref<128x256xf32, #tpu.memory_space<vmem>>
    %dma_wait3A_147 = arith.constant 384 : i32
    %dma_wait3A_148 = tpu.memref_slice %arg5[%dma_wait3A_147] : memref<512xi32, #tpu.memory_space<vmem>> -> memref<128xi32, #tpu.memory_space<vmem>>
    %dma_wait3A_149 = arith.constant 0 : i32
    %dma_wait3A_150 = arith.constant 0 : i32
    %dma_wait3A_151 = tpu.memref_slice %arg3[%dma_wait3A_149, %dma_wait3A_150] : memref<512x256xf32, #tpu.memory_space<hbm>> -> memref<512x256xf32, #tpu.memory_space<hbm>>
    tpu.wait_indirect_dma semaphore(%arg8 : memref<!tpu.dma_semaphore, #tpu.memory_space<semaphore_mem>>) src(%dma_wait3A_151 : memref<512x256xf32, #tpu.memory_space<hbm>>) dst(%dma_wait3A_146 : memref<128x256xf32, #tpu.memory_space<vmem>>)
    %add3A_152 = arith.constant 384 : i32
    %add3A_153 = arith.addi %mul3A_2, %add3A_152 : i32
    %dma_start3A_154 = arith.constant 1 : i32
    %dma_start3A_155 = arith.constant 0 : i32
    %dma_start3A_156 = arith.constant 0 : i32
    %dma_start3A_157 = tpu.memref_slice %arg6[%dma_start3A_154, %dma_start3A_155, %dma_start3A_156] : memref<2x128x256xf32, #tpu.memory_space<vmem>> -> memref<1x128x256xf32, #tpu.memory_space<vmem>>
    %dma_start3A_158 = tpu.memref_squeeze %dma_start3A_157 : memref<1x128x256xf32, #tpu.memory_space<vmem>> -> memref<128x256xf32, #tpu.memory_space<vmem>>
    %dma_start3A_159 = arith.constant 0 : i32
    %dma_start3A_160 = tpu.memref_slice %arg4[%add3A_153, %dma_start3A_159] : memref<16384x256xf32, #tpu.memory_space<hbm>> -> memref<128x256xf32, #tpu.memory_space<hbm>>
    %dma_start3A_161 = arith.constant 0 : i32
    %dma_start3A_162 = tpu.memref_slice %arg4[%add3A_153, %dma_start3A_161] : memref<16384x256xf32, #tpu.memory_space<hbm>> -> memref<128x256xf32, #tpu.memory_space<hbm>>
    %dma_start3A_163 = arith.constant 0 : i32
    %dma_start3A_164 = arith.constant 0 : i32
    %dma_start3A_165 = tpu.memref_slice %arg6[%dma_start3A_154, %dma_start3A_163, %dma_start3A_164] : memref<2x128x256xf32, #tpu.memory_space<vmem>> -> memref<1x128x256xf32, #tpu.memory_space<vmem>>
    %dma_start3A_166 = tpu.memref_squeeze %dma_start3A_165 : memref<1x128x256xf32, #tpu.memory_space<vmem>> -> memref<128x256xf32, #tpu.memory_space<vmem>>
    tpu.enqueue_dma source(%dma_start3A_166 : memref<128x256xf32, #tpu.memory_space<vmem>>) target(%dma_start3A_162 : memref<128x256xf32, #tpu.memory_space<hbm>>) target_semaphore(%arg10 : memref<!tpu.dma_semaphore, #tpu.memory_space<semaphore_mem>>)
    %dma_wait3A_167 = arith.constant 0 : i32
    %dma_wait3A_168 = arith.constant 0 : i32
    %dma_wait3A_169 = arith.constant 0 : i32
    %dma_wait3A_170 = tpu.memref_slice %arg6[%dma_wait3A_167, %dma_wait3A_168, %dma_wait3A_169] : memref<2x128x256xf32, #tpu.memory_space<vmem>> -> memref<1x128x256xf32, #tpu.memory_space<vmem>>
    %dma_wait3A_171 = tpu.memref_squeeze %dma_wait3A_170 : memref<1x128x256xf32, #tpu.memory_space<vmem>> -> memref<128x256xf32, #tpu.memory_space<vmem>>
    %dma_wait3A_172 = arith.constant 0 : i32
    %dma_wait3A_173 = tpu.memref_slice %arg4[%add3A_105, %dma_wait3A_172] : memref<16384x256xf32, #tpu.memory_space<hbm>> -> memref<128x256xf32, #tpu.memory_space<hbm>>
    %dma_wait3A_174 = arith.constant 0 : i32
    %dma_wait3A_175 = tpu.memref_slice %arg4[%add3A_105, %dma_wait3A_174] : memref<16384x256xf32, #tpu.memory_space<hbm>> -> memref<128x256xf32, #tpu.memory_space<hbm>>
    %dma_wait3A_176 = arith.constant 0 : i32
    %dma_wait3A_177 = arith.constant 0 : i32
    %dma_wait3A_178 = tpu.memref_slice %arg6[%dma_wait3A_167, %dma_wait3A_176, %dma_wait3A_177] : memref<2x128x256xf32, #tpu.memory_space<vmem>> -> memref<1x128x256xf32, #tpu.memory_space<vmem>>
    %dma_wait3A_179 = tpu.memref_squeeze %dma_wait3A_178 : memref<1x128x256xf32, #tpu.memory_space<vmem>> -> memref<128x256xf32, #tpu.memory_space<vmem>>
    tpu.wait_dma2 semaphore(%arg9 : memref<!tpu.dma_semaphore, #tpu.memory_space<semaphore_mem>>) src(%dma_wait3A_179 : memref<128x256xf32, #tpu.memory_space<vmem>>) dst(%dma_wait3A_175 : memref<128x256xf32, #tpu.memory_space<hbm>>)
    %dma_wait3A_180 = arith.constant 1 : i32
    %dma_wait3A_181 = arith.constant 0 : i32
    %dma_wait3A_182 = arith.constant 0 : i32
    %dma_wait3A_183 = tpu.memref_slice %arg6[%dma_wait3A_180, %dma_wait3A_181, %dma_wait3A_182] : memref<2x128x256xf32, #tpu.memory_space<vmem>> -> memref<1x128x256xf32, #tpu.memory_space<vmem>>
    %dma_wait3A_184 = tpu.memref_squeeze %dma_wait3A_183 : memref<1x128x256xf32, #tpu.memory_space<vmem>> -> memref<128x256xf32, #tpu.memory_space<vmem>>
    %dma_wait3A_185 = arith.constant 0 : i32
    %dma_wait3A_186 = tpu.memref_slice %arg4[%add3A_153, %dma_wait3A_185] : memref<16384x256xf32, #tpu.memory_space<hbm>> -> memref<128x256xf32, #tpu.memory_space<hbm>>
    %dma_wait3A_187 = arith.constant 0 : i32
    %dma_wait3A_188 = tpu.memref_slice %arg4[%add3A_153, %dma_wait3A_187] : memref<16384x256xf32, #tpu.memory_space<hbm>> -> memref<128x256xf32, #tpu.memory_space<hbm>>
    %dma_wait3A_189 = arith.constant 0 : i32
    %dma_wait3A_190 = arith.constant 0 : i32
    %dma_wait3A_191 = tpu.memref_slice %arg6[%dma_wait3A_180, %dma_wait3A_189, %dma_wait3A_190] : memref<2x128x256xf32, #tpu.memory_space<vmem>> -> memref<1x128x256xf32, #tpu.memory_space<vmem>>
    %dma_wait3A_192 = tpu.memref_squeeze %dma_wait3A_191 : memref<1x128x256xf32, #tpu.memory_space<vmem>> -> memref<128x256xf32, #tpu.memory_space<vmem>>
    tpu.wait_dma2 semaphore(%arg10 : memref<!tpu.dma_semaphore, #tpu.memory_space<semaphore_mem>>) src(%dma_wait3A_192 : memref<128x256xf32, #tpu.memory_space<vmem>>) dst(%dma_wait3A_188 : memref<128x256xf32, #tpu.memory_space<hbm>>)
    return
  }
}

#map = affine_map<(d0, d1) -> (0)>
#map1 = affine_map<(d0, d1) -> (0, 0)>
module attributes {stable_mosaic.version = 14 : i64} {
  func.func @k(%arg0: i32, %arg1: i32, %arg2: memref<16384xi32, #tpu.memory_space<hbm>>, %arg3: memref<512x256xf32, #tpu.memory_space<hbm>>, %arg4: memref<16384x256xf32, #tpu.memory_space<hbm>>, %arg5: memref<512xi32, #tpu.memory_space<vmem>>, %arg6: memref<2x128x256xf32, #tpu.memory_space<vmem>>, %arg7: memref<!tpu.dma_semaphore, #tpu.memory_space<semaphore_mem>>, %arg8: memref<!tpu.dma_semaphore, #tpu.memory_space<semaphore_mem>>, %arg9: memref<!tpu.dma_semaphore, #tpu.memory_space<semaphore_mem>>, %arg10: memref<!tpu.dma_semaphore, #tpu.memory_space<semaphore_mem>>) attributes {dimension_semantics = [#tpu.dimension_semantics<core_parallel>, #tpu.dimension_semantics<subcore_parallel>], iteration_bounds = array<i64: 2, 16>, scalar_prefetch = 0 : i64, scratch_operands = 6 : i64, tpu.core_type = #tpu.core_type<sc_vector_subcore>, window_params = [{transform_indices = #map}, {transform_indices = #map1}, {transform_indices = #map1}]} {
    %mul3A = arith.constant 2 : i32
    %mul3A_0 = arith.muli %arg1, %mul3A : i32
    %add3A = arith.addi %mul3A_0, %arg0 : i32
    %mul3A_1 = arith.constant 512 : i32
    %mul3A_2 = arith.muli %add3A, %mul3A_1 : i32
    "tpu.region"() ({
      %run_scoped3A = tpu.sem_alloc : memref<!tpu.dma_semaphore, #tpu.memory_space<semaphore_mem>>
      %dma_start3A_193 = tpu.memref_slice %arg2[%mul3A_2] : memref<16384xi32, #tpu.memory_space<hbm>> -> memref<512xi32, #tpu.memory_space<hbm>>
      %dma_start3A_194 = tpu.memref_slice %arg2[%mul3A_2] : memref<16384xi32, #tpu.memory_space<hbm>> -> memref<512xi32, #tpu.memory_space<hbm>>
      tpu.enqueue_dma source(%dma_start3A_194 : memref<512xi32, #tpu.memory_space<hbm>>) target(%arg5 : memref<512xi32, #tpu.memory_space<vmem>>) target_semaphore(%run_scoped3A : memref<!tpu.dma_semaphore, #tpu.memory_space<semaphore_mem>>)
      %dma_wait3A_195 = tpu.memref_slice %arg2[%mul3A_2] : memref<16384xi32, #tpu.memory_space<hbm>> -> memref<512xi32, #tpu.memory_space<hbm>>
      %dma_wait3A_196 = tpu.memref_slice %arg2[%mul3A_2] : memref<16384xi32, #tpu.memory_space<hbm>> -> memref<512xi32, #tpu.memory_space<hbm>>
      tpu.wait_dma2 semaphore(%run_scoped3A : memref<!tpu.dma_semaphore, #tpu.memory_space<semaphore_mem>>) src(%dma_wait3A_196 : memref<512xi32, #tpu.memory_space<hbm>>) dst(%arg5 : memref<512xi32, #tpu.memory_space<vmem>>)
      tpu.yield
    }) : () -> ()
    %dma_start3A = arith.constant 0 : i32
    %dma_start3A_3 = arith.constant 0 : i32
    %dma_start3A_4 = arith.constant 0 : i32
    %dma_start3A_5 = tpu.memref_slice %arg6[%dma_start3A, %dma_start3A_3, %dma_start3A_4] : memref<2x128x256xf32, #tpu.memory_space<vmem>> -> memref<1x128x256xf32, #tpu.memory_space<vmem>>
    %dma_start3A_6 = tpu.memref_squeeze %dma_start3A_5 : memref<1x128x256xf32, #tpu.memory_space<vmem>> -> memref<128x256xf32, #tpu.memory_space<vmem>>
    %dma_start3A_7 = arith.constant 0 : i32
    %dma_start3A_8 = tpu.memref_slice %arg5[%dma_start3A_7] : memref<512xi32, #tpu.memory_space<vmem>> -> memref<128xi32, #tpu.memory_space<vmem>>
    %dma_start3A_9 = arith.constant 0 : i32
    %dma_start3A_10 = arith.constant 0 : i32
    %dma_start3A_11 = tpu.memref_slice %arg3[%dma_start3A_9, %dma_start3A_10] : memref<512x256xf32, #tpu.memory_space<hbm>> -> memref<512x256xf32, #tpu.memory_space<hbm>>
    tpu.enqueue_indirect_dma source(%dma_start3A_11 : memref<512x256xf32, #tpu.memory_space<hbm>>) target(%dma_start3A_6 : memref<128x256xf32, #tpu.memory_space<vmem>>) offsets(%dma_start3A_8 : memref<128xi32, #tpu.memory_space<vmem>>) semaphore(%arg7 : memref<!tpu.dma_semaphore, #tpu.memory_space<semaphore_mem>>)
    %dma_wait3A = arith.constant 0 : i32
    %dma_wait3A_12 = arith.constant 0 : i32
    %dma_wait3A_13 = arith.constant 0 : i32
    %dma_wait3A_14 = tpu.memref_slice %arg6[%dma_wait3A, %dma_wait3A_12, %dma_wait3A_13] : memref<2x128x256xf32, #tpu.memory_space<vmem>> -> memref<1x128x256xf32, #tpu.memory_space<vmem>>
    %dma_wait3A_15 = tpu.memref_squeeze %dma_wait3A_14 : memref<1x128x256xf32, #tpu.memory_space<vmem>> -> memref<128x256xf32, #tpu.memory_space<vmem>>
    %dma_wait3A_16 = arith.constant 0 : i32
    %dma_wait3A_17 = tpu.memref_slice %arg5[%dma_wait3A_16] : memref<512xi32, #tpu.memory_space<vmem>> -> memref<128xi32, #tpu.memory_space<vmem>>
    %dma_wait3A_18 = arith.constant 0 : i32
    %dma_wait3A_19 = arith.constant 0 : i32
    %dma_wait3A_20 = tpu.memref_slice %arg3[%dma_wait3A_18, %dma_wait3A_19] : memref<512x256xf32, #tpu.memory_space<hbm>> -> memref<512x256xf32, #tpu.memory_space<hbm>>
    tpu.wait_indirect_dma semaphore(%arg7 : memref<!tpu.dma_semaphore, #tpu.memory_space<semaphore_mem>>) src(%dma_wait3A_20 : memref<512x256xf32, #tpu.memory_space<hbm>>) dst(%dma_wait3A_15 : memref<128x256xf32, #tpu.memory_space<vmem>>)
    %add3A_21 = arith.constant 0 : i32
    %add3A_22 = arith.addi %mul3A_2, %add3A_21 : i32
    %dma_start3A_23 = arith.constant 0 : i32
    %dma_start3A_24 = arith.constant 0 : i32
    %dma_start3A_25 = arith.constant 0 : i32
    %dma_start3A_26 = tpu.memref_slice %arg6[%dma_start3A_23, %dma_start3A_24, %dma_start3A_25] : memref<2x128x256xf32, #tpu.memory_space<vmem>> -> memref<1x128x256xf32, #tpu.memory_space<vmem>>
    %dma_start3A_27 = tpu.memref_squeeze %dma_start3A_26 : memref<1x128x256xf32, #tpu.memory_space<vmem>> -> memref<128x256xf32, #tpu.memory_space<vmem>>
    %dma_start3A_28 = arith.constant 0 : i32
    %dma_start3A_29 = tpu.memref_slice %arg4[%add3A_22, %dma_start3A_28] : memref<16384x256xf32, #tpu.memory_space<hbm>> -> memref<128x256xf32, #tpu.memory_space<hbm>>
    %dma_start3A_30 = arith.constant 0 : i32
    %dma_start3A_31 = tpu.memref_slice %arg4[%add3A_22, %dma_start3A_30] : memref<16384x256xf32, #tpu.memory_space<hbm>> -> memref<128x256xf32, #tpu.memory_space<hbm>>
    %dma_start3A_32 = arith.constant 0 : i32
    %dma_start3A_33 = arith.constant 0 : i32
    %dma_start3A_34 = tpu.memref_slice %arg6[%dma_start3A_23, %dma_start3A_32, %dma_start3A_33] : memref<2x128x256xf32, #tpu.memory_space<vmem>> -> memref<1x128x256xf32, #tpu.memory_space<vmem>>
    %dma_start3A_35 = tpu.memref_squeeze %dma_start3A_34 : memref<1x128x256xf32, #tpu.memory_space<vmem>> -> memref<128x256xf32, #tpu.memory_space<vmem>>
    tpu.enqueue_dma source(%dma_start3A_35 : memref<128x256xf32, #tpu.memory_space<vmem>>) target(%dma_start3A_31 : memref<128x256xf32, #tpu.memory_space<hbm>>) target_semaphore(%arg9 : memref<!tpu.dma_semaphore, #tpu.memory_space<semaphore_mem>>)
    %dma_start3A_36 = arith.constant 1 : i32
    %dma_start3A_37 = arith.constant 0 : i32
    %dma_start3A_38 = arith.constant 0 : i32
    %dma_start3A_39 = tpu.memref_slice %arg6[%dma_start3A_36, %dma_start3A_37, %dma_start3A_38] : memref<2x128x256xf32, #tpu.memory_space<vmem>> -> memref<1x128x256xf32, #tpu.memory_space<vmem>>
    %dma_start3A_40 = tpu.memref_squeeze %dma_start3A_39 : memref<1x128x256xf32, #tpu.memory_space<vmem>> -> memref<128x256xf32, #tpu.memory_space<vmem>>
    %dma_start3A_41 = arith.constant 128 : i32
    %dma_start3A_42 = tpu.memref_slice %arg5[%dma_start3A_41] : memref<512xi32, #tpu.memory_space<vmem>> -> memref<128xi32, #tpu.memory_space<vmem>>
    %dma_start3A_43 = arith.constant 0 : i32
    %dma_start3A_44 = arith.constant 0 : i32
    %dma_start3A_45 = tpu.memref_slice %arg3[%dma_start3A_43, %dma_start3A_44] : memref<512x256xf32, #tpu.memory_space<hbm>> -> memref<512x256xf32, #tpu.memory_space<hbm>>
    tpu.enqueue_indirect_dma source(%dma_start3A_45 : memref<512x256xf32, #tpu.memory_space<hbm>>) target(%dma_start3A_40 : memref<128x256xf32, #tpu.memory_space<vmem>>) offsets(%dma_start3A_42 : memref<128xi32, #tpu.memory_space<vmem>>) semaphore(%arg8 : memref<!tpu.dma_semaphore, #tpu.memory_space<semaphore_mem>>)
    %dma_wait3A_46 = arith.constant 1 : i32
    %dma_wait3A_47 = arith.constant 0 : i32
    %dma_wait3A_48 = arith.constant 0 : i32
    %dma_wait3A_49 = tpu.memref_slice %arg6[%dma_wait3A_46, %dma_wait3A_47, %dma_wait3A_48] : memref<2x128x256xf32, #tpu.memory_space<vmem>> -> memref<1x128x256xf32, #tpu.memory_space<vmem>>
    %dma_wait3A_50 = tpu.memref_squeeze %dma_wait3A_49 : memref<1x128x256xf32, #tpu.memory_space<vmem>> -> memref<128x256xf32, #tpu.memory_space<vmem>>
    %dma_wait3A_51 = arith.constant 128 : i32
    %dma_wait3A_52 = tpu.memref_slice %arg5[%dma_wait3A_51] : memref<512xi32, #tpu.memory_space<vmem>> -> memref<128xi32, #tpu.memory_space<vmem>>
    %dma_wait3A_53 = arith.constant 0 : i32
    %dma_wait3A_54 = arith.constant 0 : i32
    %dma_wait3A_55 = tpu.memref_slice %arg3[%dma_wait3A_53, %dma_wait3A_54] : memref<512x256xf32, #tpu.memory_space<hbm>> -> memref<512x256xf32, #tpu.memory_space<hbm>>
    tpu.wait_indirect_dma semaphore(%arg8 : memref<!tpu.dma_semaphore, #tpu.memory_space<semaphore_mem>>) src(%dma_wait3A_55 : memref<512x256xf32, #tpu.memory_space<hbm>>) dst(%dma_wait3A_50 : memref<128x256xf32, #tpu.memory_space<vmem>>)
    %add3A_56 = arith.constant 128 : i32
    %add3A_57 = arith.addi %mul3A_2, %add3A_56 : i32
    %dma_start3A_58 = arith.constant 1 : i32
    %dma_start3A_59 = arith.constant 0 : i32
    %dma_start3A_60 = arith.constant 0 : i32
    %dma_start3A_61 = tpu.memref_slice %arg6[%dma_start3A_58, %dma_start3A_59, %dma_start3A_60] : memref<2x128x256xf32, #tpu.memory_space<vmem>> -> memref<1x128x256xf32, #tpu.memory_space<vmem>>
    %dma_start3A_62 = tpu.memref_squeeze %dma_start3A_61 : memref<1x128x256xf32, #tpu.memory_space<vmem>> -> memref<128x256xf32, #tpu.memory_space<vmem>>
    %dma_start3A_63 = arith.constant 0 : i32
    %dma_start3A_64 = tpu.memref_slice %arg4[%add3A_57, %dma_start3A_63] : memref<16384x256xf32, #tpu.memory_space<hbm>> -> memref<128x256xf32, #tpu.memory_space<hbm>>
    %dma_start3A_65 = arith.constant 0 : i32
    %dma_start3A_66 = tpu.memref_slice %arg4[%add3A_57, %dma_start3A_65] : memref<16384x256xf32, #tpu.memory_space<hbm>> -> memref<128x256xf32, #tpu.memory_space<hbm>>
    %dma_start3A_67 = arith.constant 0 : i32
    %dma_start3A_68 = arith.constant 0 : i32
    %dma_start3A_69 = tpu.memref_slice %arg6[%dma_start3A_58, %dma_start3A_67, %dma_start3A_68] : memref<2x128x256xf32, #tpu.memory_space<vmem>> -> memref<1x128x256xf32, #tpu.memory_space<vmem>>
    %dma_start3A_70 = tpu.memref_squeeze %dma_start3A_69 : memref<1x128x256xf32, #tpu.memory_space<vmem>> -> memref<128x256xf32, #tpu.memory_space<vmem>>
    tpu.enqueue_dma source(%dma_start3A_70 : memref<128x256xf32, #tpu.memory_space<vmem>>) target(%dma_start3A_66 : memref<128x256xf32, #tpu.memory_space<hbm>>) target_semaphore(%arg10 : memref<!tpu.dma_semaphore, #tpu.memory_space<semaphore_mem>>)
    %dma_wait3A_71 = arith.constant 0 : i32
    %dma_wait3A_72 = arith.constant 0 : i32
    %dma_wait3A_73 = arith.constant 0 : i32
    %dma_wait3A_74 = tpu.memref_slice %arg6[%dma_wait3A_71, %dma_wait3A_72, %dma_wait3A_73] : memref<2x128x256xf32, #tpu.memory_space<vmem>> -> memref<1x128x256xf32, #tpu.memory_space<vmem>>
    %dma_wait3A_75 = tpu.memref_squeeze %dma_wait3A_74 : memref<1x128x256xf32, #tpu.memory_space<vmem>> -> memref<128x256xf32, #tpu.memory_space<vmem>>
    %dma_wait3A_76 = arith.constant 0 : i32
    %dma_wait3A_77 = tpu.memref_slice %arg4[%add3A_22, %dma_wait3A_76] : memref<16384x256xf32, #tpu.memory_space<hbm>> -> memref<128x256xf32, #tpu.memory_space<hbm>>
    %dma_wait3A_78 = arith.constant 0 : i32
    %dma_wait3A_79 = tpu.memref_slice %arg4[%add3A_22, %dma_wait3A_78] : memref<16384x256xf32, #tpu.memory_space<hbm>> -> memref<128x256xf32, #tpu.memory_space<hbm>>
    %dma_wait3A_80 = arith.constant 0 : i32
    %dma_wait3A_81 = arith.constant 0 : i32
    %dma_wait3A_82 = tpu.memref_slice %arg6[%dma_wait3A_71, %dma_wait3A_80, %dma_wait3A_81] : memref<2x128x256xf32, #tpu.memory_space<vmem>> -> memref<1x128x256xf32, #tpu.memory_space<vmem>>
    %dma_wait3A_83 = tpu.memref_squeeze %dma_wait3A_82 : memref<1x128x256xf32, #tpu.memory_space<vmem>> -> memref<128x256xf32, #tpu.memory_space<vmem>>
    tpu.wait_dma2 semaphore(%arg9 : memref<!tpu.dma_semaphore, #tpu.memory_space<semaphore_mem>>) src(%dma_wait3A_83 : memref<128x256xf32, #tpu.memory_space<vmem>>) dst(%dma_wait3A_79 : memref<128x256xf32, #tpu.memory_space<hbm>>)
    %dma_start3A_84 = arith.constant 0 : i32
    %dma_start3A_85 = arith.constant 0 : i32
    %dma_start3A_86 = arith.constant 0 : i32
    %dma_start3A_87 = tpu.memref_slice %arg6[%dma_start3A_84, %dma_start3A_85, %dma_start3A_86] : memref<2x128x256xf32, #tpu.memory_space<vmem>> -> memref<1x128x256xf32, #tpu.memory_space<vmem>>
    %dma_start3A_88 = tpu.memref_squeeze %dma_start3A_87 : memref<1x128x256xf32, #tpu.memory_space<vmem>> -> memref<128x256xf32, #tpu.memory_space<vmem>>
    %dma_start3A_89 = arith.constant 256 : i32
    %dma_start3A_90 = tpu.memref_slice %arg5[%dma_start3A_89] : memref<512xi32, #tpu.memory_space<vmem>> -> memref<128xi32, #tpu.memory_space<vmem>>
    %dma_start3A_91 = arith.constant 0 : i32
    %dma_start3A_92 = arith.constant 0 : i32
    %dma_start3A_93 = tpu.memref_slice %arg3[%dma_start3A_91, %dma_start3A_92] : memref<512x256xf32, #tpu.memory_space<hbm>> -> memref<512x256xf32, #tpu.memory_space<hbm>>
    tpu.enqueue_indirect_dma source(%dma_start3A_93 : memref<512x256xf32, #tpu.memory_space<hbm>>) target(%dma_start3A_88 : memref<128x256xf32, #tpu.memory_space<vmem>>) offsets(%dma_start3A_90 : memref<128xi32, #tpu.memory_space<vmem>>) semaphore(%arg7 : memref<!tpu.dma_semaphore, #tpu.memory_space<semaphore_mem>>)
    %dma_wait3A_94 = arith.constant 0 : i32
    %dma_wait3A_95 = arith.constant 0 : i32
    %dma_wait3A_96 = arith.constant 0 : i32
    %dma_wait3A_97 = tpu.memref_slice %arg6[%dma_wait3A_94, %dma_wait3A_95, %dma_wait3A_96] : memref<2x128x256xf32, #tpu.memory_space<vmem>> -> memref<1x128x256xf32, #tpu.memory_space<vmem>>
    %dma_wait3A_98 = tpu.memref_squeeze %dma_wait3A_97 : memref<1x128x256xf32, #tpu.memory_space<vmem>> -> memref<128x256xf32, #tpu.memory_space<vmem>>
    %dma_wait3A_99 = arith.constant 256 : i32
    %dma_wait3A_100 = tpu.memref_slice %arg5[%dma_wait3A_99] : memref<512xi32, #tpu.memory_space<vmem>> -> memref<128xi32, #tpu.memory_space<vmem>>
    %dma_wait3A_101 = arith.constant 0 : i32
    %dma_wait3A_102 = arith.constant 0 : i32
    %dma_wait3A_103 = tpu.memref_slice %arg3[%dma_wait3A_101, %dma_wait3A_102] : memref<512x256xf32, #tpu.memory_space<hbm>> -> memref<512x256xf32, #tpu.memory_space<hbm>>
    tpu.wait_indirect_dma semaphore(%arg7 : memref<!tpu.dma_semaphore, #tpu.memory_space<semaphore_mem>>) src(%dma_wait3A_103 : memref<512x256xf32, #tpu.memory_space<hbm>>) dst(%dma_wait3A_98 : memref<128x256xf32, #tpu.memory_space<vmem>>)
    %add3A_104 = arith.constant 256 : i32
    %add3A_105 = arith.addi %mul3A_2, %add3A_104 : i32
    %dma_start3A_106 = arith.constant 0 : i32
    %dma_start3A_107 = arith.constant 0 : i32
    %dma_start3A_108 = arith.constant 0 : i32
    %dma_start3A_109 = tpu.memref_slice %arg6[%dma_start3A_106, %dma_start3A_107, %dma_start3A_108] : memref<2x128x256xf32, #tpu.memory_space<vmem>> -> memref<1x128x256xf32, #tpu.memory_space<vmem>>
    %dma_start3A_110 = tpu.memref_squeeze %dma_start3A_109 : memref<1x128x256xf32, #tpu.memory_space<vmem>> -> memref<128x256xf32, #tpu.memory_space<vmem>>
    %dma_start3A_111 = arith.constant 0 : i32
    %dma_start3A_112 = tpu.memref_slice %arg4[%add3A_105, %dma_start3A_111] : memref<16384x256xf32, #tpu.memory_space<hbm>> -> memref<128x256xf32, #tpu.memory_space<hbm>>
    %dma_start3A_113 = arith.constant 0 : i32
    %dma_start3A_114 = tpu.memref_slice %arg4[%add3A_105, %dma_start3A_113] : memref<16384x256xf32, #tpu.memory_space<hbm>> -> memref<128x256xf32, #tpu.memory_space<hbm>>
    %dma_start3A_115 = arith.constant 0 : i32
    %dma_start3A_116 = arith.constant 0 : i32
    %dma_start3A_117 = tpu.memref_slice %arg6[%dma_start3A_106, %dma_start3A_115, %dma_start3A_116] : memref<2x128x256xf32, #tpu.memory_space<vmem>> -> memref<1x128x256xf32, #tpu.memory_space<vmem>>
    %dma_start3A_118 = tpu.memref_squeeze %dma_start3A_117 : memref<1x128x256xf32, #tpu.memory_space<vmem>> -> memref<128x256xf32, #tpu.memory_space<vmem>>
    tpu.enqueue_dma source(%dma_start3A_118 : memref<128x256xf32, #tpu.memory_space<vmem>>) target(%dma_start3A_114 : memref<128x256xf32, #tpu.memory_space<hbm>>) target_semaphore(%arg9 : memref<!tpu.dma_semaphore, #tpu.memory_space<semaphore_mem>>)
    %dma_wait3A_119 = arith.constant 1 : i32
    %dma_wait3A_120 = arith.constant 0 : i32
    %dma_wait3A_121 = arith.constant 0 : i32
    %dma_wait3A_122 = tpu.memref_slice %arg6[%dma_wait3A_119, %dma_wait3A_120, %dma_wait3A_121] : memref<2x128x256xf32, #tpu.memory_space<vmem>> -> memref<1x128x256xf32, #tpu.memory_space<vmem>>
    %dma_wait3A_123 = tpu.memref_squeeze %dma_wait3A_122 : memref<1x128x256xf32, #tpu.memory_space<vmem>> -> memref<128x256xf32, #tpu.memory_space<vmem>>
    %dma_wait3A_124 = arith.constant 0 : i32
    %dma_wait3A_125 = tpu.memref_slice %arg4[%add3A_57, %dma_wait3A_124] : memref<16384x256xf32, #tpu.memory_space<hbm>> -> memref<128x256xf32, #tpu.memory_space<hbm>>
    %dma_wait3A_126 = arith.constant 0 : i32
    %dma_wait3A_127 = tpu.memref_slice %arg4[%add3A_57, %dma_wait3A_126] : memref<16384x256xf32, #tpu.memory_space<hbm>> -> memref<128x256xf32, #tpu.memory_space<hbm>>
    %dma_wait3A_128 = arith.constant 0 : i32
    %dma_wait3A_129 = arith.constant 0 : i32
    %dma_wait3A_130 = tpu.memref_slice %arg6[%dma_wait3A_119, %dma_wait3A_128, %dma_wait3A_129] : memref<2x128x256xf32, #tpu.memory_space<vmem>> -> memref<1x128x256xf32, #tpu.memory_space<vmem>>
    %dma_wait3A_131 = tpu.memref_squeeze %dma_wait3A_130 : memref<1x128x256xf32, #tpu.memory_space<vmem>> -> memref<128x256xf32, #tpu.memory_space<vmem>>
    tpu.wait_dma2 semaphore(%arg10 : memref<!tpu.dma_semaphore, #tpu.memory_space<semaphore_mem>>) src(%dma_wait3A_131 : memref<128x256xf32, #tpu.memory_space<vmem>>) dst(%dma_wait3A_127 : memref<128x256xf32, #tpu.memory_space<hbm>>)
    %dma_start3A_132 = arith.constant 1 : i32
    %dma_start3A_133 = arith.constant 0 : i32
    %dma_start3A_134 = arith.constant 0 : i32
    %dma_start3A_135 = tpu.memref_slice %arg6[%dma_start3A_132, %dma_start3A_133, %dma_start3A_134] : memref<2x128x256xf32, #tpu.memory_space<vmem>> -> memref<1x128x256xf32, #tpu.memory_space<vmem>>
    %dma_start3A_136 = tpu.memref_squeeze %dma_start3A_135 : memref<1x128x256xf32, #tpu.memory_space<vmem>> -> memref<128x256xf32, #tpu.memory_space<vmem>>
    %dma_start3A_137 = arith.constant 384 : i32
    %dma_start3A_138 = tpu.memref_slice %arg5[%dma_start3A_137] : memref<512xi32, #tpu.memory_space<vmem>> -> memref<128xi32, #tpu.memory_space<vmem>>
    %dma_start3A_139 = arith.constant 0 : i32
    %dma_start3A_140 = arith.constant 0 : i32
    %dma_start3A_141 = tpu.memref_slice %arg3[%dma_start3A_139, %dma_start3A_140] : memref<512x256xf32, #tpu.memory_space<hbm>> -> memref<512x256xf32, #tpu.memory_space<hbm>>
    tpu.enqueue_indirect_dma source(%dma_start3A_141 : memref<512x256xf32, #tpu.memory_space<hbm>>) target(%dma_start3A_136 : memref<128x256xf32, #tpu.memory_space<vmem>>) offsets(%dma_start3A_138 : memref<128xi32, #tpu.memory_space<vmem>>) semaphore(%arg8 : memref<!tpu.dma_semaphore, #tpu.memory_space<semaphore_mem>>)
    %dma_wait3A_142 = arith.constant 1 : i32
    %dma_wait3A_143 = arith.constant 0 : i32
    %dma_wait3A_144 = arith.constant 0 : i32
    %dma_wait3A_145 = tpu.memref_slice %arg6[%dma_wait3A_142, %dma_wait3A_143, %dma_wait3A_144] : memref<2x128x256xf32, #tpu.memory_space<vmem>> -> memref<1x128x256xf32, #tpu.memory_space<vmem>>
    %dma_wait3A_146 = tpu.memref_squeeze %dma_wait3A_145 : memref<1x128x256xf32, #tpu.memory_space<vmem>> -> memref<128x256xf32, #tpu.memory_space<vmem>>
    %dma_wait3A_147 = arith.constant 384 : i32
    %dma_wait3A_148 = tpu.memref_slice %arg5[%dma_wait3A_147] : memref<512xi32, #tpu.memory_space<vmem>> -> memref<128xi32, #tpu.memory_space<vmem>>
    %dma_wait3A_149 = arith.constant 0 : i32
    %dma_wait3A_150 = arith.constant 0 : i32
    %dma_wait3A_151 = tpu.memref_slice %arg3[%dma_wait3A_149, %dma_wait3A_150] : memref<512x256xf32, #tpu.memory_space<hbm>> -> memref<512x256xf32, #tpu.memory_space<hbm>>
    tpu.wait_indirect_dma semaphore(%arg8 : memref<!tpu.dma_semaphore, #tpu.memory_space<semaphore_mem>>) src(%dma_wait3A_151 : memref<512x256xf32, #tpu.memory_space<hbm>>) dst(%dma_wait3A_146 : memref<128x256xf32, #tpu.memory_space<vmem>>)
    %add3A_152 = arith.constant 384 : i32
    %add3A_153 = arith.addi %mul3A_2, %add3A_152 : i32
    %dma_start3A_154 = arith.constant 1 : i32
    %dma_start3A_155 = arith.constant 0 : i32
    %dma_start3A_156 = arith.constant 0 : i32
    %dma_start3A_157 = tpu.memref_slice %arg6[%dma_start3A_154, %dma_start3A_155, %dma_start3A_156] : memref<2x128x256xf32, #tpu.memory_space<vmem>> -> memref<1x128x256xf32, #tpu.memory_space<vmem>>
    %dma_start3A_158 = tpu.memref_squeeze %dma_start3A_157 : memref<1x128x256xf32, #tpu.memory_space<vmem>> -> memref<128x256xf32, #tpu.memory_space<vmem>>
    %dma_start3A_159 = arith.constant 0 : i32
    %dma_start3A_160 = tpu.memref_slice %arg4[%add3A_153, %dma_start3A_159] : memref<16384x256xf32, #tpu.memory_space<hbm>> -> memref<128x256xf32, #tpu.memory_space<hbm>>
    %dma_start3A_161 = arith.constant 0 : i32
    %dma_start3A_162 = tpu.memref_slice %arg4[%add3A_153, %dma_start3A_161] : memref<16384x256xf32, #tpu.memory_space<hbm>> -> memref<128x256xf32, #tpu.memory_space<hbm>>
    %dma_start3A_163 = arith.constant 0 : i32
    %dma_start3A_164 = arith.constant 0 : i32
    %dma_start3A_165 = tpu.memref_slice %arg6[%dma_start3A_154, %dma_start3A_163, %dma_start3A_164] : memref<2x128x256xf32, #tpu.memory_space<vmem>> -> memref<1x128x256xf32, #tpu.memory_space<vmem>>
    %dma_start3A_166 = tpu.memref_squeeze %dma_start3A_165 : memref<1x128x256xf32, #tpu.memory_space<vmem>> -> memref<128x256xf32, #tpu.memory_space<vmem>>
    tpu.enqueue_dma source(%dma_start3A_166 : memref<128x256xf32, #tpu.memory_space<vmem>>) target(%dma_start3A_162 : memref<128x256xf32, #tpu.memory_space<hbm>>) target_semaphore(%arg10 : memref<!tpu.dma_semaphore, #tpu.memory_space<semaphore_mem>>)
    %dma_wait3A_167 = arith.constant 0 : i32
    %dma_wait3A_168 = arith.constant 0 : i32
    %dma_wait3A_169 = arith.constant 0 : i32
    %dma_wait3A_170 = tpu.memref_slice %arg6[%dma_wait3A_167, %dma_wait3A_168, %dma_wait3A_169] : memref<2x128x256xf32, #tpu.memory_space<vmem>> -> memref<1x128x256xf32, #tpu.memory_space<vmem>>
    %dma_wait3A_171 = tpu.memref_squeeze %dma_wait3A_170 : memref<1x128x256xf32, #tpu.memory_space<vmem>> -> memref<128x256xf32, #tpu.memory_space<vmem>>
    %dma_wait3A_172 = arith.constant 0 : i32
    %dma_wait3A_173 = tpu.memref_slice %arg4[%add3A_105, %dma_wait3A_172] : memref<16384x256xf32, #tpu.memory_space<hbm>> -> memref<128x256xf32, #tpu.memory_space<hbm>>
    %dma_wait3A_174 = arith.constant 0 : i32
    %dma_wait3A_175 = tpu.memref_slice %arg4[%add3A_105, %dma_wait3A_174] : memref<16384x256xf32, #tpu.memory_space<hbm>> -> memref<128x256xf32, #tpu.memory_space<hbm>>
    %dma_wait3A_176 = arith.constant 0 : i32
    %dma_wait3A_177 = arith.constant 0 : i32
    %dma_wait3A_178 = tpu.memref_slice %arg6[%dma_wait3A_167, %dma_wait3A_176, %dma_wait3A_177] : memref<2x128x256xf32, #tpu.memory_space<vmem>> -> memref<1x128x256xf32, #tpu.memory_space<vmem>>
    %dma_wait3A_179 = tpu.memref_squeeze %dma_wait3A_178 : memref<1x128x256xf32, #tpu.memory_space<vmem>> -> memref<128x256xf32, #tpu.memory_space<vmem>>
    tpu.wait_dma2 semaphore(%arg9 : memref<!tpu.dma_semaphore, #tpu.memory_space<semaphore_mem>>) src(%dma_wait3A_179 : memref<128x256xf32, #tpu.memory_space<vmem>>) dst(%dma_wait3A_175 : memref<128x256xf32, #tpu.memory_space<hbm>>)
    %dma_wait3A_180 = arith.constant 1 : i32
    %dma_wait3A_181 = arith.constant 0 : i32
    %dma_wait3A_182 = arith.constant 0 : i32
    %dma_wait3A_183 = tpu.memref_slice %arg6[%dma_wait3A_180, %dma_wait3A_181, %dma_wait3A_182] : memref<2x128x256xf32, #tpu.memory_space<vmem>> -> memref<1x128x256xf32, #tpu.memory_space<vmem>>
    %dma_wait3A_184 = tpu.memref_squeeze %dma_wait3A_183 : memref<1x128x256xf32, #tpu.memory_space<vmem>> -> memref<128x256xf32, #tpu.memory_space<vmem>>
    %dma_wait3A_185 = arith.constant 0 : i32
    %dma_wait3A_186 = tpu.memref_slice %arg4[%add3A_153, %dma_wait3A_185] : memref<16384x256xf32, #tpu.memory_space<hbm>> -> memref<128x256xf32, #tpu.memory_space<hbm>>
    %dma_wait3A_187 = arith.constant 0 : i32
    %dma_wait3A_188 = tpu.memref_slice %arg4[%add3A_153, %dma_wait3A_187] : memref<16384x256xf32, #tpu.memory_space<hbm>> -> memref<128x256xf32, #tpu.memory_space<hbm>>
    %dma_wait3A_189 = arith.constant 0 : i32
    %dma_wait3A_190 = arith.constant 0 : i32
    %dma_wait3A_191 = tpu.memref_slice %arg6[%dma_wait3A_180, %dma_wait3A_189, %dma_wait3A_190] : memref<2x128x256xf32, #tpu.memory_space<vmem>> -> memref<1x128x256xf32, #tpu.memory_space<vmem>>
    %dma_wait3A_192 = tpu.memref_squeeze %dma_wait3A_191 : memref<1x128x256xf32, #tpu.memory_space<vmem>> -> memref<128x256xf32, #tpu.memory_space<vmem>>
    tpu.wait_dma2 semaphore(%arg10 : memref<!tpu.dma_semaphore, #tpu.memory_space<semaphore_mem>>) src(%dma_wait3A_192 : memref<128x256xf32, #tpu.memory_space<vmem>>) dst(%dma_wait3A_188 : memref<128x256xf32, #tpu.memory_space<hbm>>)
    return
  }
}

#map = affine_map<(d0, d1) -> (0)>
#map1 = affine_map<(d0, d1) -> (0, 0)>
module attributes {stable_mosaic.version = 14 : i64} {
  func.func @k(%arg0: i32, %arg1: i32, %arg2: memref<16384xi32, #tpu.memory_space<hbm>>, %arg3: memref<1024x256xf32, #tpu.memory_space<hbm>>, %arg4: memref<16384x256xf32, #tpu.memory_space<hbm>>, %arg5: memref<512xi32, #tpu.memory_space<vmem>>, %arg6: memref<2x128x256xf32, #tpu.memory_space<vmem>>, %arg7: memref<!tpu.dma_semaphore, #tpu.memory_space<semaphore_mem>>, %arg8: memref<!tpu.dma_semaphore, #tpu.memory_space<semaphore_mem>>, %arg9: memref<!tpu.dma_semaphore, #tpu.memory_space<semaphore_mem>>, %arg10: memref<!tpu.dma_semaphore, #tpu.memory_space<semaphore_mem>>) attributes {dimension_semantics = [#tpu.dimension_semantics<core_parallel>, #tpu.dimension_semantics<subcore_parallel>], iteration_bounds = array<i64: 2, 16>, scalar_prefetch = 0 : i64, scratch_operands = 6 : i64, tpu.core_type = #tpu.core_type<sc_vector_subcore>, window_params = [{transform_indices = #map}, {transform_indices = #map1}, {transform_indices = #map1}]} {
    %mul3A = arith.constant 2 : i32
    %mul3A_0 = arith.muli %arg1, %mul3A : i32
    %add3A = arith.addi %mul3A_0, %arg0 : i32
    %mul3A_1 = arith.constant 512 : i32
    %mul3A_2 = arith.muli %add3A, %mul3A_1 : i32
    "tpu.region"() ({
      %run_scoped3A = tpu.sem_alloc : memref<!tpu.dma_semaphore, #tpu.memory_space<semaphore_mem>>
      %dma_start3A_193 = tpu.memref_slice %arg2[%mul3A_2] : memref<16384xi32, #tpu.memory_space<hbm>> -> memref<512xi32, #tpu.memory_space<hbm>>
      %dma_start3A_194 = tpu.memref_slice %arg2[%mul3A_2] : memref<16384xi32, #tpu.memory_space<hbm>> -> memref<512xi32, #tpu.memory_space<hbm>>
      tpu.enqueue_dma source(%dma_start3A_194 : memref<512xi32, #tpu.memory_space<hbm>>) target(%arg5 : memref<512xi32, #tpu.memory_space<vmem>>) target_semaphore(%run_scoped3A : memref<!tpu.dma_semaphore, #tpu.memory_space<semaphore_mem>>)
      %dma_wait3A_195 = tpu.memref_slice %arg2[%mul3A_2] : memref<16384xi32, #tpu.memory_space<hbm>> -> memref<512xi32, #tpu.memory_space<hbm>>
      %dma_wait3A_196 = tpu.memref_slice %arg2[%mul3A_2] : memref<16384xi32, #tpu.memory_space<hbm>> -> memref<512xi32, #tpu.memory_space<hbm>>
      tpu.wait_dma2 semaphore(%run_scoped3A : memref<!tpu.dma_semaphore, #tpu.memory_space<semaphore_mem>>) src(%dma_wait3A_196 : memref<512xi32, #tpu.memory_space<hbm>>) dst(%arg5 : memref<512xi32, #tpu.memory_space<vmem>>)
      tpu.yield
    }) : () -> ()
    %dma_start3A = arith.constant 0 : i32
    %dma_start3A_3 = arith.constant 0 : i32
    %dma_start3A_4 = arith.constant 0 : i32
    %dma_start3A_5 = tpu.memref_slice %arg6[%dma_start3A, %dma_start3A_3, %dma_start3A_4] : memref<2x128x256xf32, #tpu.memory_space<vmem>> -> memref<1x128x256xf32, #tpu.memory_space<vmem>>
    %dma_start3A_6 = tpu.memref_squeeze %dma_start3A_5 : memref<1x128x256xf32, #tpu.memory_space<vmem>> -> memref<128x256xf32, #tpu.memory_space<vmem>>
    %dma_start3A_7 = arith.constant 0 : i32
    %dma_start3A_8 = tpu.memref_slice %arg5[%dma_start3A_7] : memref<512xi32, #tpu.memory_space<vmem>> -> memref<128xi32, #tpu.memory_space<vmem>>
    %dma_start3A_9 = arith.constant 0 : i32
    %dma_start3A_10 = arith.constant 0 : i32
    %dma_start3A_11 = tpu.memref_slice %arg3[%dma_start3A_9, %dma_start3A_10] : memref<1024x256xf32, #tpu.memory_space<hbm>> -> memref<1024x256xf32, #tpu.memory_space<hbm>>
    tpu.enqueue_indirect_dma source(%dma_start3A_11 : memref<1024x256xf32, #tpu.memory_space<hbm>>) target(%dma_start3A_6 : memref<128x256xf32, #tpu.memory_space<vmem>>) offsets(%dma_start3A_8 : memref<128xi32, #tpu.memory_space<vmem>>) semaphore(%arg7 : memref<!tpu.dma_semaphore, #tpu.memory_space<semaphore_mem>>)
    %dma_wait3A = arith.constant 0 : i32
    %dma_wait3A_12 = arith.constant 0 : i32
    %dma_wait3A_13 = arith.constant 0 : i32
    %dma_wait3A_14 = tpu.memref_slice %arg6[%dma_wait3A, %dma_wait3A_12, %dma_wait3A_13] : memref<2x128x256xf32, #tpu.memory_space<vmem>> -> memref<1x128x256xf32, #tpu.memory_space<vmem>>
    %dma_wait3A_15 = tpu.memref_squeeze %dma_wait3A_14 : memref<1x128x256xf32, #tpu.memory_space<vmem>> -> memref<128x256xf32, #tpu.memory_space<vmem>>
    %dma_wait3A_16 = arith.constant 0 : i32
    %dma_wait3A_17 = tpu.memref_slice %arg5[%dma_wait3A_16] : memref<512xi32, #tpu.memory_space<vmem>> -> memref<128xi32, #tpu.memory_space<vmem>>
    %dma_wait3A_18 = arith.constant 0 : i32
    %dma_wait3A_19 = arith.constant 0 : i32
    %dma_wait3A_20 = tpu.memref_slice %arg3[%dma_wait3A_18, %dma_wait3A_19] : memref<1024x256xf32, #tpu.memory_space<hbm>> -> memref<1024x256xf32, #tpu.memory_space<hbm>>
    tpu.wait_indirect_dma semaphore(%arg7 : memref<!tpu.dma_semaphore, #tpu.memory_space<semaphore_mem>>) src(%dma_wait3A_20 : memref<1024x256xf32, #tpu.memory_space<hbm>>) dst(%dma_wait3A_15 : memref<128x256xf32, #tpu.memory_space<vmem>>)
    %add3A_21 = arith.constant 0 : i32
    %add3A_22 = arith.addi %mul3A_2, %add3A_21 : i32
    %dma_start3A_23 = arith.constant 0 : i32
    %dma_start3A_24 = arith.constant 0 : i32
    %dma_start3A_25 = arith.constant 0 : i32
    %dma_start3A_26 = tpu.memref_slice %arg6[%dma_start3A_23, %dma_start3A_24, %dma_start3A_25] : memref<2x128x256xf32, #tpu.memory_space<vmem>> -> memref<1x128x256xf32, #tpu.memory_space<vmem>>
    %dma_start3A_27 = tpu.memref_squeeze %dma_start3A_26 : memref<1x128x256xf32, #tpu.memory_space<vmem>> -> memref<128x256xf32, #tpu.memory_space<vmem>>
    %dma_start3A_28 = arith.constant 0 : i32
    %dma_start3A_29 = tpu.memref_slice %arg4[%add3A_22, %dma_start3A_28] : memref<16384x256xf32, #tpu.memory_space<hbm>> -> memref<128x256xf32, #tpu.memory_space<hbm>>
    %dma_start3A_30 = arith.constant 0 : i32
    %dma_start3A_31 = tpu.memref_slice %arg4[%add3A_22, %dma_start3A_30] : memref<16384x256xf32, #tpu.memory_space<hbm>> -> memref<128x256xf32, #tpu.memory_space<hbm>>
    %dma_start3A_32 = arith.constant 0 : i32
    %dma_start3A_33 = arith.constant 0 : i32
    %dma_start3A_34 = tpu.memref_slice %arg6[%dma_start3A_23, %dma_start3A_32, %dma_start3A_33] : memref<2x128x256xf32, #tpu.memory_space<vmem>> -> memref<1x128x256xf32, #tpu.memory_space<vmem>>
    %dma_start3A_35 = tpu.memref_squeeze %dma_start3A_34 : memref<1x128x256xf32, #tpu.memory_space<vmem>> -> memref<128x256xf32, #tpu.memory_space<vmem>>
    tpu.enqueue_dma source(%dma_start3A_35 : memref<128x256xf32, #tpu.memory_space<vmem>>) target(%dma_start3A_31 : memref<128x256xf32, #tpu.memory_space<hbm>>) target_semaphore(%arg9 : memref<!tpu.dma_semaphore, #tpu.memory_space<semaphore_mem>>)
    %dma_start3A_36 = arith.constant 1 : i32
    %dma_start3A_37 = arith.constant 0 : i32
    %dma_start3A_38 = arith.constant 0 : i32
    %dma_start3A_39 = tpu.memref_slice %arg6[%dma_start3A_36, %dma_start3A_37, %dma_start3A_38] : memref<2x128x256xf32, #tpu.memory_space<vmem>> -> memref<1x128x256xf32, #tpu.memory_space<vmem>>
    %dma_start3A_40 = tpu.memref_squeeze %dma_start3A_39 : memref<1x128x256xf32, #tpu.memory_space<vmem>> -> memref<128x256xf32, #tpu.memory_space<vmem>>
    %dma_start3A_41 = arith.constant 128 : i32
    %dma_start3A_42 = tpu.memref_slice %arg5[%dma_start3A_41] : memref<512xi32, #tpu.memory_space<vmem>> -> memref<128xi32, #tpu.memory_space<vmem>>
    %dma_start3A_43 = arith.constant 0 : i32
    %dma_start3A_44 = arith.constant 0 : i32
    %dma_start3A_45 = tpu.memref_slice %arg3[%dma_start3A_43, %dma_start3A_44] : memref<1024x256xf32, #tpu.memory_space<hbm>> -> memref<1024x256xf32, #tpu.memory_space<hbm>>
    tpu.enqueue_indirect_dma source(%dma_start3A_45 : memref<1024x256xf32, #tpu.memory_space<hbm>>) target(%dma_start3A_40 : memref<128x256xf32, #tpu.memory_space<vmem>>) offsets(%dma_start3A_42 : memref<128xi32, #tpu.memory_space<vmem>>) semaphore(%arg8 : memref<!tpu.dma_semaphore, #tpu.memory_space<semaphore_mem>>)
    %dma_wait3A_46 = arith.constant 1 : i32
    %dma_wait3A_47 = arith.constant 0 : i32
    %dma_wait3A_48 = arith.constant 0 : i32
    %dma_wait3A_49 = tpu.memref_slice %arg6[%dma_wait3A_46, %dma_wait3A_47, %dma_wait3A_48] : memref<2x128x256xf32, #tpu.memory_space<vmem>> -> memref<1x128x256xf32, #tpu.memory_space<vmem>>
    %dma_wait3A_50 = tpu.memref_squeeze %dma_wait3A_49 : memref<1x128x256xf32, #tpu.memory_space<vmem>> -> memref<128x256xf32, #tpu.memory_space<vmem>>
    %dma_wait3A_51 = arith.constant 128 : i32
    %dma_wait3A_52 = tpu.memref_slice %arg5[%dma_wait3A_51] : memref<512xi32, #tpu.memory_space<vmem>> -> memref<128xi32, #tpu.memory_space<vmem>>
    %dma_wait3A_53 = arith.constant 0 : i32
    %dma_wait3A_54 = arith.constant 0 : i32
    %dma_wait3A_55 = tpu.memref_slice %arg3[%dma_wait3A_53, %dma_wait3A_54] : memref<1024x256xf32, #tpu.memory_space<hbm>> -> memref<1024x256xf32, #tpu.memory_space<hbm>>
    tpu.wait_indirect_dma semaphore(%arg8 : memref<!tpu.dma_semaphore, #tpu.memory_space<semaphore_mem>>) src(%dma_wait3A_55 : memref<1024x256xf32, #tpu.memory_space<hbm>>) dst(%dma_wait3A_50 : memref<128x256xf32, #tpu.memory_space<vmem>>)
    %add3A_56 = arith.constant 128 : i32
    %add3A_57 = arith.addi %mul3A_2, %add3A_56 : i32
    %dma_start3A_58 = arith.constant 1 : i32
    %dma_start3A_59 = arith.constant 0 : i32
    %dma_start3A_60 = arith.constant 0 : i32
    %dma_start3A_61 = tpu.memref_slice %arg6[%dma_start3A_58, %dma_start3A_59, %dma_start3A_60] : memref<2x128x256xf32, #tpu.memory_space<vmem>> -> memref<1x128x256xf32, #tpu.memory_space<vmem>>
    %dma_start3A_62 = tpu.memref_squeeze %dma_start3A_61 : memref<1x128x256xf32, #tpu.memory_space<vmem>> -> memref<128x256xf32, #tpu.memory_space<vmem>>
    %dma_start3A_63 = arith.constant 0 : i32
    %dma_start3A_64 = tpu.memref_slice %arg4[%add3A_57, %dma_start3A_63] : memref<16384x256xf32, #tpu.memory_space<hbm>> -> memref<128x256xf32, #tpu.memory_space<hbm>>
    %dma_start3A_65 = arith.constant 0 : i32
    %dma_start3A_66 = tpu.memref_slice %arg4[%add3A_57, %dma_start3A_65] : memref<16384x256xf32, #tpu.memory_space<hbm>> -> memref<128x256xf32, #tpu.memory_space<hbm>>
    %dma_start3A_67 = arith.constant 0 : i32
    %dma_start3A_68 = arith.constant 0 : i32
    %dma_start3A_69 = tpu.memref_slice %arg6[%dma_start3A_58, %dma_start3A_67, %dma_start3A_68] : memref<2x128x256xf32, #tpu.memory_space<vmem>> -> memref<1x128x256xf32, #tpu.memory_space<vmem>>
    %dma_start3A_70 = tpu.memref_squeeze %dma_start3A_69 : memref<1x128x256xf32, #tpu.memory_space<vmem>> -> memref<128x256xf32, #tpu.memory_space<vmem>>
    tpu.enqueue_dma source(%dma_start3A_70 : memref<128x256xf32, #tpu.memory_space<vmem>>) target(%dma_start3A_66 : memref<128x256xf32, #tpu.memory_space<hbm>>) target_semaphore(%arg10 : memref<!tpu.dma_semaphore, #tpu.memory_space<semaphore_mem>>)
    %dma_wait3A_71 = arith.constant 0 : i32
    %dma_wait3A_72 = arith.constant 0 : i32
    %dma_wait3A_73 = arith.constant 0 : i32
    %dma_wait3A_74 = tpu.memref_slice %arg6[%dma_wait3A_71, %dma_wait3A_72, %dma_wait3A_73] : memref<2x128x256xf32, #tpu.memory_space<vmem>> -> memref<1x128x256xf32, #tpu.memory_space<vmem>>
    %dma_wait3A_75 = tpu.memref_squeeze %dma_wait3A_74 : memref<1x128x256xf32, #tpu.memory_space<vmem>> -> memref<128x256xf32, #tpu.memory_space<vmem>>
    %dma_wait3A_76 = arith.constant 0 : i32
    %dma_wait3A_77 = tpu.memref_slice %arg4[%add3A_22, %dma_wait3A_76] : memref<16384x256xf32, #tpu.memory_space<hbm>> -> memref<128x256xf32, #tpu.memory_space<hbm>>
    %dma_wait3A_78 = arith.constant 0 : i32
    %dma_wait3A_79 = tpu.memref_slice %arg4[%add3A_22, %dma_wait3A_78] : memref<16384x256xf32, #tpu.memory_space<hbm>> -> memref<128x256xf32, #tpu.memory_space<hbm>>
    %dma_wait3A_80 = arith.constant 0 : i32
    %dma_wait3A_81 = arith.constant 0 : i32
    %dma_wait3A_82 = tpu.memref_slice %arg6[%dma_wait3A_71, %dma_wait3A_80, %dma_wait3A_81] : memref<2x128x256xf32, #tpu.memory_space<vmem>> -> memref<1x128x256xf32, #tpu.memory_space<vmem>>
    %dma_wait3A_83 = tpu.memref_squeeze %dma_wait3A_82 : memref<1x128x256xf32, #tpu.memory_space<vmem>> -> memref<128x256xf32, #tpu.memory_space<vmem>>
    tpu.wait_dma2 semaphore(%arg9 : memref<!tpu.dma_semaphore, #tpu.memory_space<semaphore_mem>>) src(%dma_wait3A_83 : memref<128x256xf32, #tpu.memory_space<vmem>>) dst(%dma_wait3A_79 : memref<128x256xf32, #tpu.memory_space<hbm>>)
    %dma_start3A_84 = arith.constant 0 : i32
    %dma_start3A_85 = arith.constant 0 : i32
    %dma_start3A_86 = arith.constant 0 : i32
    %dma_start3A_87 = tpu.memref_slice %arg6[%dma_start3A_84, %dma_start3A_85, %dma_start3A_86] : memref<2x128x256xf32, #tpu.memory_space<vmem>> -> memref<1x128x256xf32, #tpu.memory_space<vmem>>
    %dma_start3A_88 = tpu.memref_squeeze %dma_start3A_87 : memref<1x128x256xf32, #tpu.memory_space<vmem>> -> memref<128x256xf32, #tpu.memory_space<vmem>>
    %dma_start3A_89 = arith.constant 256 : i32
    %dma_start3A_90 = tpu.memref_slice %arg5[%dma_start3A_89] : memref<512xi32, #tpu.memory_space<vmem>> -> memref<128xi32, #tpu.memory_space<vmem>>
    %dma_start3A_91 = arith.constant 0 : i32
    %dma_start3A_92 = arith.constant 0 : i32
    %dma_start3A_93 = tpu.memref_slice %arg3[%dma_start3A_91, %dma_start3A_92] : memref<1024x256xf32, #tpu.memory_space<hbm>> -> memref<1024x256xf32, #tpu.memory_space<hbm>>
    tpu.enqueue_indirect_dma source(%dma_start3A_93 : memref<1024x256xf32, #tpu.memory_space<hbm>>) target(%dma_start3A_88 : memref<128x256xf32, #tpu.memory_space<vmem>>) offsets(%dma_start3A_90 : memref<128xi32, #tpu.memory_space<vmem>>) semaphore(%arg7 : memref<!tpu.dma_semaphore, #tpu.memory_space<semaphore_mem>>)
    %dma_wait3A_94 = arith.constant 0 : i32
    %dma_wait3A_95 = arith.constant 0 : i32
    %dma_wait3A_96 = arith.constant 0 : i32
    %dma_wait3A_97 = tpu.memref_slice %arg6[%dma_wait3A_94, %dma_wait3A_95, %dma_wait3A_96] : memref<2x128x256xf32, #tpu.memory_space<vmem>> -> memref<1x128x256xf32, #tpu.memory_space<vmem>>
    %dma_wait3A_98 = tpu.memref_squeeze %dma_wait3A_97 : memref<1x128x256xf32, #tpu.memory_space<vmem>> -> memref<128x256xf32, #tpu.memory_space<vmem>>
    %dma_wait3A_99 = arith.constant 256 : i32
    %dma_wait3A_100 = tpu.memref_slice %arg5[%dma_wait3A_99] : memref<512xi32, #tpu.memory_space<vmem>> -> memref<128xi32, #tpu.memory_space<vmem>>
    %dma_wait3A_101 = arith.constant 0 : i32
    %dma_wait3A_102 = arith.constant 0 : i32
    %dma_wait3A_103 = tpu.memref_slice %arg3[%dma_wait3A_101, %dma_wait3A_102] : memref<1024x256xf32, #tpu.memory_space<hbm>> -> memref<1024x256xf32, #tpu.memory_space<hbm>>
    tpu.wait_indirect_dma semaphore(%arg7 : memref<!tpu.dma_semaphore, #tpu.memory_space<semaphore_mem>>) src(%dma_wait3A_103 : memref<1024x256xf32, #tpu.memory_space<hbm>>) dst(%dma_wait3A_98 : memref<128x256xf32, #tpu.memory_space<vmem>>)
    %add3A_104 = arith.constant 256 : i32
    %add3A_105 = arith.addi %mul3A_2, %add3A_104 : i32
    %dma_start3A_106 = arith.constant 0 : i32
    %dma_start3A_107 = arith.constant 0 : i32
    %dma_start3A_108 = arith.constant 0 : i32
    %dma_start3A_109 = tpu.memref_slice %arg6[%dma_start3A_106, %dma_start3A_107, %dma_start3A_108] : memref<2x128x256xf32, #tpu.memory_space<vmem>> -> memref<1x128x256xf32, #tpu.memory_space<vmem>>
    %dma_start3A_110 = tpu.memref_squeeze %dma_start3A_109 : memref<1x128x256xf32, #tpu.memory_space<vmem>> -> memref<128x256xf32, #tpu.memory_space<vmem>>
    %dma_start3A_111 = arith.constant 0 : i32
    %dma_start3A_112 = tpu.memref_slice %arg4[%add3A_105, %dma_start3A_111] : memref<16384x256xf32, #tpu.memory_space<hbm>> -> memref<128x256xf32, #tpu.memory_space<hbm>>
    %dma_start3A_113 = arith.constant 0 : i32
    %dma_start3A_114 = tpu.memref_slice %arg4[%add3A_105, %dma_start3A_113] : memref<16384x256xf32, #tpu.memory_space<hbm>> -> memref<128x256xf32, #tpu.memory_space<hbm>>
    %dma_start3A_115 = arith.constant 0 : i32
    %dma_start3A_116 = arith.constant 0 : i32
    %dma_start3A_117 = tpu.memref_slice %arg6[%dma_start3A_106, %dma_start3A_115, %dma_start3A_116] : memref<2x128x256xf32, #tpu.memory_space<vmem>> -> memref<1x128x256xf32, #tpu.memory_space<vmem>>
    %dma_start3A_118 = tpu.memref_squeeze %dma_start3A_117 : memref<1x128x256xf32, #tpu.memory_space<vmem>> -> memref<128x256xf32, #tpu.memory_space<vmem>>
    tpu.enqueue_dma source(%dma_start3A_118 : memref<128x256xf32, #tpu.memory_space<vmem>>) target(%dma_start3A_114 : memref<128x256xf32, #tpu.memory_space<hbm>>) target_semaphore(%arg9 : memref<!tpu.dma_semaphore, #tpu.memory_space<semaphore_mem>>)
    %dma_wait3A_119 = arith.constant 1 : i32
    %dma_wait3A_120 = arith.constant 0 : i32
    %dma_wait3A_121 = arith.constant 0 : i32
    %dma_wait3A_122 = tpu.memref_slice %arg6[%dma_wait3A_119, %dma_wait3A_120, %dma_wait3A_121] : memref<2x128x256xf32, #tpu.memory_space<vmem>> -> memref<1x128x256xf32, #tpu.memory_space<vmem>>
    %dma_wait3A_123 = tpu.memref_squeeze %dma_wait3A_122 : memref<1x128x256xf32, #tpu.memory_space<vmem>> -> memref<128x256xf32, #tpu.memory_space<vmem>>
    %dma_wait3A_124 = arith.constant 0 : i32
    %dma_wait3A_125 = tpu.memref_slice %arg4[%add3A_57, %dma_wait3A_124] : memref<16384x256xf32, #tpu.memory_space<hbm>> -> memref<128x256xf32, #tpu.memory_space<hbm>>
    %dma_wait3A_126 = arith.constant 0 : i32
    %dma_wait3A_127 = tpu.memref_slice %arg4[%add3A_57, %dma_wait3A_126] : memref<16384x256xf32, #tpu.memory_space<hbm>> -> memref<128x256xf32, #tpu.memory_space<hbm>>
    %dma_wait3A_128 = arith.constant 0 : i32
    %dma_wait3A_129 = arith.constant 0 : i32
    %dma_wait3A_130 = tpu.memref_slice %arg6[%dma_wait3A_119, %dma_wait3A_128, %dma_wait3A_129] : memref<2x128x256xf32, #tpu.memory_space<vmem>> -> memref<1x128x256xf32, #tpu.memory_space<vmem>>
    %dma_wait3A_131 = tpu.memref_squeeze %dma_wait3A_130 : memref<1x128x256xf32, #tpu.memory_space<vmem>> -> memref<128x256xf32, #tpu.memory_space<vmem>>
    tpu.wait_dma2 semaphore(%arg10 : memref<!tpu.dma_semaphore, #tpu.memory_space<semaphore_mem>>) src(%dma_wait3A_131 : memref<128x256xf32, #tpu.memory_space<vmem>>) dst(%dma_wait3A_127 : memref<128x256xf32, #tpu.memory_space<hbm>>)
    %dma_start3A_132 = arith.constant 1 : i32
    %dma_start3A_133 = arith.constant 0 : i32
    %dma_start3A_134 = arith.constant 0 : i32
    %dma_start3A_135 = tpu.memref_slice %arg6[%dma_start3A_132, %dma_start3A_133, %dma_start3A_134] : memref<2x128x256xf32, #tpu.memory_space<vmem>> -> memref<1x128x256xf32, #tpu.memory_space<vmem>>
    %dma_start3A_136 = tpu.memref_squeeze %dma_start3A_135 : memref<1x128x256xf32, #tpu.memory_space<vmem>> -> memref<128x256xf32, #tpu.memory_space<vmem>>
    %dma_start3A_137 = arith.constant 384 : i32
    %dma_start3A_138 = tpu.memref_slice %arg5[%dma_start3A_137] : memref<512xi32, #tpu.memory_space<vmem>> -> memref<128xi32, #tpu.memory_space<vmem>>
    %dma_start3A_139 = arith.constant 0 : i32
    %dma_start3A_140 = arith.constant 0 : i32
    %dma_start3A_141 = tpu.memref_slice %arg3[%dma_start3A_139, %dma_start3A_140] : memref<1024x256xf32, #tpu.memory_space<hbm>> -> memref<1024x256xf32, #tpu.memory_space<hbm>>
    tpu.enqueue_indirect_dma source(%dma_start3A_141 : memref<1024x256xf32, #tpu.memory_space<hbm>>) target(%dma_start3A_136 : memref<128x256xf32, #tpu.memory_space<vmem>>) offsets(%dma_start3A_138 : memref<128xi32, #tpu.memory_space<vmem>>) semaphore(%arg8 : memref<!tpu.dma_semaphore, #tpu.memory_space<semaphore_mem>>)
    %dma_wait3A_142 = arith.constant 1 : i32
    %dma_wait3A_143 = arith.constant 0 : i32
    %dma_wait3A_144 = arith.constant 0 : i32
    %dma_wait3A_145 = tpu.memref_slice %arg6[%dma_wait3A_142, %dma_wait3A_143, %dma_wait3A_144] : memref<2x128x256xf32, #tpu.memory_space<vmem>> -> memref<1x128x256xf32, #tpu.memory_space<vmem>>
    %dma_wait3A_146 = tpu.memref_squeeze %dma_wait3A_145 : memref<1x128x256xf32, #tpu.memory_space<vmem>> -> memref<128x256xf32, #tpu.memory_space<vmem>>
    %dma_wait3A_147 = arith.constant 384 : i32
    %dma_wait3A_148 = tpu.memref_slice %arg5[%dma_wait3A_147] : memref<512xi32, #tpu.memory_space<vmem>> -> memref<128xi32, #tpu.memory_space<vmem>>
    %dma_wait3A_149 = arith.constant 0 : i32
    %dma_wait3A_150 = arith.constant 0 : i32
    %dma_wait3A_151 = tpu.memref_slice %arg3[%dma_wait3A_149, %dma_wait3A_150] : memref<1024x256xf32, #tpu.memory_space<hbm>> -> memref<1024x256xf32, #tpu.memory_space<hbm>>
    tpu.wait_indirect_dma semaphore(%arg8 : memref<!tpu.dma_semaphore, #tpu.memory_space<semaphore_mem>>) src(%dma_wait3A_151 : memref<1024x256xf32, #tpu.memory_space<hbm>>) dst(%dma_wait3A_146 : memref<128x256xf32, #tpu.memory_space<vmem>>)
    %add3A_152 = arith.constant 384 : i32
    %add3A_153 = arith.addi %mul3A_2, %add3A_152 : i32
    %dma_start3A_154 = arith.constant 1 : i32
    %dma_start3A_155 = arith.constant 0 : i32
    %dma_start3A_156 = arith.constant 0 : i32
    %dma_start3A_157 = tpu.memref_slice %arg6[%dma_start3A_154, %dma_start3A_155, %dma_start3A_156] : memref<2x128x256xf32, #tpu.memory_space<vmem>> -> memref<1x128x256xf32, #tpu.memory_space<vmem>>
    %dma_start3A_158 = tpu.memref_squeeze %dma_start3A_157 : memref<1x128x256xf32, #tpu.memory_space<vmem>> -> memref<128x256xf32, #tpu.memory_space<vmem>>
    %dma_start3A_159 = arith.constant 0 : i32
    %dma_start3A_160 = tpu.memref_slice %arg4[%add3A_153, %dma_start3A_159] : memref<16384x256xf32, #tpu.memory_space<hbm>> -> memref<128x256xf32, #tpu.memory_space<hbm>>
    %dma_start3A_161 = arith.constant 0 : i32
    %dma_start3A_162 = tpu.memref_slice %arg4[%add3A_153, %dma_start3A_161] : memref<16384x256xf32, #tpu.memory_space<hbm>> -> memref<128x256xf32, #tpu.memory_space<hbm>>
    %dma_start3A_163 = arith.constant 0 : i32
    %dma_start3A_164 = arith.constant 0 : i32
    %dma_start3A_165 = tpu.memref_slice %arg6[%dma_start3A_154, %dma_start3A_163, %dma_start3A_164] : memref<2x128x256xf32, #tpu.memory_space<vmem>> -> memref<1x128x256xf32, #tpu.memory_space<vmem>>
    %dma_start3A_166 = tpu.memref_squeeze %dma_start3A_165 : memref<1x128x256xf32, #tpu.memory_space<vmem>> -> memref<128x256xf32, #tpu.memory_space<vmem>>
    tpu.enqueue_dma source(%dma_start3A_166 : memref<128x256xf32, #tpu.memory_space<vmem>>) target(%dma_start3A_162 : memref<128x256xf32, #tpu.memory_space<hbm>>) target_semaphore(%arg10 : memref<!tpu.dma_semaphore, #tpu.memory_space<semaphore_mem>>)
    %dma_wait3A_167 = arith.constant 0 : i32
    %dma_wait3A_168 = arith.constant 0 : i32
    %dma_wait3A_169 = arith.constant 0 : i32
    %dma_wait3A_170 = tpu.memref_slice %arg6[%dma_wait3A_167, %dma_wait3A_168, %dma_wait3A_169] : memref<2x128x256xf32, #tpu.memory_space<vmem>> -> memref<1x128x256xf32, #tpu.memory_space<vmem>>
    %dma_wait3A_171 = tpu.memref_squeeze %dma_wait3A_170 : memref<1x128x256xf32, #tpu.memory_space<vmem>> -> memref<128x256xf32, #tpu.memory_space<vmem>>
    %dma_wait3A_172 = arith.constant 0 : i32
    %dma_wait3A_173 = tpu.memref_slice %arg4[%add3A_105, %dma_wait3A_172] : memref<16384x256xf32, #tpu.memory_space<hbm>> -> memref<128x256xf32, #tpu.memory_space<hbm>>
    %dma_wait3A_174 = arith.constant 0 : i32
    %dma_wait3A_175 = tpu.memref_slice %arg4[%add3A_105, %dma_wait3A_174] : memref<16384x256xf32, #tpu.memory_space<hbm>> -> memref<128x256xf32, #tpu.memory_space<hbm>>
    %dma_wait3A_176 = arith.constant 0 : i32
    %dma_wait3A_177 = arith.constant 0 : i32
    %dma_wait3A_178 = tpu.memref_slice %arg6[%dma_wait3A_167, %dma_wait3A_176, %dma_wait3A_177] : memref<2x128x256xf32, #tpu.memory_space<vmem>> -> memref<1x128x256xf32, #tpu.memory_space<vmem>>
    %dma_wait3A_179 = tpu.memref_squeeze %dma_wait3A_178 : memref<1x128x256xf32, #tpu.memory_space<vmem>> -> memref<128x256xf32, #tpu.memory_space<vmem>>
    tpu.wait_dma2 semaphore(%arg9 : memref<!tpu.dma_semaphore, #tpu.memory_space<semaphore_mem>>) src(%dma_wait3A_179 : memref<128x256xf32, #tpu.memory_space<vmem>>) dst(%dma_wait3A_175 : memref<128x256xf32, #tpu.memory_space<hbm>>)
    %dma_wait3A_180 = arith.constant 1 : i32
    %dma_wait3A_181 = arith.constant 0 : i32
    %dma_wait3A_182 = arith.constant 0 : i32
    %dma_wait3A_183 = tpu.memref_slice %arg6[%dma_wait3A_180, %dma_wait3A_181, %dma_wait3A_182] : memref<2x128x256xf32, #tpu.memory_space<vmem>> -> memref<1x128x256xf32, #tpu.memory_space<vmem>>
    %dma_wait3A_184 = tpu.memref_squeeze %dma_wait3A_183 : memref<1x128x256xf32, #tpu.memory_space<vmem>> -> memref<128x256xf32, #tpu.memory_space<vmem>>
    %dma_wait3A_185 = arith.constant 0 : i32
    %dma_wait3A_186 = tpu.memref_slice %arg4[%add3A_153, %dma_wait3A_185] : memref<16384x256xf32, #tpu.memory_space<hbm>> -> memref<128x256xf32, #tpu.memory_space<hbm>>
    %dma_wait3A_187 = arith.constant 0 : i32
    %dma_wait3A_188 = tpu.memref_slice %arg4[%add3A_153, %dma_wait3A_187] : memref<16384x256xf32, #tpu.memory_space<hbm>> -> memref<128x256xf32, #tpu.memory_space<hbm>>
    %dma_wait3A_189 = arith.constant 0 : i32
    %dma_wait3A_190 = arith.constant 0 : i32
    %dma_wait3A_191 = tpu.memref_slice %arg6[%dma_wait3A_180, %dma_wait3A_189, %dma_wait3A_190] : memref<2x128x256xf32, #tpu.memory_space<vmem>> -> memref<1x128x256xf32, #tpu.memory_space<vmem>>
    %dma_wait3A_192 = tpu.memref_squeeze %dma_wait3A_191 : memref<1x128x256xf32, #tpu.memory_space<vmem>> -> memref<128x256xf32, #tpu.memory_space<vmem>>
    tpu.wait_dma2 semaphore(%arg10 : memref<!tpu.dma_semaphore, #tpu.memory_space<semaphore_mem>>) src(%dma_wait3A_192 : memref<128x256xf32, #tpu.memory_space<vmem>>) dst(%dma_wait3A_188 : memref<128x256xf32, #tpu.memory_space<hbm>>)
    return
  }
}

#map = affine_map<(d0, d1) -> (0)>
#map1 = affine_map<(d0, d1) -> (0, 0)>
module attributes {stable_mosaic.version = 14 : i64} {
  func.func @k(%arg0: i32, %arg1: i32, %arg2: memref<16384xi32, #tpu.memory_space<hbm>>, %arg3: memref<1024x256xf32, #tpu.memory_space<hbm>>, %arg4: memref<16384x256xf32, #tpu.memory_space<hbm>>, %arg5: memref<512xi32, #tpu.memory_space<vmem>>, %arg6: memref<2x128x256xf32, #tpu.memory_space<vmem>>, %arg7: memref<!tpu.dma_semaphore, #tpu.memory_space<semaphore_mem>>, %arg8: memref<!tpu.dma_semaphore, #tpu.memory_space<semaphore_mem>>, %arg9: memref<!tpu.dma_semaphore, #tpu.memory_space<semaphore_mem>>, %arg10: memref<!tpu.dma_semaphore, #tpu.memory_space<semaphore_mem>>) attributes {dimension_semantics = [#tpu.dimension_semantics<core_parallel>, #tpu.dimension_semantics<subcore_parallel>], iteration_bounds = array<i64: 2, 16>, scalar_prefetch = 0 : i64, scratch_operands = 6 : i64, tpu.core_type = #tpu.core_type<sc_vector_subcore>, window_params = [{transform_indices = #map}, {transform_indices = #map1}, {transform_indices = #map1}]} {
    %mul3A = arith.constant 2 : i32
    %mul3A_0 = arith.muli %arg1, %mul3A : i32
    %add3A = arith.addi %mul3A_0, %arg0 : i32
    %mul3A_1 = arith.constant 512 : i32
    %mul3A_2 = arith.muli %add3A, %mul3A_1 : i32
    "tpu.region"() ({
      %run_scoped3A = tpu.sem_alloc : memref<!tpu.dma_semaphore, #tpu.memory_space<semaphore_mem>>
      %dma_start3A_193 = tpu.memref_slice %arg2[%mul3A_2] : memref<16384xi32, #tpu.memory_space<hbm>> -> memref<512xi32, #tpu.memory_space<hbm>>
      %dma_start3A_194 = tpu.memref_slice %arg2[%mul3A_2] : memref<16384xi32, #tpu.memory_space<hbm>> -> memref<512xi32, #tpu.memory_space<hbm>>
      tpu.enqueue_dma source(%dma_start3A_194 : memref<512xi32, #tpu.memory_space<hbm>>) target(%arg5 : memref<512xi32, #tpu.memory_space<vmem>>) target_semaphore(%run_scoped3A : memref<!tpu.dma_semaphore, #tpu.memory_space<semaphore_mem>>)
      %dma_wait3A_195 = tpu.memref_slice %arg2[%mul3A_2] : memref<16384xi32, #tpu.memory_space<hbm>> -> memref<512xi32, #tpu.memory_space<hbm>>
      %dma_wait3A_196 = tpu.memref_slice %arg2[%mul3A_2] : memref<16384xi32, #tpu.memory_space<hbm>> -> memref<512xi32, #tpu.memory_space<hbm>>
      tpu.wait_dma2 semaphore(%run_scoped3A : memref<!tpu.dma_semaphore, #tpu.memory_space<semaphore_mem>>) src(%dma_wait3A_196 : memref<512xi32, #tpu.memory_space<hbm>>) dst(%arg5 : memref<512xi32, #tpu.memory_space<vmem>>)
      tpu.yield
    }) : () -> ()
    %dma_start3A = arith.constant 0 : i32
    %dma_start3A_3 = arith.constant 0 : i32
    %dma_start3A_4 = arith.constant 0 : i32
    %dma_start3A_5 = tpu.memref_slice %arg6[%dma_start3A, %dma_start3A_3, %dma_start3A_4] : memref<2x128x256xf32, #tpu.memory_space<vmem>> -> memref<1x128x256xf32, #tpu.memory_space<vmem>>
    %dma_start3A_6 = tpu.memref_squeeze %dma_start3A_5 : memref<1x128x256xf32, #tpu.memory_space<vmem>> -> memref<128x256xf32, #tpu.memory_space<vmem>>
    %dma_start3A_7 = arith.constant 0 : i32
    %dma_start3A_8 = tpu.memref_slice %arg5[%dma_start3A_7] : memref<512xi32, #tpu.memory_space<vmem>> -> memref<128xi32, #tpu.memory_space<vmem>>
    %dma_start3A_9 = arith.constant 0 : i32
    %dma_start3A_10 = arith.constant 0 : i32
    %dma_start3A_11 = tpu.memref_slice %arg3[%dma_start3A_9, %dma_start3A_10] : memref<1024x256xf32, #tpu.memory_space<hbm>> -> memref<1024x256xf32, #tpu.memory_space<hbm>>
    tpu.enqueue_indirect_dma source(%dma_start3A_11 : memref<1024x256xf32, #tpu.memory_space<hbm>>) target(%dma_start3A_6 : memref<128x256xf32, #tpu.memory_space<vmem>>) offsets(%dma_start3A_8 : memref<128xi32, #tpu.memory_space<vmem>>) semaphore(%arg7 : memref<!tpu.dma_semaphore, #tpu.memory_space<semaphore_mem>>)
    %dma_wait3A = arith.constant 0 : i32
    %dma_wait3A_12 = arith.constant 0 : i32
    %dma_wait3A_13 = arith.constant 0 : i32
    %dma_wait3A_14 = tpu.memref_slice %arg6[%dma_wait3A, %dma_wait3A_12, %dma_wait3A_13] : memref<2x128x256xf32, #tpu.memory_space<vmem>> -> memref<1x128x256xf32, #tpu.memory_space<vmem>>
    %dma_wait3A_15 = tpu.memref_squeeze %dma_wait3A_14 : memref<1x128x256xf32, #tpu.memory_space<vmem>> -> memref<128x256xf32, #tpu.memory_space<vmem>>
    %dma_wait3A_16 = arith.constant 0 : i32
    %dma_wait3A_17 = tpu.memref_slice %arg5[%dma_wait3A_16] : memref<512xi32, #tpu.memory_space<vmem>> -> memref<128xi32, #tpu.memory_space<vmem>>
    %dma_wait3A_18 = arith.constant 0 : i32
    %dma_wait3A_19 = arith.constant 0 : i32
    %dma_wait3A_20 = tpu.memref_slice %arg3[%dma_wait3A_18, %dma_wait3A_19] : memref<1024x256xf32, #tpu.memory_space<hbm>> -> memref<1024x256xf32, #tpu.memory_space<hbm>>
    tpu.wait_indirect_dma semaphore(%arg7 : memref<!tpu.dma_semaphore, #tpu.memory_space<semaphore_mem>>) src(%dma_wait3A_20 : memref<1024x256xf32, #tpu.memory_space<hbm>>) dst(%dma_wait3A_15 : memref<128x256xf32, #tpu.memory_space<vmem>>)
    %add3A_21 = arith.constant 0 : i32
    %add3A_22 = arith.addi %mul3A_2, %add3A_21 : i32
    %dma_start3A_23 = arith.constant 0 : i32
    %dma_start3A_24 = arith.constant 0 : i32
    %dma_start3A_25 = arith.constant 0 : i32
    %dma_start3A_26 = tpu.memref_slice %arg6[%dma_start3A_23, %dma_start3A_24, %dma_start3A_25] : memref<2x128x256xf32, #tpu.memory_space<vmem>> -> memref<1x128x256xf32, #tpu.memory_space<vmem>>
    %dma_start3A_27 = tpu.memref_squeeze %dma_start3A_26 : memref<1x128x256xf32, #tpu.memory_space<vmem>> -> memref<128x256xf32, #tpu.memory_space<vmem>>
    %dma_start3A_28 = arith.constant 0 : i32
    %dma_start3A_29 = tpu.memref_slice %arg4[%add3A_22, %dma_start3A_28] : memref<16384x256xf32, #tpu.memory_space<hbm>> -> memref<128x256xf32, #tpu.memory_space<hbm>>
    %dma_start3A_30 = arith.constant 0 : i32
    %dma_start3A_31 = tpu.memref_slice %arg4[%add3A_22, %dma_start3A_30] : memref<16384x256xf32, #tpu.memory_space<hbm>> -> memref<128x256xf32, #tpu.memory_space<hbm>>
    %dma_start3A_32 = arith.constant 0 : i32
    %dma_start3A_33 = arith.constant 0 : i32
    %dma_start3A_34 = tpu.memref_slice %arg6[%dma_start3A_23, %dma_start3A_32, %dma_start3A_33] : memref<2x128x256xf32, #tpu.memory_space<vmem>> -> memref<1x128x256xf32, #tpu.memory_space<vmem>>
    %dma_start3A_35 = tpu.memref_squeeze %dma_start3A_34 : memref<1x128x256xf32, #tpu.memory_space<vmem>> -> memref<128x256xf32, #tpu.memory_space<vmem>>
    tpu.enqueue_dma source(%dma_start3A_35 : memref<128x256xf32, #tpu.memory_space<vmem>>) target(%dma_start3A_31 : memref<128x256xf32, #tpu.memory_space<hbm>>) target_semaphore(%arg9 : memref<!tpu.dma_semaphore, #tpu.memory_space<semaphore_mem>>)
    %dma_start3A_36 = arith.constant 1 : i32
    %dma_start3A_37 = arith.constant 0 : i32
    %dma_start3A_38 = arith.constant 0 : i32
    %dma_start3A_39 = tpu.memref_slice %arg6[%dma_start3A_36, %dma_start3A_37, %dma_start3A_38] : memref<2x128x256xf32, #tpu.memory_space<vmem>> -> memref<1x128x256xf32, #tpu.memory_space<vmem>>
    %dma_start3A_40 = tpu.memref_squeeze %dma_start3A_39 : memref<1x128x256xf32, #tpu.memory_space<vmem>> -> memref<128x256xf32, #tpu.memory_space<vmem>>
    %dma_start3A_41 = arith.constant 128 : i32
    %dma_start3A_42 = tpu.memref_slice %arg5[%dma_start3A_41] : memref<512xi32, #tpu.memory_space<vmem>> -> memref<128xi32, #tpu.memory_space<vmem>>
    %dma_start3A_43 = arith.constant 0 : i32
    %dma_start3A_44 = arith.constant 0 : i32
    %dma_start3A_45 = tpu.memref_slice %arg3[%dma_start3A_43, %dma_start3A_44] : memref<1024x256xf32, #tpu.memory_space<hbm>> -> memref<1024x256xf32, #tpu.memory_space<hbm>>
    tpu.enqueue_indirect_dma source(%dma_start3A_45 : memref<1024x256xf32, #tpu.memory_space<hbm>>) target(%dma_start3A_40 : memref<128x256xf32, #tpu.memory_space<vmem>>) offsets(%dma_start3A_42 : memref<128xi32, #tpu.memory_space<vmem>>) semaphore(%arg8 : memref<!tpu.dma_semaphore, #tpu.memory_space<semaphore_mem>>)
    %dma_wait3A_46 = arith.constant 1 : i32
    %dma_wait3A_47 = arith.constant 0 : i32
    %dma_wait3A_48 = arith.constant 0 : i32
    %dma_wait3A_49 = tpu.memref_slice %arg6[%dma_wait3A_46, %dma_wait3A_47, %dma_wait3A_48] : memref<2x128x256xf32, #tpu.memory_space<vmem>> -> memref<1x128x256xf32, #tpu.memory_space<vmem>>
    %dma_wait3A_50 = tpu.memref_squeeze %dma_wait3A_49 : memref<1x128x256xf32, #tpu.memory_space<vmem>> -> memref<128x256xf32, #tpu.memory_space<vmem>>
    %dma_wait3A_51 = arith.constant 128 : i32
    %dma_wait3A_52 = tpu.memref_slice %arg5[%dma_wait3A_51] : memref<512xi32, #tpu.memory_space<vmem>> -> memref<128xi32, #tpu.memory_space<vmem>>
    %dma_wait3A_53 = arith.constant 0 : i32
    %dma_wait3A_54 = arith.constant 0 : i32
    %dma_wait3A_55 = tpu.memref_slice %arg3[%dma_wait3A_53, %dma_wait3A_54] : memref<1024x256xf32, #tpu.memory_space<hbm>> -> memref<1024x256xf32, #tpu.memory_space<hbm>>
    tpu.wait_indirect_dma semaphore(%arg8 : memref<!tpu.dma_semaphore, #tpu.memory_space<semaphore_mem>>) src(%dma_wait3A_55 : memref<1024x256xf32, #tpu.memory_space<hbm>>) dst(%dma_wait3A_50 : memref<128x256xf32, #tpu.memory_space<vmem>>)
    %add3A_56 = arith.constant 128 : i32
    %add3A_57 = arith.addi %mul3A_2, %add3A_56 : i32
    %dma_start3A_58 = arith.constant 1 : i32
    %dma_start3A_59 = arith.constant 0 : i32
    %dma_start3A_60 = arith.constant 0 : i32
    %dma_start3A_61 = tpu.memref_slice %arg6[%dma_start3A_58, %dma_start3A_59, %dma_start3A_60] : memref<2x128x256xf32, #tpu.memory_space<vmem>> -> memref<1x128x256xf32, #tpu.memory_space<vmem>>
    %dma_start3A_62 = tpu.memref_squeeze %dma_start3A_61 : memref<1x128x256xf32, #tpu.memory_space<vmem>> -> memref<128x256xf32, #tpu.memory_space<vmem>>
    %dma_start3A_63 = arith.constant 0 : i32
    %dma_start3A_64 = tpu.memref_slice %arg4[%add3A_57, %dma_start3A_63] : memref<16384x256xf32, #tpu.memory_space<hbm>> -> memref<128x256xf32, #tpu.memory_space<hbm>>
    %dma_start3A_65 = arith.constant 0 : i32
    %dma_start3A_66 = tpu.memref_slice %arg4[%add3A_57, %dma_start3A_65] : memref<16384x256xf32, #tpu.memory_space<hbm>> -> memref<128x256xf32, #tpu.memory_space<hbm>>
    %dma_start3A_67 = arith.constant 0 : i32
    %dma_start3A_68 = arith.constant 0 : i32
    %dma_start3A_69 = tpu.memref_slice %arg6[%dma_start3A_58, %dma_start3A_67, %dma_start3A_68] : memref<2x128x256xf32, #tpu.memory_space<vmem>> -> memref<1x128x256xf32, #tpu.memory_space<vmem>>
    %dma_start3A_70 = tpu.memref_squeeze %dma_start3A_69 : memref<1x128x256xf32, #tpu.memory_space<vmem>> -> memref<128x256xf32, #tpu.memory_space<vmem>>
    tpu.enqueue_dma source(%dma_start3A_70 : memref<128x256xf32, #tpu.memory_space<vmem>>) target(%dma_start3A_66 : memref<128x256xf32, #tpu.memory_space<hbm>>) target_semaphore(%arg10 : memref<!tpu.dma_semaphore, #tpu.memory_space<semaphore_mem>>)
    %dma_wait3A_71 = arith.constant 0 : i32
    %dma_wait3A_72 = arith.constant 0 : i32
    %dma_wait3A_73 = arith.constant 0 : i32
    %dma_wait3A_74 = tpu.memref_slice %arg6[%dma_wait3A_71, %dma_wait3A_72, %dma_wait3A_73] : memref<2x128x256xf32, #tpu.memory_space<vmem>> -> memref<1x128x256xf32, #tpu.memory_space<vmem>>
    %dma_wait3A_75 = tpu.memref_squeeze %dma_wait3A_74 : memref<1x128x256xf32, #tpu.memory_space<vmem>> -> memref<128x256xf32, #tpu.memory_space<vmem>>
    %dma_wait3A_76 = arith.constant 0 : i32
    %dma_wait3A_77 = tpu.memref_slice %arg4[%add3A_22, %dma_wait3A_76] : memref<16384x256xf32, #tpu.memory_space<hbm>> -> memref<128x256xf32, #tpu.memory_space<hbm>>
    %dma_wait3A_78 = arith.constant 0 : i32
    %dma_wait3A_79 = tpu.memref_slice %arg4[%add3A_22, %dma_wait3A_78] : memref<16384x256xf32, #tpu.memory_space<hbm>> -> memref<128x256xf32, #tpu.memory_space<hbm>>
    %dma_wait3A_80 = arith.constant 0 : i32
    %dma_wait3A_81 = arith.constant 0 : i32
    %dma_wait3A_82 = tpu.memref_slice %arg6[%dma_wait3A_71, %dma_wait3A_80, %dma_wait3A_81] : memref<2x128x256xf32, #tpu.memory_space<vmem>> -> memref<1x128x256xf32, #tpu.memory_space<vmem>>
    %dma_wait3A_83 = tpu.memref_squeeze %dma_wait3A_82 : memref<1x128x256xf32, #tpu.memory_space<vmem>> -> memref<128x256xf32, #tpu.memory_space<vmem>>
    tpu.wait_dma2 semaphore(%arg9 : memref<!tpu.dma_semaphore, #tpu.memory_space<semaphore_mem>>) src(%dma_wait3A_83 : memref<128x256xf32, #tpu.memory_space<vmem>>) dst(%dma_wait3A_79 : memref<128x256xf32, #tpu.memory_space<hbm>>)
    %dma_start3A_84 = arith.constant 0 : i32
    %dma_start3A_85 = arith.constant 0 : i32
    %dma_start3A_86 = arith.constant 0 : i32
    %dma_start3A_87 = tpu.memref_slice %arg6[%dma_start3A_84, %dma_start3A_85, %dma_start3A_86] : memref<2x128x256xf32, #tpu.memory_space<vmem>> -> memref<1x128x256xf32, #tpu.memory_space<vmem>>
    %dma_start3A_88 = tpu.memref_squeeze %dma_start3A_87 : memref<1x128x256xf32, #tpu.memory_space<vmem>> -> memref<128x256xf32, #tpu.memory_space<vmem>>
    %dma_start3A_89 = arith.constant 256 : i32
    %dma_start3A_90 = tpu.memref_slice %arg5[%dma_start3A_89] : memref<512xi32, #tpu.memory_space<vmem>> -> memref<128xi32, #tpu.memory_space<vmem>>
    %dma_start3A_91 = arith.constant 0 : i32
    %dma_start3A_92 = arith.constant 0 : i32
    %dma_start3A_93 = tpu.memref_slice %arg3[%dma_start3A_91, %dma_start3A_92] : memref<1024x256xf32, #tpu.memory_space<hbm>> -> memref<1024x256xf32, #tpu.memory_space<hbm>>
    tpu.enqueue_indirect_dma source(%dma_start3A_93 : memref<1024x256xf32, #tpu.memory_space<hbm>>) target(%dma_start3A_88 : memref<128x256xf32, #tpu.memory_space<vmem>>) offsets(%dma_start3A_90 : memref<128xi32, #tpu.memory_space<vmem>>) semaphore(%arg7 : memref<!tpu.dma_semaphore, #tpu.memory_space<semaphore_mem>>)
    %dma_wait3A_94 = arith.constant 0 : i32
    %dma_wait3A_95 = arith.constant 0 : i32
    %dma_wait3A_96 = arith.constant 0 : i32
    %dma_wait3A_97 = tpu.memref_slice %arg6[%dma_wait3A_94, %dma_wait3A_95, %dma_wait3A_96] : memref<2x128x256xf32, #tpu.memory_space<vmem>> -> memref<1x128x256xf32, #tpu.memory_space<vmem>>
    %dma_wait3A_98 = tpu.memref_squeeze %dma_wait3A_97 : memref<1x128x256xf32, #tpu.memory_space<vmem>> -> memref<128x256xf32, #tpu.memory_space<vmem>>
    %dma_wait3A_99 = arith.constant 256 : i32
    %dma_wait3A_100 = tpu.memref_slice %arg5[%dma_wait3A_99] : memref<512xi32, #tpu.memory_space<vmem>> -> memref<128xi32, #tpu.memory_space<vmem>>
    %dma_wait3A_101 = arith.constant 0 : i32
    %dma_wait3A_102 = arith.constant 0 : i32
    %dma_wait3A_103 = tpu.memref_slice %arg3[%dma_wait3A_101, %dma_wait3A_102] : memref<1024x256xf32, #tpu.memory_space<hbm>> -> memref<1024x256xf32, #tpu.memory_space<hbm>>
    tpu.wait_indirect_dma semaphore(%arg7 : memref<!tpu.dma_semaphore, #tpu.memory_space<semaphore_mem>>) src(%dma_wait3A_103 : memref<1024x256xf32, #tpu.memory_space<hbm>>) dst(%dma_wait3A_98 : memref<128x256xf32, #tpu.memory_space<vmem>>)
    %add3A_104 = arith.constant 256 : i32
    %add3A_105 = arith.addi %mul3A_2, %add3A_104 : i32
    %dma_start3A_106 = arith.constant 0 : i32
    %dma_start3A_107 = arith.constant 0 : i32
    %dma_start3A_108 = arith.constant 0 : i32
    %dma_start3A_109 = tpu.memref_slice %arg6[%dma_start3A_106, %dma_start3A_107, %dma_start3A_108] : memref<2x128x256xf32, #tpu.memory_space<vmem>> -> memref<1x128x256xf32, #tpu.memory_space<vmem>>
    %dma_start3A_110 = tpu.memref_squeeze %dma_start3A_109 : memref<1x128x256xf32, #tpu.memory_space<vmem>> -> memref<128x256xf32, #tpu.memory_space<vmem>>
    %dma_start3A_111 = arith.constant 0 : i32
    %dma_start3A_112 = tpu.memref_slice %arg4[%add3A_105, %dma_start3A_111] : memref<16384x256xf32, #tpu.memory_space<hbm>> -> memref<128x256xf32, #tpu.memory_space<hbm>>
    %dma_start3A_113 = arith.constant 0 : i32
    %dma_start3A_114 = tpu.memref_slice %arg4[%add3A_105, %dma_start3A_113] : memref<16384x256xf32, #tpu.memory_space<hbm>> -> memref<128x256xf32, #tpu.memory_space<hbm>>
    %dma_start3A_115 = arith.constant 0 : i32
    %dma_start3A_116 = arith.constant 0 : i32
    %dma_start3A_117 = tpu.memref_slice %arg6[%dma_start3A_106, %dma_start3A_115, %dma_start3A_116] : memref<2x128x256xf32, #tpu.memory_space<vmem>> -> memref<1x128x256xf32, #tpu.memory_space<vmem>>
    %dma_start3A_118 = tpu.memref_squeeze %dma_start3A_117 : memref<1x128x256xf32, #tpu.memory_space<vmem>> -> memref<128x256xf32, #tpu.memory_space<vmem>>
    tpu.enqueue_dma source(%dma_start3A_118 : memref<128x256xf32, #tpu.memory_space<vmem>>) target(%dma_start3A_114 : memref<128x256xf32, #tpu.memory_space<hbm>>) target_semaphore(%arg9 : memref<!tpu.dma_semaphore, #tpu.memory_space<semaphore_mem>>)
    %dma_wait3A_119 = arith.constant 1 : i32
    %dma_wait3A_120 = arith.constant 0 : i32
    %dma_wait3A_121 = arith.constant 0 : i32
    %dma_wait3A_122 = tpu.memref_slice %arg6[%dma_wait3A_119, %dma_wait3A_120, %dma_wait3A_121] : memref<2x128x256xf32, #tpu.memory_space<vmem>> -> memref<1x128x256xf32, #tpu.memory_space<vmem>>
    %dma_wait3A_123 = tpu.memref_squeeze %dma_wait3A_122 : memref<1x128x256xf32, #tpu.memory_space<vmem>> -> memref<128x256xf32, #tpu.memory_space<vmem>>
    %dma_wait3A_124 = arith.constant 0 : i32
    %dma_wait3A_125 = tpu.memref_slice %arg4[%add3A_57, %dma_wait3A_124] : memref<16384x256xf32, #tpu.memory_space<hbm>> -> memref<128x256xf32, #tpu.memory_space<hbm>>
    %dma_wait3A_126 = arith.constant 0 : i32
    %dma_wait3A_127 = tpu.memref_slice %arg4[%add3A_57, %dma_wait3A_126] : memref<16384x256xf32, #tpu.memory_space<hbm>> -> memref<128x256xf32, #tpu.memory_space<hbm>>
    %dma_wait3A_128 = arith.constant 0 : i32
    %dma_wait3A_129 = arith.constant 0 : i32
    %dma_wait3A_130 = tpu.memref_slice %arg6[%dma_wait3A_119, %dma_wait3A_128, %dma_wait3A_129] : memref<2x128x256xf32, #tpu.memory_space<vmem>> -> memref<1x128x256xf32, #tpu.memory_space<vmem>>
    %dma_wait3A_131 = tpu.memref_squeeze %dma_wait3A_130 : memref<1x128x256xf32, #tpu.memory_space<vmem>> -> memref<128x256xf32, #tpu.memory_space<vmem>>
    tpu.wait_dma2 semaphore(%arg10 : memref<!tpu.dma_semaphore, #tpu.memory_space<semaphore_mem>>) src(%dma_wait3A_131 : memref<128x256xf32, #tpu.memory_space<vmem>>) dst(%dma_wait3A_127 : memref<128x256xf32, #tpu.memory_space<hbm>>)
    %dma_start3A_132 = arith.constant 1 : i32
    %dma_start3A_133 = arith.constant 0 : i32
    %dma_start3A_134 = arith.constant 0 : i32
    %dma_start3A_135 = tpu.memref_slice %arg6[%dma_start3A_132, %dma_start3A_133, %dma_start3A_134] : memref<2x128x256xf32, #tpu.memory_space<vmem>> -> memref<1x128x256xf32, #tpu.memory_space<vmem>>
    %dma_start3A_136 = tpu.memref_squeeze %dma_start3A_135 : memref<1x128x256xf32, #tpu.memory_space<vmem>> -> memref<128x256xf32, #tpu.memory_space<vmem>>
    %dma_start3A_137 = arith.constant 384 : i32
    %dma_start3A_138 = tpu.memref_slice %arg5[%dma_start3A_137] : memref<512xi32, #tpu.memory_space<vmem>> -> memref<128xi32, #tpu.memory_space<vmem>>
    %dma_start3A_139 = arith.constant 0 : i32
    %dma_start3A_140 = arith.constant 0 : i32
    %dma_start3A_141 = tpu.memref_slice %arg3[%dma_start3A_139, %dma_start3A_140] : memref<1024x256xf32, #tpu.memory_space<hbm>> -> memref<1024x256xf32, #tpu.memory_space<hbm>>
    tpu.enqueue_indirect_dma source(%dma_start3A_141 : memref<1024x256xf32, #tpu.memory_space<hbm>>) target(%dma_start3A_136 : memref<128x256xf32, #tpu.memory_space<vmem>>) offsets(%dma_start3A_138 : memref<128xi32, #tpu.memory_space<vmem>>) semaphore(%arg8 : memref<!tpu.dma_semaphore, #tpu.memory_space<semaphore_mem>>)
    %dma_wait3A_142 = arith.constant 1 : i32
    %dma_wait3A_143 = arith.constant 0 : i32
    %dma_wait3A_144 = arith.constant 0 : i32
    %dma_wait3A_145 = tpu.memref_slice %arg6[%dma_wait3A_142, %dma_wait3A_143, %dma_wait3A_144] : memref<2x128x256xf32, #tpu.memory_space<vmem>> -> memref<1x128x256xf32, #tpu.memory_space<vmem>>
    %dma_wait3A_146 = tpu.memref_squeeze %dma_wait3A_145 : memref<1x128x256xf32, #tpu.memory_space<vmem>> -> memref<128x256xf32, #tpu.memory_space<vmem>>
    %dma_wait3A_147 = arith.constant 384 : i32
    %dma_wait3A_148 = tpu.memref_slice %arg5[%dma_wait3A_147] : memref<512xi32, #tpu.memory_space<vmem>> -> memref<128xi32, #tpu.memory_space<vmem>>
    %dma_wait3A_149 = arith.constant 0 : i32
    %dma_wait3A_150 = arith.constant 0 : i32
    %dma_wait3A_151 = tpu.memref_slice %arg3[%dma_wait3A_149, %dma_wait3A_150] : memref<1024x256xf32, #tpu.memory_space<hbm>> -> memref<1024x256xf32, #tpu.memory_space<hbm>>
    tpu.wait_indirect_dma semaphore(%arg8 : memref<!tpu.dma_semaphore, #tpu.memory_space<semaphore_mem>>) src(%dma_wait3A_151 : memref<1024x256xf32, #tpu.memory_space<hbm>>) dst(%dma_wait3A_146 : memref<128x256xf32, #tpu.memory_space<vmem>>)
    %add3A_152 = arith.constant 384 : i32
    %add3A_153 = arith.addi %mul3A_2, %add3A_152 : i32
    %dma_start3A_154 = arith.constant 1 : i32
    %dma_start3A_155 = arith.constant 0 : i32
    %dma_start3A_156 = arith.constant 0 : i32
    %dma_start3A_157 = tpu.memref_slice %arg6[%dma_start3A_154, %dma_start3A_155, %dma_start3A_156] : memref<2x128x256xf32, #tpu.memory_space<vmem>> -> memref<1x128x256xf32, #tpu.memory_space<vmem>>
    %dma_start3A_158 = tpu.memref_squeeze %dma_start3A_157 : memref<1x128x256xf32, #tpu.memory_space<vmem>> -> memref<128x256xf32, #tpu.memory_space<vmem>>
    %dma_start3A_159 = arith.constant 0 : i32
    %dma_start3A_160 = tpu.memref_slice %arg4[%add3A_153, %dma_start3A_159] : memref<16384x256xf32, #tpu.memory_space<hbm>> -> memref<128x256xf32, #tpu.memory_space<hbm>>
    %dma_start3A_161 = arith.constant 0 : i32
    %dma_start3A_162 = tpu.memref_slice %arg4[%add3A_153, %dma_start3A_161] : memref<16384x256xf32, #tpu.memory_space<hbm>> -> memref<128x256xf32, #tpu.memory_space<hbm>>
    %dma_start3A_163 = arith.constant 0 : i32
    %dma_start3A_164 = arith.constant 0 : i32
    %dma_start3A_165 = tpu.memref_slice %arg6[%dma_start3A_154, %dma_start3A_163, %dma_start3A_164] : memref<2x128x256xf32, #tpu.memory_space<vmem>> -> memref<1x128x256xf32, #tpu.memory_space<vmem>>
    %dma_start3A_166 = tpu.memref_squeeze %dma_start3A_165 : memref<1x128x256xf32, #tpu.memory_space<vmem>> -> memref<128x256xf32, #tpu.memory_space<vmem>>
    tpu.enqueue_dma source(%dma_start3A_166 : memref<128x256xf32, #tpu.memory_space<vmem>>) target(%dma_start3A_162 : memref<128x256xf32, #tpu.memory_space<hbm>>) target_semaphore(%arg10 : memref<!tpu.dma_semaphore, #tpu.memory_space<semaphore_mem>>)
    %dma_wait3A_167 = arith.constant 0 : i32
    %dma_wait3A_168 = arith.constant 0 : i32
    %dma_wait3A_169 = arith.constant 0 : i32
    %dma_wait3A_170 = tpu.memref_slice %arg6[%dma_wait3A_167, %dma_wait3A_168, %dma_wait3A_169] : memref<2x128x256xf32, #tpu.memory_space<vmem>> -> memref<1x128x256xf32, #tpu.memory_space<vmem>>
    %dma_wait3A_171 = tpu.memref_squeeze %dma_wait3A_170 : memref<1x128x256xf32, #tpu.memory_space<vmem>> -> memref<128x256xf32, #tpu.memory_space<vmem>>
    %dma_wait3A_172 = arith.constant 0 : i32
    %dma_wait3A_173 = tpu.memref_slice %arg4[%add3A_105, %dma_wait3A_172] : memref<16384x256xf32, #tpu.memory_space<hbm>> -> memref<128x256xf32, #tpu.memory_space<hbm>>
    %dma_wait3A_174 = arith.constant 0 : i32
    %dma_wait3A_175 = tpu.memref_slice %arg4[%add3A_105, %dma_wait3A_174] : memref<16384x256xf32, #tpu.memory_space<hbm>> -> memref<128x256xf32, #tpu.memory_space<hbm>>
    %dma_wait3A_176 = arith.constant 0 : i32
    %dma_wait3A_177 = arith.constant 0 : i32
    %dma_wait3A_178 = tpu.memref_slice %arg6[%dma_wait3A_167, %dma_wait3A_176, %dma_wait3A_177] : memref<2x128x256xf32, #tpu.memory_space<vmem>> -> memref<1x128x256xf32, #tpu.memory_space<vmem>>
    %dma_wait3A_179 = tpu.memref_squeeze %dma_wait3A_178 : memref<1x128x256xf32, #tpu.memory_space<vmem>> -> memref<128x256xf32, #tpu.memory_space<vmem>>
    tpu.wait_dma2 semaphore(%arg9 : memref<!tpu.dma_semaphore, #tpu.memory_space<semaphore_mem>>) src(%dma_wait3A_179 : memref<128x256xf32, #tpu.memory_space<vmem>>) dst(%dma_wait3A_175 : memref<128x256xf32, #tpu.memory_space<hbm>>)
    %dma_wait3A_180 = arith.constant 1 : i32
    %dma_wait3A_181 = arith.constant 0 : i32
    %dma_wait3A_182 = arith.constant 0 : i32
    %dma_wait3A_183 = tpu.memref_slice %arg6[%dma_wait3A_180, %dma_wait3A_181, %dma_wait3A_182] : memref<2x128x256xf32, #tpu.memory_space<vmem>> -> memref<1x128x256xf32, #tpu.memory_space<vmem>>
    %dma_wait3A_184 = tpu.memref_squeeze %dma_wait3A_183 : memref<1x128x256xf32, #tpu.memory_space<vmem>> -> memref<128x256xf32, #tpu.memory_space<vmem>>
    %dma_wait3A_185 = arith.constant 0 : i32
    %dma_wait3A_186 = tpu.memref_slice %arg4[%add3A_153, %dma_wait3A_185] : memref<16384x256xf32, #tpu.memory_space<hbm>> -> memref<128x256xf32, #tpu.memory_space<hbm>>
    %dma_wait3A_187 = arith.constant 0 : i32
    %dma_wait3A_188 = tpu.memref_slice %arg4[%add3A_153, %dma_wait3A_187] : memref<16384x256xf32, #tpu.memory_space<hbm>> -> memref<128x256xf32, #tpu.memory_space<hbm>>
    %dma_wait3A_189 = arith.constant 0 : i32
    %dma_wait3A_190 = arith.constant 0 : i32
    %dma_wait3A_191 = tpu.memref_slice %arg6[%dma_wait3A_180, %dma_wait3A_189, %dma_wait3A_190] : memref<2x128x256xf32, #tpu.memory_space<vmem>> -> memref<1x128x256xf32, #tpu.memory_space<vmem>>
    %dma_wait3A_192 = tpu.memref_squeeze %dma_wait3A_191 : memref<1x128x256xf32, #tpu.memory_space<vmem>> -> memref<128x256xf32, #tpu.memory_space<vmem>>
    tpu.wait_dma2 semaphore(%arg10 : memref<!tpu.dma_semaphore, #tpu.memory_space<semaphore_mem>>) src(%dma_wait3A_192 : memref<128x256xf32, #tpu.memory_space<vmem>>) dst(%dma_wait3A_188 : memref<128x256xf32, #tpu.memory_space<hbm>>)
    return
  }
}

#map = affine_map<(d0, d1) -> (0)>
#map1 = affine_map<(d0, d1) -> (0, 0)>
module attributes {stable_mosaic.version = 14 : i64} {
  func.func @k(%arg0: i32, %arg1: i32, %arg2: memref<16384xi32, #tpu.memory_space<hbm>>, %arg3: memref<256x256xf32, #tpu.memory_space<hbm>>, %arg4: memref<16384x256xf32, #tpu.memory_space<hbm>>, %arg5: memref<16384x256xf32, #tpu.memory_space<hbm>>, %arg6: memref<512xi32, #tpu.memory_space<vmem>>, %arg7: memref<128x256xf32, #tpu.memory_space<vmem>>, %arg8: memref<128x256xf32, #tpu.memory_space<vmem>>, %arg9: memref<!tpu.dma_semaphore, #tpu.memory_space<semaphore_mem>>) attributes {dimension_semantics = [#tpu.dimension_semantics<core_parallel>, #tpu.dimension_semantics<subcore_parallel>], iteration_bounds = array<i64: 2, 16>, scalar_prefetch = 0 : i64, scratch_operands = 4 : i64, tpu.core_type = #tpu.core_type<sc_vector_subcore>, window_params = [{transform_indices = #map}, {transform_indices = #map1}, {transform_indices = #map1}, {transform_indices = #map1}]} {
    %mul3A = arith.constant 2 : i32
    %mul3A_0 = arith.muli %arg1, %mul3A : i32
    %add3A = arith.addi %mul3A_0, %arg0 : i32
    %mul3A_1 = arith.constant 512 : i32
    %mul3A_2 = arith.muli %add3A, %mul3A_1 : i32
    "tpu.region"() ({
      %run_scoped3A = tpu.sem_alloc : memref<!tpu.dma_semaphore, #tpu.memory_space<semaphore_mem>>
      %dma_start3A = tpu.memref_slice %arg2[%mul3A_2] : memref<16384xi32, #tpu.memory_space<hbm>> -> memref<512xi32, #tpu.memory_space<hbm>>
      %dma_start3A_8 = tpu.memref_slice %arg2[%mul3A_2] : memref<16384xi32, #tpu.memory_space<hbm>> -> memref<512xi32, #tpu.memory_space<hbm>>
      tpu.enqueue_dma source(%dma_start3A_8 : memref<512xi32, #tpu.memory_space<hbm>>) target(%arg6 : memref<512xi32, #tpu.memory_space<vmem>>) target_semaphore(%run_scoped3A : memref<!tpu.dma_semaphore, #tpu.memory_space<semaphore_mem>>)
      %dma_wait3A = tpu.memref_slice %arg2[%mul3A_2] : memref<16384xi32, #tpu.memory_space<hbm>> -> memref<512xi32, #tpu.memory_space<hbm>>
      %dma_wait3A_9 = tpu.memref_slice %arg2[%mul3A_2] : memref<16384xi32, #tpu.memory_space<hbm>> -> memref<512xi32, #tpu.memory_space<hbm>>
      tpu.wait_dma2 semaphore(%run_scoped3A : memref<!tpu.dma_semaphore, #tpu.memory_space<semaphore_mem>>) src(%dma_wait3A_9 : memref<512xi32, #tpu.memory_space<hbm>>) dst(%arg6 : memref<512xi32, #tpu.memory_space<vmem>>)
      tpu.yield
    }) : () -> ()
    %scan3A = arith.constant 0 : i32
    %scan3A_3 = arith.constant 0 : i32
    %scan3A_4 = arith.constant 4 : i32
    %scan3A_5 = arith.addi %scan3A_3, %scan3A_4 : i32
    %scan3A_6 = arith.constant 1 : i32
    scf.for %scan3A_8 = %scan3A_3 to %scan3A_5 step %scan3A_6  : i32 {
      %mul3A_9 = arith.constant 128 : i32
      %mul3A_10 = arith.muli %scan3A_8, %mul3A_9 : i32
      %add3A_11 = arith.addi %mul3A_2, %mul3A_10 : i32
      %mul3A_12 = arith.constant 128 : i32
      %mul3A_13 = arith.muli %scan3A_8, %mul3A_12 : i32
      %dma_start3A = tpu.memref_slice %arg6[%mul3A_13] : memref<512xi32, #tpu.memory_space<vmem>> -> memref<128xi32, #tpu.memory_space<vmem>>
      %dma_start3A_14 = arith.constant 0 : i32
      %dma_start3A_15 = arith.constant 0 : i32
      %dma_start3A_16 = tpu.memref_slice %arg3[%dma_start3A_14, %dma_start3A_15] : memref<256x256xf32, #tpu.memory_space<hbm>> -> memref<256x256xf32, #tpu.memory_space<hbm>>
      tpu.enqueue_indirect_dma source(%dma_start3A_16 : memref<256x256xf32, #tpu.memory_space<hbm>>) target(%arg7 : memref<128x256xf32, #tpu.memory_space<vmem>>) offsets(%dma_start3A : memref<128xi32, #tpu.memory_space<vmem>>) semaphore(%arg9 : memref<!tpu.dma_semaphore, #tpu.memory_space<semaphore_mem>>)
      "tpu.region"() ({
        %run_scoped3A = tpu.sem_alloc : memref<!tpu.dma_semaphore, #tpu.memory_space<semaphore_mem>>
        %dma_start3A_26 = arith.constant 0 : i32
        %dma_start3A_27 = tpu.memref_slice %arg4[%add3A_11, %dma_start3A_26] : memref<16384x256xf32, #tpu.memory_space<hbm>> -> memref<128x256xf32, #tpu.memory_space<hbm>>
        %dma_start3A_28 = arith.constant 0 : i32
        %dma_start3A_29 = tpu.memref_slice %arg4[%add3A_11, %dma_start3A_28] : memref<16384x256xf32, #tpu.memory_space<hbm>> -> memref<128x256xf32, #tpu.memory_space<hbm>>
        tpu.enqueue_dma source(%dma_start3A_29 : memref<128x256xf32, #tpu.memory_space<hbm>>) target(%arg8 : memref<128x256xf32, #tpu.memory_space<vmem>>) target_semaphore(%run_scoped3A : memref<!tpu.dma_semaphore, #tpu.memory_space<semaphore_mem>>)
        %dma_wait3A_30 = arith.constant 0 : i32
        %dma_wait3A_31 = tpu.memref_slice %arg4[%add3A_11, %dma_wait3A_30] : memref<16384x256xf32, #tpu.memory_space<hbm>> -> memref<128x256xf32, #tpu.memory_space<hbm>>
        %dma_wait3A_32 = arith.constant 0 : i32
        %dma_wait3A_33 = tpu.memref_slice %arg4[%add3A_11, %dma_wait3A_32] : memref<16384x256xf32, #tpu.memory_space<hbm>> -> memref<128x256xf32, #tpu.memory_space<hbm>>
        tpu.wait_dma2 semaphore(%run_scoped3A : memref<!tpu.dma_semaphore, #tpu.memory_space<semaphore_mem>>) src(%dma_wait3A_33 : memref<128x256xf32, #tpu.memory_space<hbm>>) dst(%arg8 : memref<128x256xf32, #tpu.memory_space<vmem>>)
        tpu.yield
      }) : () -> ()
      %dma_wait3A = tpu.memref_slice %arg6[%mul3A_13] : memref<512xi32, #tpu.memory_space<vmem>> -> memref<128xi32, #tpu.memory_space<vmem>>
      %dma_wait3A_17 = arith.constant 0 : i32
      %dma_wait3A_18 = arith.constant 0 : i32
      %dma_wait3A_19 = tpu.memref_slice %arg3[%dma_wait3A_17, %dma_wait3A_18] : memref<256x256xf32, #tpu.memory_space<hbm>> -> memref<256x256xf32, #tpu.memory_space<hbm>>
      tpu.wait_indirect_dma semaphore(%arg9 : memref<!tpu.dma_semaphore, #tpu.memory_space<semaphore_mem>>) src(%dma_wait3A_19 : memref<256x256xf32, #tpu.memory_space<hbm>>) dst(%arg7 : memref<128x256xf32, #tpu.memory_space<vmem>>)
      %scan3A_20 = arith.constant 0 : i32
      %scan3A_21 = arith.constant 0 : i32
      %scan3A_22 = arith.constant 128 : i32
      %scan3A_23 = arith.addi %scan3A_21, %scan3A_22 : i32
      %scan3A_24 = arith.constant 1 : i32
      scf.for %scan3A_26 = %scan3A_21 to %scan3A_23 step %scan3A_24  : i32 {
        %get3A = arith.index_cast %scan3A_26 : i32 to index
        %get3A_27 = arith.constant 0 : index
        %get3A_28 = tpu.vector_load %arg8[%get3A, %get3A_27] {strides = array<i32>} : memref<128x256xf32, #tpu.memory_space<vmem>>, vector<1x16xf32>,
        %get3A_29 = vector.shape_cast %get3A_28 : vector<1x16xf32> to vector<16xf32>
        %get3A_30 = arith.index_cast %scan3A_26 : i32 to index
        %get3A_31 = arith.constant 0 : index
        %get3A_32 = tpu.vector_load %arg7[%get3A_30, %get3A_31] {strides = array<i32>} : memref<128x256xf32, #tpu.memory_space<vmem>>, vector<1x16xf32>,
        %get3A_33 = vector.shape_cast %get3A_32 : vector<1x16xf32> to vector<16xf32>
        %add3A_34 = arith.addf %get3A_29, %get3A_33 : vector<16xf32>
        %swap3A = arith.index_cast %scan3A_26 : i32 to index
        %swap3A_35 = arith.constant 0 : index
        %swap3A_36 = tpu.vector_load %arg8[%swap3A, %swap3A_35] {strides = array<i32>} : memref<128x256xf32, #tpu.memory_space<vmem>>, vector<1x16xf32>,
        %swap3A_37 = vector.shape_cast %swap3A_36 : vector<1x16xf32> to vector<16xf32>
        %swap3A_38 = vector.shape_cast %add3A_34 : vector<16xf32> to vector<1x16xf32>
        tpu.vector_store %arg8[%swap3A, %swap3A_35], %swap3A_38 {strides = array<i32>} : memref<128x256xf32, #tpu.memory_space<vmem>>, vector<1x16xf32>,
        %get3A_39 = arith.index_cast %scan3A_26 : i32 to index
        %get3A_40 = arith.constant 16 : index
        %get3A_41 = tpu.vector_load %arg8[%get3A_39, %get3A_40] {strides = array<i32>} : memref<128x256xf32, #tpu.memory_space<vmem>>, vector<1x16xf32>,
        %get3A_42 = vector.shape_cast %get3A_41 : vector<1x16xf32> to vector<16xf32>
        %get3A_43 = arith.index_cast %scan3A_26 : i32 to index
        %get3A_44 = arith.constant 16 : index
        %get3A_45 = tpu.vector_load %arg7[%get3A_43, %get3A_44] {strides = array<i32>} : memref<128x256xf32, #tpu.memory_space<vmem>>, vector<1x16xf32>,
        %get3A_46 = vector.shape_cast %get3A_45 : vector<1x16xf32> to vector<16xf32>
        %add3A_47 = arith.addf %get3A_42, %get3A_46 : vector<16xf32>
        %swap3A_48 = arith.index_cast %scan3A_26 : i32 to index
        %swap3A_49 = arith.constant 16 : index
        %swap3A_50 = tpu.vector_load %arg8[%swap3A_48, %swap3A_49] {strides = array<i32>} : memref<128x256xf32, #tpu.memory_space<vmem>>, vector<1x16xf32>,
        %swap3A_51 = vector.shape_cast %swap3A_50 : vector<1x16xf32> to vector<16xf32>
        %swap3A_52 = vector.shape_cast %add3A_47 : vector<16xf32> to vector<1x16xf32>
        tpu.vector_store %arg8[%swap3A_48, %swap3A_49], %swap3A_52 {strides = array<i32>} : memref<128x256xf32, #tpu.memory_space<vmem>>, vector<1x16xf32>,
        %get3A_53 = arith.index_cast %scan3A_26 : i32 to index
        %get3A_54 = arith.constant 32 : index
        %get3A_55 = tpu.vector_load %arg8[%get3A_53, %get3A_54] {strides = array<i32>} : memref<128x256xf32, #tpu.memory_space<vmem>>, vector<1x16xf32>,
        %get3A_56 = vector.shape_cast %get3A_55 : vector<1x16xf32> to vector<16xf32>
        %get3A_57 = arith.index_cast %scan3A_26 : i32 to index
        %get3A_58 = arith.constant 32 : index
        %get3A_59 = tpu.vector_load %arg7[%get3A_57, %get3A_58] {strides = array<i32>} : memref<128x256xf32, #tpu.memory_space<vmem>>, vector<1x16xf32>,
        %get3A_60 = vector.shape_cast %get3A_59 : vector<1x16xf32> to vector<16xf32>
        %add3A_61 = arith.addf %get3A_56, %get3A_60 : vector<16xf32>
        %swap3A_62 = arith.index_cast %scan3A_26 : i32 to index
        %swap3A_63 = arith.constant 32 : index
        %swap3A_64 = tpu.vector_load %arg8[%swap3A_62, %swap3A_63] {strides = array<i32>} : memref<128x256xf32, #tpu.memory_space<vmem>>, vector<1x16xf32>,
        %swap3A_65 = vector.shape_cast %swap3A_64 : vector<1x16xf32> to vector<16xf32>
        %swap3A_66 = vector.shape_cast %add3A_61 : vector<16xf32> to vector<1x16xf32>
        tpu.vector_store %arg8[%swap3A_62, %swap3A_63], %swap3A_66 {strides = array<i32>} : memref<128x256xf32, #tpu.memory_space<vmem>>, vector<1x16xf32>,
        %get3A_67 = arith.index_cast %scan3A_26 : i32 to index
        %get3A_68 = arith.constant 48 : index
        %get3A_69 = tpu.vector_load %arg8[%get3A_67, %get3A_68] {strides = array<i32>} : memref<128x256xf32, #tpu.memory_space<vmem>>, vector<1x16xf32>,
        %get3A_70 = vector.shape_cast %get3A_69 : vector<1x16xf32> to vector<16xf32>
        %get3A_71 = arith.index_cast %scan3A_26 : i32 to index
        %get3A_72 = arith.constant 48 : index
        %get3A_73 = tpu.vector_load %arg7[%get3A_71, %get3A_72] {strides = array<i32>} : memref<128x256xf32, #tpu.memory_space<vmem>>, vector<1x16xf32>,
        %get3A_74 = vector.shape_cast %get3A_73 : vector<1x16xf32> to vector<16xf32>
        %add3A_75 = arith.addf %get3A_70, %get3A_74 : vector<16xf32>
        %swap3A_76 = arith.index_cast %scan3A_26 : i32 to index
        %swap3A_77 = arith.constant 48 : index
        %swap3A_78 = tpu.vector_load %arg8[%swap3A_76, %swap3A_77] {strides = array<i32>} : memref<128x256xf32, #tpu.memory_space<vmem>>, vector<1x16xf32>,
        %swap3A_79 = vector.shape_cast %swap3A_78 : vector<1x16xf32> to vector<16xf32>
        %swap3A_80 = vector.shape_cast %add3A_75 : vector<16xf32> to vector<1x16xf32>
        tpu.vector_store %arg8[%swap3A_76, %swap3A_77], %swap3A_80 {strides = array<i32>} : memref<128x256xf32, #tpu.memory_space<vmem>>, vector<1x16xf32>,
        %get3A_81 = arith.index_cast %scan3A_26 : i32 to index
        %get3A_82 = arith.constant 64 : index
        %get3A_83 = tpu.vector_load %arg8[%get3A_81, %get3A_82] {strides = array<i32>} : memref<128x256xf32, #tpu.memory_space<vmem>>, vector<1x16xf32>,
        %get3A_84 = vector.shape_cast %get3A_83 : vector<1x16xf32> to vector<16xf32>
        %get3A_85 = arith.index_cast %scan3A_26 : i32 to index
        %get3A_86 = arith.constant 64 : index
        %get3A_87 = tpu.vector_load %arg7[%get3A_85, %get3A_86] {strides = array<i32>} : memref<128x256xf32, #tpu.memory_space<vmem>>, vector<1x16xf32>,
        %get3A_88 = vector.shape_cast %get3A_87 : vector<1x16xf32> to vector<16xf32>
        %add3A_89 = arith.addf %get3A_84, %get3A_88 : vector<16xf32>
        %swap3A_90 = arith.index_cast %scan3A_26 : i32 to index
        %swap3A_91 = arith.constant 64 : index
        %swap3A_92 = tpu.vector_load %arg8[%swap3A_90, %swap3A_91] {strides = array<i32>} : memref<128x256xf32, #tpu.memory_space<vmem>>, vector<1x16xf32>,
        %swap3A_93 = vector.shape_cast %swap3A_92 : vector<1x16xf32> to vector<16xf32>
        %swap3A_94 = vector.shape_cast %add3A_89 : vector<16xf32> to vector<1x16xf32>
        tpu.vector_store %arg8[%swap3A_90, %swap3A_91], %swap3A_94 {strides = array<i32>} : memref<128x256xf32, #tpu.memory_space<vmem>>, vector<1x16xf32>,
        %get3A_95 = arith.index_cast %scan3A_26 : i32 to index
        %get3A_96 = arith.constant 80 : index
        %get3A_97 = tpu.vector_load %arg8[%get3A_95, %get3A_96] {strides = array<i32>} : memref<128x256xf32, #tpu.memory_space<vmem>>, vector<1x16xf32>,
        %get3A_98 = vector.shape_cast %get3A_97 : vector<1x16xf32> to vector<16xf32>
        %get3A_99 = arith.index_cast %scan3A_26 : i32 to index
        %get3A_100 = arith.constant 80 : index
        %get3A_101 = tpu.vector_load %arg7[%get3A_99, %get3A_100] {strides = array<i32>} : memref<128x256xf32, #tpu.memory_space<vmem>>, vector<1x16xf32>,
        %get3A_102 = vector.shape_cast %get3A_101 : vector<1x16xf32> to vector<16xf32>
        %add3A_103 = arith.addf %get3A_98, %get3A_102 : vector<16xf32>
        %swap3A_104 = arith.index_cast %scan3A_26 : i32 to index
        %swap3A_105 = arith.constant 80 : index
        %swap3A_106 = tpu.vector_load %arg8[%swap3A_104, %swap3A_105] {strides = array<i32>} : memref<128x256xf32, #tpu.memory_space<vmem>>, vector<1x16xf32>,
        %swap3A_107 = vector.shape_cast %swap3A_106 : vector<1x16xf32> to vector<16xf32>
        %swap3A_108 = vector.shape_cast %add3A_103 : vector<16xf32> to vector<1x16xf32>
        tpu.vector_store %arg8[%swap3A_104, %swap3A_105], %swap3A_108 {strides = array<i32>} : memref<128x256xf32, #tpu.memory_space<vmem>>, vector<1x16xf32>,
        %get3A_109 = arith.index_cast %scan3A_26 : i32 to index
        %get3A_110 = arith.constant 96 : index
        %get3A_111 = tpu.vector_load %arg8[%get3A_109, %get3A_110] {strides = array<i32>} : memref<128x256xf32, #tpu.memory_space<vmem>>, vector<1x16xf32>,
        %get3A_112 = vector.shape_cast %get3A_111 : vector<1x16xf32> to vector<16xf32>
        %get3A_113 = arith.index_cast %scan3A_26 : i32 to index
        %get3A_114 = arith.constant 96 : index
        %get3A_115 = tpu.vector_load %arg7[%get3A_113, %get3A_114] {strides = array<i32>} : memref<128x256xf32, #tpu.memory_space<vmem>>, vector<1x16xf32>,
        %get3A_116 = vector.shape_cast %get3A_115 : vector<1x16xf32> to vector<16xf32>
        %add3A_117 = arith.addf %get3A_112, %get3A_116 : vector<16xf32>
        %swap3A_118 = arith.index_cast %scan3A_26 : i32 to index
        %swap3A_119 = arith.constant 96 : index
        %swap3A_120 = tpu.vector_load %arg8[%swap3A_118, %swap3A_119] {strides = array<i32>} : memref<128x256xf32, #tpu.memory_space<vmem>>, vector<1x16xf32>,
        %swap3A_121 = vector.shape_cast %swap3A_120 : vector<1x16xf32> to vector<16xf32>
        %swap3A_122 = vector.shape_cast %add3A_117 : vector<16xf32> to vector<1x16xf32>
        tpu.vector_store %arg8[%swap3A_118, %swap3A_119], %swap3A_122 {strides = array<i32>} : memref<128x256xf32, #tpu.memory_space<vmem>>, vector<1x16xf32>,
        %get3A_123 = arith.index_cast %scan3A_26 : i32 to index
        %get3A_124 = arith.constant 112 : index
        %get3A_125 = tpu.vector_load %arg8[%get3A_123, %get3A_124] {strides = array<i32>} : memref<128x256xf32, #tpu.memory_space<vmem>>, vector<1x16xf32>,
        %get3A_126 = vector.shape_cast %get3A_125 : vector<1x16xf32> to vector<16xf32>
        %get3A_127 = arith.index_cast %scan3A_26 : i32 to index
        %get3A_128 = arith.constant 112 : index
        %get3A_129 = tpu.vector_load %arg7[%get3A_127, %get3A_128] {strides = array<i32>} : memref<128x256xf32, #tpu.memory_space<vmem>>, vector<1x16xf32>,
        %get3A_130 = vector.shape_cast %get3A_129 : vector<1x16xf32> to vector<16xf32>
        %add3A_131 = arith.addf %get3A_126, %get3A_130 : vector<16xf32>
        %swap3A_132 = arith.index_cast %scan3A_26 : i32 to index
        %swap3A_133 = arith.constant 112 : index
        %swap3A_134 = tpu.vector_load %arg8[%swap3A_132, %swap3A_133] {strides = array<i32>} : memref<128x256xf32, #tpu.memory_space<vmem>>, vector<1x16xf32>,
        %swap3A_135 = vector.shape_cast %swap3A_134 : vector<1x16xf32> to vector<16xf32>
        %swap3A_136 = vector.shape_cast %add3A_131 : vector<16xf32> to vector<1x16xf32>
        tpu.vector_store %arg8[%swap3A_132, %swap3A_133], %swap3A_136 {strides = array<i32>} : memref<128x256xf32, #tpu.memory_space<vmem>>, vector<1x16xf32>,
        %get3A_137 = arith.index_cast %scan3A_26 : i32 to index
        %get3A_138 = arith.constant 128 : index
        %get3A_139 = tpu.vector_load %arg8[%get3A_137, %get3A_138] {strides = array<i32>} : memref<128x256xf32, #tpu.memory_space<vmem>>, vector<1x16xf32>,
        %get3A_140 = vector.shape_cast %get3A_139 : vector<1x16xf32> to vector<16xf32>
        %get3A_141 = arith.index_cast %scan3A_26 : i32 to index
        %get3A_142 = arith.constant 128 : index
        %get3A_143 = tpu.vector_load %arg7[%get3A_141, %get3A_142] {strides = array<i32>} : memref<128x256xf32, #tpu.memory_space<vmem>>, vector<1x16xf32>,
        %get3A_144 = vector.shape_cast %get3A_143 : vector<1x16xf32> to vector<16xf32>
        %add3A_145 = arith.addf %get3A_140, %get3A_144 : vector<16xf32>
        %swap3A_146 = arith.index_cast %scan3A_26 : i32 to index
        %swap3A_147 = arith.constant 128 : index
        %swap3A_148 = tpu.vector_load %arg8[%swap3A_146, %swap3A_147] {strides = array<i32>} : memref<128x256xf32, #tpu.memory_space<vmem>>, vector<1x16xf32>,
        %swap3A_149 = vector.shape_cast %swap3A_148 : vector<1x16xf32> to vector<16xf32>
        %swap3A_150 = vector.shape_cast %add3A_145 : vector<16xf32> to vector<1x16xf32>
        tpu.vector_store %arg8[%swap3A_146, %swap3A_147], %swap3A_150 {strides = array<i32>} : memref<128x256xf32, #tpu.memory_space<vmem>>, vector<1x16xf32>,
        %get3A_151 = arith.index_cast %scan3A_26 : i32 to index
        %get3A_152 = arith.constant 144 : index
        %get3A_153 = tpu.vector_load %arg8[%get3A_151, %get3A_152] {strides = array<i32>} : memref<128x256xf32, #tpu.memory_space<vmem>>, vector<1x16xf32>,
        %get3A_154 = vector.shape_cast %get3A_153 : vector<1x16xf32> to vector<16xf32>
        %get3A_155 = arith.index_cast %scan3A_26 : i32 to index
        %get3A_156 = arith.constant 144 : index
        %get3A_157 = tpu.vector_load %arg7[%get3A_155, %get3A_156] {strides = array<i32>} : memref<128x256xf32, #tpu.memory_space<vmem>>, vector<1x16xf32>,
        %get3A_158 = vector.shape_cast %get3A_157 : vector<1x16xf32> to vector<16xf32>
        %add3A_159 = arith.addf %get3A_154, %get3A_158 : vector<16xf32>
        %swap3A_160 = arith.index_cast %scan3A_26 : i32 to index
        %swap3A_161 = arith.constant 144 : index
        %swap3A_162 = tpu.vector_load %arg8[%swap3A_160, %swap3A_161] {strides = array<i32>} : memref<128x256xf32, #tpu.memory_space<vmem>>, vector<1x16xf32>,
        %swap3A_163 = vector.shape_cast %swap3A_162 : vector<1x16xf32> to vector<16xf32>
        %swap3A_164 = vector.shape_cast %add3A_159 : vector<16xf32> to vector<1x16xf32>
        tpu.vector_store %arg8[%swap3A_160, %swap3A_161], %swap3A_164 {strides = array<i32>} : memref<128x256xf32, #tpu.memory_space<vmem>>, vector<1x16xf32>,
        %get3A_165 = arith.index_cast %scan3A_26 : i32 to index
        %get3A_166 = arith.constant 160 : index
        %get3A_167 = tpu.vector_load %arg8[%get3A_165, %get3A_166] {strides = array<i32>} : memref<128x256xf32, #tpu.memory_space<vmem>>, vector<1x16xf32>,
        %get3A_168 = vector.shape_cast %get3A_167 : vector<1x16xf32> to vector<16xf32>
        %get3A_169 = arith.index_cast %scan3A_26 : i32 to index
        %get3A_170 = arith.constant 160 : index
        %get3A_171 = tpu.vector_load %arg7[%get3A_169, %get3A_170] {strides = array<i32>} : memref<128x256xf32, #tpu.memory_space<vmem>>, vector<1x16xf32>,
        %get3A_172 = vector.shape_cast %get3A_171 : vector<1x16xf32> to vector<16xf32>
        %add3A_173 = arith.addf %get3A_168, %get3A_172 : vector<16xf32>
        %swap3A_174 = arith.index_cast %scan3A_26 : i32 to index
        %swap3A_175 = arith.constant 160 : index
        %swap3A_176 = tpu.vector_load %arg8[%swap3A_174, %swap3A_175] {strides = array<i32>} : memref<128x256xf32, #tpu.memory_space<vmem>>, vector<1x16xf32>,
        %swap3A_177 = vector.shape_cast %swap3A_176 : vector<1x16xf32> to vector<16xf32>
        %swap3A_178 = vector.shape_cast %add3A_173 : vector<16xf32> to vector<1x16xf32>
        tpu.vector_store %arg8[%swap3A_174, %swap3A_175], %swap3A_178 {strides = array<i32>} : memref<128x256xf32, #tpu.memory_space<vmem>>, vector<1x16xf32>,
        %get3A_179 = arith.index_cast %scan3A_26 : i32 to index
        %get3A_180 = arith.constant 176 : index
        %get3A_181 = tpu.vector_load %arg8[%get3A_179, %get3A_180] {strides = array<i32>} : memref<128x256xf32, #tpu.memory_space<vmem>>, vector<1x16xf32>,
        %get3A_182 = vector.shape_cast %get3A_181 : vector<1x16xf32> to vector<16xf32>
        %get3A_183 = arith.index_cast %scan3A_26 : i32 to index
        %get3A_184 = arith.constant 176 : index
        %get3A_185 = tpu.vector_load %arg7[%get3A_183, %get3A_184] {strides = array<i32>} : memref<128x256xf32, #tpu.memory_space<vmem>>, vector<1x16xf32>,
        %get3A_186 = vector.shape_cast %get3A_185 : vector<1x16xf32> to vector<16xf32>
        %add3A_187 = arith.addf %get3A_182, %get3A_186 : vector<16xf32>
        %swap3A_188 = arith.index_cast %scan3A_26 : i32 to index
        %swap3A_189 = arith.constant 176 : index
        %swap3A_190 = tpu.vector_load %arg8[%swap3A_188, %swap3A_189] {strides = array<i32>} : memref<128x256xf32, #tpu.memory_space<vmem>>, vector<1x16xf32>,
        %swap3A_191 = vector.shape_cast %swap3A_190 : vector<1x16xf32> to vector<16xf32>
        %swap3A_192 = vector.shape_cast %add3A_187 : vector<16xf32> to vector<1x16xf32>
        tpu.vector_store %arg8[%swap3A_188, %swap3A_189], %swap3A_192 {strides = array<i32>} : memref<128x256xf32, #tpu.memory_space<vmem>>, vector<1x16xf32>,
        %get3A_193 = arith.index_cast %scan3A_26 : i32 to index
        %get3A_194 = arith.constant 192 : index
        %get3A_195 = tpu.vector_load %arg8[%get3A_193, %get3A_194] {strides = array<i32>} : memref<128x256xf32, #tpu.memory_space<vmem>>, vector<1x16xf32>,
        %get3A_196 = vector.shape_cast %get3A_195 : vector<1x16xf32> to vector<16xf32>
        %get3A_197 = arith.index_cast %scan3A_26 : i32 to index
        %get3A_198 = arith.constant 192 : index
        %get3A_199 = tpu.vector_load %arg7[%get3A_197, %get3A_198] {strides = array<i32>} : memref<128x256xf32, #tpu.memory_space<vmem>>, vector<1x16xf32>,
        %get3A_200 = vector.shape_cast %get3A_199 : vector<1x16xf32> to vector<16xf32>
        %add3A_201 = arith.addf %get3A_196, %get3A_200 : vector<16xf32>
        %swap3A_202 = arith.index_cast %scan3A_26 : i32 to index
        %swap3A_203 = arith.constant 192 : index
        %swap3A_204 = tpu.vector_load %arg8[%swap3A_202, %swap3A_203] {strides = array<i32>} : memref<128x256xf32, #tpu.memory_space<vmem>>, vector<1x16xf32>,
        %swap3A_205 = vector.shape_cast %swap3A_204 : vector<1x16xf32> to vector<16xf32>
        %swap3A_206 = vector.shape_cast %add3A_201 : vector<16xf32> to vector<1x16xf32>
        tpu.vector_store %arg8[%swap3A_202, %swap3A_203], %swap3A_206 {strides = array<i32>} : memref<128x256xf32, #tpu.memory_space<vmem>>, vector<1x16xf32>,
        %get3A_207 = arith.index_cast %scan3A_26 : i32 to index
        %get3A_208 = arith.constant 208 : index
        %get3A_209 = tpu.vector_load %arg8[%get3A_207, %get3A_208] {strides = array<i32>} : memref<128x256xf32, #tpu.memory_space<vmem>>, vector<1x16xf32>,
        %get3A_210 = vector.shape_cast %get3A_209 : vector<1x16xf32> to vector<16xf32>
        %get3A_211 = arith.index_cast %scan3A_26 : i32 to index
        %get3A_212 = arith.constant 208 : index
        %get3A_213 = tpu.vector_load %arg7[%get3A_211, %get3A_212] {strides = array<i32>} : memref<128x256xf32, #tpu.memory_space<vmem>>, vector<1x16xf32>,
        %get3A_214 = vector.shape_cast %get3A_213 : vector<1x16xf32> to vector<16xf32>
        %add3A_215 = arith.addf %get3A_210, %get3A_214 : vector<16xf32>
        %swap3A_216 = arith.index_cast %scan3A_26 : i32 to index
        %swap3A_217 = arith.constant 208 : index
        %swap3A_218 = tpu.vector_load %arg8[%swap3A_216, %swap3A_217] {strides = array<i32>} : memref<128x256xf32, #tpu.memory_space<vmem>>, vector<1x16xf32>,
        %swap3A_219 = vector.shape_cast %swap3A_218 : vector<1x16xf32> to vector<16xf32>
        %swap3A_220 = vector.shape_cast %add3A_215 : vector<16xf32> to vector<1x16xf32>
        tpu.vector_store %arg8[%swap3A_216, %swap3A_217], %swap3A_220 {strides = array<i32>} : memref<128x256xf32, #tpu.memory_space<vmem>>, vector<1x16xf32>,
        %get3A_221 = arith.index_cast %scan3A_26 : i32 to index
        %get3A_222 = arith.constant 224 : index
        %get3A_223 = tpu.vector_load %arg8[%get3A_221, %get3A_222] {strides = array<i32>} : memref<128x256xf32, #tpu.memory_space<vmem>>, vector<1x16xf32>,
        %get3A_224 = vector.shape_cast %get3A_223 : vector<1x16xf32> to vector<16xf32>
        %get3A_225 = arith.index_cast %scan3A_26 : i32 to index
        %get3A_226 = arith.constant 224 : index
        %get3A_227 = tpu.vector_load %arg7[%get3A_225, %get3A_226] {strides = array<i32>} : memref<128x256xf32, #tpu.memory_space<vmem>>, vector<1x16xf32>,
        %get3A_228 = vector.shape_cast %get3A_227 : vector<1x16xf32> to vector<16xf32>
        %add3A_229 = arith.addf %get3A_224, %get3A_228 : vector<16xf32>
        %swap3A_230 = arith.index_cast %scan3A_26 : i32 to index
        %swap3A_231 = arith.constant 224 : index
        %swap3A_232 = tpu.vector_load %arg8[%swap3A_230, %swap3A_231] {strides = array<i32>} : memref<128x256xf32, #tpu.memory_space<vmem>>, vector<1x16xf32>,
        %swap3A_233 = vector.shape_cast %swap3A_232 : vector<1x16xf32> to vector<16xf32>
        %swap3A_234 = vector.shape_cast %add3A_229 : vector<16xf32> to vector<1x16xf32>
        tpu.vector_store %arg8[%swap3A_230, %swap3A_231], %swap3A_234 {strides = array<i32>} : memref<128x256xf32, #tpu.memory_space<vmem>>, vector<1x16xf32>,
        %get3A_235 = arith.index_cast %scan3A_26 : i32 to index
        %get3A_236 = arith.constant 240 : index
        %get3A_237 = tpu.vector_load %arg8[%get3A_235, %get3A_236] {strides = array<i32>} : memref<128x256xf32, #tpu.memory_space<vmem>>, vector<1x16xf32>,
        %get3A_238 = vector.shape_cast %get3A_237 : vector<1x16xf32> to vector<16xf32>
        %get3A_239 = arith.index_cast %scan3A_26 : i32 to index
        %get3A_240 = arith.constant 240 : index
        %get3A_241 = tpu.vector_load %arg7[%get3A_239, %get3A_240] {strides = array<i32>} : memref<128x256xf32, #tpu.memory_space<vmem>>, vector<1x16xf32>,
        %get3A_242 = vector.shape_cast %get3A_241 : vector<1x16xf32> to vector<16xf32>
        %add3A_243 = arith.addf %get3A_238, %get3A_242 : vector<16xf32>
        %swap3A_244 = arith.index_cast %scan3A_26 : i32 to index
        %swap3A_245 = arith.constant 240 : index
        %swap3A_246 = tpu.vector_load %arg8[%swap3A_244, %swap3A_245] {strides = array<i32>} : memref<128x256xf32, #tpu.memory_space<vmem>>, vector<1x16xf32>,
        %swap3A_247 = vector.shape_cast %swap3A_246 : vector<1x16xf32> to vector<16xf32>
        %swap3A_248 = vector.shape_cast %add3A_243 : vector<16xf32> to vector<1x16xf32>
        tpu.vector_store %arg8[%swap3A_244, %swap3A_245], %swap3A_248 {strides = array<i32>} : memref<128x256xf32, #tpu.memory_space<vmem>>, vector<1x16xf32>,
      }
      %scan3A_25 = arith.constant 128 : i32
      "tpu.region"() ({
        %run_scoped3A = tpu.sem_alloc : memref<!tpu.dma_semaphore, #tpu.memory_space<semaphore_mem>>
        %dma_start3A_26 = arith.constant 0 : i32
        %dma_start3A_27 = tpu.memref_slice %arg5[%add3A_11, %dma_start3A_26] : memref<16384x256xf32, #tpu.memory_space<hbm>> -> memref<128x256xf32, #tpu.memory_space<hbm>>
        %dma_start3A_28 = arith.constant 0 : i32
        %dma_start3A_29 = tpu.memref_slice %arg5[%add3A_11, %dma_start3A_28] : memref<16384x256xf32, #tpu.memory_space<hbm>> -> memref<128x256xf32, #tpu.memory_space<hbm>>
        tpu.enqueue_dma source(%arg8 : memref<128x256xf32, #tpu.memory_space<vmem>>) target(%dma_start3A_29 : memref<128x256xf32, #tpu.memory_space<hbm>>) target_semaphore(%run_scoped3A : memref<!tpu.dma_semaphore, #tpu.memory_space<semaphore_mem>>)
        %dma_wait3A_30 = arith.constant 0 : i32
        %dma_wait3A_31 = tpu.memref_slice %arg5[%add3A_11, %dma_wait3A_30] : memref<16384x256xf32, #tpu.memory_space<hbm>> -> memref<128x256xf32, #tpu.memory_space<hbm>>
        %dma_wait3A_32 = arith.constant 0 : i32
        %dma_wait3A_33 = tpu.memref_slice %arg5[%add3A_11, %dma_wait3A_32] : memref<16384x256xf32, #tpu.memory_space<hbm>> -> memref<128x256xf32, #tpu.memory_space<hbm>>
        tpu.wait_dma2 semaphore(%run_scoped3A : memref<!tpu.dma_semaphore, #tpu.memory_space<semaphore_mem>>) src(%arg8 : memref<128x256xf32, #tpu.memory_space<vmem>>) dst(%dma_wait3A_33 : memref<128x256xf32, #tpu.memory_space<hbm>>)
        tpu.yield
      }) : () -> ()
    }
    %scan3A_7 = arith.constant 4 : i32
    return
  }
}

#map = affine_map<(d0, d1) -> (0)>
#map1 = affine_map<(d0, d1) -> (0, 0)>
module attributes {stable_mosaic.version = 14 : i64} {
  func.func @k(%arg0: i32, %arg1: i32, %arg2: memref<16384xi32, #tpu.memory_space<hbm>>, %arg3: memref<256x256xf32, #tpu.memory_space<hbm>>, %arg4: memref<16384x256xf32, #tpu.memory_space<hbm>>, %arg5: memref<16384x256xf32, #tpu.memory_space<hbm>>, %arg6: memref<512xi32, #tpu.memory_space<vmem>>, %arg7: memref<128x256xf32, #tpu.memory_space<vmem>>, %arg8: memref<128x256xf32, #tpu.memory_space<vmem>>, %arg9: memref<!tpu.dma_semaphore, #tpu.memory_space<semaphore_mem>>) attributes {dimension_semantics = [#tpu.dimension_semantics<core_parallel>, #tpu.dimension_semantics<subcore_parallel>], iteration_bounds = array<i64: 2, 16>, scalar_prefetch = 0 : i64, scratch_operands = 4 : i64, tpu.core_type = #tpu.core_type<sc_vector_subcore>, window_params = [{transform_indices = #map}, {transform_indices = #map1}, {transform_indices = #map1}, {transform_indices = #map1}]} {
    %mul3A = arith.constant 2 : i32
    %mul3A_0 = arith.muli %arg1, %mul3A : i32
    %add3A = arith.addi %mul3A_0, %arg0 : i32
    %mul3A_1 = arith.constant 512 : i32
    %mul3A_2 = arith.muli %add3A, %mul3A_1 : i32
    "tpu.region"() ({
      %run_scoped3A = tpu.sem_alloc : memref<!tpu.dma_semaphore, #tpu.memory_space<semaphore_mem>>
      %dma_start3A = tpu.memref_slice %arg2[%mul3A_2] : memref<16384xi32, #tpu.memory_space<hbm>> -> memref<512xi32, #tpu.memory_space<hbm>>
      %dma_start3A_8 = tpu.memref_slice %arg2[%mul3A_2] : memref<16384xi32, #tpu.memory_space<hbm>> -> memref<512xi32, #tpu.memory_space<hbm>>
      tpu.enqueue_dma source(%dma_start3A_8 : memref<512xi32, #tpu.memory_space<hbm>>) target(%arg6 : memref<512xi32, #tpu.memory_space<vmem>>) target_semaphore(%run_scoped3A : memref<!tpu.dma_semaphore, #tpu.memory_space<semaphore_mem>>)
      %dma_wait3A = tpu.memref_slice %arg2[%mul3A_2] : memref<16384xi32, #tpu.memory_space<hbm>> -> memref<512xi32, #tpu.memory_space<hbm>>
      %dma_wait3A_9 = tpu.memref_slice %arg2[%mul3A_2] : memref<16384xi32, #tpu.memory_space<hbm>> -> memref<512xi32, #tpu.memory_space<hbm>>
      tpu.wait_dma2 semaphore(%run_scoped3A : memref<!tpu.dma_semaphore, #tpu.memory_space<semaphore_mem>>) src(%dma_wait3A_9 : memref<512xi32, #tpu.memory_space<hbm>>) dst(%arg6 : memref<512xi32, #tpu.memory_space<vmem>>)
      tpu.yield
    }) : () -> ()
    %scan3A = arith.constant 0 : i32
    %scan3A_3 = arith.constant 0 : i32
    %scan3A_4 = arith.constant 4 : i32
    %scan3A_5 = arith.addi %scan3A_3, %scan3A_4 : i32
    %scan3A_6 = arith.constant 1 : i32
    scf.for %scan3A_8 = %scan3A_3 to %scan3A_5 step %scan3A_6  : i32 {
      %mul3A_9 = arith.constant 128 : i32
      %mul3A_10 = arith.muli %scan3A_8, %mul3A_9 : i32
      %add3A_11 = arith.addi %mul3A_2, %mul3A_10 : i32
      %mul3A_12 = arith.constant 128 : i32
      %mul3A_13 = arith.muli %scan3A_8, %mul3A_12 : i32
      %dma_start3A = tpu.memref_slice %arg6[%mul3A_13] : memref<512xi32, #tpu.memory_space<vmem>> -> memref<128xi32, #tpu.memory_space<vmem>>
      %dma_start3A_14 = arith.constant 0 : i32
      %dma_start3A_15 = arith.constant 0 : i32
      %dma_start3A_16 = tpu.memref_slice %arg3[%dma_start3A_14, %dma_start3A_15] : memref<256x256xf32, #tpu.memory_space<hbm>> -> memref<256x256xf32, #tpu.memory_space<hbm>>
      tpu.enqueue_indirect_dma source(%dma_start3A_16 : memref<256x256xf32, #tpu.memory_space<hbm>>) target(%arg7 : memref<128x256xf32, #tpu.memory_space<vmem>>) offsets(%dma_start3A : memref<128xi32, #tpu.memory_space<vmem>>) semaphore(%arg9 : memref<!tpu.dma_semaphore, #tpu.memory_space<semaphore_mem>>)
      "tpu.region"() ({
        %run_scoped3A = tpu.sem_alloc : memref<!tpu.dma_semaphore, #tpu.memory_space<semaphore_mem>>
        %dma_start3A_26 = arith.constant 0 : i32
        %dma_start3A_27 = tpu.memref_slice %arg4[%add3A_11, %dma_start3A_26] : memref<16384x256xf32, #tpu.memory_space<hbm>> -> memref<128x256xf32, #tpu.memory_space<hbm>>
        %dma_start3A_28 = arith.constant 0 : i32
        %dma_start3A_29 = tpu.memref_slice %arg4[%add3A_11, %dma_start3A_28] : memref<16384x256xf32, #tpu.memory_space<hbm>> -> memref<128x256xf32, #tpu.memory_space<hbm>>
        tpu.enqueue_dma source(%dma_start3A_29 : memref<128x256xf32, #tpu.memory_space<hbm>>) target(%arg8 : memref<128x256xf32, #tpu.memory_space<vmem>>) target_semaphore(%run_scoped3A : memref<!tpu.dma_semaphore, #tpu.memory_space<semaphore_mem>>)
        %dma_wait3A_30 = arith.constant 0 : i32
        %dma_wait3A_31 = tpu.memref_slice %arg4[%add3A_11, %dma_wait3A_30] : memref<16384x256xf32, #tpu.memory_space<hbm>> -> memref<128x256xf32, #tpu.memory_space<hbm>>
        %dma_wait3A_32 = arith.constant 0 : i32
        %dma_wait3A_33 = tpu.memref_slice %arg4[%add3A_11, %dma_wait3A_32] : memref<16384x256xf32, #tpu.memory_space<hbm>> -> memref<128x256xf32, #tpu.memory_space<hbm>>
        tpu.wait_dma2 semaphore(%run_scoped3A : memref<!tpu.dma_semaphore, #tpu.memory_space<semaphore_mem>>) src(%dma_wait3A_33 : memref<128x256xf32, #tpu.memory_space<hbm>>) dst(%arg8 : memref<128x256xf32, #tpu.memory_space<vmem>>)
        tpu.yield
      }) : () -> ()
      %dma_wait3A = tpu.memref_slice %arg6[%mul3A_13] : memref<512xi32, #tpu.memory_space<vmem>> -> memref<128xi32, #tpu.memory_space<vmem>>
      %dma_wait3A_17 = arith.constant 0 : i32
      %dma_wait3A_18 = arith.constant 0 : i32
      %dma_wait3A_19 = tpu.memref_slice %arg3[%dma_wait3A_17, %dma_wait3A_18] : memref<256x256xf32, #tpu.memory_space<hbm>> -> memref<256x256xf32, #tpu.memory_space<hbm>>
      tpu.wait_indirect_dma semaphore(%arg9 : memref<!tpu.dma_semaphore, #tpu.memory_space<semaphore_mem>>) src(%dma_wait3A_19 : memref<256x256xf32, #tpu.memory_space<hbm>>) dst(%arg7 : memref<128x256xf32, #tpu.memory_space<vmem>>)
      %scan3A_20 = arith.constant 0 : i32
      %scan3A_21 = arith.constant 0 : i32
      %scan3A_22 = arith.constant 128 : i32
      %scan3A_23 = arith.addi %scan3A_21, %scan3A_22 : i32
      %scan3A_24 = arith.constant 1 : i32
      scf.for %scan3A_26 = %scan3A_21 to %scan3A_23 step %scan3A_24  : i32 {
        %get3A = arith.index_cast %scan3A_26 : i32 to index
        %get3A_27 = arith.constant 0 : index
        %get3A_28 = tpu.vector_load %arg8[%get3A, %get3A_27] {strides = array<i32>} : memref<128x256xf32, #tpu.memory_space<vmem>>, vector<1x16xf32>,
        %get3A_29 = vector.shape_cast %get3A_28 : vector<1x16xf32> to vector<16xf32>
        %get3A_30 = arith.index_cast %scan3A_26 : i32 to index
        %get3A_31 = arith.constant 0 : index
        %get3A_32 = tpu.vector_load %arg7[%get3A_30, %get3A_31] {strides = array<i32>} : memref<128x256xf32, #tpu.memory_space<vmem>>, vector<1x16xf32>,
        %get3A_33 = vector.shape_cast %get3A_32 : vector<1x16xf32> to vector<16xf32>
        %add3A_34 = arith.addf %get3A_29, %get3A_33 : vector<16xf32>
        %swap3A = arith.index_cast %scan3A_26 : i32 to index
        %swap3A_35 = arith.constant 0 : index
        %swap3A_36 = tpu.vector_load %arg8[%swap3A, %swap3A_35] {strides = array<i32>} : memref<128x256xf32, #tpu.memory_space<vmem>>, vector<1x16xf32>,
        %swap3A_37 = vector.shape_cast %swap3A_36 : vector<1x16xf32> to vector<16xf32>
        %swap3A_38 = vector.shape_cast %add3A_34 : vector<16xf32> to vector<1x16xf32>
        tpu.vector_store %arg8[%swap3A, %swap3A_35], %swap3A_38 {strides = array<i32>} : memref<128x256xf32, #tpu.memory_space<vmem>>, vector<1x16xf32>,
        %get3A_39 = arith.index_cast %scan3A_26 : i32 to index
        %get3A_40 = arith.constant 16 : index
        %get3A_41 = tpu.vector_load %arg8[%get3A_39, %get3A_40] {strides = array<i32>} : memref<128x256xf32, #tpu.memory_space<vmem>>, vector<1x16xf32>,
        %get3A_42 = vector.shape_cast %get3A_41 : vector<1x16xf32> to vector<16xf32>
        %get3A_43 = arith.index_cast %scan3A_26 : i32 to index
        %get3A_44 = arith.constant 16 : index
        %get3A_45 = tpu.vector_load %arg7[%get3A_43, %get3A_44] {strides = array<i32>} : memref<128x256xf32, #tpu.memory_space<vmem>>, vector<1x16xf32>,
        %get3A_46 = vector.shape_cast %get3A_45 : vector<1x16xf32> to vector<16xf32>
        %add3A_47 = arith.addf %get3A_42, %get3A_46 : vector<16xf32>
        %swap3A_48 = arith.index_cast %scan3A_26 : i32 to index
        %swap3A_49 = arith.constant 16 : index
        %swap3A_50 = tpu.vector_load %arg8[%swap3A_48, %swap3A_49] {strides = array<i32>} : memref<128x256xf32, #tpu.memory_space<vmem>>, vector<1x16xf32>,
        %swap3A_51 = vector.shape_cast %swap3A_50 : vector<1x16xf32> to vector<16xf32>
        %swap3A_52 = vector.shape_cast %add3A_47 : vector<16xf32> to vector<1x16xf32>
        tpu.vector_store %arg8[%swap3A_48, %swap3A_49], %swap3A_52 {strides = array<i32>} : memref<128x256xf32, #tpu.memory_space<vmem>>, vector<1x16xf32>,
        %get3A_53 = arith.index_cast %scan3A_26 : i32 to index
        %get3A_54 = arith.constant 32 : index
        %get3A_55 = tpu.vector_load %arg8[%get3A_53, %get3A_54] {strides = array<i32>} : memref<128x256xf32, #tpu.memory_space<vmem>>, vector<1x16xf32>,
        %get3A_56 = vector.shape_cast %get3A_55 : vector<1x16xf32> to vector<16xf32>
        %get3A_57 = arith.index_cast %scan3A_26 : i32 to index
        %get3A_58 = arith.constant 32 : index
        %get3A_59 = tpu.vector_load %arg7[%get3A_57, %get3A_58] {strides = array<i32>} : memref<128x256xf32, #tpu.memory_space<vmem>>, vector<1x16xf32>,
        %get3A_60 = vector.shape_cast %get3A_59 : vector<1x16xf32> to vector<16xf32>
        %add3A_61 = arith.addf %get3A_56, %get3A_60 : vector<16xf32>
        %swap3A_62 = arith.index_cast %scan3A_26 : i32 to index
        %swap3A_63 = arith.constant 32 : index
        %swap3A_64 = tpu.vector_load %arg8[%swap3A_62, %swap3A_63] {strides = array<i32>} : memref<128x256xf32, #tpu.memory_space<vmem>>, vector<1x16xf32>,
        %swap3A_65 = vector.shape_cast %swap3A_64 : vector<1x16xf32> to vector<16xf32>
        %swap3A_66 = vector.shape_cast %add3A_61 : vector<16xf32> to vector<1x16xf32>
        tpu.vector_store %arg8[%swap3A_62, %swap3A_63], %swap3A_66 {strides = array<i32>} : memref<128x256xf32, #tpu.memory_space<vmem>>, vector<1x16xf32>,
        %get3A_67 = arith.index_cast %scan3A_26 : i32 to index
        %get3A_68 = arith.constant 48 : index
        %get3A_69 = tpu.vector_load %arg8[%get3A_67, %get3A_68] {strides = array<i32>} : memref<128x256xf32, #tpu.memory_space<vmem>>, vector<1x16xf32>,
        %get3A_70 = vector.shape_cast %get3A_69 : vector<1x16xf32> to vector<16xf32>
        %get3A_71 = arith.index_cast %scan3A_26 : i32 to index
        %get3A_72 = arith.constant 48 : index
        %get3A_73 = tpu.vector_load %arg7[%get3A_71, %get3A_72] {strides = array<i32>} : memref<128x256xf32, #tpu.memory_space<vmem>>, vector<1x16xf32>,
        %get3A_74 = vector.shape_cast %get3A_73 : vector<1x16xf32> to vector<16xf32>
        %add3A_75 = arith.addf %get3A_70, %get3A_74 : vector<16xf32>
        %swap3A_76 = arith.index_cast %scan3A_26 : i32 to index
        %swap3A_77 = arith.constant 48 : index
        %swap3A_78 = tpu.vector_load %arg8[%swap3A_76, %swap3A_77] {strides = array<i32>} : memref<128x256xf32, #tpu.memory_space<vmem>>, vector<1x16xf32>,
        %swap3A_79 = vector.shape_cast %swap3A_78 : vector<1x16xf32> to vector<16xf32>
        %swap3A_80 = vector.shape_cast %add3A_75 : vector<16xf32> to vector<1x16xf32>
        tpu.vector_store %arg8[%swap3A_76, %swap3A_77], %swap3A_80 {strides = array<i32>} : memref<128x256xf32, #tpu.memory_space<vmem>>, vector<1x16xf32>,
        %get3A_81 = arith.index_cast %scan3A_26 : i32 to index
        %get3A_82 = arith.constant 64 : index
        %get3A_83 = tpu.vector_load %arg8[%get3A_81, %get3A_82] {strides = array<i32>} : memref<128x256xf32, #tpu.memory_space<vmem>>, vector<1x16xf32>,
        %get3A_84 = vector.shape_cast %get3A_83 : vector<1x16xf32> to vector<16xf32>
        %get3A_85 = arith.index_cast %scan3A_26 : i32 to index
        %get3A_86 = arith.constant 64 : index
        %get3A_87 = tpu.vector_load %arg7[%get3A_85, %get3A_86] {strides = array<i32>} : memref<128x256xf32, #tpu.memory_space<vmem>>, vector<1x16xf32>,
        %get3A_88 = vector.shape_cast %get3A_87 : vector<1x16xf32> to vector<16xf32>
        %add3A_89 = arith.addf %get3A_84, %get3A_88 : vector<16xf32>
        %swap3A_90 = arith.index_cast %scan3A_26 : i32 to index
        %swap3A_91 = arith.constant 64 : index
        %swap3A_92 = tpu.vector_load %arg8[%swap3A_90, %swap3A_91] {strides = array<i32>} : memref<128x256xf32, #tpu.memory_space<vmem>>, vector<1x16xf32>,
        %swap3A_93 = vector.shape_cast %swap3A_92 : vector<1x16xf32> to vector<16xf32>
        %swap3A_94 = vector.shape_cast %add3A_89 : vector<16xf32> to vector<1x16xf32>
        tpu.vector_store %arg8[%swap3A_90, %swap3A_91], %swap3A_94 {strides = array<i32>} : memref<128x256xf32, #tpu.memory_space<vmem>>, vector<1x16xf32>,
        %get3A_95 = arith.index_cast %scan3A_26 : i32 to index
        %get3A_96 = arith.constant 80 : index
        %get3A_97 = tpu.vector_load %arg8[%get3A_95, %get3A_96] {strides = array<i32>} : memref<128x256xf32, #tpu.memory_space<vmem>>, vector<1x16xf32>,
        %get3A_98 = vector.shape_cast %get3A_97 : vector<1x16xf32> to vector<16xf32>
        %get3A_99 = arith.index_cast %scan3A_26 : i32 to index
        %get3A_100 = arith.constant 80 : index
        %get3A_101 = tpu.vector_load %arg7[%get3A_99, %get3A_100] {strides = array<i32>} : memref<128x256xf32, #tpu.memory_space<vmem>>, vector<1x16xf32>,
        %get3A_102 = vector.shape_cast %get3A_101 : vector<1x16xf32> to vector<16xf32>
        %add3A_103 = arith.addf %get3A_98, %get3A_102 : vector<16xf32>
        %swap3A_104 = arith.index_cast %scan3A_26 : i32 to index
        %swap3A_105 = arith.constant 80 : index
        %swap3A_106 = tpu.vector_load %arg8[%swap3A_104, %swap3A_105] {strides = array<i32>} : memref<128x256xf32, #tpu.memory_space<vmem>>, vector<1x16xf32>,
        %swap3A_107 = vector.shape_cast %swap3A_106 : vector<1x16xf32> to vector<16xf32>
        %swap3A_108 = vector.shape_cast %add3A_103 : vector<16xf32> to vector<1x16xf32>
        tpu.vector_store %arg8[%swap3A_104, %swap3A_105], %swap3A_108 {strides = array<i32>} : memref<128x256xf32, #tpu.memory_space<vmem>>, vector<1x16xf32>,
        %get3A_109 = arith.index_cast %scan3A_26 : i32 to index
        %get3A_110 = arith.constant 96 : index
        %get3A_111 = tpu.vector_load %arg8[%get3A_109, %get3A_110] {strides = array<i32>} : memref<128x256xf32, #tpu.memory_space<vmem>>, vector<1x16xf32>,
        %get3A_112 = vector.shape_cast %get3A_111 : vector<1x16xf32> to vector<16xf32>
        %get3A_113 = arith.index_cast %scan3A_26 : i32 to index
        %get3A_114 = arith.constant 96 : index
        %get3A_115 = tpu.vector_load %arg7[%get3A_113, %get3A_114] {strides = array<i32>} : memref<128x256xf32, #tpu.memory_space<vmem>>, vector<1x16xf32>,
        %get3A_116 = vector.shape_cast %get3A_115 : vector<1x16xf32> to vector<16xf32>
        %add3A_117 = arith.addf %get3A_112, %get3A_116 : vector<16xf32>
        %swap3A_118 = arith.index_cast %scan3A_26 : i32 to index
        %swap3A_119 = arith.constant 96 : index
        %swap3A_120 = tpu.vector_load %arg8[%swap3A_118, %swap3A_119] {strides = array<i32>} : memref<128x256xf32, #tpu.memory_space<vmem>>, vector<1x16xf32>,
        %swap3A_121 = vector.shape_cast %swap3A_120 : vector<1x16xf32> to vector<16xf32>
        %swap3A_122 = vector.shape_cast %add3A_117 : vector<16xf32> to vector<1x16xf32>
        tpu.vector_store %arg8[%swap3A_118, %swap3A_119], %swap3A_122 {strides = array<i32>} : memref<128x256xf32, #tpu.memory_space<vmem>>, vector<1x16xf32>,
        %get3A_123 = arith.index_cast %scan3A_26 : i32 to index
        %get3A_124 = arith.constant 112 : index
        %get3A_125 = tpu.vector_load %arg8[%get3A_123, %get3A_124] {strides = array<i32>} : memref<128x256xf32, #tpu.memory_space<vmem>>, vector<1x16xf32>,
        %get3A_126 = vector.shape_cast %get3A_125 : vector<1x16xf32> to vector<16xf32>
        %get3A_127 = arith.index_cast %scan3A_26 : i32 to index
        %get3A_128 = arith.constant 112 : index
        %get3A_129 = tpu.vector_load %arg7[%get3A_127, %get3A_128] {strides = array<i32>} : memref<128x256xf32, #tpu.memory_space<vmem>>, vector<1x16xf32>,
        %get3A_130 = vector.shape_cast %get3A_129 : vector<1x16xf32> to vector<16xf32>
        %add3A_131 = arith.addf %get3A_126, %get3A_130 : vector<16xf32>
        %swap3A_132 = arith.index_cast %scan3A_26 : i32 to index
        %swap3A_133 = arith.constant 112 : index
        %swap3A_134 = tpu.vector_load %arg8[%swap3A_132, %swap3A_133] {strides = array<i32>} : memref<128x256xf32, #tpu.memory_space<vmem>>, vector<1x16xf32>,
        %swap3A_135 = vector.shape_cast %swap3A_134 : vector<1x16xf32> to vector<16xf32>
        %swap3A_136 = vector.shape_cast %add3A_131 : vector<16xf32> to vector<1x16xf32>
        tpu.vector_store %arg8[%swap3A_132, %swap3A_133], %swap3A_136 {strides = array<i32>} : memref<128x256xf32, #tpu.memory_space<vmem>>, vector<1x16xf32>,
        %get3A_137 = arith.index_cast %scan3A_26 : i32 to index
        %get3A_138 = arith.constant 128 : index
        %get3A_139 = tpu.vector_load %arg8[%get3A_137, %get3A_138] {strides = array<i32>} : memref<128x256xf32, #tpu.memory_space<vmem>>, vector<1x16xf32>,
        %get3A_140 = vector.shape_cast %get3A_139 : vector<1x16xf32> to vector<16xf32>
        %get3A_141 = arith.index_cast %scan3A_26 : i32 to index
        %get3A_142 = arith.constant 128 : index
        %get3A_143 = tpu.vector_load %arg7[%get3A_141, %get3A_142] {strides = array<i32>} : memref<128x256xf32, #tpu.memory_space<vmem>>, vector<1x16xf32>,
        %get3A_144 = vector.shape_cast %get3A_143 : vector<1x16xf32> to vector<16xf32>
        %add3A_145 = arith.addf %get3A_140, %get3A_144 : vector<16xf32>
        %swap3A_146 = arith.index_cast %scan3A_26 : i32 to index
        %swap3A_147 = arith.constant 128 : index
        %swap3A_148 = tpu.vector_load %arg8[%swap3A_146, %swap3A_147] {strides = array<i32>} : memref<128x256xf32, #tpu.memory_space<vmem>>, vector<1x16xf32>,
        %swap3A_149 = vector.shape_cast %swap3A_148 : vector<1x16xf32> to vector<16xf32>
        %swap3A_150 = vector.shape_cast %add3A_145 : vector<16xf32> to vector<1x16xf32>
        tpu.vector_store %arg8[%swap3A_146, %swap3A_147], %swap3A_150 {strides = array<i32>} : memref<128x256xf32, #tpu.memory_space<vmem>>, vector<1x16xf32>,
        %get3A_151 = arith.index_cast %scan3A_26 : i32 to index
        %get3A_152 = arith.constant 144 : index
        %get3A_153 = tpu.vector_load %arg8[%get3A_151, %get3A_152] {strides = array<i32>} : memref<128x256xf32, #tpu.memory_space<vmem>>, vector<1x16xf32>,
        %get3A_154 = vector.shape_cast %get3A_153 : vector<1x16xf32> to vector<16xf32>
        %get3A_155 = arith.index_cast %scan3A_26 : i32 to index
        %get3A_156 = arith.constant 144 : index
        %get3A_157 = tpu.vector_load %arg7[%get3A_155, %get3A_156] {strides = array<i32>} : memref<128x256xf32, #tpu.memory_space<vmem>>, vector<1x16xf32>,
        %get3A_158 = vector.shape_cast %get3A_157 : vector<1x16xf32> to vector<16xf32>
        %add3A_159 = arith.addf %get3A_154, %get3A_158 : vector<16xf32>
        %swap3A_160 = arith.index_cast %scan3A_26 : i32 to index
        %swap3A_161 = arith.constant 144 : index
        %swap3A_162 = tpu.vector_load %arg8[%swap3A_160, %swap3A_161] {strides = array<i32>} : memref<128x256xf32, #tpu.memory_space<vmem>>, vector<1x16xf32>,
        %swap3A_163 = vector.shape_cast %swap3A_162 : vector<1x16xf32> to vector<16xf32>
        %swap3A_164 = vector.shape_cast %add3A_159 : vector<16xf32> to vector<1x16xf32>
        tpu.vector_store %arg8[%swap3A_160, %swap3A_161], %swap3A_164 {strides = array<i32>} : memref<128x256xf32, #tpu.memory_space<vmem>>, vector<1x16xf32>,
        %get3A_165 = arith.index_cast %scan3A_26 : i32 to index
        %get3A_166 = arith.constant 160 : index
        %get3A_167 = tpu.vector_load %arg8[%get3A_165, %get3A_166] {strides = array<i32>} : memref<128x256xf32, #tpu.memory_space<vmem>>, vector<1x16xf32>,
        %get3A_168 = vector.shape_cast %get3A_167 : vector<1x16xf32> to vector<16xf32>
        %get3A_169 = arith.index_cast %scan3A_26 : i32 to index
        %get3A_170 = arith.constant 160 : index
        %get3A_171 = tpu.vector_load %arg7[%get3A_169, %get3A_170] {strides = array<i32>} : memref<128x256xf32, #tpu.memory_space<vmem>>, vector<1x16xf32>,
        %get3A_172 = vector.shape_cast %get3A_171 : vector<1x16xf32> to vector<16xf32>
        %add3A_173 = arith.addf %get3A_168, %get3A_172 : vector<16xf32>
        %swap3A_174 = arith.index_cast %scan3A_26 : i32 to index
        %swap3A_175 = arith.constant 160 : index
        %swap3A_176 = tpu.vector_load %arg8[%swap3A_174, %swap3A_175] {strides = array<i32>} : memref<128x256xf32, #tpu.memory_space<vmem>>, vector<1x16xf32>,
        %swap3A_177 = vector.shape_cast %swap3A_176 : vector<1x16xf32> to vector<16xf32>
        %swap3A_178 = vector.shape_cast %add3A_173 : vector<16xf32> to vector<1x16xf32>
        tpu.vector_store %arg8[%swap3A_174, %swap3A_175], %swap3A_178 {strides = array<i32>} : memref<128x256xf32, #tpu.memory_space<vmem>>, vector<1x16xf32>,
        %get3A_179 = arith.index_cast %scan3A_26 : i32 to index
        %get3A_180 = arith.constant 176 : index
        %get3A_181 = tpu.vector_load %arg8[%get3A_179, %get3A_180] {strides = array<i32>} : memref<128x256xf32, #tpu.memory_space<vmem>>, vector<1x16xf32>,
        %get3A_182 = vector.shape_cast %get3A_181 : vector<1x16xf32> to vector<16xf32>
        %get3A_183 = arith.index_cast %scan3A_26 : i32 to index
        %get3A_184 = arith.constant 176 : index
        %get3A_185 = tpu.vector_load %arg7[%get3A_183, %get3A_184] {strides = array<i32>} : memref<128x256xf32, #tpu.memory_space<vmem>>, vector<1x16xf32>,
        %get3A_186 = vector.shape_cast %get3A_185 : vector<1x16xf32> to vector<16xf32>
        %add3A_187 = arith.addf %get3A_182, %get3A_186 : vector<16xf32>
        %swap3A_188 = arith.index_cast %scan3A_26 : i32 to index
        %swap3A_189 = arith.constant 176 : index
        %swap3A_190 = tpu.vector_load %arg8[%swap3A_188, %swap3A_189] {strides = array<i32>} : memref<128x256xf32, #tpu.memory_space<vmem>>, vector<1x16xf32>,
        %swap3A_191 = vector.shape_cast %swap3A_190 : vector<1x16xf32> to vector<16xf32>
        %swap3A_192 = vector.shape_cast %add3A_187 : vector<16xf32> to vector<1x16xf32>
        tpu.vector_store %arg8[%swap3A_188, %swap3A_189], %swap3A_192 {strides = array<i32>} : memref<128x256xf32, #tpu.memory_space<vmem>>, vector<1x16xf32>,
        %get3A_193 = arith.index_cast %scan3A_26 : i32 to index
        %get3A_194 = arith.constant 192 : index
        %get3A_195 = tpu.vector_load %arg8[%get3A_193, %get3A_194] {strides = array<i32>} : memref<128x256xf32, #tpu.memory_space<vmem>>, vector<1x16xf32>,
        %get3A_196 = vector.shape_cast %get3A_195 : vector<1x16xf32> to vector<16xf32>
        %get3A_197 = arith.index_cast %scan3A_26 : i32 to index
        %get3A_198 = arith.constant 192 : index
        %get3A_199 = tpu.vector_load %arg7[%get3A_197, %get3A_198] {strides = array<i32>} : memref<128x256xf32, #tpu.memory_space<vmem>>, vector<1x16xf32>,
        %get3A_200 = vector.shape_cast %get3A_199 : vector<1x16xf32> to vector<16xf32>
        %add3A_201 = arith.addf %get3A_196, %get3A_200 : vector<16xf32>
        %swap3A_202 = arith.index_cast %scan3A_26 : i32 to index
        %swap3A_203 = arith.constant 192 : index
        %swap3A_204 = tpu.vector_load %arg8[%swap3A_202, %swap3A_203] {strides = array<i32>} : memref<128x256xf32, #tpu.memory_space<vmem>>, vector<1x16xf32>,
        %swap3A_205 = vector.shape_cast %swap3A_204 : vector<1x16xf32> to vector<16xf32>
        %swap3A_206 = vector.shape_cast %add3A_201 : vector<16xf32> to vector<1x16xf32>
        tpu.vector_store %arg8[%swap3A_202, %swap3A_203], %swap3A_206 {strides = array<i32>} : memref<128x256xf32, #tpu.memory_space<vmem>>, vector<1x16xf32>,
        %get3A_207 = arith.index_cast %scan3A_26 : i32 to index
        %get3A_208 = arith.constant 208 : index
        %get3A_209 = tpu.vector_load %arg8[%get3A_207, %get3A_208] {strides = array<i32>} : memref<128x256xf32, #tpu.memory_space<vmem>>, vector<1x16xf32>,
        %get3A_210 = vector.shape_cast %get3A_209 : vector<1x16xf32> to vector<16xf32>
        %get3A_211 = arith.index_cast %scan3A_26 : i32 to index
        %get3A_212 = arith.constant 208 : index
        %get3A_213 = tpu.vector_load %arg7[%get3A_211, %get3A_212] {strides = array<i32>} : memref<128x256xf32, #tpu.memory_space<vmem>>, vector<1x16xf32>,
        %get3A_214 = vector.shape_cast %get3A_213 : vector<1x16xf32> to vector<16xf32>
        %add3A_215 = arith.addf %get3A_210, %get3A_214 : vector<16xf32>
        %swap3A_216 = arith.index_cast %scan3A_26 : i32 to index
        %swap3A_217 = arith.constant 208 : index
        %swap3A_218 = tpu.vector_load %arg8[%swap3A_216, %swap3A_217] {strides = array<i32>} : memref<128x256xf32, #tpu.memory_space<vmem>>, vector<1x16xf32>,
        %swap3A_219 = vector.shape_cast %swap3A_218 : vector<1x16xf32> to vector<16xf32>
        %swap3A_220 = vector.shape_cast %add3A_215 : vector<16xf32> to vector<1x16xf32>
        tpu.vector_store %arg8[%swap3A_216, %swap3A_217], %swap3A_220 {strides = array<i32>} : memref<128x256xf32, #tpu.memory_space<vmem>>, vector<1x16xf32>,
        %get3A_221 = arith.index_cast %scan3A_26 : i32 to index
        %get3A_222 = arith.constant 224 : index
        %get3A_223 = tpu.vector_load %arg8[%get3A_221, %get3A_222] {strides = array<i32>} : memref<128x256xf32, #tpu.memory_space<vmem>>, vector<1x16xf32>,
        %get3A_224 = vector.shape_cast %get3A_223 : vector<1x16xf32> to vector<16xf32>
        %get3A_225 = arith.index_cast %scan3A_26 : i32 to index
        %get3A_226 = arith.constant 224 : index
        %get3A_227 = tpu.vector_load %arg7[%get3A_225, %get3A_226] {strides = array<i32>} : memref<128x256xf32, #tpu.memory_space<vmem>>, vector<1x16xf32>,
        %get3A_228 = vector.shape_cast %get3A_227 : vector<1x16xf32> to vector<16xf32>
        %add3A_229 = arith.addf %get3A_224, %get3A_228 : vector<16xf32>
        %swap3A_230 = arith.index_cast %scan3A_26 : i32 to index
        %swap3A_231 = arith.constant 224 : index
        %swap3A_232 = tpu.vector_load %arg8[%swap3A_230, %swap3A_231] {strides = array<i32>} : memref<128x256xf32, #tpu.memory_space<vmem>>, vector<1x16xf32>,
        %swap3A_233 = vector.shape_cast %swap3A_232 : vector<1x16xf32> to vector<16xf32>
        %swap3A_234 = vector.shape_cast %add3A_229 : vector<16xf32> to vector<1x16xf32>
        tpu.vector_store %arg8[%swap3A_230, %swap3A_231], %swap3A_234 {strides = array<i32>} : memref<128x256xf32, #tpu.memory_space<vmem>>, vector<1x16xf32>,
        %get3A_235 = arith.index_cast %scan3A_26 : i32 to index
        %get3A_236 = arith.constant 240 : index
        %get3A_237 = tpu.vector_load %arg8[%get3A_235, %get3A_236] {strides = array<i32>} : memref<128x256xf32, #tpu.memory_space<vmem>>, vector<1x16xf32>,
        %get3A_238 = vector.shape_cast %get3A_237 : vector<1x16xf32> to vector<16xf32>
        %get3A_239 = arith.index_cast %scan3A_26 : i32 to index
        %get3A_240 = arith.constant 240 : index
        %get3A_241 = tpu.vector_load %arg7[%get3A_239, %get3A_240] {strides = array<i32>} : memref<128x256xf32, #tpu.memory_space<vmem>>, vector<1x16xf32>,
        %get3A_242 = vector.shape_cast %get3A_241 : vector<1x16xf32> to vector<16xf32>
        %add3A_243 = arith.addf %get3A_238, %get3A_242 : vector<16xf32>
        %swap3A_244 = arith.index_cast %scan3A_26 : i32 to index
        %swap3A_245 = arith.constant 240 : index
        %swap3A_246 = tpu.vector_load %arg8[%swap3A_244, %swap3A_245] {strides = array<i32>} : memref<128x256xf32, #tpu.memory_space<vmem>>, vector<1x16xf32>,
        %swap3A_247 = vector.shape_cast %swap3A_246 : vector<1x16xf32> to vector<16xf32>
        %swap3A_248 = vector.shape_cast %add3A_243 : vector<16xf32> to vector<1x16xf32>
        tpu.vector_store %arg8[%swap3A_244, %swap3A_245], %swap3A_248 {strides = array<i32>} : memref<128x256xf32, #tpu.memory_space<vmem>>, vector<1x16xf32>,
      }
      %scan3A_25 = arith.constant 128 : i32
      "tpu.region"() ({
        %run_scoped3A = tpu.sem_alloc : memref<!tpu.dma_semaphore, #tpu.memory_space<semaphore_mem>>
        %dma_start3A_26 = arith.constant 0 : i32
        %dma_start3A_27 = tpu.memref_slice %arg5[%add3A_11, %dma_start3A_26] : memref<16384x256xf32, #tpu.memory_space<hbm>> -> memref<128x256xf32, #tpu.memory_space<hbm>>
        %dma_start3A_28 = arith.constant 0 : i32
        %dma_start3A_29 = tpu.memref_slice %arg5[%add3A_11, %dma_start3A_28] : memref<16384x256xf32, #tpu.memory_space<hbm>> -> memref<128x256xf32, #tpu.memory_space<hbm>>
        tpu.enqueue_dma source(%arg8 : memref<128x256xf32, #tpu.memory_space<vmem>>) target(%dma_start3A_29 : memref<128x256xf32, #tpu.memory_space<hbm>>) target_semaphore(%run_scoped3A : memref<!tpu.dma_semaphore, #tpu.memory_space<semaphore_mem>>)
        %dma_wait3A_30 = arith.constant 0 : i32
        %dma_wait3A_31 = tpu.memref_slice %arg5[%add3A_11, %dma_wait3A_30] : memref<16384x256xf32, #tpu.memory_space<hbm>> -> memref<128x256xf32, #tpu.memory_space<hbm>>
        %dma_wait3A_32 = arith.constant 0 : i32
        %dma_wait3A_33 = tpu.memref_slice %arg5[%add3A_11, %dma_wait3A_32] : memref<16384x256xf32, #tpu.memory_space<hbm>> -> memref<128x256xf32, #tpu.memory_space<hbm>>
        tpu.wait_dma2 semaphore(%run_scoped3A : memref<!tpu.dma_semaphore, #tpu.memory_space<semaphore_mem>>) src(%arg8 : memref<128x256xf32, #tpu.memory_space<vmem>>) dst(%dma_wait3A_33 : memref<128x256xf32, #tpu.memory_space<hbm>>)
        tpu.yield
      }) : () -> ()
    }
    %scan3A_7 = arith.constant 4 : i32
    return
  }
}

module attributes {stable_mosaic.version = 14 : i64} {
  func.func @body(%arg0: i32, %arg1: memref<1024x1xf32, #tpu.memory_space<vmem>>, %arg2: memref<2048x256xf32, #tpu.memory_space<vmem>>, %arg3: memref<1024x256xf32, #tpu.memory_space<vmem>>, %arg4: memref<1x1x2048xi32, #tpu.memory_space<vmem>>, %arg5: memref<1xf32, #tpu.memory_space<smem>>) attributes {dimension_semantics = [#tpu.dimension_semantics<arbitrary>], iteration_bounds = array<i64: 8>, scalar_prefetch = 0 : i64, scratch_operands = 0 : i64, tpu.core_type = #tpu.core_type<tc>, window_params = [{pipeline_mode = #tpu.pipeline_mode<synchronous>, transform_indices = @transform_0, window_bounds = array<i64: 1024, 1>}, {transform_indices = @transform_1, window_bounds = array<i64: 2048, 256>}, {pipeline_mode = #tpu.pipeline_mode<synchronous>, transform_indices = @transform_2, window_bounds = array<i64: 1024, 256>}, {transform_indices = @transform_3, window_bounds = array<i64: 1, 1, 2048>}, {transform_indices = @transform_4, window_bounds = array<i64: 1>}]} {
    %eq3A = arith.constant 0 : i32
    %eq3A_0 = arith.cmpi eq, %arg0, %eq3A : i32
    %convert_element_type3A = arith.extui %eq3A_0 : i1 to i32
    %cond3A = arith.constant 0 : i32
    %cond3A_1 = arith.cmpi ne, %convert_element_type3A, %cond3A : i32
    scf.if %cond3A_1 {
      %swap3A_78 = arith.constant 0.000000e+00 : f32
      %swap3A_79 = arith.constant 0 : index
      %swap3A_80 = memref.load %arg5[%swap3A_79] : memref<1xf32, #tpu.memory_space<smem>>
      memref.store %swap3A_78, %arg5[%swap3A_79] : memref<1xf32, #tpu.memory_space<smem>>
    } else {
    }
    %get3A = arith.constant 0 : index
    %get3A_2 = arith.constant 0 : index
    %get3A_3 = vector.load %arg2[%get3A, %get3A_2] : memref<2048x256xf32, #tpu.memory_space<vmem>>, vector<2048x256xf32>
    %mul3A = arith.mulf %get3A_3, %get3A_3 : vector<2048x256xf32>
    %slice3A = vector.extract_strided_slice %mul3A {offsets = [0, 0], sizes = [2048, 128], strides = [1, 1]} : vector<2048x256xf32> to vector<2048x128xf32>
    %slice3A_4 = vector.extract_strided_slice %mul3A {offsets = [0, 128], sizes = [2048, 128], strides = [1, 1]} : vector<2048x256xf32> to vector<2048x128xf32>
    %add3A = arith.addf %slice3A, %slice3A_4 : vector<2048x128xf32>
    %transpose3A = tpu.transpose %add3A, [1, 0] : vector<2048x128xf32> -> vector<128x2048xf32>
    %slice3A_5 = vector.extract_strided_slice %transpose3A {offsets = [0, 0], sizes = [8, 2048], strides = [1, 1]} : vector<128x2048xf32> to vector<8x2048xf32>
    %slice3A_6 = vector.extract_strided_slice %transpose3A {offsets = [8, 0], sizes = [8, 2048], strides = [1, 1]} : vector<128x2048xf32> to vector<8x2048xf32>
    %add3A_7 = arith.addf %slice3A_5, %slice3A_6 : vector<8x2048xf32>
    %slice3A_8 = vector.extract_strided_slice %transpose3A {offsets = [16, 0], sizes = [8, 2048], strides = [1, 1]} : vector<128x2048xf32> to vector<8x2048xf32>
    %add3A_9 = arith.addf %add3A_7, %slice3A_8 : vector<8x2048xf32>
    %slice3A_10 = vector.extract_strided_slice %transpose3A {offsets = [24, 0], sizes = [8, 2048], strides = [1, 1]} : vector<128x2048xf32> to vector<8x2048xf32>
    %add3A_11 = arith.addf %add3A_9, %slice3A_10 : vector<8x2048xf32>
    %slice3A_12 = vector.extract_strided_slice %transpose3A {offsets = [32, 0], sizes = [8, 2048], strides = [1, 1]} : vector<128x2048xf32> to vector<8x2048xf32>
    %add3A_13 = arith.addf %add3A_11, %slice3A_12 : vector<8x2048xf32>
    %slice3A_14 = vector.extract_strided_slice %transpose3A {offsets = [40, 0], sizes = [8, 2048], strides = [1, 1]} : vector<128x2048xf32> to vector<8x2048xf32>
    %add3A_15 = arith.addf %add3A_13, %slice3A_14 : vector<8x2048xf32>
    %slice3A_16 = vector.extract_strided_slice %transpose3A {offsets = [48, 0], sizes = [8, 2048], strides = [1, 1]} : vector<128x2048xf32> to vector<8x2048xf32>
    %add3A_17 = arith.addf %add3A_15, %slice3A_16 : vector<8x2048xf32>
    %slice3A_18 = vector.extract_strided_slice %transpose3A {offsets = [56, 0], sizes = [8, 2048], strides = [1, 1]} : vector<128x2048xf32> to vector<8x2048xf32>
    %add3A_19 = arith.addf %add3A_17, %slice3A_18 : vector<8x2048xf32>
    %slice3A_20 = vector.extract_strided_slice %transpose3A {offsets = [64, 0], sizes = [8, 2048], strides = [1, 1]} : vector<128x2048xf32> to vector<8x2048xf32>
    %add3A_21 = arith.addf %add3A_19, %slice3A_20 : vector<8x2048xf32>
    %slice3A_22 = vector.extract_strided_slice %transpose3A {offsets = [72, 0], sizes = [8, 2048], strides = [1, 1]} : vector<128x2048xf32> to vector<8x2048xf32>
    %add3A_23 = arith.addf %add3A_21, %slice3A_22 : vector<8x2048xf32>
    %slice3A_24 = vector.extract_strided_slice %transpose3A {offsets = [80, 0], sizes = [8, 2048], strides = [1, 1]} : vector<128x2048xf32> to vector<8x2048xf32>
    %add3A_25 = arith.addf %add3A_23, %slice3A_24 : vector<8x2048xf32>
    %slice3A_26 = vector.extract_strided_slice %transpose3A {offsets = [88, 0], sizes = [8, 2048], strides = [1, 1]} : vector<128x2048xf32> to vector<8x2048xf32>
    %add3A_27 = arith.addf %add3A_25, %slice3A_26 : vector<8x2048xf32>
    %slice3A_28 = vector.extract_strided_slice %transpose3A {offsets = [96, 0], sizes = [8, 2048], strides = [1, 1]} : vector<128x2048xf32> to vector<8x2048xf32>
    %add3A_29 = arith.addf %add3A_27, %slice3A_28 : vector<8x2048xf32>
    %slice3A_30 = vector.extract_strided_slice %transpose3A {offsets = [104, 0], sizes = [8, 2048], strides = [1, 1]} : vector<128x2048xf32> to vector<8x2048xf32>
    %add3A_31 = arith.addf %add3A_29, %slice3A_30 : vector<8x2048xf32>
    %slice3A_32 = vector.extract_strided_slice %transpose3A {offsets = [112, 0], sizes = [8, 2048], strides = [1, 1]} : vector<128x2048xf32> to vector<8x2048xf32>
    %add3A_33 = arith.addf %add3A_31, %slice3A_32 : vector<8x2048xf32>
    %slice3A_34 = vector.extract_strided_slice %transpose3A {offsets = [120, 0], sizes = [8, 2048], strides = [1, 1]} : vector<128x2048xf32> to vector<8x2048xf32>
    %add3A_35 = arith.addf %add3A_33, %slice3A_34 : vector<8x2048xf32>
    %slice3A_36 = vector.extract_strided_slice %add3A_35 {offsets = [0, 0], sizes = [4, 2048], strides = [1, 1]} : vector<8x2048xf32> to vector<4x2048xf32>
    %slice3A_37 = vector.extract_strided_slice %add3A_35 {offsets = [4, 0], sizes = [4, 2048], strides = [1, 1]} : vector<8x2048xf32> to vector<4x2048xf32>
    %add3A_38 = arith.addf %slice3A_36, %slice3A_37 : vector<4x2048xf32>
    %slice3A_39 = vector.extract_strided_slice %add3A_38 {offsets = [0, 0], sizes = [2, 2048], strides = [1, 1]} : vector<4x2048xf32> to vector<2x2048xf32>
    %slice3A_40 = vector.extract_strided_slice %add3A_38 {offsets = [2, 0], sizes = [2, 2048], strides = [1, 1]} : vector<4x2048xf32> to vector<2x2048xf32>
    %add3A_41 = arith.addf %slice3A_39, %slice3A_40 : vector<2x2048xf32>
    %slice3A_42 = vector.extract_strided_slice %add3A_41 {offsets = [0, 0], sizes = [1, 2048], strides = [1, 1]} : vector<2x2048xf32> to vector<1x2048xf32>
    %slice3A_43 = vector.extract_strided_slice %add3A_41 {offsets = [1, 0], sizes = [1, 2048], strides = [1, 1]} : vector<2x2048xf32> to vector<1x2048xf32>
    %add3A_44 = arith.addf %slice3A_42, %slice3A_43 : vector<1x2048xf32>
    %get3A_45 = arith.constant 0 : index
    %get3A_46 = arith.constant 0 : index
    %get3A_47 = vector.load %arg3[%get3A_45, %get3A_46] : memref<1024x256xf32, #tpu.memory_space<vmem>>, vector<1024x256xf32>
    %dot_general3A = arith.constant dense<0.000000e+00> : vector<1024x2048xf32>
    %dot_general3A_48 = tpu.matmul %get3A_47, %get3A_3, %dot_general3A {dimension_numbers = #tpu.dot_dimension_numbers<[1], [1], [0], [0], [0, 0, 1, 0], [], []>, transpose_lhs_hint = false} : vector<1024x256xf32>, vector<2048x256xf32>, vector<1024x2048xf32> -> vector<1024x2048xf32>
    %mul3A_49 = arith.constant 2.000000e+00 : f32
    %mul3A_50 = vector.broadcast %mul3A_49 : f32 to vector<1024x2048xf32>
    %mul3A_51 = arith.mulf %mul3A_50, %dot_general3A_48 : vector<1024x2048xf32>
    %sub3A = vector.broadcast %add3A_44 : vector<1x2048xf32> to vector<1024x2048xf32>
    %sub3A_52 = arith.subf %sub3A, %mul3A_51 : vector<1024x2048xf32>
    %get3A_53 = arith.constant 0 : index
    %get3A_54 = arith.constant 0 : index
    %get3A_55 = vector.load %arg1[%get3A_53, %get3A_54] : memref<1024x1xf32, #tpu.memory_space<vmem>>, vector<1024x1xf32>
    %add3A_56 = vector.broadcast %get3A_55 : vector<1024x1xf32> to vector<1024x2048xf32>
    %add3A_57 = arith.addf %sub3A_52, %add3A_56 : vector<1024x2048xf32>
    %reduce_min3A = arith.constant dense<0x7F800000> : vector<2048xf32>
    %reduce_min3A_58 = vector.multi_reduction <minimumf>, %add3A_57, %reduce_min3A [0] : vector<1024x2048xf32> to vector<2048xf32>
    %broadcast_in_dim3A = vector.shape_cast %reduce_min3A_58 : vector<2048xf32> to vector<1x2048xf32>
    %iota3A = tpu.iota {dimensions = array<i32: 0>} : vector<1024x2048xi32>
    %eq3A_59 = vector.broadcast %broadcast_in_dim3A : vector<1x2048xf32> to vector<1024x2048xf32>
    %eq3A_60 = arith.cmpf oeq, %add3A_57, %eq3A_59 : vector<1024x2048xf32>
    %jit3A = arith.constant 1024 : i32
    %broadcast_in_dim3A_61 = vector.broadcast %jit3A : i32 to vector<1024x2048xi32>
    %select_n3A = arith.select %eq3A_60, %iota3A, %broadcast_in_dim3A_61 : vector<1024x2048xi1>, vector<1024x2048xi32>
    %reduce_min3A_62 = arith.constant dense<2147483647> : vector<2048xi32>
    %reduce_min3A_63 = vector.multi_reduction <minsi>, %select_n3A, %reduce_min3A_62 [0] : vector<1024x2048xi32> to vector<2048xi32>
    %broadcast_in_dim3A_64 = vector.shape_cast %reduce_min3A_63 : vector<2048xi32> to vector<1x2048xi32>
    %broadcast_in_dim3A_65 = vector.shape_cast %broadcast_in_dim3A_64 : vector<1x2048xi32> to vector<1x1x2048xi32>
    %swap3A = arith.constant 0 : index
    %swap3A_66 = arith.constant 0 : index
    %swap3A_67 = arith.constant 0 : index
    %swap3A_68 = vector.load %arg4[%swap3A, %swap3A_66, %swap3A_67] : memref<1x1x2048xi32, #tpu.memory_space<vmem>>, vector<1x1x2048xi32>
    tpu.vector_store %arg4[%swap3A, %swap3A_66, %swap3A_67], %broadcast_in_dim3A_65 {strides = array<i32>} : memref<1x1x2048xi32, #tpu.memory_space<vmem>>, vector<1x1x2048xi32>,
    %get3A_69 = arith.constant 0 : index
    %get3A_70 = memref.load %arg5[%get3A_69] : memref<1xf32, #tpu.memory_space<smem>>
    %reduce_sum3A = vector.shape_cast %broadcast_in_dim3A : vector<1x2048xf32> to vector<1x1x2048xf32>
    %reduce_sum3A_71 = arith.constant dense<0.000000e+00> : vector<1xf32>
    %reduce_sum3A_72 = vector.multi_reduction <add>, %reduce_sum3A, %reduce_sum3A_71 [1, 2] : vector<1x1x2048xf32> to vector<1xf32>
    %reduce_sum3A_73 = vector.shape_cast %reduce_sum3A_72 : vector<1xf32> to vector<1x1x1xf32>
    %reduce_sum3A_74 = vector.extract %reduce_sum3A_73[0, 0, 0] : f32 from vector<1x1x1xf32>
    %add3A_75 = arith.addf %get3A_70, %reduce_sum3A_74 : f32
    %swap3A_76 = arith.constant 0 : index
    %swap3A_77 = memref.load %arg5[%swap3A_76] : memref<1xf32, #tpu.memory_space<smem>>
    memref.store %add3A_75, %arg5[%swap3A_76] : memref<1xf32, #tpu.memory_space<smem>>
    return
  }
  func.func @transform_0(%arg0: i32) -> (i32, i32) {
    %c0_i32 = arith.constant 0 : i32
    %c0_i32_0 = arith.constant 0 : i32
    %c0_i32_1 = arith.constant 0 : i32
    return %c0_i32, %c0_i32_0 : i32, i32
  }
  func.func @transform_1(%arg0: i32) -> (i32, i32) {
    %c0_i32 = arith.constant 0 : i32
    %c0_i32_0 = arith.constant 0 : i32
    return %arg0, %c0_i32 : i32, i32
  }
  func.func @transform_2(%arg0: i32) -> (i32, i32) {
    %c0_i32 = arith.constant 0 : i32
    %c0_i32_0 = arith.constant 0 : i32
    %c0_i32_1 = arith.constant 0 : i32
    return %c0_i32, %c0_i32_0 : i32, i32
  }
  func.func @transform_3(%arg0: i32) -> (i32, i32, i32) {
    %c0_i32 = arith.constant 0 : i32
    %c0_i32_0 = arith.constant 0 : i32
    %c0_i32_1 = arith.constant 0 : i32
    return %arg0, %c0_i32, %c0_i32_0 : i32, i32, i32
  }
  func.func @transform_4(%arg0: i32) -> i32 {
    %c0_i32 = arith.constant 0 : i32
    %c0_i32_0 = arith.constant 0 : i32
    return %c0_i32 : i32
  }
}

module attributes {stable_mosaic.version = 14 : i64} {
  func.func @body(%arg0: i32, %arg1: memref<512x1xf32, #tpu.memory_space<vmem>>, %arg2: memref<2048x256xf32, #tpu.memory_space<vmem>>, %arg3: memref<2048x256xf32, #tpu.memory_space<vmem>>, %arg4: memref<512x256xf32, #tpu.memory_space<vmem>>, %arg5: memref<1x1x2048xi32, #tpu.memory_space<vmem>>, %arg6: memref<1xf32, #tpu.memory_space<smem>>) attributes {dimension_semantics = [#tpu.dimension_semantics<arbitrary>], iteration_bounds = array<i64: 8>, scalar_prefetch = 0 : i64, scratch_operands = 0 : i64, tpu.core_type = #tpu.core_type<tc>, window_params = [{pipeline_mode = #tpu.pipeline_mode<synchronous>, transform_indices = @transform_0, window_bounds = array<i64: 512, 1>}, {transform_indices = @transform_1, window_bounds = array<i64: 2048, 256>}, {transform_indices = @transform_2, window_bounds = array<i64: 2048, 256>}, {pipeline_mode = #tpu.pipeline_mode<synchronous>, transform_indices = @transform_3, window_bounds = array<i64: 512, 256>}, {transform_indices = @transform_4, window_bounds = array<i64: 1, 1, 2048>}, {transform_indices = @transform_5, window_bounds = array<i64: 1>}]} {
    %eq3A = arith.constant 0 : i32
    %eq3A_0 = arith.cmpi eq, %arg0, %eq3A : i32
    %convert_element_type3A = arith.extui %eq3A_0 : i1 to i32
    %cond3A = arith.constant 0 : i32
    %cond3A_1 = arith.cmpi ne, %convert_element_type3A, %cond3A : i32
    scf.if %cond3A_1 {
      %swap3A_82 = arith.constant 0.000000e+00 : f32
      %swap3A_83 = arith.constant 0 : index
      %swap3A_84 = memref.load %arg6[%swap3A_83] : memref<1xf32, #tpu.memory_space<smem>>
      memref.store %swap3A_82, %arg6[%swap3A_83] : memref<1xf32, #tpu.memory_space<smem>>
    } else {
    }
    %get3A = arith.constant 0 : index
    %get3A_2 = arith.constant 0 : index
    %get3A_3 = vector.load %arg2[%get3A, %get3A_2] : memref<2048x256xf32, #tpu.memory_space<vmem>>, vector<2048x256xf32>
    %get3A_4 = arith.constant 0 : index
    %get3A_5 = arith.constant 0 : index
    %get3A_6 = vector.load %arg3[%get3A_4, %get3A_5] : memref<2048x256xf32, #tpu.memory_space<vmem>>, vector<2048x256xf32>
    %sub3A = arith.subf %get3A_3, %get3A_6 : vector<2048x256xf32>
    %mul3A = arith.mulf %sub3A, %sub3A : vector<2048x256xf32>
    %slice3A = vector.extract_strided_slice %mul3A {offsets = [0, 0], sizes = [2048, 128], strides = [1, 1]} : vector<2048x256xf32> to vector<2048x128xf32>
    %slice3A_7 = vector.extract_strided_slice %mul3A {offsets = [0, 128], sizes = [2048, 128], strides = [1, 1]} : vector<2048x256xf32> to vector<2048x128xf32>
    %add3A = arith.addf %slice3A, %slice3A_7 : vector<2048x128xf32>
    %transpose3A = tpu.transpose %add3A, [1, 0] : vector<2048x128xf32> -> vector<128x2048xf32>
    %slice3A_8 = vector.extract_strided_slice %transpose3A {offsets = [0, 0], sizes = [8, 2048], strides = [1, 1]} : vector<128x2048xf32> to vector<8x2048xf32>
    %slice3A_9 = vector.extract_strided_slice %transpose3A {offsets = [8, 0], sizes = [8, 2048], strides = [1, 1]} : vector<128x2048xf32> to vector<8x2048xf32>
    %add3A_10 = arith.addf %slice3A_8, %slice3A_9 : vector<8x2048xf32>
    %slice3A_11 = vector.extract_strided_slice %transpose3A {offsets = [16, 0], sizes = [8, 2048], strides = [1, 1]} : vector<128x2048xf32> to vector<8x2048xf32>
    %add3A_12 = arith.addf %add3A_10, %slice3A_11 : vector<8x2048xf32>
    %slice3A_13 = vector.extract_strided_slice %transpose3A {offsets = [24, 0], sizes = [8, 2048], strides = [1, 1]} : vector<128x2048xf32> to vector<8x2048xf32>
    %add3A_14 = arith.addf %add3A_12, %slice3A_13 : vector<8x2048xf32>
    %slice3A_15 = vector.extract_strided_slice %transpose3A {offsets = [32, 0], sizes = [8, 2048], strides = [1, 1]} : vector<128x2048xf32> to vector<8x2048xf32>
    %add3A_16 = arith.addf %add3A_14, %slice3A_15 : vector<8x2048xf32>
    %slice3A_17 = vector.extract_strided_slice %transpose3A {offsets = [40, 0], sizes = [8, 2048], strides = [1, 1]} : vector<128x2048xf32> to vector<8x2048xf32>
    %add3A_18 = arith.addf %add3A_16, %slice3A_17 : vector<8x2048xf32>
    %slice3A_19 = vector.extract_strided_slice %transpose3A {offsets = [48, 0], sizes = [8, 2048], strides = [1, 1]} : vector<128x2048xf32> to vector<8x2048xf32>
    %add3A_20 = arith.addf %add3A_18, %slice3A_19 : vector<8x2048xf32>
    %slice3A_21 = vector.extract_strided_slice %transpose3A {offsets = [56, 0], sizes = [8, 2048], strides = [1, 1]} : vector<128x2048xf32> to vector<8x2048xf32>
    %add3A_22 = arith.addf %add3A_20, %slice3A_21 : vector<8x2048xf32>
    %slice3A_23 = vector.extract_strided_slice %transpose3A {offsets = [64, 0], sizes = [8, 2048], strides = [1, 1]} : vector<128x2048xf32> to vector<8x2048xf32>
    %add3A_24 = arith.addf %add3A_22, %slice3A_23 : vector<8x2048xf32>
    %slice3A_25 = vector.extract_strided_slice %transpose3A {offsets = [72, 0], sizes = [8, 2048], strides = [1, 1]} : vector<128x2048xf32> to vector<8x2048xf32>
    %add3A_26 = arith.addf %add3A_24, %slice3A_25 : vector<8x2048xf32>
    %slice3A_27 = vector.extract_strided_slice %transpose3A {offsets = [80, 0], sizes = [8, 2048], strides = [1, 1]} : vector<128x2048xf32> to vector<8x2048xf32>
    %add3A_28 = arith.addf %add3A_26, %slice3A_27 : vector<8x2048xf32>
    %slice3A_29 = vector.extract_strided_slice %transpose3A {offsets = [88, 0], sizes = [8, 2048], strides = [1, 1]} : vector<128x2048xf32> to vector<8x2048xf32>
    %add3A_30 = arith.addf %add3A_28, %slice3A_29 : vector<8x2048xf32>
    %slice3A_31 = vector.extract_strided_slice %transpose3A {offsets = [96, 0], sizes = [8, 2048], strides = [1, 1]} : vector<128x2048xf32> to vector<8x2048xf32>
    %add3A_32 = arith.addf %add3A_30, %slice3A_31 : vector<8x2048xf32>
    %slice3A_33 = vector.extract_strided_slice %transpose3A {offsets = [104, 0], sizes = [8, 2048], strides = [1, 1]} : vector<128x2048xf32> to vector<8x2048xf32>
    %add3A_34 = arith.addf %add3A_32, %slice3A_33 : vector<8x2048xf32>
    %slice3A_35 = vector.extract_strided_slice %transpose3A {offsets = [112, 0], sizes = [8, 2048], strides = [1, 1]} : vector<128x2048xf32> to vector<8x2048xf32>
    %add3A_36 = arith.addf %add3A_34, %slice3A_35 : vector<8x2048xf32>
    %slice3A_37 = vector.extract_strided_slice %transpose3A {offsets = [120, 0], sizes = [8, 2048], strides = [1, 1]} : vector<128x2048xf32> to vector<8x2048xf32>
    %add3A_38 = arith.addf %add3A_36, %slice3A_37 : vector<8x2048xf32>
    %slice3A_39 = vector.extract_strided_slice %add3A_38 {offsets = [0, 0], sizes = [4, 2048], strides = [1, 1]} : vector<8x2048xf32> to vector<4x2048xf32>
    %slice3A_40 = vector.extract_strided_slice %add3A_38 {offsets = [4, 0], sizes = [4, 2048], strides = [1, 1]} : vector<8x2048xf32> to vector<4x2048xf32>
    %add3A_41 = arith.addf %slice3A_39, %slice3A_40 : vector<4x2048xf32>
    %slice3A_42 = vector.extract_strided_slice %add3A_41 {offsets = [0, 0], sizes = [2, 2048], strides = [1, 1]} : vector<4x2048xf32> to vector<2x2048xf32>
    %slice3A_43 = vector.extract_strided_slice %add3A_41 {offsets = [2, 0], sizes = [2, 2048], strides = [1, 1]} : vector<4x2048xf32> to vector<2x2048xf32>
    %add3A_44 = arith.addf %slice3A_42, %slice3A_43 : vector<2x2048xf32>
    %slice3A_45 = vector.extract_strided_slice %add3A_44 {offsets = [0, 0], sizes = [1, 2048], strides = [1, 1]} : vector<2x2048xf32> to vector<1x2048xf32>
    %slice3A_46 = vector.extract_strided_slice %add3A_44 {offsets = [1, 0], sizes = [1, 2048], strides = [1, 1]} : vector<2x2048xf32> to vector<1x2048xf32>
    %add3A_47 = arith.addf %slice3A_45, %slice3A_46 : vector<1x2048xf32>
    %get3A_48 = arith.constant 0 : index
    %get3A_49 = arith.constant 0 : index
    %get3A_50 = vector.load %arg4[%get3A_48, %get3A_49] : memref<512x256xf32, #tpu.memory_space<vmem>>, vector<512x256xf32>
    %dot_general3A = arith.constant dense<0.000000e+00> : vector<512x2048xf32>
    %dot_general3A_51 = tpu.matmul %get3A_50, %sub3A, %dot_general3A {dimension_numbers = #tpu.dot_dimension_numbers<[1], [1], [0], [0], [0, 0, 1, 0], [], []>, transpose_lhs_hint = false} : vector<512x256xf32>, vector<2048x256xf32>, vector<512x2048xf32> -> vector<512x2048xf32>
    %mul3A_52 = arith.constant 2.000000e+00 : f32
    %mul3A_53 = vector.broadcast %mul3A_52 : f32 to vector<512x2048xf32>
    %mul3A_54 = arith.mulf %mul3A_53, %dot_general3A_51 : vector<512x2048xf32>
    %sub3A_55 = vector.broadcast %add3A_47 : vector<1x2048xf32> to vector<512x2048xf32>
    %sub3A_56 = arith.subf %sub3A_55, %mul3A_54 : vector<512x2048xf32>
    %get3A_57 = arith.constant 0 : index
    %get3A_58 = arith.constant 0 : index
    %get3A_59 = vector.load %arg1[%get3A_57, %get3A_58] : memref<512x1xf32, #tpu.memory_space<vmem>>, vector<512x1xf32>
    %add3A_60 = vector.broadcast %get3A_59 : vector<512x1xf32> to vector<512x2048xf32>
    %add3A_61 = arith.addf %sub3A_56, %add3A_60 : vector<512x2048xf32>
    %reduce_min3A = arith.constant dense<0x7F800000> : vector<2048xf32>
    %reduce_min3A_62 = vector.multi_reduction <minimumf>, %add3A_61, %reduce_min3A [0] : vector<512x2048xf32> to vector<2048xf32>
    %broadcast_in_dim3A = vector.shape_cast %reduce_min3A_62 : vector<2048xf32> to vector<1x2048xf32>
    %iota3A = tpu.iota {dimensions = array<i32: 0>} : vector<512x2048xi32>
    %eq3A_63 = vector.broadcast %broadcast_in_dim3A : vector<1x2048xf32> to vector<512x2048xf32>
    %eq3A_64 = arith.cmpf oeq, %add3A_61, %eq3A_63 : vector<512x2048xf32>
    %jit3A = arith.constant 512 : i32
    %broadcast_in_dim3A_65 = vector.broadcast %jit3A : i32 to vector<512x2048xi32>
    %select_n3A = arith.select %eq3A_64, %iota3A, %broadcast_in_dim3A_65 : vector<512x2048xi1>, vector<512x2048xi32>
    %reduce_min3A_66 = arith.constant dense<2147483647> : vector<2048xi32>
    %reduce_min3A_67 = vector.multi_reduction <minsi>, %select_n3A, %reduce_min3A_66 [0] : vector<512x2048xi32> to vector<2048xi32>
    %broadcast_in_dim3A_68 = vector.shape_cast %reduce_min3A_67 : vector<2048xi32> to vector<1x2048xi32>
    %broadcast_in_dim3A_69 = vector.shape_cast %broadcast_in_dim3A_68 : vector<1x2048xi32> to vector<1x1x2048xi32>
    %swap3A = arith.constant 0 : index
    %swap3A_70 = arith.constant 0 : index
    %swap3A_71 = arith.constant 0 : index
    %swap3A_72 = vector.load %arg5[%swap3A, %swap3A_70, %swap3A_71] : memref<1x1x2048xi32, #tpu.memory_space<vmem>>, vector<1x1x2048xi32>
    tpu.vector_store %arg5[%swap3A, %swap3A_70, %swap3A_71], %broadcast_in_dim3A_69 {strides = array<i32>} : memref<1x1x2048xi32, #tpu.memory_space<vmem>>, vector<1x1x2048xi32>,
    %get3A_73 = arith.constant 0 : index
    %get3A_74 = memref.load %arg6[%get3A_73] : memref<1xf32, #tpu.memory_space<smem>>
    %reduce_sum3A = vector.shape_cast %broadcast_in_dim3A : vector<1x2048xf32> to vector<1x1x2048xf32>
    %reduce_sum3A_75 = arith.constant dense<0.000000e+00> : vector<1xf32>
    %reduce_sum3A_76 = vector.multi_reduction <add>, %reduce_sum3A, %reduce_sum3A_75 [1, 2] : vector<1x1x2048xf32> to vector<1xf32>
    %reduce_sum3A_77 = vector.shape_cast %reduce_sum3A_76 : vector<1xf32> to vector<1x1x1xf32>
    %reduce_sum3A_78 = vector.extract %reduce_sum3A_77[0, 0, 0] : f32 from vector<1x1x1xf32>
    %add3A_79 = arith.addf %get3A_74, %reduce_sum3A_78 : f32
    %swap3A_80 = arith.constant 0 : index
    %swap3A_81 = memref.load %arg6[%swap3A_80] : memref<1xf32, #tpu.memory_space<smem>>
    memref.store %add3A_79, %arg6[%swap3A_80] : memref<1xf32, #tpu.memory_space<smem>>
    return
  }
  func.func @transform_0(%arg0: i32) -> (i32, i32) {
    %c0_i32 = arith.constant 0 : i32
    %c0_i32_0 = arith.constant 0 : i32
    %c0_i32_1 = arith.constant 0 : i32
    return %c0_i32, %c0_i32_0 : i32, i32
  }
  func.func @transform_1(%arg0: i32) -> (i32, i32) {
    %c0_i32 = arith.constant 0 : i32
    %c0_i32_0 = arith.constant 0 : i32
    return %arg0, %c0_i32 : i32, i32
  }
  func.func @transform_2(%arg0: i32) -> (i32, i32) {
    %c0_i32 = arith.constant 0 : i32
    %c0_i32_0 = arith.constant 0 : i32
    return %arg0, %c0_i32 : i32, i32
  }
  func.func @transform_3(%arg0: i32) -> (i32, i32) {
    %c0_i32 = arith.constant 0 : i32
    %c0_i32_0 = arith.constant 0 : i32
    %c0_i32_1 = arith.constant 0 : i32
    return %c0_i32, %c0_i32_0 : i32, i32
  }
  func.func @transform_4(%arg0: i32) -> (i32, i32, i32) {
    %c0_i32 = arith.constant 0 : i32
    %c0_i32_0 = arith.constant 0 : i32
    %c0_i32_1 = arith.constant 0 : i32
    return %arg0, %c0_i32, %c0_i32_0 : i32, i32, i32
  }
  func.func @transform_5(%arg0: i32) -> i32 {
    %c0_i32 = arith.constant 0 : i32
    %c0_i32_0 = arith.constant 0 : i32
    return %c0_i32 : i32
  }
}

module attributes {stable_mosaic.version = 14 : i64} {
  func.func @body(%arg0: i32, %arg1: memref<256x1xf32, #tpu.memory_space<vmem>>, %arg2: memref<2048x256xf32, #tpu.memory_space<vmem>>, %arg3: memref<2048x256xf32, #tpu.memory_space<vmem>>, %arg4: memref<2048x256xf32, #tpu.memory_space<vmem>>, %arg5: memref<256x256xf32, #tpu.memory_space<vmem>>, %arg6: memref<1x1x2048xi32, #tpu.memory_space<vmem>>, %arg7: memref<1xf32, #tpu.memory_space<smem>>, %arg8: memref<2048x256xf32, #tpu.memory_space<vmem>>) attributes {dimension_semantics = [#tpu.dimension_semantics<arbitrary>], iteration_bounds = array<i64: 8>, scalar_prefetch = 0 : i64, scratch_operands = 0 : i64, tpu.core_type = #tpu.core_type<tc>, window_params = [{pipeline_mode = #tpu.pipeline_mode<synchronous>, transform_indices = @transform_0, window_bounds = array<i64: 256, 1>}, {transform_indices = @transform_1, window_bounds = array<i64: 2048, 256>}, {transform_indices = @transform_2, window_bounds = array<i64: 2048, 256>}, {transform_indices = @transform_3, window_bounds = array<i64: 2048, 256>}, {pipeline_mode = #tpu.pipeline_mode<synchronous>, transform_indices = @transform_4, window_bounds = array<i64: 256, 256>}, {transform_indices = @transform_5, window_bounds = array<i64: 1, 1, 2048>}, {transform_indices = @transform_6, window_bounds = array<i64: 1>}, {transform_indices = @transform_7, window_bounds = array<i64: 2048, 256>}]} {
    %eq3A = arith.constant 0 : i32
    %eq3A_0 = arith.cmpi eq, %arg0, %eq3A : i32
    %convert_element_type3A = arith.extui %eq3A_0 : i1 to i32
    %cond3A = arith.constant 0 : i32
    %cond3A_1 = arith.cmpi ne, %convert_element_type3A, %cond3A : i32
    scf.if %cond3A_1 {
      %swap3A_96 = arith.constant 0.000000e+00 : f32
      %swap3A_97 = arith.constant 0 : index
      %swap3A_98 = memref.load %arg7[%swap3A_97] : memref<1xf32, #tpu.memory_space<smem>>
      memref.store %swap3A_96, %arg7[%swap3A_97] : memref<1xf32, #tpu.memory_space<smem>>
    } else {
    }
    %get3A = arith.constant 0 : index
    %get3A_2 = arith.constant 0 : index
    %get3A_3 = vector.load %arg2[%get3A, %get3A_2] : memref<2048x256xf32, #tpu.memory_space<vmem>>, vector<2048x256xf32>
    %get3A_4 = arith.constant 0 : index
    %get3A_5 = arith.constant 0 : index
    %get3A_6 = vector.load %arg3[%get3A_4, %get3A_5] : memref<2048x256xf32, #tpu.memory_space<vmem>>, vector<2048x256xf32>
    %sub3A = arith.subf %get3A_3, %get3A_6 : vector<2048x256xf32>
    %get3A_7 = arith.constant 0 : index
    %get3A_8 = arith.constant 0 : index
    %get3A_9 = vector.load %arg4[%get3A_7, %get3A_8] : memref<2048x256xf32, #tpu.memory_space<vmem>>, vector<2048x256xf32>
    %sub3A_10 = arith.subf %sub3A, %get3A_9 : vector<2048x256xf32>
    %mul3A = arith.mulf %sub3A_10, %sub3A_10 : vector<2048x256xf32>
    %slice3A = vector.extract_strided_slice %mul3A {offsets = [0, 0], sizes = [2048, 128], strides = [1, 1]} : vector<2048x256xf32> to vector<2048x128xf32>
    %slice3A_11 = vector.extract_strided_slice %mul3A {offsets = [0, 128], sizes = [2048, 128], strides = [1, 1]} : vector<2048x256xf32> to vector<2048x128xf32>
    %add3A = arith.addf %slice3A, %slice3A_11 : vector<2048x128xf32>
    %transpose3A = tpu.transpose %add3A, [1, 0] : vector<2048x128xf32> -> vector<128x2048xf32>
    %slice3A_12 = vector.extract_strided_slice %transpose3A {offsets = [0, 0], sizes = [8, 2048], strides = [1, 1]} : vector<128x2048xf32> to vector<8x2048xf32>
    %slice3A_13 = vector.extract_strided_slice %transpose3A {offsets = [8, 0], sizes = [8, 2048], strides = [1, 1]} : vector<128x2048xf32> to vector<8x2048xf32>
    %add3A_14 = arith.addf %slice3A_12, %slice3A_13 : vector<8x2048xf32>
    %slice3A_15 = vector.extract_strided_slice %transpose3A {offsets = [16, 0], sizes = [8, 2048], strides = [1, 1]} : vector<128x2048xf32> to vector<8x2048xf32>
    %add3A_16 = arith.addf %add3A_14, %slice3A_15 : vector<8x2048xf32>
    %slice3A_17 = vector.extract_strided_slice %transpose3A {offsets = [24, 0], sizes = [8, 2048], strides = [1, 1]} : vector<128x2048xf32> to vector<8x2048xf32>
    %add3A_18 = arith.addf %add3A_16, %slice3A_17 : vector<8x2048xf32>
    %slice3A_19 = vector.extract_strided_slice %transpose3A {offsets = [32, 0], sizes = [8, 2048], strides = [1, 1]} : vector<128x2048xf32> to vector<8x2048xf32>
    %add3A_20 = arith.addf %add3A_18, %slice3A_19 : vector<8x2048xf32>
    %slice3A_21 = vector.extract_strided_slice %transpose3A {offsets = [40, 0], sizes = [8, 2048], strides = [1, 1]} : vector<128x2048xf32> to vector<8x2048xf32>
    %add3A_22 = arith.addf %add3A_20, %slice3A_21 : vector<8x2048xf32>
    %slice3A_23 = vector.extract_strided_slice %transpose3A {offsets = [48, 0], sizes = [8, 2048], strides = [1, 1]} : vector<128x2048xf32> to vector<8x2048xf32>
    %add3A_24 = arith.addf %add3A_22, %slice3A_23 : vector<8x2048xf32>
    %slice3A_25 = vector.extract_strided_slice %transpose3A {offsets = [56, 0], sizes = [8, 2048], strides = [1, 1]} : vector<128x2048xf32> to vector<8x2048xf32>
    %add3A_26 = arith.addf %add3A_24, %slice3A_25 : vector<8x2048xf32>
    %slice3A_27 = vector.extract_strided_slice %transpose3A {offsets = [64, 0], sizes = [8, 2048], strides = [1, 1]} : vector<128x2048xf32> to vector<8x2048xf32>
    %add3A_28 = arith.addf %add3A_26, %slice3A_27 : vector<8x2048xf32>
    %slice3A_29 = vector.extract_strided_slice %transpose3A {offsets = [72, 0], sizes = [8, 2048], strides = [1, 1]} : vector<128x2048xf32> to vector<8x2048xf32>
    %add3A_30 = arith.addf %add3A_28, %slice3A_29 : vector<8x2048xf32>
    %slice3A_31 = vector.extract_strided_slice %transpose3A {offsets = [80, 0], sizes = [8, 2048], strides = [1, 1]} : vector<128x2048xf32> to vector<8x2048xf32>
    %add3A_32 = arith.addf %add3A_30, %slice3A_31 : vector<8x2048xf32>
    %slice3A_33 = vector.extract_strided_slice %transpose3A {offsets = [88, 0], sizes = [8, 2048], strides = [1, 1]} : vector<128x2048xf32> to vector<8x2048xf32>
    %add3A_34 = arith.addf %add3A_32, %slice3A_33 : vector<8x2048xf32>
    %slice3A_35 = vector.extract_strided_slice %transpose3A {offsets = [96, 0], sizes = [8, 2048], strides = [1, 1]} : vector<128x2048xf32> to vector<8x2048xf32>
    %add3A_36 = arith.addf %add3A_34, %slice3A_35 : vector<8x2048xf32>
    %slice3A_37 = vector.extract_strided_slice %transpose3A {offsets = [104, 0], sizes = [8, 2048], strides = [1, 1]} : vector<128x2048xf32> to vector<8x2048xf32>
    %add3A_38 = arith.addf %add3A_36, %slice3A_37 : vector<8x2048xf32>
    %slice3A_39 = vector.extract_strided_slice %transpose3A {offsets = [112, 0], sizes = [8, 2048], strides = [1, 1]} : vector<128x2048xf32> to vector<8x2048xf32>
    %add3A_40 = arith.addf %add3A_38, %slice3A_39 : vector<8x2048xf32>
    %slice3A_41 = vector.extract_strided_slice %transpose3A {offsets = [120, 0], sizes = [8, 2048], strides = [1, 1]} : vector<128x2048xf32> to vector<8x2048xf32>
    %add3A_42 = arith.addf %add3A_40, %slice3A_41 : vector<8x2048xf32>
    %slice3A_43 = vector.extract_strided_slice %add3A_42 {offsets = [0, 0], sizes = [4, 2048], strides = [1, 1]} : vector<8x2048xf32> to vector<4x2048xf32>
    %slice3A_44 = vector.extract_strided_slice %add3A_42 {offsets = [4, 0], sizes = [4, 2048], strides = [1, 1]} : vector<8x2048xf32> to vector<4x2048xf32>
    %add3A_45 = arith.addf %slice3A_43, %slice3A_44 : vector<4x2048xf32>
    %slice3A_46 = vector.extract_strided_slice %add3A_45 {offsets = [0, 0], sizes = [2, 2048], strides = [1, 1]} : vector<4x2048xf32> to vector<2x2048xf32>
    %slice3A_47 = vector.extract_strided_slice %add3A_45 {offsets = [2, 0], sizes = [2, 2048], strides = [1, 1]} : vector<4x2048xf32> to vector<2x2048xf32>
    %add3A_48 = arith.addf %slice3A_46, %slice3A_47 : vector<2x2048xf32>
    %slice3A_49 = vector.extract_strided_slice %add3A_48 {offsets = [0, 0], sizes = [1, 2048], strides = [1, 1]} : vector<2x2048xf32> to vector<1x2048xf32>
    %slice3A_50 = vector.extract_strided_slice %add3A_48 {offsets = [1, 0], sizes = [1, 2048], strides = [1, 1]} : vector<2x2048xf32> to vector<1x2048xf32>
    %add3A_51 = arith.addf %slice3A_49, %slice3A_50 : vector<1x2048xf32>
    %get3A_52 = arith.constant 0 : index
    %get3A_53 = arith.constant 0 : index
    %get3A_54 = vector.load %arg5[%get3A_52, %get3A_53] : memref<256x256xf32, #tpu.memory_space<vmem>>, vector<256x256xf32>
    %dot_general3A = arith.constant dense<0.000000e+00> : vector<256x2048xf32>
    %dot_general3A_55 = tpu.matmul %get3A_54, %sub3A_10, %dot_general3A {dimension_numbers = #tpu.dot_dimension_numbers<[1], [1], [0], [0], [0, 0, 1, 0], [], []>, transpose_lhs_hint = false} : vector<256x256xf32>, vector<2048x256xf32>, vector<256x2048xf32> -> vector<256x2048xf32>
    %mul3A_56 = arith.constant 2.000000e+00 : f32
    %mul3A_57 = vector.broadcast %mul3A_56 : f32 to vector<256x2048xf32>
    %mul3A_58 = arith.mulf %mul3A_57, %dot_general3A_55 : vector<256x2048xf32>
    %sub3A_59 = vector.broadcast %add3A_51 : vector<1x2048xf32> to vector<256x2048xf32>
    %sub3A_60 = arith.subf %sub3A_59, %mul3A_58 : vector<256x2048xf32>
    %get3A_61 = arith.constant 0 : index
    %get3A_62 = arith.constant 0 : index
    %get3A_63 = vector.load %arg1[%get3A_61, %get3A_62] : memref<256x1xf32, #tpu.memory_space<vmem>>, vector<256x1xf32>
    %add3A_64 = vector.broadcast %get3A_63 : vector<256x1xf32> to vector<256x2048xf32>
    %add3A_65 = arith.addf %sub3A_60, %add3A_64 : vector<256x2048xf32>
    %reduce_min3A = arith.constant dense<0x7F800000> : vector<2048xf32>
    %reduce_min3A_66 = vector.multi_reduction <minimumf>, %add3A_65, %reduce_min3A [0] : vector<256x2048xf32> to vector<2048xf32>
    %broadcast_in_dim3A = vector.shape_cast %reduce_min3A_66 : vector<2048xf32> to vector<1x2048xf32>
    %iota3A = tpu.iota {dimensions = array<i32: 0>} : vector<256x2048xi32>
    %eq3A_67 = vector.broadcast %broadcast_in_dim3A : vector<1x2048xf32> to vector<256x2048xf32>
    %eq3A_68 = arith.cmpf oeq, %add3A_65, %eq3A_67 : vector<256x2048xf32>
    %jit3A = arith.constant 256 : i32
    %broadcast_in_dim3A_69 = vector.broadcast %jit3A : i32 to vector<256x2048xi32>
    %select_n3A = arith.select %eq3A_68, %iota3A, %broadcast_in_dim3A_69 : vector<256x2048xi1>, vector<256x2048xi32>
    %reduce_min3A_70 = arith.constant dense<2147483647> : vector<2048xi32>
    %reduce_min3A_71 = vector.multi_reduction <minsi>, %select_n3A, %reduce_min3A_70 [0] : vector<256x2048xi32> to vector<2048xi32>
    %broadcast_in_dim3A_72 = vector.shape_cast %reduce_min3A_71 : vector<2048xi32> to vector<1x2048xi32>
    %broadcast_in_dim3A_73 = vector.shape_cast %broadcast_in_dim3A_72 : vector<1x2048xi32> to vector<1x1x2048xi32>
    %swap3A = arith.constant 0 : index
    %swap3A_74 = arith.constant 0 : index
    %swap3A_75 = arith.constant 0 : index
    %swap3A_76 = vector.load %arg6[%swap3A, %swap3A_74, %swap3A_75] : memref<1x1x2048xi32, #tpu.memory_space<vmem>>, vector<1x1x2048xi32>
    tpu.vector_store %arg6[%swap3A, %swap3A_74, %swap3A_75], %broadcast_in_dim3A_73 {strides = array<i32>} : memref<1x1x2048xi32, #tpu.memory_space<vmem>>, vector<1x1x2048xi32>,
    %get3A_77 = arith.constant 0 : index
    %get3A_78 = memref.load %arg7[%get3A_77] : memref<1xf32, #tpu.memory_space<smem>>
    %reduce_sum3A = vector.shape_cast %broadcast_in_dim3A : vector<1x2048xf32> to vector<1x1x2048xf32>
    %reduce_sum3A_79 = arith.constant dense<0.000000e+00> : vector<1xf32>
    %reduce_sum3A_80 = vector.multi_reduction <add>, %reduce_sum3A, %reduce_sum3A_79 [1, 2] : vector<1x1x2048xf32> to vector<1xf32>
    %reduce_sum3A_81 = vector.shape_cast %reduce_sum3A_80 : vector<1xf32> to vector<1x1x1xf32>
    %reduce_sum3A_82 = vector.extract %reduce_sum3A_81[0, 0, 0] : f32 from vector<1x1x1xf32>
    %add3A_83 = arith.addf %get3A_78, %reduce_sum3A_82 : f32
    %swap3A_84 = arith.constant 0 : index
    %swap3A_85 = memref.load %arg7[%swap3A_84] : memref<1xf32, #tpu.memory_space<smem>>
    memref.store %add3A_83, %arg7[%swap3A_84] : memref<1xf32, #tpu.memory_space<smem>>
    %get3A_86 = arith.constant 0 : index
    %get3A_87 = arith.constant 0 : index
    %get3A_88 = vector.load %arg3[%get3A_86, %get3A_87] : memref<2048x256xf32, #tpu.memory_space<vmem>>, vector<2048x256xf32>
    %get3A_89 = arith.constant 0 : index
    %get3A_90 = arith.constant 0 : index
    %get3A_91 = vector.load %arg4[%get3A_89, %get3A_90] : memref<2048x256xf32, #tpu.memory_space<vmem>>, vector<2048x256xf32>
    %add3A_92 = arith.addf %get3A_88, %get3A_91 : vector<2048x256xf32>
    %swap3A_93 = arith.constant 0 : index
    %swap3A_94 = arith.constant 0 : index
    %swap3A_95 = vector.load %arg8[%swap3A_93, %swap3A_94] : memref<2048x256xf32, #tpu.memory_space<vmem>>, vector<2048x256xf32>
    tpu.vector_store %arg8[%swap3A_93, %swap3A_94], %add3A_92 {strides = array<i32>} : memref<2048x256xf32, #tpu.memory_space<vmem>>, vector<2048x256xf32>,
    return
  }
  func.func @transform_0(%arg0: i32) -> (i32, i32) {
    %c0_i32 = arith.constant 0 : i32
    %c0_i32_0 = arith.constant 0 : i32
    %c0_i32_1 = arith.constant 0 : i32
    return %c0_i32, %c0_i32_0 : i32, i32
  }
  func.func @transform_1(%arg0: i32) -> (i32, i32) {
    %c0_i32 = arith.constant 0 : i32
    %c0_i32_0 = arith.constant 0 : i32
    return %arg0, %c0_i32 : i32, i32
  }
  func.func @transform_2(%arg0: i32) -> (i32, i32) {
    %c0_i32 = arith.constant 0 : i32
    %c0_i32_0 = arith.constant 0 : i32
    return %arg0, %c0_i32 : i32, i32
  }
  func.func @transform_3(%arg0: i32) -> (i32, i32) {
    %c0_i32 = arith.constant 0 : i32
    %c0_i32_0 = arith.constant 0 : i32
    return %arg0, %c0_i32 : i32, i32
  }
  func.func @transform_4(%arg0: i32) -> (i32, i32) {
    %c0_i32 = arith.constant 0 : i32
    %c0_i32_0 = arith.constant 0 : i32
    %c0_i32_1 = arith.constant 0 : i32
    return %c0_i32, %c0_i32_0 : i32, i32
  }
  func.func @transform_5(%arg0: i32) -> (i32, i32, i32) {
    %c0_i32 = arith.constant 0 : i32
    %c0_i32_0 = arith.constant 0 : i32
    %c0_i32_1 = arith.constant 0 : i32
    return %arg0, %c0_i32, %c0_i32_0 : i32, i32, i32
  }
  func.func @transform_6(%arg0: i32) -> i32 {
    %c0_i32 = arith.constant 0 : i32
    %c0_i32_0 = arith.constant 0 : i32
    return %c0_i32 : i32
  }
  func.func @transform_7(%arg0: i32) -> (i32, i32) {
    %c0_i32 = arith.constant 0 : i32
    %c0_i32_0 = arith.constant 0 : i32
    return %arg0, %c0_i32 : i32, i32
  }
}

</mosaic_0001>

<sc_bundles>
// kernel: kernel.14.cloned.1.call-start
scs
__scs_entry_jumppad:
0x0: {  	(pc) =	sbr.rel $0x88, $3  }
0x1: {  	(tag) =	ssettag $0x0;
	lr =	simm.s32 $0x1  }
0x2: {  	[smem:$0x3F9D] =	sst lr;
	_ =	strace $0xD0000000  }
0x3: {  	_ = 	snop  }
0x4: {  	_ = 	snop  }
0x5: {  	_ = 	snop  }
0x6: {  	_ = 	snop  }
0x7: {  	_ = 	snop  }
__scs_overlays_trampoline_lowered:
0x8: {  	[smem:$0x3FAC] =	sst s0  }
0x9: {  	[smem:$0x3FAD] =	sst s1  }
0xa: {  	[smem:$0x3FAE] =	sst s2  }
0xb: {  	[smem:$0x3FAF] =	sst s3  }
0xc: {  	[smem:$0x3FB0] =	sst s4  }
0xd: {  	[smem:$0x3FB1] =	sst s5  }
0xe: {  	[smem:$0x3FB2] =	sst s6  }
0xf: {  	[smem:$0x3FB3] =	sst s7  }
0x10: {  	[smem:$0x3FB4] =	sst s8  }
0x11: {  	[smem:$0x3FB5] =	sst s9;
	s0 =	simm.s32 @!p0 $0x0  }
0x12: {  	s1 =	sld [smem:$0x3F9B];
	s0 =	simm.s32 @p0 $0x1  }
0x13: {  	[smem:$0x3FB6] =	sst s0;
	s0 =	simm.s32 @!p1 $0x0  }
0x14: {  	s2 =	sld [smem:$0x3F9A];
	s0 =	simm.s32 @p1 $0x1  }
0x15: {  	[smem:$0x3FB7] =	sst s0;
	s0 =	simm.s32 @!p2 $0x0  }
0x16: {  	s3 =	sld [smem:$0x3FDB];
	s0 =	simm.s32 @p2 $0x1  }
0x17: {  	s4 =	simm.s32 $0x1BF5;
	[smem:$0x3FB9] =	sst s0  }
0x18: {  	s0 =	sld [smem:$0x3F9C];
	_ =	swait.ge [sflag:s4], $0x0  }
0x19: {  	s7 =	sld [smem:$0x3F9D]  }
0x1a: {  	s8 =	sadd.s32 $0xFFFFE003, lr  }
0x1b: {  	s9 =	sadd.s32 $0xFFFFFEF7, lr;
	s5 =	simm.s32 $0xFFFFFFFF;
	p2 =	slt.u32 s8, $0xFFFFF086  }
0x1c: {  	p1 =	slt.u32 s9, $0xF7A;
	s5 =	simm.s32 @!p2 $0x0  }
0x1d: {  	s5 =	simm.s32 @p1 $0x1;
	p0 =	seq.s32 s7, s2  }
0x1e: {  	s7 =	smul.u32 @!p0 $0xF7A, s2;
	p2 =	seq.s32 @!p0 s5, $0x0  }
0x1f: {  	s9 =	smul.u32 $0xF7A, s1;
	s8 =	simm.s32 @!p0 $0x1BF5;
	p2 =	por !p2, p0  }
0x20: {  	[sflag:s8] =	ssyncset.s32 @!p0 $0xFFFFF086;
	s6 =	sadd.s32 @!p0 s3, s7;
	s7 =	simm.s32 @!p0 $0x108  }
0x21: {  	s3 =	sadd.s32 s3, s9;
	s6 =	sadd.s32 @!p0 $0x88, s6;
	s7 =	simm.s32 @p2 $0x1082  }
0x22: {  	[simem:s7], [sflag:s8] =	dma.local @!p0 [hbm:s6], $0xF7A  }
0x23: {  	s9 =	sor.u32 $0xD0000000, s2;
	s6 =	simm.s32 $0x108;
	_ =	swait.ge @!p0 [sflag:s8], $0x0  }
0x24: {  	s3 =	sadd.s32 $0x88, s3;
	s6 =	simm.s32 @!p1 $0x1082;
	[sflag:s4] =	ssyncset.s32 $0xFFFFF086  }
0x25: {  	[simem:s6], [sflag:s4] =	dma.local [hbm:s3], $0xF7A  }
0x26: {  	[smem:$0x3F9D] =	sst s1;
	(tag) =	ssettag s2;
	_ =	strace s9  }
0x27: {  	s1 =	sld [smem:$0x3FAD]  }
0x28: {  	s2 =	sld [smem:$0x3FAE]  }
0x29: {  	s4 =	sld [smem:$0x3FB0]  }
0x2a: {  	p0 =	seq.s32 s5, $0x0;
	s5 =	sld [smem:$0x3FB1]  }
0x2b: {  	s6 =	sld [smem:$0x3FB2]  }
0x2c: {  	s7 =	sld [smem:$0x3FB3]  }
0x2d: {  	s3 =	simm.s32 $0x108;
	s8 =	sld [smem:$0x3FB4]  }
0x2e: {  	s3 =	simm.s32 @!p0 $0x1082;
	s9 =	sld [smem:$0x3FB5]  }
0x2f: {  	lr =	sadd.s32 s0, s3;
	s0 =	sld [smem:$0x3FAC]  }
0x30: {  	s3 =	sld [smem:$0x3FAF]  }
0x31: {  	[smem:$0x3FB8] =	sst s10  }
0x32: {  	s10 =	sld [smem:$0x3FB6];
	_ =	sdelay $0x3  }
0x33: {  	p0 =	seq.s32 s10, $0x1;
	s10 =	sld [smem:$0x3FB8];
	_ =	sdelay $0x3  }
0x34: {  	[smem:$0x3FB8] =	sst s10  }
0x35: {  	s10 =	sld [smem:$0x3FB7];
	_ =	sdelay $0x3  }
0x36: {  	p1 =	seq.s32 s10, $0x1;
	s10 =	sld [smem:$0x3FB8];
	_ =	sdelay $0x3  }
0x37: {  	[smem:$0x3FB8] =	sst s10  }
0x38: {  	s10 =	sld [smem:$0x3FB9]  }
0x39: {  	_ = 	snop;
	(pc) =	sbr.ind lr, $3  }
0x3a: {  	_ = 	snop  }
0x3b: {  	_ = 	snop  }
0x3c: {  	p2 =	seq.s32 s10, $0x1;
	s10 =	sld [smem:$0x3FB8]  }
0x3d: {  	_ =	shalt  }
0x3e: {  	_ =	shalt  }
0x3f: {  	_ =	shalt  }
0x40: {  	_ =	shalt  }
0x41: {  	_ =	shalt  }
0x42: {  	_ =	shalt  }
0x43: {  	_ =	shalt  }
0x44: {  	_ =	shalt  }
0x45: {  	_ =	shalt  }
0x46: {  	_ =	shalt  }
0x47: {  	_ =	shalt  }
0x48: {  	_ =	shalt  }
0x49: {  	_ =	shalt  }
0x4a: {  	_ =	shalt  }
0x4b: {  	_ =	shalt  }
0x4c: {  	_ =	shalt  }
0x4d: {  	_ =	shalt  }
0x4e: {  	_ =	shalt  }
0x4f: {  	_ =	shalt  }
0x50: {  	_ =	shalt  }
0x51: {  	_ =	shalt  }
0x52: {  	_ =	shalt  }
0x53: {  	_ =	shalt  }
0x54: {  	_ =	shalt  }
0x55: {  	_ =	shalt  }
0x56: {  	_ =	shalt  }
0x57: {  	_ =	shalt  }
0x58: {  	_ =	shalt  }
0x59: {  	_ =	shalt  }
0x5a: {  	_ =	shalt  }
0x5b: {  	_ =	shalt  }
0x5c: {  	_ =	shalt  }
0x5d: {  	_ =	shalt  }
0x5e: {  	_ =	shalt  }
0x5f: {  	_ =	shalt  }
0x60: {  	_ =	shalt  }
0x61: {  	_ =	shalt  }
0x62: {  	_ =	shalt  }
0x63: {  	_ =	shalt  }
0x64: {  	_ =	shalt  }
0x65: {  	_ =	shalt  }
0x66: {  	_ =	shalt  }
0x67: {  	_ =	shalt  }
0x68: {  	_ =	shalt  }
0x69: {  	_ =	shalt  }
0x6a: {  	_ =	shalt  }
0x6b: {  	_ =	shalt  }
0x6c: {  	_ =	shalt  }
0x6d: {  	_ =	shalt  }
0x6e: {  	_ =	shalt  }
0x6f: {  	_ =	shalt  }
0x70: {  	_ =	shalt  }
0x71: {  	_ =	shalt  }
0x72: {  	_ =	shalt  }
0x73: {  	_ =	shalt  }
0x74: {  	_ =	shalt  }
0x75: {  	_ =	shalt  }
0x76: {  	_ =	shalt  }
0x77: {  	_ =	shalt  }
0x78: {  	_ =	shalt  }
0x79: {  	_ =	shalt  }
0x7a: {  	_ =	shalt  }
0x7b: {  	_ =	shalt  }
0x7c: {  	_ =	shalt  }
0x7d: {  	_ =	shalt  }
0x7e: {  	_ =	shalt  }
0x7f: {  	_ =	shalt  }
0x80: {  	_ =	shalt  }
0x81: {  	_ =	shalt  }
0x82: {  	_ =	shalt  }
0x83: {  	_ =	shalt  }
0x84: {  	_ =	shalt  }
0x85: {  	_ =	shalt  }
0x86: {  	_ =	shalt  }
0x87: {  	_ =	shalt  }
.Lfunc_end0:
.L_simem_size_0:
called_computation_lowered:
.L_overlay_start_0:
0x88: {  	s2 =	sld [smem:$0x3FD9]  }
0x89: {  	s3 =	sld [smem:$0x3FFE];
	_ =	sdelay $0x1  }
0x8a: {  	s1 =	srdreg.scid  }
0x8b: {  	s0 =	sand.u32 $0x1, s1  }
0x8c: {  	s17 =	sshll.u32 s0, $0xA;
	s2 =	sadd.s32 s3, s2  }
0x8d: {  	s2 =	sadd.s32 s2, s17  }
0x8e: {  	[smem:$0x3FC4] =	sst s2  }
0x8f: {  	_ = 	snop  }
0x90: {  	s18 =	sld [smem:$0x3FC8];
	(tm) =	ssettm $0x1  }
0x91: {  	s19 =	sld [smem:$0x3FFB];
	_ =	sdelay $0x3  }
0x92: {  	_ =	strace s19  }
0x93: {  	s2 =	sld [smem:$0x3FFC];
	_ =	sdelay $0x3  }
0x94: {  	_ =	strace s2  }
0x95: {  	s2 =	sld [smem:$0x3FFD];
	_ =	sdelay $0x3  }
0x96: {  	_ =	strace s2  }
0x97: {  	_ =	strace $0x8FFFFFFF  }
0x98: {  	s20 =	sld [smem:$0x3FDB];
	_ =	sdelay $0x1  }
0x99: {  	s4 =	simm.s32 $_scs_section_size  }
0x9a: {  	s5 =	simm.s32 $_size__tile_overlayer_lowered;
	s6 =	simm.s32 $_tile_overlayer_lowered  }
0x9b: {  	s7 =	simm.s32 $0x1BFF;
	s21 =	sshll.u32 s6, $0x1;
	s4 =	sadd.s32 s4, s20  }
0x9c: {  	s22 =	simm.s32 $0x0;
	s5 =	sshll.u32 s5, $0x1;
	s6 =	sadd.s32 s21, s4  }
0x9d: {  	[timem:s22], [sflag:s7] =	dma.local [hbm:s6], s5  }
0x9e: {  	_ =	swait.ge [sflag:s7], s5  }
0x9f: {  	s5 =	ssub.s32 $0x0, s5;
	[sflag:s7] =	ssyncset.done $0x0  }
0xa0: {  	[sflag:s7] =	ssyncadd.s32 s5;
	_ =	sdelay $0x1  }
0xa1: {  	s23 =	simm.s32 $0x1B8B  }
0xa2: {  	_ =	swait.ge [sflag:s23], $0x1  }
0xa3: {  	[sflag:s23] =	ssyncset.done $0x0  }
0xa4: {  	[sflag:s23] =	ssyncadd.s32 $0xFFFFFFFF  }
0xa5: {  	s5 =	sld [smem:$0x0]  }
0xa6: {  	s6 =	sand.u32 $0xFFFFFFFE, s1  }
0xa7: {  	p0 =	sne.s32 s1, s6  }
0xa8: {  	s6 =	sshll.u32 @p0 s6, $0xE  }
0xa9: {  	s6 =	sadd.s32 @p0 $0x11B8D, s6;
	s7 =	sshll.u32 @p0 s5, $0x11  }
0xaa: {  	s6 =	sor.u32 @p0 s7, s6  }
0xab: {  	[sflag:s6] =	ssyncadd.remote.s32 @p0 $0x1;
	_ =	sdelay $0x1  }
0xac: {  	s6 =	simm.s32 @p0 $0x1B8D  }
0xad: {  	_ =	swait.eq @p0 [sflag:s6], $0x1  }
0xae: {  	[sflag:s6] =	ssyncadd.s32 @p0 $0xFFFFFFFF  }
0xaf: {  	s7 =	sshll.u32 @!p0 s1, $0xE  }
0xb0: {  	s7 =	sor.u32 @!p0 $0x4000, s7;
	s6 =	simm.s32 @!p0 $0x1B8D  }
0xb1: {  	s5 =	sshll.u32 @!p0 s5, $0x11;
	s7 =	sadd.s32 @!p0 $0x11B8D, s7;
	_ =	swait.eq @!p0 [sflag:s6], $0x1  }
0xb2: {  	s5 =	sor.u32 @!p0 s5, s7;
	[sflag:s6] =	ssyncadd.s32 @!p0 $0xFFFFFFFF  }
0xb3: {  	s25 =	simm.s32 $0x1B8E;
	s24 =	sld [smem:$0x3FFE];
	[sflag:s5] =	ssyncadd.remote.s32 @!p0 $0x1  }
0xb4: {  	s26 =	simm.s32 $execute0_lowered;
	[smem:$0x3FD2] =	sst s25  }
0xb5: {  	s6 =	sshll.u32 s26, $0x1;
	_ =	strace $0x80000049;
	[dreg:$0x1] =	wrdreg $0xFFFFFFFF  }
0xb6: {  	s28 =	simm.s32 $_size_execute0_lowered;
	s4 =	sadd.s32 s4, s6;
	[dreg:$0x0] =	wrdreg $0x0  }
0xb7: {  	s6 =	sshll.u32 s28, $0x1;
	[dreg:$0x2] =	wrdreg s4  }
0xb8: {  	[dreg:$0x3] =	wrdreg s6  }
0xb9: {  	[dreg:$0x4] =	wrdreg $0xC0  }
0xba: {  	_ =	task [dreg:s22], $0x5FFFF  }
0xbb: {  	[dreg:$0x1] =	wrdreg $0xFFFFFFFF  }
0xbc: {  	[dreg:$0x0] =	wrdreg $0x60  }
0xbd: {  	[dreg:$0x2] =	wrdreg s24  }
0xbe: {  	[dreg:$0x3] =	wrdreg s18  }
0xbf: {  	[dreg:$0x4] =	wrdreg $0x9  }
0xc0: {  	_ =	task.clear_ibuf [dreg:s22], $0x5FFFF;
	_ =	strace $0x90000049  }
0xc1: {  	s29 =	simm.s32 $0x9;
	_ =	strace $0x8000004B  }
0xc2: {  	_ =	swait.ge [sflag:s29], $0x1  }
0xc3: {  	[sflag:s29] =	ssyncadd.s32 $0xFFFFFFFF  }
0xc4: {  	_ =	strace $0x9000004B  }
0xc5: {  	_ =	sfence  }
0xc6: {  	s30 =	sld [smem:$0x0];
	_ =	sdelay $0x2  }
0xc7: {  	s31 =	sshll.u32 s1, $0xD;
	s1 =	sshrl.u32 s1, $0x2  }
0xc8: {  	s4 =	sand.u32 $0x4000, s31;
	s1 =	sadd.s32 s1, s30  }
0xc9: {  	s0 =	sor.u32 s4, s0;
	s1 =	sshll.u32 s1, $0x11  }
0xca: {  	s0 =	sor.u32 s1, s0  }
0xcb: {  	s0 =	sadd.s32 $0x8F2B, s0  }
0xcc: {  	[sflag:s0] =	ssyncadd.remote.s32 $0x1  }
0xcd: {  	_ =	sfence.sel $0xFFFF  }
0xce: {  	[dreg:$0x0] =	wrdreg $0xFFFFFFFF;
	(pc) =	sbr.abs _section_cstart, $3  }
0xcf: {  	[dreg:$0x1] =	wrdreg $0xFFFFFFFF  }
0xd0: {  	_ =	task.clear_ibuf [dreg:s22], $0x2FFFF;
	_ =	strace $0x9FFFFFFF  }
0xd1: {  	(tm) =	ssettm $0x7FFFFFFF  }
tec
execute0_lowered:
.L_overlay_start_1:
0x0: {  	(tag) =	ssettag $0x1  }
0x1: {  	s0 =	srdreg.scid  }
0x2: {  	s2 =	stileid.u32;
	s1 =	rddreg [dreg:$0x0]  }
0x3: {  	s13 =	simm.s32 $0x2;
	s14 =	simm.s32 $0x3;
	s15 =	simm.s32 $0x4  }
0x4: {  	s17 =	simm.s32 $0xA00;
	s18 =	simm.s32 $0x1200;
	s19 =	simm.s32 $0x1A00  }
0x5: {  	s20 =	simm.s32 $0x2200;
	s21 =	simm.s32 $0x2A00;
	s28 =	simm.s32 $0x4A00  }
0x6: {  	s29 =	simm.s32 $0x5200;
	s30 =	simm.s32 $0x5A00;
	s31 =	simm.s32 $0x6200  }
0x7: {  	s7 =	simm.s32 $0x7A00;
	s8 =	simm.s32 $0x8A00;
	s9 =	simm.s32 $0x9200  }
0x8: {  	s10 =	simm.s32 $0x9A00;
	s11 =	simm.s32 $0xA200;
	s0 =	sand.u32 $0x1, s0  }
0x9: {  	s12 =	simm.s32 $0xAA00;
	s3 =	sshll.u32 s2, $0xA;
	s4 =	sshll.u32 s0, $0x9  }
0xa: {  	s2 =	rddreg [dreg:$0x1];
	s0 =	ssub.s32 $0x2, s0;
	s4 =	sor.u32 s4, s3  }
0xb: {  	s3 =	simm.s32 $0x0;
	s25 =	sshrl.u32 s0, $0x1;
	s5 =	sshrl.u32 s4, $0x3  }
0xc: {  	[smem:$0x7FF] =	sst s3;
	s4 =	sshll.u32 s4, $0x5;
	s5 =	sadd.s32 s5, s1  }
0xd: {  	s0 =	ssub.s32 s0, s25;
	s1 =	sadd.s32 s4, s1;
	s22 =	sadd.s32 $0x104400, s5  }
0xe: {  	_ =	strace $0x8000004A;
	s23 =	sadd.s32 $0x104C00, s1;
	[dreg:$0x3] =	wrdreg s22  }
0xf: {  	s25 =	simm.s32 $0x3A00;
	s24 =	sadd.s32 $0x105C00, s1;
	[dreg:$0x4] =	wrdreg s23  }
0x10: {  	s4 =	smax.u32 s0, $0x1;
	s26 =	sadd.s32 $0x106C00, s1;
	[dreg:$0x5] =	wrdreg s24  }
0x11: {  	v2 =	vlaneseq.u32;
	s1 =	sadd.s32 $0x107C00, s1;
	s5 =	simm.s32 $0x7200;
	[dreg:$0x6] =	wrdreg s26  }
0x12: {  	vm0 =	vmmov $0xffff;
	v1 =	vshrl.u32 v2, $0x3;
	[dreg:$0x7] =	wrdreg s1;
	s23 =	simm.s32 $0x200;
	s24 =	simm.s32 $0x3200  }
0x13: {  	v0 =	vand.u32 $0x7, v2;
	v2 =	vor.u32 $0x8, v2;
	v1 =	vmul.u32 $0x8, v1;
	s26 =	simm.s32 $0x4200;
	s1 =	simm.s32 $0x6A00;
	s22 =	simm.s32 $0x8200  }
.LBB2_1:
0x14: {  	s16 =	rddreg [dreg:$0x3];
	s0 =	simm.s32 $0x5  }
0x15: {  	[tilespmem:s3], [sflag:$0x5] =	stream.linear.gather [hbm4b:s16+s3], $0x200, $0x38;
	[tilespmem:$0x10200] =	vst v63  }
0x16: {  	_ =	swait.ge [sflag:s0], $0x200  }
0x17: {  	[sflag:s0] =	ssyncset.done $0x0  }
0x18: {  	[sflag:s0] =	ssyncadd.s32 $0xFFFFFE00  }
0x19: {  	v3 =	vld [tilespmem:$0x0];
	_ =	sdelay $0x4  }
0x1a: {  	v4 =	vshll.u32 v3, $0x1  }
0x1b: {  	v3 =	vand.u32 $0x7, v3;
	v4 =	vand.u32 $0xFFFFFFF0, v4  }
0x1c: {  	v3 =	vor.u32 v3, v4  }
0x1d: {  	v4 =	vperm.xlane v3, v0;
	_ =	sdelay $0x1  }
0x1e: {  	v3 =	vperm.xlane v3, v2;
	v4 =	vadd.s32 v1, v4;
	_ =	sdelay $0x1  }
0x1f: {  	v3 =	vadd.s32 v1, v3;
	_ =	sdelay $0x2  }
0x20: {  	[tilespmem:s23], [sflag:$0x1] =	stream.indirect_vreg.gather [hbm4b:s2+s3], $0x80, v4, vm0, $0xb8;
	[tilespmem:$0x10200] =	vst v63  }
0x21: {  	_ = 	snop  }
0x22: {  	[tilespmem:s17], [sflag:$0x1] =	stream.indirect_vreg.gather [hbm4b:s2+s3], $0x80, v3, vm0, $0xb8;
	[tilespmem:$0x10200] =	vst v63  }
0x23: {  	v3 =	vld [tilespmem:$0x10];
	_ =	sdelay $0x4  }
0x24: {  	v33 =	vshll.u32 v3, $0x1  }
0x25: {  	v3 =	vand.u32 $0x7, v3;
	v4 =	vand.u32 $0xFFFFFFF0, v33  }
0x26: {  	v3 =	vor.u32 v3, v4  }
0x27: {  	v4 =	vperm.xlane v3, v0;
	_ =	sdelay $0x1  }
0x28: {  	v3 =	vperm.xlane v3, v2;
	v4 =	vadd.s32 v1, v4;
	_ =	sdelay $0x1  }
0x29: {  	v3 =	vadd.s32 v1, v3;
	_ =	sdelay $0x2  }
0x2a: {  	[tilespmem:s18], [sflag:$0x1] =	stream.indirect_vreg.gather [hbm4b:s2+s3], $0x80, v4, vm0, $0xb8;
	[tilespmem:$0x10200] =	vst v63  }
0x2b: {  	_ = 	snop  }
0x2c: {  	[tilespmem:s19], [sflag:$0x1] =	stream.indirect_vreg.gather [hbm4b:s2+s3], $0x80, v3, vm0, $0xb8;
	[tilespmem:$0x10200] =	vst v63  }
0x2d: {  	v3 =	vld [tilespmem:$0x20];
	_ =	sdelay $0x4  }
0x2e: {  	v34 =	vshll.u32 v3, $0x1  }
0x2f: {  	v3 =	vand.u32 $0x7, v3;
	v4 =	vand.u32 $0xFFFFFFF0, v34  }
0x30: {  	v3 =	vor.u32 v3, v4  }
0x31: {  	v4 =	vperm.xlane v3, v0;
	_ =	sdelay $0x1  }
0x32: {  	v3 =	vperm.xlane v3, v2;
	v4 =	vadd.s32 v1, v4;
	_ =	sdelay $0x1  }
0x33: {  	v3 =	vadd.s32 v1, v3;
	_ =	sdelay $0x2  }
0x34: {  	[tilespmem:s20], [sflag:$0x1] =	stream.indirect_vreg.gather [hbm4b:s2+s3], $0x80, v4, vm0, $0xb8;
	[tilespmem:$0x10200] =	vst v63  }
0x35: {  	_ = 	snop  }
0x36: {  	[tilespmem:s21], [sflag:$0x1] =	stream.indirect_vreg.gather [hbm4b:s2+s3], $0x80, v3, vm0, $0xb8;
	[tilespmem:$0x10200] =	vst v63  }
0x37: {  	v3 =	vld [tilespmem:$0x30];
	_ =	sdelay $0x4  }
0x38: {  	v35 =	vshll.u32 v3, $0x1  }
0x39: {  	v3 =	vand.u32 $0x7, v3;
	v4 =	vand.u32 $0xFFFFFFF0, v35  }
0x3a: {  	v3 =	vor.u32 v3, v4  }
0x3b: {  	v4 =	vperm.xlane v3, v0;
	_ =	sdelay $0x1  }
0x3c: {  	v3 =	vperm.xlane v3, v2;
	v4 =	vadd.s32 v1, v4;
	_ =	sdelay $0x1  }
0x3d: {  	v3 =	vadd.s32 v1, v3;
	_ =	sdelay $0x2  }
0x3e: {  	[tilespmem:s24], [sflag:$0x1] =	stream.indirect_vreg.gather [hbm4b:s2+s3], $0x80, v4, vm0, $0xb8;
	[tilespmem:$0x10200] =	vst v63  }
0x3f: {  	_ = 	snop  }
0x40: {  	[tilespmem:s25], [sflag:$0x1] =	stream.indirect_vreg.gather [hbm4b:s2+s3], $0x80, v3, vm0, $0xb8;
	[tilespmem:$0x10200] =	vst v63  }
0x41: {  	v3 =	vld [tilespmem:$0x40];
	_ =	sdelay $0x4  }
0x42: {  	v36 =	vshll.u32 v3, $0x1  }
0x43: {  	v3 =	vand.u32 $0x7, v3;
	v4 =	vand.u32 $0xFFFFFFF0, v36  }
0x44: {  	v3 =	vor.u32 v3, v4  }
0x45: {  	v4 =	vperm.xlane v3, v0;
	_ =	sdelay $0x1  }
0x46: {  	v3 =	vperm.xlane v3, v2;
	v4 =	vadd.s32 v1, v4;
	_ =	sdelay $0x1  }
0x47: {  	v3 =	vadd.s32 v1, v3;
	_ =	sdelay $0x2  }
0x48: {  	[tilespmem:s26], [sflag:$0x1] =	stream.indirect_vreg.gather [hbm4b:s2+s3], $0x80, v4, vm0, $0xb8;
	[tilespmem:$0x10200] =	vst v63  }
0x49: {  	_ = 	snop  }
0x4a: {  	[tilespmem:s28], [sflag:$0x1] =	stream.indirect_vreg.gather [hbm4b:s2+s3], $0x80, v3, vm0, $0xb8;
	[tilespmem:$0x10200] =	vst v63  }
0x4b: {  	v3 =	vld [tilespmem:$0x50];
	_ =	sdelay $0x4  }
0x4c: {  	v37 =	vshll.u32 v3, $0x1  }
0x4d: {  	v3 =	vand.u32 $0x7, v3;
	v4 =	vand.u32 $0xFFFFFFF0, v37  }
0x4e: {  	v3 =	vor.u32 v3, v4  }
0x4f: {  	v4 =	vperm.xlane v3, v0;
	_ =	sdelay $0x1  }
0x50: {  	v3 =	vperm.xlane v3, v2;
	v4 =	vadd.s32 v1, v4;
	_ =	sdelay $0x1  }
0x51: {  	v3 =	vadd.s32 v1, v3;
	_ =	sdelay $0x2  }
0x52: {  	[tilespmem:s29], [sflag:$0x1] =	stream.indirect_vreg.gather [hbm4b:s2+s3], $0x80, v4, vm0, $0xb8;
	[tilespmem:$0x10200] =	vst v63  }
0x53: {  	_ = 	snop  }
0x54: {  	[tilespmem:s30], [sflag:$0x1] =	stream.indirect_vreg.gather [hbm4b:s2+s3], $0x80, v3, vm0, $0xb8;
	[tilespmem:$0x10200] =	vst v63  }
0x55: {  	v3 =	vld [tilespmem:$0x60];
	_ =	sdelay $0x4  }
0x56: {  	v38 =	vshll.u32 v3, $0x1  }
0x57: {  	v3 =	vand.u32 $0x7, v3;
	v4 =	vand.u32 $0xFFFFFFF0, v38  }
0x58: {  	v3 =	vor.u32 v3, v4  }
0x59: {  	v4 =	vperm.xlane v3, v0;
	_ =	sdelay $0x1  }
0x5a: {  	v3 =	vperm.xlane v3, v2;
	v4 =	vadd.s32 v1, v4;
	_ =	sdelay $0x1  }
0x5b: {  	v3 =	vadd.s32 v1, v3;
	_ =	sdelay $0x2  }
0x5c: {  	[tilespmem:s31], [sflag:$0x1] =	stream.indirect_vreg.gather [hbm4b:s2+s3], $0x80, v4, vm0, $0xb8;
	[tilespmem:$0x10200] =	vst v63  }
0x5d: {  	_ = 	snop  }
0x5e: {  	[tilespmem:s1], [sflag:$0x1] =	stream.indirect_vreg.gather [hbm4b:s2+s3], $0x80, v3, vm0, $0xb8;
	[tilespmem:$0x10200] =	vst v63  }
0x5f: {  	v3 =	vld [tilespmem:$0x70];
	_ =	sdelay $0x4  }
0x60: {  	v39 =	vshll.u32 v3, $0x1  }
0x61: {  	v3 =	vand.u32 $0x7, v3;
	v4 =	vand.u32 $0xFFFFFFF0, v39  }
0x62: {  	v3 =	vor.u32 v3, v4  }
0x63: {  	v4 =	vperm.xlane v3, v0;
	_ =	sdelay $0x1  }
0x64: {  	v3 =	vperm.xlane v3, v2;
	v4 =	vadd.s32 v1, v4;
	_ =	sdelay $0x1  }
0x65: {  	v3 =	vadd.s32 v1, v3;
	_ =	sdelay $0x2  }
0x66: {  	[tilespmem:s5], [sflag:$0x1] =	stream.indirect_vreg.gather [hbm4b:s2+s3], $0x80, v4, vm0, $0xb8;
	[tilespmem:$0x10200] =	vst v63  }
0x67: {  	s0 =	simm.s32 $0x1  }
0x68: {  	[tilespmem:s7], [sflag:$0x1] =	stream.indirect_vreg.gather [hbm4b:s2+s3], $0x80, v3, vm0, $0xb8;
	[tilespmem:$0x10200] =	vst v63  }
0x69: {  	_ =	swait.ge [sflag:s0], $0x8000  }
0x6a: {  	[sflag:s0] =	ssyncset.done $0x0  }
0x6b: {  	s6 =	rddreg [dreg:$0x4];
	[sflag:s0] =	ssyncadd.s32 $0xFFFF8000  }
0x6c: {  	[hbm4b:s6+s3] =	stream.linear.scatter [tilespmem:s23], [sflag:$0x3], $0x8000, $0x38;
	[tilespmem:$0x10200] =	vst v63  }
0x6d: {  	v3 =	vld [tilespmem:$0x80];
	_ =	sdelay $0x4  }
0x6e: {  	v40 =	vshll.u32 v3, $0x1  }
0x6f: {  	v3 =	vand.u32 $0x7, v3;
	v4 =	vand.u32 $0xFFFFFFF0, v40  }
0x70: {  	v3 =	vor.u32 v3, v4  }
0x71: {  	v4 =	vperm.xlane v3, v0;
	_ =	sdelay $0x1  }
0x72: {  	v3 =	vperm.xlane v3, v2;
	v4 =	vadd.s32 v1, v4;
	_ =	sdelay $0x1  }
0x73: {  	v3 =	vadd.s32 v1, v3;
	_ =	sdelay $0x2  }
0x74: {  	[tilespmem:s22], [sflag:$0x2] =	stream.indirect_vreg.gather [hbm4b:s2+s3], $0x80, v4, vm0, $0xb8;
	[tilespmem:$0x10200] =	vst v63  }
0x75: {  	_ = 	snop  }
0x76: {  	[tilespmem:s8], [sflag:$0x2] =	stream.indirect_vreg.gather [hbm4b:s2+s3], $0x80, v3, vm0, $0xb8;
	[tilespmem:$0x10200] =	vst v63  }
0x77: {  	v3 =	vld [tilespmem:$0x90];
	_ =	sdelay $0x4  }
0x78: {  	v41 =	vshll.u32 v3, $0x1  }
0x79: {  	v3 =	vand.u32 $0x7, v3;
	v4 =	vand.u32 $0xFFFFFFF0, v41  }
0x7a: {  	v3 =	vor.u32 v3, v4  }
0x7b: {  	v4 =	vperm.xlane v3, v0;
	_ =	sdelay $0x1  }
0x7c: {  	v3 =	vperm.xlane v3, v2;
	v4 =	vadd.s32 v1, v4;
	_ =	sdelay $0x1  }
0x7d: {  	v3 =	vadd.s32 v1, v3;
	_ =	sdelay $0x2  }
0x7e: {  	[tilespmem:s9], [sflag:$0x2] =	stream.indirect_vreg.gather [hbm4b:s2+s3], $0x80, v4, vm0, $0xb8;
	[tilespmem:$0x10200] =	vst v63  }
0x7f: {  	_ = 	snop  }
0x80: {  	[tilespmem:s10], [sflag:$0x2] =	stream.indirect_vreg.gather [hbm4b:s2+s3], $0x80, v3, vm0, $0xb8;
	[tilespmem:$0x10200] =	vst v63  }
0x81: {  	v3 =	vld [tilespmem:$0xA0];
	_ =	sdelay $0x4  }
0x82: {  	v42 =	vshll.u32 v3, $0x1  }
0x83: {  	v3 =	vand.u32 $0x7, v3;
	v4 =	vand.u32 $0xFFFFFFF0, v42  }
0x84: {  	v3 =	vor.u32 v3, v4  }
0x85: {  	v4 =	vperm.xlane v3, v0;
	_ =	sdelay $0x1  }
0x86: {  	v3 =	vperm.xlane v3, v2;
	v4 =	vadd.s32 v1, v4;
	_ =	sdelay $0x1  }
0x87: {  	v3 =	vadd.s32 v1, v3;
	_ =	sdelay $0x2  }
0x88: {  	[tilespmem:s11], [sflag:$0x2] =	stream.indirect_vreg.gather [hbm4b:s2+s3], $0x80, v4, vm0, $0xb8;
	[tilespmem:$0x10200] =	vst v63  }
0x89: {  	_ = 	snop  }
0x8a: {  	[tilespmem:s12], [sflag:$0x2] =	stream.indirect_vreg.gather [hbm4b:s2+s3], $0x80, v3, vm0, $0xb8;
	[tilespmem:$0x10200] =	vst v63  }
0x8b: {  	v3 =	vld [tilespmem:$0xB0];
	_ =	sdelay $0x4  }
0x8c: {  	v43 =	vshll.u32 v3, $0x1  }
0x8d: {  	v3 =	vand.u32 $0x7, v3;
	v4 =	vand.u32 $0xFFFFFFF0, v43  }
0x8e: {  	v3 =	vor.u32 v3, v4  }
0x8f: {  	v4 =	vperm.xlane v3, v0;
	_ =	sdelay $0x1  }
0x90: {  	v3 =	vperm.xlane v3, v2;
	v4 =	vadd.s32 v1, v4;
	_ =	sdelay $0x1  }
0x91: {  	v3 =	vadd.s32 v1, v3;
	_ =	sdelay $0x1  }
0x92: {  	s6 =	simm.s32 $0xB200  }
0x93: {  	[tilespmem:s6], [sflag:$0x2] =	stream.indirect_vreg.gather [hbm4b:s2+s3], $0x80, v4, vm0, $0xb8;
	[tilespmem:$0x10200] =	vst v63  }
0x94: {  	s6 =	simm.s32 $0xBA00  }
0x95: {  	[tilespmem:s6], [sflag:$0x2] =	stream.indirect_vreg.gather [hbm4b:s2+s3], $0x80, v3, vm0, $0xb8;
	[tilespmem:$0x10200] =	vst v63  }
0x96: {  	v3 =	vld [tilespmem:$0xC0];
	_ =	sdelay $0x4  }
0x97: {  	v44 =	vshll.u32 v3, $0x1  }
0x98: {  	v3 =	vand.u32 $0x7, v3;
	v4 =	vand.u32 $0xFFFFFFF0, v44  }
0x99: {  	v3 =	vor.u32 v3, v4  }
0x9a: {  	v4 =	vperm.xlane v3, v0;
	_ =	sdelay $0x1  }
0x9b: {  	v3 =	vperm.xlane v3, v2;
	v4 =	vadd.s32 v1, v4;
	_ =	sdelay $0x1  }
0x9c: {  	v3 =	vadd.s32 v1, v3;
	_ =	sdelay $0x1  }
0x9d: {  	s16 =	simm.s32 $0xC200  }
0x9e: {  	[tilespmem:s16], [sflag:$0x2] =	stream.indirect_vreg.gather [hbm4b:s2+s3], $0x80, v4, vm0, $0xb8;
	[tilespmem:$0x10200] =	vst v63  }
0x9f: {  	s16 =	simm.s32 $0xCA00  }
0xa0: {  	[tilespmem:s16], [sflag:$0x2] =	stream.indirect_vreg.gather [hbm4b:s2+s3], $0x80, v3, vm0, $0xb8;
	[tilespmem:$0x10200] =	vst v63  }
0xa1: {  	v3 =	vld [tilespmem:$0xD0];
	_ =	sdelay $0x4  }
0xa2: {  	v45 =	vshll.u32 v3, $0x1  }
0xa3: {  	v3 =	vand.u32 $0x7, v3;
	v4 =	vand.u32 $0xFFFFFFF0, v45  }
0xa4: {  	v3 =	vor.u32 v3, v4  }
0xa5: {  	v4 =	vperm.xlane v3, v0;
	_ =	sdelay $0x1  }
0xa6: {  	v3 =	vperm.xlane v3, v2;
	v4 =	vadd.s32 v1, v4;
	_ =	sdelay $0x1  }
0xa7: {  	v3 =	vadd.s32 v1, v3;
	_ =	sdelay $0x1  }
0xa8: {  	s16 =	simm.s32 $0xD200  }
0xa9: {  	[tilespmem:s16], [sflag:$0x2] =	stream.indirect_vreg.gather [hbm4b:s2+s3], $0x80, v4, vm0, $0xb8;
	[tilespmem:$0x10200] =	vst v63  }
0xaa: {  	s16 =	simm.s32 $0xDA00  }
0xab: {  	[tilespmem:s16], [sflag:$0x2] =	stream.indirect_vreg.gather [hbm4b:s2+s3], $0x80, v3, vm0, $0xb8;
	[tilespmem:$0x10200] =	vst v63  }
0xac: {  	v3 =	vld [tilespmem:$0xE0];
	_ =	sdelay $0x4  }
0xad: {  	v46 =	vshll.u32 v3, $0x1  }
0xae: {  	v3 =	vand.u32 $0x7, v3;
	v4 =	vand.u32 $0xFFFFFFF0, v46  }
0xaf: {  	v3 =	vor.u32 v3, v4  }
0xb0: {  	v4 =	vperm.xlane v3, v0;
	_ =	sdelay $0x1  }
0xb1: {  	v3 =	vperm.xlane v3, v2;
	v4 =	vadd.s32 v1, v4;
	_ =	sdelay $0x1  }
0xb2: {  	v3 =	vadd.s32 v1, v3;
	_ =	sdelay $0x1  }
0xb3: {  	s16 =	simm.s32 $0xE200  }
0xb4: {  	[tilespmem:s16], [sflag:$0x2] =	stream.indirect_vreg.gather [hbm4b:s2+s3], $0x80, v4, vm0, $0xb8;
	[tilespmem:$0x10200] =	vst v63  }
0xb5: {  	s16 =	simm.s32 $0xEA00  }
0xb6: {  	[tilespmem:s16], [sflag:$0x2] =	stream.indirect_vreg.gather [hbm4b:s2+s3], $0x80, v3, vm0, $0xb8;
	[tilespmem:$0x10200] =	vst v63  }
0xb7: {  	v3 =	vld [tilespmem:$0xF0];
	_ =	sdelay $0x4  }
0xb8: {  	v47 =	vshll.u32 v3, $0x1  }
0xb9: {  	v3 =	vand.u32 $0x7, v3;
	v4 =	vand.u32 $0xFFFFFFF0, v47  }
0xba: {  	v3 =	vor.u32 v3, v4  }
0xbb: {  	v4 =	vperm.xlane v3, v0;
	_ =	sdelay $0x1  }
0xbc: {  	v3 =	vperm.xlane v3, v2;
	v4 =	vadd.s32 v1, v4;
	_ =	sdelay $0x1  }
0xbd: {  	v3 =	vadd.s32 v1, v3;
	_ =	sdelay $0x1  }
0xbe: {  	s16 =	simm.s32 $0xF200  }
0xbf: {  	[tilespmem:s16], [sflag:$0x2] =	stream.indirect_vreg.gather [hbm4b:s2+s3], $0x80, v4, vm0, $0xb8;
	[tilespmem:$0x10200] =	vst v63  }
0xc0: {  	s16 =	simm.s32 $0xFA00  }
0xc1: {  	[tilespmem:s16], [sflag:$0x2] =	stream.indirect_vreg.gather [hbm4b:s2+s3], $0x80, v3, vm0, $0xb8;
	[tilespmem:$0x10200] =	vst v63  }
0xc2: {  	_ =	swait.ge [sflag:s13], $0x8000  }
0xc3: {  	[sflag:s13] =	ssyncset.done $0x0  }
0xc4: {  	s16 =	rddreg [dreg:$0x5];
	[sflag:s13] =	ssyncadd.s32 $0xFFFF8000  }
0xc5: {  	[hbm4b:s16+s3] =	stream.linear.scatter [tilespmem:s22], [sflag:$0x4], $0x8000, $0x38;
	[tilespmem:$0x10200] =	vst v63  }
0xc6: {  	_ =	swait.ge [sflag:s14], $0x8000  }
0xc7: {  	[sflag:s14] =	ssyncset.done $0x0  }
0xc8: {  	[sflag:s14] =	ssyncadd.s32 $0xFFFF8000  }
0xc9: {  	v3 =	vld [tilespmem:$0x100];
	_ =	sdelay $0x4  }
0xca: {  	v48 =	vshll.u32 v3, $0x1  }
0xcb: {  	v3 =	vand.u32 $0x7, v3;
	v4 =	vand.u32 $0xFFFFFFF0, v48  }
0xcc: {  	v3 =	vor.u32 v3, v4  }
0xcd: {  	v4 =	vperm.xlane v3, v0;
	_ =	sdelay $0x1  }
0xce: {  	v3 =	vperm.xlane v3, v2;
	v4 =	vadd.s32 v1, v4;
	_ =	sdelay $0x1  }
0xcf: {  	v3 =	vadd.s32 v1, v3;
	_ =	sdelay $0x2  }
0xd0: {  	[tilespmem:s23], [sflag:$0x1] =	stream.indirect_vreg.gather [hbm4b:s2+s3], $0x80, v4, vm0, $0xb8;
	[tilespmem:$0x10200] =	vst v63  }
0xd1: {  	_ = 	snop  }
0xd2: {  	[tilespmem:s17], [sflag:$0x1] =	stream.indirect_vreg.gather [hbm4b:s2+s3], $0x80, v3, vm0, $0xb8;
	[tilespmem:$0x10200] =	vst v63  }
0xd3: {  	v3 =	vld [tilespmem:$0x110];
	_ =	sdelay $0x4  }
0xd4: {  	v49 =	vshll.u32 v3, $0x1  }
0xd5: {  	v3 =	vand.u32 $0x7, v3;
	v4 =	vand.u32 $0xFFFFFFF0, v49  }
0xd6: {  	v3 =	vor.u32 v3, v4  }
0xd7: {  	v4 =	vperm.xlane v3, v0;
	_ =	sdelay $0x1  }
0xd8: {  	v3 =	vperm.xlane v3, v2;
	v4 =	vadd.s32 v1, v4;
	_ =	sdelay $0x1  }
0xd9: {  	v3 =	vadd.s32 v1, v3;
	_ =	sdelay $0x2  }
0xda: {  	[tilespmem:s18], [sflag:$0x1] =	stream.indirect_vreg.gather [hbm4b:s2+s3], $0x80, v4, vm0, $0xb8;
	[tilespmem:$0x10200] =	vst v63  }
0xdb: {  	_ = 	snop  }
0xdc: {  	[tilespmem:s19], [sflag:$0x1] =	stream.indirect_vreg.gather [hbm4b:s2+s3], $0x80, v3, vm0, $0xb8;
	[tilespmem:$0x10200] =	vst v63  }
0xdd: {  	v3 =	vld [tilespmem:$0x120];
	_ =	sdelay $0x4  }
0xde: {  	v50 =	vshll.u32 v3, $0x1  }
0xdf: {  	v3 =	vand.u32 $0x7, v3;
	v4 =	vand.u32 $0xFFFFFFF0, v50  }
0xe0: {  	v3 =	vor.u32 v3, v4  }
0xe1: {  	v4 =	vperm.xlane v3, v0;
	_ =	sdelay $0x1  }
0xe2: {  	v3 =	vperm.xlane v3, v2;
	v4 =	vadd.s32 v1, v4;
	_ =	sdelay $0x1  }
0xe3: {  	v3 =	vadd.s32 v1, v3;
	_ =	sdelay $0x2  }
0xe4: {  	[tilespmem:s20], [sflag:$0x1] =	stream.indirect_vreg.gather [hbm4b:s2+s3], $0x80, v4, vm0, $0xb8;
	[tilespmem:$0x10200] =	vst v63  }
0xe5: {  	_ = 	snop  }
0xe6: {  	[tilespmem:s21], [sflag:$0x1] =	stream.indirect_vreg.gather [hbm4b:s2+s3], $0x80, v3, vm0, $0xb8;
	[tilespmem:$0x10200] =	vst v63  }
0xe7: {  	v3 =	vld [tilespmem:$0x130];
	_ =	sdelay $0x4  }
0xe8: {  	v51 =	vshll.u32 v3, $0x1  }
0xe9: {  	v3 =	vand.u32 $0x7, v3;
	v4 =	vand.u32 $0xFFFFFFF0, v51  }
0xea: {  	v3 =	vor.u32 v3, v4  }
0xeb: {  	v4 =	vperm.xlane v3, v0;
	_ =	sdelay $0x1  }
0xec: {  	v3 =	vperm.xlane v3, v2;
	v4 =	vadd.s32 v1, v4;
	_ =	sdelay $0x1  }
0xed: {  	v3 =	vadd.s32 v1, v3;
	_ =	sdelay $0x2  }
0xee: {  	[tilespmem:s24], [sflag:$0x1] =	stream.indirect_vreg.gather [hbm4b:s2+s3], $0x80, v4, vm0, $0xb8;
	[tilespmem:$0x10200] =	vst v63  }
0xef: {  	_ = 	snop  }
0xf0: {  	[tilespmem:s25], [sflag:$0x1] =	stream.indirect_vreg.gather [hbm4b:s2+s3], $0x80, v3, vm0, $0xb8;
	[tilespmem:$0x10200] =	vst v63  }
0xf1: {  	v3 =	vld [tilespmem:$0x140];
	_ =	sdelay $0x4  }
0xf2: {  	v52 =	vshll.u32 v3, $0x1  }
0xf3: {  	v3 =	vand.u32 $0x7, v3;
	v4 =	vand.u32 $0xFFFFFFF0, v52  }
0xf4: {  	v3 =	vor.u32 v3, v4  }
0xf5: {  	v4 =	vperm.xlane v3, v0;
	_ =	sdelay $0x1  }
0xf6: {  	v3 =	vperm.xlane v3, v2;
	v4 =	vadd.s32 v1, v4;
	_ =	sdelay $0x1  }
0xf7: {  	v3 =	vadd.s32 v1, v3;
	_ =	sdelay $0x2  }
0xf8: {  	[tilespmem:s26], [sflag:$0x1] =	stream.indirect_vreg.gather [hbm4b:s2+s3], $0x80, v4, vm0, $0xb8;
	[tilespmem:$0x10200] =	vst v63  }
0xf9: {  	_ = 	snop  }
0xfa: {  	[tilespmem:s28], [sflag:$0x1] =	stream.indirect_vreg.gather [hbm4b:s2+s3], $0x80, v3, vm0, $0xb8;
	[tilespmem:$0x10200] =	vst v63  }
0xfb: {  	v3 =	vld [tilespmem:$0x150];
	_ =	sdelay $0x4  }
0xfc: {  	v53 =	vshll.u32 v3, $0x1  }
0xfd: {  	v3 =	vand.u32 $0x7, v3;
	v4 =	vand.u32 $0xFFFFFFF0, v53  }
0xfe: {  	v3 =	vor.u32 v3, v4  }
0xff: {  	v4 =	vperm.xlane v3, v0;
	_ =	sdelay $0x1  }
0x100: {  	v3 =	vperm.xlane v3, v2;
	v4 =	vadd.s32 v1, v4;
	_ =	sdelay $0x1  }
0x101: {  	v3 =	vadd.s32 v1, v3;
	_ =	sdelay $0x2  }
0x102: {  	[tilespmem:s29], [sflag:$0x1] =	stream.indirect_vreg.gather [hbm4b:s2+s3], $0x80, v4, vm0, $0xb8;
	[tilespmem:$0x10200] =	vst v63  }
0x103: {  	_ = 	snop  }
0x104: {  	[tilespmem:s30], [sflag:$0x1] =	stream.indirect_vreg.gather [hbm4b:s2+s3], $0x80, v3, vm0, $0xb8;
	[tilespmem:$0x10200] =	vst v63  }
0x105: {  	v3 =	vld [tilespmem:$0x160];
	_ =	sdelay $0x4  }
0x106: {  	v54 =	vshll.u32 v3, $0x1  }
0x107: {  	v3 =	vand.u32 $0x7, v3;
	v4 =	vand.u32 $0xFFFFFFF0, v54  }
0x108: {  	v3 =	vor.u32 v3, v4  }
0x109: {  	v4 =	vperm.xlane v3, v0;
	_ =	sdelay $0x1  }
0x10a: {  	v3 =	vperm.xlane v3, v2;
	v4 =	vadd.s32 v1, v4;
	_ =	sdelay $0x1  }
0x10b: {  	v3 =	vadd.s32 v1, v3;
	_ =	sdelay $0x2  }
0x10c: {  	[tilespmem:s31], [sflag:$0x1] =	stream.indirect_vreg.gather [hbm4b:s2+s3], $0x80, v4, vm0, $0xb8;
	[tilespmem:$0x10200] =	vst v63  }
0x10d: {  	_ = 	snop  }
0x10e: {  	[tilespmem:s1], [sflag:$0x1] =	stream.indirect_vreg.gather [hbm4b:s2+s3], $0x80, v3, vm0, $0xb8;
	[tilespmem:$0x10200] =	vst v63  }
0x10f: {  	v3 =	vld [tilespmem:$0x170];
	_ =	sdelay $0x4  }
0x110: {  	v55 =	vshll.u32 v3, $0x1  }
0x111: {  	v3 =	vand.u32 $0x7, v3;
	v4 =	vand.u32 $0xFFFFFFF0, v55  }
0x112: {  	v3 =	vor.u32 v3, v4  }
0x113: {  	v4 =	vperm.xlane v3, v0;
	_ =	sdelay $0x1  }
0x114: {  	v3 =	vperm.xlane v3, v2;
	v4 =	vadd.s32 v1, v4;
	_ =	sdelay $0x1  }
0x115: {  	v3 =	vadd.s32 v1, v3;
	_ =	sdelay $0x2  }
0x116: {  	[tilespmem:s5], [sflag:$0x1] =	stream.indirect_vreg.gather [hbm4b:s2+s3], $0x80, v4, vm0, $0xb8;
	[tilespmem:$0x10200] =	vst v63  }
0x117: {  	_ = 	snop  }
0x118: {  	[tilespmem:s7], [sflag:$0x1] =	stream.indirect_vreg.gather [hbm4b:s2+s3], $0x80, v3, vm0, $0xb8;
	[tilespmem:$0x10200] =	vst v63  }
0x119: {  	_ =	swait.ge [sflag:s0], $0x8000  }
0x11a: {  	[sflag:s0] =	ssyncset.done $0x0  }
0x11b: {  	s16 =	rddreg [dreg:$0x6];
	[sflag:s0] =	ssyncadd.s32 $0xFFFF8000  }
0x11c: {  	[hbm4b:s16+s3] =	stream.linear.scatter [tilespmem:s23], [sflag:$0x3], $0x8000, $0x38;
	[tilespmem:$0x10200] =	vst v63  }
0x11d: {  	_ =	swait.ge [sflag:s15], $0x8000  }
0x11e: {  	[sflag:s15] =	ssyncset.done $0x0  }
0x11f: {  	[sflag:s15] =	ssyncadd.s32 $0xFFFF8000  }
0x120: {  	v3 =	vld [tilespmem:$0x180];
	_ =	sdelay $0x4  }
0x121: {  	v56 =	vshll.u32 v3, $0x1  }
0x122: {  	v3 =	vand.u32 $0x7, v3;
	v4 =	vand.u32 $0xFFFFFFF0, v56  }
0x123: {  	v3 =	vor.u32 v3, v4  }
0x124: {  	v4 =	vperm.xlane v3, v0;
	_ =	sdelay $0x1  }
0x125: {  	v3 =	vperm.xlane v3, v2;
	v4 =	vadd.s32 v1, v4;
	_ =	sdelay $0x1  }
0x126: {  	v3 =	vadd.s32 v1, v3;
	_ =	sdelay $0x2  }
0x127: {  	[tilespmem:s22], [sflag:$0x2] =	stream.indirect_vreg.gather [hbm4b:s2+s3], $0x80, v4, vm0, $0xb8;
	[tilespmem:$0x10200] =	vst v63  }
0x128: {  	_ = 	snop  }
0x129: {  	[tilespmem:s8], [sflag:$0x2] =	stream.indirect_vreg.gather [hbm4b:s2+s3], $0x80, v3, vm0, $0xb8;
	[tilespmem:$0x10200] =	vst v63  }
0x12a: {  	v3 =	vld [tilespmem:$0x190];
	_ =	sdelay $0x4  }
0x12b: {  	v57 =	vshll.u32 v3, $0x1  }
0x12c: {  	v3 =	vand.u32 $0x7, v3;
	v4 =	vand.u32 $0xFFFFFFF0, v57  }
0x12d: {  	v3 =	vor.u32 v3, v4  }
0x12e: {  	v4 =	vperm.xlane v3, v0;
	_ =	sdelay $0x1  }
0x12f: {  	v3 =	vperm.xlane v3, v2;
	v4 =	vadd.s32 v1, v4;
	_ =	sdelay $0x1  }
0x130: {  	v3 =	vadd.s32 v1, v3;
	_ =	sdelay $0x2  }
0x131: {  	[tilespmem:s9], [sflag:$0x2] =	stream.indirect_vreg.gather [hbm4b:s2+s3], $0x80, v4, vm0, $0xb8;
	[tilespmem:$0x10200] =	vst v63  }
0x132: {  	_ = 	snop  }
0x133: {  	[tilespmem:s10], [sflag:$0x2] =	stream.indirect_vreg.gather [hbm4b:s2+s3], $0x80, v3, vm0, $0xb8;
	[tilespmem:$0x10200] =	vst v63  }
0x134: {  	v3 =	vld [tilespmem:$0x1A0];
	_ =	sdelay $0x4  }
0x135: {  	v58 =	vshll.u32 v3, $0x1  }
0x136: {  	v3 =	vand.u32 $0x7, v3;
	v4 =	vand.u32 $0xFFFFFFF0, v58  }
0x137: {  	v3 =	vor.u32 v3, v4  }
0x138: {  	v4 =	vperm.xlane v3, v0;
	_ =	sdelay $0x1  }
0x139: {  	v3 =	vperm.xlane v3, v2;
	v4 =	vadd.s32 v1, v4;
	_ =	sdelay $0x1  }
0x13a: {  	v3 =	vadd.s32 v1, v3;
	_ =	sdelay $0x2  }
0x13b: {  	[tilespmem:s11], [sflag:$0x2] =	stream.indirect_vreg.gather [hbm4b:s2+s3], $0x80, v4, vm0, $0xb8;
	[tilespmem:$0x10200] =	vst v63  }
0x13c: {  	_ = 	snop  }
0x13d: {  	[tilespmem:s12], [sflag:$0x2] =	stream.indirect_vreg.gather [hbm4b:s2+s3], $0x80, v3, vm0, $0xb8;
	[tilespmem:$0x10200] =	vst v63  }
0x13e: {  	v3 =	vld [tilespmem:$0x1B0];
	_ =	sdelay $0x4  }
0x13f: {  	v59 =	vshll.u32 v3, $0x1  }
0x140: {  	v3 =	vand.u32 $0x7, v3;
	v4 =	vand.u32 $0xFFFFFFF0, v59  }
0x141: {  	v3 =	vor.u32 v3, v4  }
0x142: {  	v4 =	vperm.xlane v3, v0;
	_ =	sdelay $0x1  }
0x143: {  	v3 =	vperm.xlane v3, v2;
	v4 =	vadd.s32 v1, v4;
	_ =	sdelay $0x1  }
0x144: {  	v3 =	vadd.s32 v1, v3;
	_ =	sdelay $0x1  }
0x145: {  	s16 =	simm.s32 $0xB200  }
0x146: {  	[tilespmem:s16], [sflag:$0x2] =	stream.indirect_vreg.gather [hbm4b:s2+s3], $0x80, v4, vm0, $0xb8;
	[tilespmem:$0x10200] =	vst v63  }
0x147: {  	_ = 	snop  }
0x148: {  	[tilespmem:s6], [sflag:$0x2] =	stream.indirect_vreg.gather [hbm4b:s2+s3], $0x80, v3, vm0, $0xb8;
	[tilespmem:$0x10200] =	vst v63  }
0x149: {  	v3 =	vld [tilespmem:$0x1C0];
	_ =	sdelay $0x4  }
0x14a: {  	v60 =	vshll.u32 v3, $0x1  }
0x14b: {  	v3 =	vand.u32 $0x7, v3;
	v4 =	vand.u32 $0xFFFFFFF0, v60  }
0x14c: {  	v3 =	vor.u32 v3, v4  }
0x14d: {  	v4 =	vperm.xlane v3, v0;
	_ =	sdelay $0x1  }
0x14e: {  	v3 =	vperm.xlane v3, v2;
	v4 =	vadd.s32 v1, v4;
	_ =	sdelay $0x1  }
0x14f: {  	v3 =	vadd.s32 v1, v3;
	_ =	sdelay $0x1  }
0x150: {  	s6 =	simm.s32 $0xC200  }
0x151: {  	[tilespmem:s6], [sflag:$0x2] =	stream.indirect_vreg.gather [hbm4b:s2+s3], $0x80, v4, vm0, $0xb8;
	[tilespmem:$0x10200] =	vst v63  }
0x152: {  	s16 =	simm.s32 $0xCA00  }
0x153: {  	[tilespmem:s16], [sflag:$0x2] =	stream.indirect_vreg.gather [hbm4b:s2+s3], $0x80, v3, vm0, $0xb8;
	[tilespmem:$0x10200] =	vst v63  }
0x154: {  	v3 =	vld [tilespmem:$0x1D0];
	_ =	sdelay $0x4  }
0x155: {  	v61 =	vshll.u32 v3, $0x1  }
0x156: {  	v3 =	vand.u32 $0x7, v3;
	v4 =	vand.u32 $0xFFFFFFF0, v61  }
0x157: {  	v3 =	vor.u32 v3, v4  }
0x158: {  	v4 =	vperm.xlane v3, v0;
	_ =	sdelay $0x1  }
0x159: {  	v3 =	vperm.xlane v3, v2;
	v4 =	vadd.s32 v1, v4;
	_ =	sdelay $0x1  }
0x15a: {  	v3 =	vadd.s32 v1, v3;
	_ =	sdelay $0x1  }
0x15b: {  	s6 =	simm.s32 $0xD200  }
0x15c: {  	[tilespmem:s6], [sflag:$0x2] =	stream.indirect_vreg.gather [hbm4b:s2+s3], $0x80, v4, vm0, $0xb8;
	[tilespmem:$0x10200] =	vst v63  }
0x15d: {  	s16 =	simm.s32 $0xDA00  }
0x15e: {  	[tilespmem:s16], [sflag:$0x2] =	stream.indirect_vreg.gather [hbm4b:s2+s3], $0x80, v3, vm0, $0xb8;
	[tilespmem:$0x10200] =	vst v63  }
0x15f: {  	v3 =	vld [tilespmem:$0x1E0];
	_ =	sdelay $0x4  }
0x160: {  	v62 =	vshll.u32 v3, $0x1  }
0x161: {  	v3 =	vand.u32 $0x7, v3;
	v4 =	vand.u32 $0xFFFFFFF0, v62  }
0x162: {  	v3 =	vor.u32 v3, v4  }
0x163: {  	v4 =	vperm.xlane v3, v0;
	_ =	sdelay $0x1  }
0x164: {  	v3 =	vperm.xlane v3, v2;
	v4 =	vadd.s32 v1, v4;
	_ =	sdelay $0x1  }
0x165: {  	v3 =	vadd.s32 v1, v3;
	_ =	sdelay $0x1  }
0x166: {  	s6 =	simm.s32 $0xE200  }
0x167: {  	[tilespmem:s6], [sflag:$0x2] =	stream.indirect_vreg.gather [hbm4b:s2+s3], $0x80, v4, vm0, $0xb8;
	[tilespmem:$0x10200] =	vst v63  }
0x168: {  	s16 =	simm.s32 $0xEA00  }
0x169: {  	[tilespmem:s16], [sflag:$0x2] =	stream.indirect_vreg.gather [hbm4b:s2+s3], $0x80, v3, vm0, $0xb8;
	[tilespmem:$0x10200] =	vst v63  }
0x16a: {  	v3 =	vld [tilespmem:$0x1F0];
	_ =	sdelay $0x4  }
0x16b: {  	v63 =	vshll.u32 v3, $0x1  }
0x16c: {  	v3 =	vand.u32 $0x7, v3;
	v4 =	vand.u32 $0xFFFFFFF0, v63  }
0x16d: {  	v3 =	vor.u32 v3, v4  }
0x16e: {  	v4 =	vperm.xlane v3, v0;
	_ =	sdelay $0x1  }
0x16f: {  	v3 =	vperm.xlane v3, v2;
	v4 =	vadd.s32 v1, v4;
	_ =	sdelay $0x1  }
0x170: {  	v3 =	vadd.s32 v1, v3;
	_ =	sdelay $0x1  }
0x171: {  	s6 =	simm.s32 $0xF200  }
0x172: {  	[tilespmem:s6], [sflag:$0x2] =	stream.indirect_vreg.gather [hbm4b:s2+s3], $0x80, v4, vm0, $0xb8;
	[tilespmem:$0x10200] =	vst v63  }
0x173: {  	s16 =	simm.s32 $0xFA00  }
0x174: {  	[tilespmem:s16], [sflag:$0x2] =	stream.indirect_vreg.gather [hbm4b:s2+s3], $0x80, v3, vm0, $0xb8;
	[tilespmem:$0x10200] =	vst v63  }
0x175: {  	_ =	swait.ge [sflag:s13], $0x8000  }
0x176: {  	[sflag:s13] =	ssyncset.done $0x0  }
0x177: {  	s6 =	rddreg [dreg:$0x7];
	[sflag:s13] =	ssyncadd.s32 $0xFFFF8000  }
0x178: {  	[hbm4b:s6+s3] =	stream.linear.scatter [tilespmem:s22], [sflag:$0x4], $0x8000, $0x38;
	[tilespmem:$0x10200] =	vst v63  }
0x179: {  	p0 =	sne.s32 s4, $0x1;
	_ =	swait.ge [sflag:s14], $0x8000  }
.Ltmp0:
0x17a: {  	[sflag:s14] =	ssyncset.done $0x0;
	(pc) =	sbr.rel @p0 .LBB2_1-.Ltmp0, $4  }
0x17b: {  	[sflag:s14] =	ssyncadd.s32 $0xFFFF8000  }
0x17c: {  	_ =	swait.ge [sflag:s15], $0x8000  }
0x17d: {  	[sflag:s15] =	ssyncset.done $0x0  }
0x17e: {  	s4 =	sadd.s32 $0xFFFFFFFF, s4;
	[sflag:s15] =	ssyncadd.s32 $0xFFFF8000  }
0x17f: {  	_ =	sfence.sel $0x180000  }
0x180: {  	[bflag:$0x0] =	sbarrier.arrive $0xFFFF  }
0x181: {  	_ =	strace $0x9000004A  }
0x182: {  	s0 =	stileid.u32;
	[bflag:$0x2] =	sbarrier.arrive $0xFFFF  }
0x183: {  	p0 =	sne.s32 s0, $0x0;
	s0 =	rddreg [dreg:$0x2]  }
0x184: {  	s0 =	sadd.s32 @!p0 $0x100000, s0  }
0x185: {  	[sflag:s0] =	ssyncadd.tile.s32 @!p0 $0x1;
	_ =	shalt  }
.Lfunc_end2:
_tile_overlayer_lowered:
.L_overlay_start_2:
0x186: {  	(tag) =	ssettag $0x2  }
0x187: {  	s0 =	rddreg [dreg:$0x0];
	s2 =	stileid.u32  }
0x188: {  	s1 =	rddreg [dreg:$0x1];
	p0 =	sne.s32 s2, $0x0  }
0x189: {  	s3 =	rddreg [dreg:$0x2];
	[bflag:$0x3] =	sbarrier.arrive $0xFFFF;
	s2 =	simm.s32 @!p0 $0x1C05  }
0x18a: {  	[timem:s3], [sflag:s2] =	dma.local @!p0 [hbm:s0], s1  }
0x18b: {  	s0 =	simm.s32 @!p0 $0x5  }
0x18c: {  	_ =	swait.ge @!p0 [sflag:s0], s1  }
0x18d: {  	s1 =	ssub.s32 @!p0 $0x0, s1;
	[sflag:s0] =	ssyncset.done @!p0 $0x0  }
0x18e: {  	[sflag:s0] =	ssyncadd.s32 @!p0 s1  }
0x18f: {  	[bflag:$0x3] =	sbarrier.arrive $0xFFFF  }
0x190: {  	_ =	shalt  }

// kernel: kernel.17.cloned.1.call-start
scs
__scs_entry_jumppad:
0x0: {  	(pc) =	sbr.rel $0x88, $3  }
0x1: {  	(tag) =	ssettag $0x0;
	lr =	simm.s32 $0x1  }
0x2: {  	[smem:$0x3F9D] =	sst lr;
	_ =	strace $0xD0000000  }
0x3: {  	_ = 	snop  }
0x4: {  	_ = 	snop  }
0x5: {  	_ = 	snop  }
0x6: {  	_ = 	snop  }
0x7: {  	_ = 	snop  }
__scs_overlays_trampoline_lowered:
0x8: {  	[smem:$0x3FAC] =	sst s0  }
0x9: {  	[smem:$0x3FAD] =	sst s1  }
0xa: {  	[smem:$0x3FAE] =	sst s2  }
0xb: {  	[smem:$0x3FAF] =	sst s3  }
0xc: {  	[smem:$0x3FB0] =	sst s4  }
0xd: {  	[smem:$0x3FB1] =	sst s5  }
0xe: {  	[smem:$0x3FB2] =	sst s6  }
0xf: {  	[smem:$0x3FB3] =	sst s7  }
0x10: {  	[smem:$0x3FB4] =	sst s8  }
0x11: {  	[smem:$0x3FB5] =	sst s9;
	s0 =	simm.s32 @!p0 $0x0  }
0x12: {  	s1 =	sld [smem:$0x3F9B];
	s0 =	simm.s32 @p0 $0x1  }
0x13: {  	[smem:$0x3FB6] =	sst s0;
	s0 =	simm.s32 @!p1 $0x0  }
0x14: {  	s2 =	sld [smem:$0x3F9A];
	s0 =	simm.s32 @p1 $0x1  }
0x15: {  	[smem:$0x3FB7] =	sst s0;
	s0 =	simm.s32 @!p2 $0x0  }
0x16: {  	s3 =	sld [smem:$0x3FDB];
	s0 =	simm.s32 @p2 $0x1  }
0x17: {  	s4 =	simm.s32 $0x1BF5;
	[smem:$0x3FB9] =	sst s0  }
0x18: {  	s0 =	sld [smem:$0x3F9C];
	_ =	swait.ge [sflag:s4], $0x0  }
0x19: {  	s7 =	sld [smem:$0x3F9D]  }
0x1a: {  	s8 =	sadd.s32 $0xFFFFE003, lr  }
0x1b: {  	s9 =	sadd.s32 $0xFFFFFEF7, lr;
	s5 =	simm.s32 $0xFFFFFFFF;
	p2 =	slt.u32 s8, $0xFFFFF086  }
0x1c: {  	p1 =	slt.u32 s9, $0xF7A;
	s5 =	simm.s32 @!p2 $0x0  }
0x1d: {  	s5 =	simm.s32 @p1 $0x1;
	p0 =	seq.s32 s7, s2  }
0x1e: {  	s7 =	smul.u32 @!p0 $0xF7A, s2;
	p2 =	seq.s32 @!p0 s5, $0x0  }
0x1f: {  	s9 =	smul.u32 $0xF7A, s1;
	s8 =	simm.s32 @!p0 $0x1BF5;
	p2 =	por !p2, p0  }
0x20: {  	[sflag:s8] =	ssyncset.s32 @!p0 $0xFFFFF086;
	s6 =	sadd.s32 @!p0 s3, s7;
	s7 =	simm.s32 @!p0 $0x108  }
0x21: {  	s3 =	sadd.s32 s3, s9;
	s6 =	sadd.s32 @!p0 $0x88, s6;
	s7 =	simm.s32 @p2 $0x1082  }
0x22: {  	[simem:s7], [sflag:s8] =	dma.local @!p0 [hbm:s6], $0xF7A  }
0x23: {  	s9 =	sor.u32 $0xD0000000, s2;
	s6 =	simm.s32 $0x108;
	_ =	swait.ge @!p0 [sflag:s8], $0x0  }
0x24: {  	s3 =	sadd.s32 $0x88, s3;
	s6 =	simm.s32 @!p1 $0x1082;
	[sflag:s4] =	ssyncset.s32 $0xFFFFF086  }
0x25: {  	[simem:s6], [sflag:s4] =	dma.local [hbm:s3], $0xF7A  }
0x26: {  	[smem:$0x3F9D] =	sst s1;
	(tag) =	ssettag s2;
	_ =	strace s9  }
0x27: {  	s1 =	sld [smem:$0x3FAD]  }
0x28: {  	s2 =	sld [smem:$0x3FAE]  }
0x29: {  	s4 =	sld [smem:$0x3FB0]  }
0x2a: {  	p0 =	seq.s32 s5, $0x0;
	s5 =	sld [smem:$0x3FB1]  }
0x2b: {  	s6 =	sld [smem:$0x3FB2]  }
0x2c: {  	s7 =	sld [smem:$0x3FB3]  }
0x2d: {  	s3 =	simm.s32 $0x108;
	s8 =	sld [smem:$0x3FB4]  }
0x2e: {  	s3 =	simm.s32 @!p0 $0x1082;
	s9 =	sld [smem:$0x3FB5]  }
0x2f: {  	lr =	sadd.s32 s0, s3;
	s0 =	sld [smem:$0x3FAC]  }
0x30: {  	s3 =	sld [smem:$0x3FAF]  }
0x31: {  	[smem:$0x3FB8] =	sst s10  }
0x32: {  	s10 =	sld [smem:$0x3FB6];
	_ =	sdelay $0x3  }
0x33: {  	p0 =	seq.s32 s10, $0x1;
	s10 =	sld [smem:$0x3FB8];
	_ =	sdelay $0x3  }
0x34: {  	[smem:$0x3FB8] =	sst s10  }
0x35: {  	s10 =	sld [smem:$0x3FB7];
	_ =	sdelay $0x3  }
0x36: {  	p1 =	seq.s32 s10, $0x1;
	s10 =	sld [smem:$0x3FB8];
	_ =	sdelay $0x3  }
0x37: {  	[smem:$0x3FB8] =	sst s10  }
0x38: {  	s10 =	sld [smem:$0x3FB9]  }
0x39: {  	_ = 	snop;
	(pc) =	sbr.ind lr, $3  }
0x3a: {  	_ = 	snop  }
0x3b: {  	_ = 	snop  }
0x3c: {  	p2 =	seq.s32 s10, $0x1;
	s10 =	sld [smem:$0x3FB8]  }
0x3d: {  	_ =	shalt  }
0x3e: {  	_ =	shalt  }
0x3f: {  	_ =	shalt  }
0x40: {  	_ =	shalt  }
0x41: {  	_ =	shalt  }
0x42: {  	_ =	shalt  }
0x43: {  	_ =	shalt  }
0x44: {  	_ =	shalt  }
0x45: {  	_ =	shalt  }
0x46: {  	_ =	shalt  }
0x47: {  	_ =	shalt  }
0x48: {  	_ =	shalt  }
0x49: {  	_ =	shalt  }
0x4a: {  	_ =	shalt  }
0x4b: {  	_ =	shalt  }
0x4c: {  	_ =	shalt  }
0x4d: {  	_ =	shalt  }
0x4e: {  	_ =	shalt  }
0x4f: {  	_ =	shalt  }
0x50: {  	_ =	shalt  }
0x51: {  	_ =	shalt  }
0x52: {  	_ =	shalt  }
0x53: {  	_ =	shalt  }
0x54: {  	_ =	shalt  }
0x55: {  	_ =	shalt  }
0x56: {  	_ =	shalt  }
0x57: {  	_ =	shalt  }
0x58: {  	_ =	shalt  }
0x59: {  	_ =	shalt  }
0x5a: {  	_ =	shalt  }
0x5b: {  	_ =	shalt  }
0x5c: {  	_ =	shalt  }
0x5d: {  	_ =	shalt  }
0x5e: {  	_ =	shalt  }
0x5f: {  	_ =	shalt  }
0x60: {  	_ =	shalt  }
0x61: {  	_ =	shalt  }
0x62: {  	_ =	shalt  }
0x63: {  	_ =	shalt  }
0x64: {  	_ =	shalt  }
0x65: {  	_ =	shalt  }
0x66: {  	_ =	shalt  }
0x67: {  	_ =	shalt  }
0x68: {  	_ =	shalt  }
0x69: {  	_ =	shalt  }
0x6a: {  	_ =	shalt  }
0x6b: {  	_ =	shalt  }
0x6c: {  	_ =	shalt  }
0x6d: {  	_ =	shalt  }
0x6e: {  	_ =	shalt  }
0x6f: {  	_ =	shalt  }
0x70: {  	_ =	shalt  }
0x71: {  	_ =	shalt  }
0x72: {  	_ =	shalt  }
0x73: {  	_ =	shalt  }
0x74: {  	_ =	shalt  }
0x75: {  	_ =	shalt  }
0x76: {  	_ =	shalt  }
0x77: {  	_ =	shalt  }
0x78: {  	_ =	shalt  }
0x79: {  	_ =	shalt  }
0x7a: {  	_ =	shalt  }
0x7b: {  	_ =	shalt  }
0x7c: {  	_ =	shalt  }
0x7d: {  	_ =	shalt  }
0x7e: {  	_ =	shalt  }
0x7f: {  	_ =	shalt  }
0x80: {  	_ =	shalt  }
0x81: {  	_ =	shalt  }
0x82: {  	_ =	shalt  }
0x83: {  	_ =	shalt  }
0x84: {  	_ =	shalt  }
0x85: {  	_ =	shalt  }
0x86: {  	_ =	shalt  }
0x87: {  	_ =	shalt  }
.Lfunc_end0:
.L_simem_size_0:
called_computation.1_lowered:
.L_overlay_start_0:
0x88: {  	s2 =	sld [smem:$0x3FD9]  }
0x89: {  	s3 =	sld [smem:$0x3FFE];
	_ =	sdelay $0x1  }
0x8a: {  	s1 =	srdreg.scid  }
0x8b: {  	s0 =	sand.u32 $0x1, s1  }
0x8c: {  	s17 =	sshll.u32 s0, $0xA;
	s2 =	sadd.s32 s3, s2  }
0x8d: {  	s2 =	sadd.s32 s2, s17  }
0x8e: {  	[smem:$0x3FC4] =	sst s2  }
0x8f: {  	_ = 	snop  }
0x90: {  	s18 =	sld [smem:$0x3FC7];
	(tm) =	ssettm $0x1  }
0x91: {  	s19 =	sld [smem:$0x3FFB];
	_ =	sdelay $0x3  }
0x92: {  	_ =	strace s19  }
0x93: {  	s2 =	sld [smem:$0x3FFC];
	_ =	sdelay $0x3  }
0x94: {  	_ =	strace s2  }
0x95: {  	s2 =	sld [smem:$0x3FFD];
	_ =	sdelay $0x3  }
0x96: {  	_ =	strace s2  }
0x97: {  	_ =	strace $0x8FFFFFFF  }
0x98: {  	s20 =	sld [smem:$0x3FDB];
	_ =	sdelay $0x1  }
0x99: {  	s4 =	simm.s32 $_scs_section_size  }
0x9a: {  	s5 =	simm.s32 $_size__tile_overlayer_lowered;
	s6 =	simm.s32 $_tile_overlayer_lowered  }
0x9b: {  	s7 =	simm.s32 $0x1BFF;
	s21 =	sshll.u32 s6, $0x1;
	s4 =	sadd.s32 s4, s20  }
0x9c: {  	s22 =	simm.s32 $0x0;
	s5 =	sshll.u32 s5, $0x1;
	s6 =	sadd.s32 s21, s4  }
0x9d: {  	[timem:s22], [sflag:s7] =	dma.local [hbm:s6], s5  }
0x9e: {  	_ =	swait.ge [sflag:s7], s5  }
0x9f: {  	s5 =	ssub.s32 $0x0, s5;
	[sflag:s7] =	ssyncset.done $0x0  }
0xa0: {  	[sflag:s7] =	ssyncadd.s32 s5;
	_ =	sdelay $0x1  }
0xa1: {  	s23 =	simm.s32 $0x1B8B  }
0xa2: {  	_ =	swait.ge [sflag:s23], $0x1  }
0xa3: {  	[sflag:s23] =	ssyncset.done $0x0  }
0xa4: {  	[sflag:s23] =	ssyncadd.s32 $0xFFFFFFFF  }
0xa5: {  	s5 =	sld [smem:$0x0]  }
0xa6: {  	s6 =	sand.u32 $0xFFFFFFFE, s1  }
0xa7: {  	p0 =	sne.s32 s1, s6  }
0xa8: {  	s6 =	sshll.u32 @p0 s6, $0xE  }
0xa9: {  	s6 =	sadd.s32 @p0 $0x11B8D, s6;
	s7 =	sshll.u32 @p0 s5, $0x11  }
0xaa: {  	s6 =	sor.u32 @p0 s7, s6  }
0xab: {  	[sflag:s6] =	ssyncadd.remote.s32 @p0 $0x1;
	_ =	sdelay $0x1  }
0xac: {  	s6 =	simm.s32 @p0 $0x1B8D  }
0xad: {  	_ =	swait.eq @p0 [sflag:s6], $0x1  }
0xae: {  	[sflag:s6] =	ssyncadd.s32 @p0 $0xFFFFFFFF  }
0xaf: {  	s7 =	sshll.u32 @!p0 s1, $0xE  }
0xb0: {  	s7 =	sor.u32 @!p0 $0x4000, s7;
	s6 =	simm.s32 @!p0 $0x1B8D  }
0xb1: {  	s5 =	sshll.u32 @!p0 s5, $0x11;
	s7 =	sadd.s32 @!p0 $0x11B8D, s7;
	_ =	swait.eq @!p0 [sflag:s6], $0x1  }
0xb2: {  	s5 =	sor.u32 @!p0 s5, s7;
	[sflag:s6] =	ssyncadd.s32 @!p0 $0xFFFFFFFF  }
0xb3: {  	s25 =	simm.s32 $0x1B8E;
	s24 =	sld [smem:$0x3FFE];
	[sflag:s5] =	ssyncadd.remote.s32 @!p0 $0x1  }
0xb4: {  	s26 =	simm.s32 $execute0_lowered;
	[smem:$0x3FD2] =	sst s25  }
0xb5: {  	s6 =	sshll.u32 s26, $0x1;
	_ =	strace $0x8000004F;
	[dreg:$0x1] =	wrdreg $0xFFFFFFFF  }
0xb6: {  	s28 =	simm.s32 $_size_execute0_lowered;
	s4 =	sadd.s32 s4, s6;
	[dreg:$0x0] =	wrdreg $0x0  }
0xb7: {  	s6 =	sshll.u32 s28, $0x1;
	[dreg:$0x2] =	wrdreg s4  }
0xb8: {  	[dreg:$0x3] =	wrdreg s6  }
0xb9: {  	[dreg:$0x4] =	wrdreg $0xC0  }
0xba: {  	_ =	task [dreg:s22], $0x5FFFF  }
0xbb: {  	[dreg:$0x1] =	wrdreg $0xFFFFFFFF  }
0xbc: {  	[dreg:$0x0] =	wrdreg $0x60  }
0xbd: {  	[dreg:$0x2] =	wrdreg s24  }
0xbe: {  	[dreg:$0x3] =	wrdreg s18  }
0xbf: {  	[dreg:$0x4] =	wrdreg $0x9  }
0xc0: {  	_ =	task.clear_ibuf [dreg:s22], $0x5FFFF;
	_ =	strace $0x9000004F  }
0xc1: {  	s29 =	simm.s32 $0x9;
	_ =	strace $0x80000051  }
0xc2: {  	_ =	swait.ge [sflag:s29], $0x1  }
0xc3: {  	[sflag:s29] =	ssyncadd.s32 $0xFFFFFFFF  }
0xc4: {  	_ =	strace $0x90000051  }
0xc5: {  	_ =	sfence  }
0xc6: {  	s30 =	sld [smem:$0x0];
	_ =	sdelay $0x2  }
0xc7: {  	s31 =	sshll.u32 s1, $0xD;
	s1 =	sshrl.u32 s1, $0x2  }
0xc8: {  	s4 =	sand.u32 $0x4000, s31;
	s1 =	sadd.s32 s1, s30  }
0xc9: {  	s0 =	sor.u32 s4, s0;
	s1 =	sshll.u32 s1, $0x11  }
0xca: {  	s0 =	sor.u32 s1, s0  }
0xcb: {  	s0 =	sadd.s32 $0x8F2B, s0  }
0xcc: {  	[sflag:s0] =	ssyncadd.remote.s32 $0x1  }
0xcd: {  	_ =	sfence.sel $0xFFFF  }
0xce: {  	[dreg:$0x0] =	wrdreg $0xFFFFFFFF;
	(pc) =	sbr.abs _section_cstart, $3  }
0xcf: {  	[dreg:$0x1] =	wrdreg $0xFFFFFFFF  }
0xd0: {  	_ =	task.clear_ibuf [dreg:s22], $0x2FFFF;
	_ =	strace $0x9FFFFFFF  }
0xd1: {  	(tm) =	ssettm $0x7FFFFFFF  }
tec
execute0_lowered:
.L_overlay_start_1:
0x0: {  	(tag) =	ssettag $0x1  }
0x1: {  	s0 =	srdreg.scid  }
0x2: {  	s2 =	stileid.u32;
	s1 =	rddreg [dreg:$0x0]  }
0x3: {  	s13 =	simm.s32 $0x2;
	s14 =	simm.s32 $0x3;
	s15 =	simm.s32 $0x4  }
0x4: {  	s17 =	simm.s32 $0xA00;
	s18 =	simm.s32 $0x1200;
	s19 =	simm.s32 $0x1A00  }
0x5: {  	s20 =	simm.s32 $0x2200;
	s21 =	simm.s32 $0x2A00;
	s28 =	simm.s32 $0x4A00  }
0x6: {  	s29 =	simm.s32 $0x5200;
	s30 =	simm.s32 $0x5A00;
	s31 =	simm.s32 $0x6200  }
0x7: {  	s7 =	simm.s32 $0x7A00;
	s8 =	simm.s32 $0x8A00;
	s9 =	simm.s32 $0x9200  }
0x8: {  	s10 =	simm.s32 $0x9A00;
	s11 =	simm.s32 $0xA200;
	s0 =	sand.u32 $0x1, s0  }
0x9: {  	s12 =	simm.s32 $0xAA00;
	s3 =	sshll.u32 s2, $0xA;
	s4 =	sshll.u32 s0, $0x9  }
0xa: {  	s2 =	rddreg [dreg:$0x1];
	s0 =	ssub.s32 $0x2, s0;
	s4 =	sor.u32 s4, s3  }
0xb: {  	s3 =	simm.s32 $0x0;
	s25 =	sshrl.u32 s0, $0x1;
	s5 =	sshrl.u32 s4, $0x3  }
0xc: {  	[smem:$0x7FF] =	sst s3;
	s4 =	sshll.u32 s4, $0x5;
	s5 =	sadd.s32 s5, s1  }
0xd: {  	s0 =	ssub.s32 s0, s25;
	s1 =	sadd.s32 s4, s1;
	s22 =	sadd.s32 $0x104400, s5  }
0xe: {  	_ =	strace $0x80000050;
	s23 =	sadd.s32 $0x205400, s1;
	[dreg:$0x3] =	wrdreg s22  }
0xf: {  	s25 =	simm.s32 $0x3A00;
	s24 =	sadd.s32 $0x206400, s1;
	[dreg:$0x4] =	wrdreg s23  }
0x10: {  	s4 =	smax.u32 s0, $0x1;
	s26 =	sadd.s32 $0x207400, s1;
	[dreg:$0x5] =	wrdreg s24  }
0x11: {  	v2 =	vlaneseq.u32;
	s1 =	sadd.s32 $0x208400, s1;
	s5 =	simm.s32 $0x7200;
	[dreg:$0x6] =	wrdreg s26  }
0x12: {  	vm0 =	vmmov $0xffff;
	v1 =	vshrl.u32 v2, $0x3;
	[dreg:$0x7] =	wrdreg s1;
	s23 =	simm.s32 $0x200;
	s24 =	simm.s32 $0x3200  }
0x13: {  	v0 =	vand.u32 $0x7, v2;
	v2 =	vor.u32 $0x8, v2;
	v1 =	vmul.u32 $0x8, v1;
	s26 =	simm.s32 $0x4200;
	s1 =	simm.s32 $0x6A00;
	s22 =	simm.s32 $0x8200  }
.LBB2_1:
0x14: {  	s16 =	rddreg [dreg:$0x3];
	s0 =	simm.s32 $0x5  }
0x15: {  	[tilespmem:s3], [sflag:$0x5] =	stream.linear.gather [hbm4b:s16+s3], $0x200, $0x38;
	[tilespmem:$0x10200] =	vst v63  }
0x16: {  	_ =	swait.ge [sflag:s0], $0x200  }
0x17: {  	[sflag:s0] =	ssyncset.done $0x0  }
0x18: {  	[sflag:s0] =	ssyncadd.s32 $0xFFFFFE00  }
0x19: {  	v3 =	vld [tilespmem:$0x0];
	_ =	sdelay $0x4  }
0x1a: {  	v4 =	vshll.u32 v3, $0x1  }
0x1b: {  	v3 =	vand.u32 $0x7, v3;
	v4 =	vand.u32 $0xFFFFFFF0, v4  }
0x1c: {  	v3 =	vor.u32 v3, v4  }
0x1d: {  	v4 =	vperm.xlane v3, v0;
	_ =	sdelay $0x1  }
0x1e: {  	v3 =	vperm.xlane v3, v2;
	v4 =	vadd.s32 v1, v4;
	_ =	sdelay $0x1  }
0x1f: {  	v3 =	vadd.s32 v1, v3;
	_ =	sdelay $0x2  }
0x20: {  	[tilespmem:s23], [sflag:$0x1] =	stream.indirect_vreg.gather [hbm4b:s2+s3], $0x80, v4, vm0, $0xb8;
	[tilespmem:$0x10200] =	vst v63  }
0x21: {  	_ = 	snop  }
0x22: {  	[tilespmem:s17], [sflag:$0x1] =	stream.indirect_vreg.gather [hbm4b:s2+s3], $0x80, v3, vm0, $0xb8;
	[tilespmem:$0x10200] =	vst v63  }
0x23: {  	v3 =	vld [tilespmem:$0x10];
	_ =	sdelay $0x4  }
0x24: {  	v33 =	vshll.u32 v3, $0x1  }
0x25: {  	v3 =	vand.u32 $0x7, v3;
	v4 =	vand.u32 $0xFFFFFFF0, v33  }
0x26: {  	v3 =	vor.u32 v3, v4  }
0x27: {  	v4 =	vperm.xlane v3, v0;
	_ =	sdelay $0x1  }
0x28: {  	v3 =	vperm.xlane v3, v2;
	v4 =	vadd.s32 v1, v4;
	_ =	sdelay $0x1  }
0x29: {  	v3 =	vadd.s32 v1, v3;
	_ =	sdelay $0x2  }
0x2a: {  	[tilespmem:s18], [sflag:$0x1] =	stream.indirect_vreg.gather [hbm4b:s2+s3], $0x80, v4, vm0, $0xb8;
	[tilespmem:$0x10200] =	vst v63  }
0x2b: {  	_ = 	snop  }
0x2c: {  	[tilespmem:s19], [sflag:$0x1] =	stream.indirect_vreg.gather [hbm4b:s2+s3], $0x80, v3, vm0, $0xb8;
	[tilespmem:$0x10200] =	vst v63  }
0x2d: {  	v3 =	vld [tilespmem:$0x20];
	_ =	sdelay $0x4  }
0x2e: {  	v34 =	vshll.u32 v3, $0x1  }
0x2f: {  	v3 =	vand.u32 $0x7, v3;
	v4 =	vand.u32 $0xFFFFFFF0, v34  }
0x30: {  	v3 =	vor.u32 v3, v4  }
0x31: {  	v4 =	vperm.xlane v3, v0;
	_ =	sdelay $0x1  }
0x32: {  	v3 =	vperm.xlane v3, v2;
	v4 =	vadd.s32 v1, v4;
	_ =	sdelay $0x1  }
0x33: {  	v3 =	vadd.s32 v1, v3;
	_ =	sdelay $0x2  }
0x34: {  	[tilespmem:s20], [sflag:$0x1] =	stream.indirect_vreg.gather [hbm4b:s2+s3], $0x80, v4, vm0, $0xb8;
	[tilespmem:$0x10200] =	vst v63  }
0x35: {  	_ = 	snop  }
0x36: {  	[tilespmem:s21], [sflag:$0x1] =	stream.indirect_vreg.gather [hbm4b:s2+s3], $0x80, v3, vm0, $0xb8;
	[tilespmem:$0x10200] =	vst v63  }
0x37: {  	v3 =	vld [tilespmem:$0x30];
	_ =	sdelay $0x4  }
0x38: {  	v35 =	vshll.u32 v3, $0x1  }
0x39: {  	v3 =	vand.u32 $0x7, v3;
	v4 =	vand.u32 $0xFFFFFFF0, v35  }
0x3a: {  	v3 =	vor.u32 v3, v4  }
0x3b: {  	v4 =	vperm.xlane v3, v0;
	_ =	sdelay $0x1  }
0x3c: {  	v3 =	vperm.xlane v3, v2;
	v4 =	vadd.s32 v1, v4;
	_ =	sdelay $0x1  }
0x3d: {  	v3 =	vadd.s32 v1, v3;
	_ =	sdelay $0x2  }
0x3e: {  	[tilespmem:s24], [sflag:$0x1] =	stream.indirect_vreg.gather [hbm4b:s2+s3], $0x80, v4, vm0, $0xb8;
	[tilespmem:$0x10200] =	vst v63  }
0x3f: {  	_ = 	snop  }
0x40: {  	[tilespmem:s25], [sflag:$0x1] =	stream.indirect_vreg.gather [hbm4b:s2+s3], $0x80, v3, vm0, $0xb8;
	[tilespmem:$0x10200] =	vst v63  }
0x41: {  	v3 =	vld [tilespmem:$0x40];
	_ =	sdelay $0x4  }
0x42: {  	v36 =	vshll.u32 v3, $0x1  }
0x43: {  	v3 =	vand.u32 $0x7, v3;
	v4 =	vand.u32 $0xFFFFFFF0, v36  }
0x44: {  	v3 =	vor.u32 v3, v4  }
0x45: {  	v4 =	vperm.xlane v3, v0;
	_ =	sdelay $0x1  }
0x46: {  	v3 =	vperm.xlane v3, v2;
	v4 =	vadd.s32 v1, v4;
	_ =	sdelay $0x1  }
0x47: {  	v3 =	vadd.s32 v1, v3;
	_ =	sdelay $0x2  }
0x48: {  	[tilespmem:s26], [sflag:$0x1] =	stream.indirect_vreg.gather [hbm4b:s2+s3], $0x80, v4, vm0, $0xb8;
	[tilespmem:$0x10200] =	vst v63  }
0x49: {  	_ = 	snop  }
0x4a: {  	[tilespmem:s28], [sflag:$0x1] =	stream.indirect_vreg.gather [hbm4b:s2+s3], $0x80, v3, vm0, $0xb8;
	[tilespmem:$0x10200] =	vst v63  }
0x4b: {  	v3 =	vld [tilespmem:$0x50];
	_ =	sdelay $0x4  }
0x4c: {  	v37 =	vshll.u32 v3, $0x1  }
0x4d: {  	v3 =	vand.u32 $0x7, v3;
	v4 =	vand.u32 $0xFFFFFFF0, v37  }
0x4e: {  	v3 =	vor.u32 v3, v4  }
0x4f: {  	v4 =	vperm.xlane v3, v0;
	_ =	sdelay $0x1  }
0x50: {  	v3 =	vperm.xlane v3, v2;
	v4 =	vadd.s32 v1, v4;
	_ =	sdelay $0x1  }
0x51: {  	v3 =	vadd.s32 v1, v3;
	_ =	sdelay $0x2  }
0x52: {  	[tilespmem:s29], [sflag:$0x1] =	stream.indirect_vreg.gather [hbm4b:s2+s3], $0x80, v4, vm0, $0xb8;
	[tilespmem:$0x10200] =	vst v63  }
0x53: {  	_ = 	snop  }
0x54: {  	[tilespmem:s30], [sflag:$0x1] =	stream.indirect_vreg.gather [hbm4b:s2+s3], $0x80, v3, vm0, $0xb8;
	[tilespmem:$0x10200] =	vst v63  }
0x55: {  	v3 =	vld [tilespmem:$0x60];
	_ =	sdelay $0x4  }
0x56: {  	v38 =	vshll.u32 v3, $0x1  }
0x57: {  	v3 =	vand.u32 $0x7, v3;
	v4 =	vand.u32 $0xFFFFFFF0, v38  }
0x58: {  	v3 =	vor.u32 v3, v4  }
0x59: {  	v4 =	vperm.xlane v3, v0;
	_ =	sdelay $0x1  }
0x5a: {  	v3 =	vperm.xlane v3, v2;
	v4 =	vadd.s32 v1, v4;
	_ =	sdelay $0x1  }
0x5b: {  	v3 =	vadd.s32 v1, v3;
	_ =	sdelay $0x2  }
0x5c: {  	[tilespmem:s31], [sflag:$0x1] =	stream.indirect_vreg.gather [hbm4b:s2+s3], $0x80, v4, vm0, $0xb8;
	[tilespmem:$0x10200] =	vst v63  }
0x5d: {  	_ = 	snop  }
0x5e: {  	[tilespmem:s1], [sflag:$0x1] =	stream.indirect_vreg.gather [hbm4b:s2+s3], $0x80, v3, vm0, $0xb8;
	[tilespmem:$0x10200] =	vst v63  }
0x5f: {  	v3 =	vld [tilespmem:$0x70];
	_ =	sdelay $0x4  }
0x60: {  	v39 =	vshll.u32 v3, $0x1  }
0x61: {  	v3 =	vand.u32 $0x7, v3;
	v4 =	vand.u32 $0xFFFFFFF0, v39  }
0x62: {  	v3 =	vor.u32 v3, v4  }
0x63: {  	v4 =	vperm.xlane v3, v0;
	_ =	sdelay $0x1  }
0x64: {  	v3 =	vperm.xlane v3, v2;
	v4 =	vadd.s32 v1, v4;
	_ =	sdelay $0x1  }
0x65: {  	v3 =	vadd.s32 v1, v3;
	_ =	sdelay $0x2  }
0x66: {  	[tilespmem:s5], [sflag:$0x1] =	stream.indirect_vreg.gather [hbm4b:s2+s3], $0x80, v4, vm0, $0xb8;
	[tilespmem:$0x10200] =	vst v63  }
0x67: {  	s0 =	simm.s32 $0x1  }
0x68: {  	[tilespmem:s7], [sflag:$0x1] =	stream.indirect_vreg.gather [hbm4b:s2+s3], $0x80, v3, vm0, $0xb8;
	[tilespmem:$0x10200] =	vst v63  }
0x69: {  	_ =	swait.ge [sflag:s0], $0x8000  }
0x6a: {  	[sflag:s0] =	ssyncset.done $0x0  }
0x6b: {  	s6 =	rddreg [dreg:$0x4];
	[sflag:s0] =	ssyncadd.s32 $0xFFFF8000  }
0x6c: {  	[hbm4b:s6+s3] =	stream.linear.scatter [tilespmem:s23], [sflag:$0x3], $0x8000, $0x38;
	[tilespmem:$0x10200] =	vst v63  }
0x6d: {  	v3 =	vld [tilespmem:$0x80];
	_ =	sdelay $0x4  }
0x6e: {  	v40 =	vshll.u32 v3, $0x1  }
0x6f: {  	v3 =	vand.u32 $0x7, v3;
	v4 =	vand.u32 $0xFFFFFFF0, v40  }
0x70: {  	v3 =	vor.u32 v3, v4  }
0x71: {  	v4 =	vperm.xlane v3, v0;
	_ =	sdelay $0x1  }
0x72: {  	v3 =	vperm.xlane v3, v2;
	v4 =	vadd.s32 v1, v4;
	_ =	sdelay $0x1  }
0x73: {  	v3 =	vadd.s32 v1, v3;
	_ =	sdelay $0x2  }
0x74: {  	[tilespmem:s22], [sflag:$0x2] =	stream.indirect_vreg.gather [hbm4b:s2+s3], $0x80, v4, vm0, $0xb8;
	[tilespmem:$0x10200] =	vst v63  }
0x75: {  	_ = 	snop  }
0x76: {  	[tilespmem:s8], [sflag:$0x2] =	stream.indirect_vreg.gather [hbm4b:s2+s3], $0x80, v3, vm0, $0xb8;
	[tilespmem:$0x10200] =	vst v63  }
0x77: {  	v3 =	vld [tilespmem:$0x90];
	_ =	sdelay $0x4  }
0x78: {  	v41 =	vshll.u32 v3, $0x1  }
0x79: {  	v3 =	vand.u32 $0x7, v3;
	v4 =	vand.u32 $0xFFFFFFF0, v41  }
0x7a: {  	v3 =	vor.u32 v3, v4  }
0x7b: {  	v4 =	vperm.xlane v3, v0;
	_ =	sdelay $0x1  }
0x7c: {  	v3 =	vperm.xlane v3, v2;
	v4 =	vadd.s32 v1, v4;
	_ =	sdelay $0x1  }
0x7d: {  	v3 =	vadd.s32 v1, v3;
	_ =	sdelay $0x2  }
0x7e: {  	[tilespmem:s9], [sflag:$0x2] =	stream.indirect_vreg.gather [hbm4b:s2+s3], $0x80, v4, vm0, $0xb8;
	[tilespmem:$0x10200] =	vst v63  }
0x7f: {  	_ = 	snop  }
0x80: {  	[tilespmem:s10], [sflag:$0x2] =	stream.indirect_vreg.gather [hbm4b:s2+s3], $0x80, v3, vm0, $0xb8;
	[tilespmem:$0x10200] =	vst v63  }
0x81: {  	v3 =	vld [tilespmem:$0xA0];
	_ =	sdelay $0x4  }
0x82: {  	v42 =	vshll.u32 v3, $0x1  }
0x83: {  	v3 =	vand.u32 $0x7, v3;
	v4 =	vand.u32 $0xFFFFFFF0, v42  }
0x84: {  	v3 =	vor.u32 v3, v4  }
0x85: {  	v4 =	vperm.xlane v3, v0;
	_ =	sdelay $0x1  }
0x86: {  	v3 =	vperm.xlane v3, v2;
	v4 =	vadd.s32 v1, v4;
	_ =	sdelay $0x1  }
0x87: {  	v3 =	vadd.s32 v1, v3;
	_ =	sdelay $0x2  }
0x88: {  	[tilespmem:s11], [sflag:$0x2] =	stream.indirect_vreg.gather [hbm4b:s2+s3], $0x80, v4, vm0, $0xb8;
	[tilespmem:$0x10200] =	vst v63  }
0x89: {  	_ = 	snop  }
0x8a: {  	[tilespmem:s12], [sflag:$0x2] =	stream.indirect_vreg.gather [hbm4b:s2+s3], $0x80, v3, vm0, $0xb8;
	[tilespmem:$0x10200] =	vst v63  }
0x8b: {  	v3 =	vld [tilespmem:$0xB0];
	_ =	sdelay $0x4  }
0x8c: {  	v43 =	vshll.u32 v3, $0x1  }
0x8d: {  	v3 =	vand.u32 $0x7, v3;
	v4 =	vand.u32 $0xFFFFFFF0, v43  }
0x8e: {  	v3 =	vor.u32 v3, v4  }
0x8f: {  	v4 =	vperm.xlane v3, v0;
	_ =	sdelay $0x1  }
0x90: {  	v3 =	vperm.xlane v3, v2;
	v4 =	vadd.s32 v1, v4;
	_ =	sdelay $0x1  }
0x91: {  	v3 =	vadd.s32 v1, v3;
	_ =	sdelay $0x1  }
0x92: {  	s6 =	simm.s32 $0xB200  }
0x93: {  	[tilespmem:s6], [sflag:$0x2] =	stream.indirect_vreg.gather [hbm4b:s2+s3], $0x80, v4, vm0, $0xb8;
	[tilespmem:$0x10200] =	vst v63  }
0x94: {  	s6 =	simm.s32 $0xBA00  }
0x95: {  	[tilespmem:s6], [sflag:$0x2] =	stream.indirect_vreg.gather [hbm4b:s2+s3], $0x80, v3, vm0, $0xb8;
	[tilespmem:$0x10200] =	vst v63  }
0x96: {  	v3 =	vld [tilespmem:$0xC0];
	_ =	sdelay $0x4  }
0x97: {  	v44 =	vshll.u32 v3, $0x1  }
0x98: {  	v3 =	vand.u32 $0x7, v3;
	v4 =	vand.u32 $0xFFFFFFF0, v44  }
0x99: {  	v3 =	vor.u32 v3, v4  }
0x9a: {  	v4 =	vperm.xlane v3, v0;
	_ =	sdelay $0x1  }
0x9b: {  	v3 =	vperm.xlane v3, v2;
	v4 =	vadd.s32 v1, v4;
	_ =	sdelay $0x1  }
0x9c: {  	v3 =	vadd.s32 v1, v3;
	_ =	sdelay $0x1  }
0x9d: {  	s16 =	simm.s32 $0xC200  }
0x9e: {  	[tilespmem:s16], [sflag:$0x2] =	stream.indirect_vreg.gather [hbm4b:s2+s3], $0x80, v4, vm0, $0xb8;
	[tilespmem:$0x10200] =	vst v63  }
0x9f: {  	s16 =	simm.s32 $0xCA00  }
0xa0: {  	[tilespmem:s16], [sflag:$0x2] =	stream.indirect_vreg.gather [hbm4b:s2+s3], $0x80, v3, vm0, $0xb8;
	[tilespmem:$0x10200] =	vst v63  }
0xa1: {  	v3 =	vld [tilespmem:$0xD0];
	_ =	sdelay $0x4  }
0xa2: {  	v45 =	vshll.u32 v3, $0x1  }
0xa3: {  	v3 =	vand.u32 $0x7, v3;
	v4 =	vand.u32 $0xFFFFFFF0, v45  }
0xa4: {  	v3 =	vor.u32 v3, v4  }
0xa5: {  	v4 =	vperm.xlane v3, v0;
	_ =	sdelay $0x1  }
0xa6: {  	v3 =	vperm.xlane v3, v2;
	v4 =	vadd.s32 v1, v4;
	_ =	sdelay $0x1  }
0xa7: {  	v3 =	vadd.s32 v1, v3;
	_ =	sdelay $0x1  }
0xa8: {  	s16 =	simm.s32 $0xD200  }
0xa9: {  	[tilespmem:s16], [sflag:$0x2] =	stream.indirect_vreg.gather [hbm4b:s2+s3], $0x80, v4, vm0, $0xb8;
	[tilespmem:$0x10200] =	vst v63  }
0xaa: {  	s16 =	simm.s32 $0xDA00  }
0xab: {  	[tilespmem:s16], [sflag:$0x2] =	stream.indirect_vreg.gather [hbm4b:s2+s3], $0x80, v3, vm0, $0xb8;
	[tilespmem:$0x10200] =	vst v63  }
0xac: {  	v3 =	vld [tilespmem:$0xE0];
	_ =	sdelay $0x4  }
0xad: {  	v46 =	vshll.u32 v3, $0x1  }
0xae: {  	v3 =	vand.u32 $0x7, v3;
	v4 =	vand.u32 $0xFFFFFFF0, v46  }
0xaf: {  	v3 =	vor.u32 v3, v4  }
0xb0: {  	v4 =	vperm.xlane v3, v0;
	_ =	sdelay $0x1  }
0xb1: {  	v3 =	vperm.xlane v3, v2;
	v4 =	vadd.s32 v1, v4;
	_ =	sdelay $0x1  }
0xb2: {  	v3 =	vadd.s32 v1, v3;
	_ =	sdelay $0x1  }
0xb3: {  	s16 =	simm.s32 $0xE200  }
0xb4: {  	[tilespmem:s16], [sflag:$0x2] =	stream.indirect_vreg.gather [hbm4b:s2+s3], $0x80, v4, vm0, $0xb8;
	[tilespmem:$0x10200] =	vst v63  }
0xb5: {  	s16 =	simm.s32 $0xEA00  }
0xb6: {  	[tilespmem:s16], [sflag:$0x2] =	stream.indirect_vreg.gather [hbm4b:s2+s3], $0x80, v3, vm0, $0xb8;
	[tilespmem:$0x10200] =	vst v63  }
0xb7: {  	v3 =	vld [tilespmem:$0xF0];
	_ =	sdelay $0x4  }
0xb8: {  	v47 =	vshll.u32 v3, $0x1  }
0xb9: {  	v3 =	vand.u32 $0x7, v3;
	v4 =	vand.u32 $0xFFFFFFF0, v47  }
0xba: {  	v3 =	vor.u32 v3, v4  }
0xbb: {  	v4 =	vperm.xlane v3, v0;
	_ =	sdelay $0x1  }
0xbc: {  	v3 =	vperm.xlane v3, v2;
	v4 =	vadd.s32 v1, v4;
	_ =	sdelay $0x1  }
0xbd: {  	v3 =	vadd.s32 v1, v3;
	_ =	sdelay $0x1  }
0xbe: {  	s16 =	simm.s32 $0xF200  }
0xbf: {  	[tilespmem:s16], [sflag:$0x2] =	stream.indirect_vreg.gather [hbm4b:s2+s3], $0x80, v4, vm0, $0xb8;
	[tilespmem:$0x10200] =	vst v63  }
0xc0: {  	s16 =	simm.s32 $0xFA00  }
0xc1: {  	[tilespmem:s16], [sflag:$0x2] =	stream.indirect_vreg.gather [hbm4b:s2+s3], $0x80, v3, vm0, $0xb8;
	[tilespmem:$0x10200] =	vst v63  }
0xc2: {  	_ =	swait.ge [sflag:s13], $0x8000  }
0xc3: {  	[sflag:s13] =	ssyncset.done $0x0  }
0xc4: {  	s16 =	rddreg [dreg:$0x5];
	[sflag:s13] =	ssyncadd.s32 $0xFFFF8000  }
0xc5: {  	[hbm4b:s16+s3] =	stream.linear.scatter [tilespmem:s22], [sflag:$0x4], $0x8000, $0x38;
	[tilespmem:$0x10200] =	vst v63  }
0xc6: {  	_ =	swait.ge [sflag:s14], $0x8000  }
0xc7: {  	[sflag:s14] =	ssyncset.done $0x0  }
0xc8: {  	[sflag:s14] =	ssyncadd.s32 $0xFFFF8000  }
0xc9: {  	v3 =	vld [tilespmem:$0x100];
	_ =	sdelay $0x4  }
0xca: {  	v48 =	vshll.u32 v3, $0x1  }
0xcb: {  	v3 =	vand.u32 $0x7, v3;
	v4 =	vand.u32 $0xFFFFFFF0, v48  }
0xcc: {  	v3 =	vor.u32 v3, v4  }
0xcd: {  	v4 =	vperm.xlane v3, v0;
	_ =	sdelay $0x1  }
0xce: {  	v3 =	vperm.xlane v3, v2;
	v4 =	vadd.s32 v1, v4;
	_ =	sdelay $0x1  }
0xcf: {  	v3 =	vadd.s32 v1, v3;
	_ =	sdelay $0x2  }
0xd0: {  	[tilespmem:s23], [sflag:$0x1] =	stream.indirect_vreg.gather [hbm4b:s2+s3], $0x80, v4, vm0, $0xb8;
	[tilespmem:$0x10200] =	vst v63  }
0xd1: {  	_ = 	snop  }
0xd2: {  	[tilespmem:s17], [sflag:$0x1] =	stream.indirect_vreg.gather [hbm4b:s2+s3], $0x80, v3, vm0, $0xb8;
	[tilespmem:$0x10200] =	vst v63  }
0xd3: {  	v3 =	vld [tilespmem:$0x110];
	_ =	sdelay $0x4  }
0xd4: {  	v49 =	vshll.u32 v3, $0x1  }
0xd5: {  	v3 =	vand.u32 $0x7, v3;
	v4 =	vand.u32 $0xFFFFFFF0, v49  }
0xd6: {  	v3 =	vor.u32 v3, v4  }
0xd7: {  	v4 =	vperm.xlane v3, v0;
	_ =	sdelay $0x1  }
0xd8: {  	v3 =	vperm.xlane v3, v2;
	v4 =	vadd.s32 v1, v4;
	_ =	sdelay $0x1  }
0xd9: {  	v3 =	vadd.s32 v1, v3;
	_ =	sdelay $0x2  }
0xda: {  	[tilespmem:s18], [sflag:$0x1] =	stream.indirect_vreg.gather [hbm4b:s2+s3], $0x80, v4, vm0, $0xb8;
	[tilespmem:$0x10200] =	vst v63  }
0xdb: {  	_ = 	snop  }
0xdc: {  	[tilespmem:s19], [sflag:$0x1] =	stream.indirect_vreg.gather [hbm4b:s2+s3], $0x80, v3, vm0, $0xb8;
	[tilespmem:$0x10200] =	vst v63  }
0xdd: {  	v3 =	vld [tilespmem:$0x120];
	_ =	sdelay $0x4  }
0xde: {  	v50 =	vshll.u32 v3, $0x1  }
0xdf: {  	v3 =	vand.u32 $0x7, v3;
	v4 =	vand.u32 $0xFFFFFFF0, v50  }
0xe0: {  	v3 =	vor.u32 v3, v4  }
0xe1: {  	v4 =	vperm.xlane v3, v0;
	_ =	sdelay $0x1  }
0xe2: {  	v3 =	vperm.xlane v3, v2;
	v4 =	vadd.s32 v1, v4;
	_ =	sdelay $0x1  }
0xe3: {  	v3 =	vadd.s32 v1, v3;
	_ =	sdelay $0x2  }
0xe4: {  	[tilespmem:s20], [sflag:$0x1] =	stream.indirect_vreg.gather [hbm4b:s2+s3], $0x80, v4, vm0, $0xb8;
	[tilespmem:$0x10200] =	vst v63  }
0xe5: {  	_ = 	snop  }
0xe6: {  	[tilespmem:s21], [sflag:$0x1] =	stream.indirect_vreg.gather [hbm4b:s2+s3], $0x80, v3, vm0, $0xb8;
	[tilespmem:$0x10200] =	vst v63  }
0xe7: {  	v3 =	vld [tilespmem:$0x130];
	_ =	sdelay $0x4  }
0xe8: {  	v51 =	vshll.u32 v3, $0x1  }
0xe9: {  	v3 =	vand.u32 $0x7, v3;
	v4 =	vand.u32 $0xFFFFFFF0, v51  }
0xea: {  	v3 =	vor.u32 v3, v4  }
0xeb: {  	v4 =	vperm.xlane v3, v0;
	_ =	sdelay $0x1  }
0xec: {  	v3 =	vperm.xlane v3, v2;
	v4 =	vadd.s32 v1, v4;
	_ =	sdelay $0x1  }
0xed: {  	v3 =	vadd.s32 v1, v3;
	_ =	sdelay $0x2  }
0xee: {  	[tilespmem:s24], [sflag:$0x1] =	stream.indirect_vreg.gather [hbm4b:s2+s3], $0x80, v4, vm0, $0xb8;
	[tilespmem:$0x10200] =	vst v63  }
0xef: {  	_ = 	snop  }
0xf0: {  	[tilespmem:s25], [sflag:$0x1] =	stream.indirect_vreg.gather [hbm4b:s2+s3], $0x80, v3, vm0, $0xb8;
	[tilespmem:$0x10200] =	vst v63  }
0xf1: {  	v3 =	vld [tilespmem:$0x140];
	_ =	sdelay $0x4  }
0xf2: {  	v52 =	vshll.u32 v3, $0x1  }
0xf3: {  	v3 =	vand.u32 $0x7, v3;
	v4 =	vand.u32 $0xFFFFFFF0, v52  }
0xf4: {  	v3 =	vor.u32 v3, v4  }
0xf5: {  	v4 =	vperm.xlane v3, v0;
	_ =	sdelay $0x1  }
0xf6: {  	v3 =	vperm.xlane v3, v2;
	v4 =	vadd.s32 v1, v4;
	_ =	sdelay $0x1  }
0xf7: {  	v3 =	vadd.s32 v1, v3;
	_ =	sdelay $0x2  }
0xf8: {  	[tilespmem:s26], [sflag:$0x1] =	stream.indirect_vreg.gather [hbm4b:s2+s3], $0x80, v4, vm0, $0xb8;
	[tilespmem:$0x10200] =	vst v63  }
0xf9: {  	_ = 	snop  }
0xfa: {  	[tilespmem:s28], [sflag:$0x1] =	stream.indirect_vreg.gather [hbm4b:s2+s3], $0x80, v3, vm0, $0xb8;
	[tilespmem:$0x10200] =	vst v63  }
0xfb: {  	v3 =	vld [tilespmem:$0x150];
	_ =	sdelay $0x4  }
0xfc: {  	v53 =	vshll.u32 v3, $0x1  }
0xfd: {  	v3 =	vand.u32 $0x7, v3;
	v4 =	vand.u32 $0xFFFFFFF0, v53  }
0xfe: {  	v3 =	vor.u32 v3, v4  }
0xff: {  	v4 =	vperm.xlane v3, v0;
	_ =	sdelay $0x1  }
0x100: {  	v3 =	vperm.xlane v3, v2;
	v4 =	vadd.s32 v1, v4;
	_ =	sdelay $0x1  }
0x101: {  	v3 =	vadd.s32 v1, v3;
	_ =	sdelay $0x2  }
0x102: {  	[tilespmem:s29], [sflag:$0x1] =	stream.indirect_vreg.gather [hbm4b:s2+s3], $0x80, v4, vm0, $0xb8;
	[tilespmem:$0x10200] =	vst v63  }
0x103: {  	_ = 	snop  }
0x104: {  	[tilespmem:s30], [sflag:$0x1] =	stream.indirect_vreg.gather [hbm4b:s2+s3], $0x80, v3, vm0, $0xb8;
	[tilespmem:$0x10200] =	vst v63  }
0x105: {  	v3 =	vld [tilespmem:$0x160];
	_ =	sdelay $0x4  }
0x106: {  	v54 =	vshll.u32 v3, $0x1  }
0x107: {  	v3 =	vand.u32 $0x7, v3;
	v4 =	vand.u32 $0xFFFFFFF0, v54  }
0x108: {  	v3 =	vor.u32 v3, v4  }
0x109: {  	v4 =	vperm.xlane v3, v0;
	_ =	sdelay $0x1  }
0x10a: {  	v3 =	vperm.xlane v3, v2;
	v4 =	vadd.s32 v1, v4;
	_ =	sdelay $0x1  }
0x10b: {  	v3 =	vadd.s32 v1, v3;
	_ =	sdelay $0x2  }
0x10c: {  	[tilespmem:s31], [sflag:$0x1] =	stream.indirect_vreg.gather [hbm4b:s2+s3], $0x80, v4, vm0, $0xb8;
	[tilespmem:$0x10200] =	vst v63  }
0x10d: {  	_ = 	snop  }
0x10e: {  	[tilespmem:s1], [sflag:$0x1] =	stream.indirect_vreg.gather [hbm4b:s2+s3], $0x80, v3, vm0, $0xb8;
	[tilespmem:$0x10200] =	vst v63  }
0x10f: {  	v3 =	vld [tilespmem:$0x170];
	_ =	sdelay $0x4  }
0x110: {  	v55 =	vshll.u32 v3, $0x1  }
0x111: {  	v3 =	vand.u32 $0x7, v3;
	v4 =	vand.u32 $0xFFFFFFF0, v55  }
0x112: {  	v3 =	vor.u32 v3, v4  }
0x113: {  	v4 =	vperm.xlane v3, v0;
	_ =	sdelay $0x1  }
0x114: {  	v3 =	vperm.xlane v3, v2;
	v4 =	vadd.s32 v1, v4;
	_ =	sdelay $0x1  }
0x115: {  	v3 =	vadd.s32 v1, v3;
	_ =	sdelay $0x2  }
0x116: {  	[tilespmem:s5], [sflag:$0x1] =	stream.indirect_vreg.gather [hbm4b:s2+s3], $0x80, v4, vm0, $0xb8;
	[tilespmem:$0x10200] =	vst v63  }
0x117: {  	_ = 	snop  }
0x118: {  	[tilespmem:s7], [sflag:$0x1] =	stream.indirect_vreg.gather [hbm4b:s2+s3], $0x80, v3, vm0, $0xb8;
	[tilespmem:$0x10200] =	vst v63  }
0x119: {  	_ =	swait.ge [sflag:s0], $0x8000  }
0x11a: {  	[sflag:s0] =	ssyncset.done $0x0  }
0x11b: {  	s16 =	rddreg [dreg:$0x6];
	[sflag:s0] =	ssyncadd.s32 $0xFFFF8000  }
0x11c: {  	[hbm4b:s16+s3] =	stream.linear.scatter [tilespmem:s23], [sflag:$0x3], $0x8000, $0x38;
	[tilespmem:$0x10200] =	vst v63  }
0x11d: {  	_ =	swait.ge [sflag:s15], $0x8000  }
0x11e: {  	[sflag:s15] =	ssyncset.done $0x0  }
0x11f: {  	[sflag:s15] =	ssyncadd.s32 $0xFFFF8000  }
0x120: {  	v3 =	vld [tilespmem:$0x180];
	_ =	sdelay $0x4  }
0x121: {  	v56 =	vshll.u32 v3, $0x1  }
0x122: {  	v3 =	vand.u32 $0x7, v3;
	v4 =	vand.u32 $0xFFFFFFF0, v56  }
0x123: {  	v3 =	vor.u32 v3, v4  }
0x124: {  	v4 =	vperm.xlane v3, v0;
	_ =	sdelay $0x1  }
0x125: {  	v3 =	vperm.xlane v3, v2;
	v4 =	vadd.s32 v1, v4;
	_ =	sdelay $0x1  }
0x126: {  	v3 =	vadd.s32 v1, v3;
	_ =	sdelay $0x2  }
0x127: {  	[tilespmem:s22], [sflag:$0x2] =	stream.indirect_vreg.gather [hbm4b:s2+s3], $0x80, v4, vm0, $0xb8;
	[tilespmem:$0x10200] =	vst v63  }
0x128: {  	_ = 	snop  }
0x129: {  	[tilespmem:s8], [sflag:$0x2] =	stream.indirect_vreg.gather [hbm4b:s2+s3], $0x80, v3, vm0, $0xb8;
	[tilespmem:$0x10200] =	vst v63  }
0x12a: {  	v3 =	vld [tilespmem:$0x190];
	_ =	sdelay $0x4  }
0x12b: {  	v57 =	vshll.u32 v3, $0x1  }
0x12c: {  	v3 =	vand.u32 $0x7, v3;
	v4 =	vand.u32 $0xFFFFFFF0, v57  }
0x12d: {  	v3 =	vor.u32 v3, v4  }
0x12e: {  	v4 =	vperm.xlane v3, v0;
	_ =	sdelay $0x1  }
0x12f: {  	v3 =	vperm.xlane v3, v2;
	v4 =	vadd.s32 v1, v4;
	_ =	sdelay $0x1  }
0x130: {  	v3 =	vadd.s32 v1, v3;
	_ =	sdelay $0x2  }
0x131: {  	[tilespmem:s9], [sflag:$0x2] =	stream.indirect_vreg.gather [hbm4b:s2+s3], $0x80, v4, vm0, $0xb8;
	[tilespmem:$0x10200] =	vst v63  }
0x132: {  	_ = 	snop  }
0x133: {  	[tilespmem:s10], [sflag:$0x2] =	stream.indirect_vreg.gather [hbm4b:s2+s3], $0x80, v3, vm0, $0xb8;
	[tilespmem:$0x10200] =	vst v63  }
0x134: {  	v3 =	vld [tilespmem:$0x1A0];
	_ =	sdelay $0x4  }
0x135: {  	v58 =	vshll.u32 v3, $0x1  }
0x136: {  	v3 =	vand.u32 $0x7, v3;
	v4 =	vand.u32 $0xFFFFFFF0, v58  }
0x137: {  	v3 =	vor.u32 v3, v4  }
0x138: {  	v4 =	vperm.xlane v3, v0;
	_ =	sdelay $0x1  }
0x139: {  	v3 =	vperm.xlane v3, v2;
	v4 =	vadd.s32 v1, v4;
	_ =	sdelay $0x1  }
0x13a: {  	v3 =	vadd.s32 v1, v3;
	_ =	sdelay $0x2  }
0x13b: {  	[tilespmem:s11], [sflag:$0x2] =	stream.indirect_vreg.gather [hbm4b:s2+s3], $0x80, v4, vm0, $0xb8;
	[tilespmem:$0x10200] =	vst v63  }
0x13c: {  	_ = 	snop  }
0x13d: {  	[tilespmem:s12], [sflag:$0x2] =	stream.indirect_vreg.gather [hbm4b:s2+s3], $0x80, v3, vm0, $0xb8;
	[tilespmem:$0x10200] =	vst v63  }
0x13e: {  	v3 =	vld [tilespmem:$0x1B0];
	_ =	sdelay $0x4  }
0x13f: {  	v59 =	vshll.u32 v3, $0x1  }
0x140: {  	v3 =	vand.u32 $0x7, v3;
	v4 =	vand.u32 $0xFFFFFFF0, v59  }
0x141: {  	v3 =	vor.u32 v3, v4  }
0x142: {  	v4 =	vperm.xlane v3, v0;
	_ =	sdelay $0x1  }
0x143: {  	v3 =	vperm.xlane v3, v2;
	v4 =	vadd.s32 v1, v4;
	_ =	sdelay $0x1  }
0x144: {  	v3 =	vadd.s32 v1, v3;
	_ =	sdelay $0x1  }
0x145: {  	s16 =	simm.s32 $0xB200  }
0x146: {  	[tilespmem:s16], [sflag:$0x2] =	stream.indirect_vreg.gather [hbm4b:s2+s3], $0x80, v4, vm0, $0xb8;
	[tilespmem:$0x10200] =	vst v63  }
0x147: {  	_ = 	snop  }
0x148: {  	[tilespmem:s6], [sflag:$0x2] =	stream.indirect_vreg.gather [hbm4b:s2+s3], $0x80, v3, vm0, $0xb8;
	[tilespmem:$0x10200] =	vst v63  }
0x149: {  	v3 =	vld [tilespmem:$0x1C0];
	_ =	sdelay $0x4  }
0x14a: {  	v60 =	vshll.u32 v3, $0x1  }
0x14b: {  	v3 =	vand.u32 $0x7, v3;
	v4 =	vand.u32 $0xFFFFFFF0, v60  }
0x14c: {  	v3 =	vor.u32 v3, v4  }
0x14d: {  	v4 =	vperm.xlane v3, v0;
	_ =	sdelay $0x1  }
0x14e: {  	v3 =	vperm.xlane v3, v2;
	v4 =	vadd.s32 v1, v4;
	_ =	sdelay $0x1  }
0x14f: {  	v3 =	vadd.s32 v1, v3;
	_ =	sdelay $0x1  }
0x150: {  	s6 =	simm.s32 $0xC200  }
0x151: {  	[tilespmem:s6], [sflag:$0x2] =	stream.indirect_vreg.gather [hbm4b:s2+s3], $0x80, v4, vm0, $0xb8;
	[tilespmem:$0x10200] =	vst v63  }
0x152: {  	s16 =	simm.s32 $0xCA00  }
0x153: {  	[tilespmem:s16], [sflag:$0x2] =	stream.indirect_vreg.gather [hbm4b:s2+s3], $0x80, v3, vm0, $0xb8;
	[tilespmem:$0x10200] =	vst v63  }
0x154: {  	v3 =	vld [tilespmem:$0x1D0];
	_ =	sdelay $0x4  }
0x155: {  	v61 =	vshll.u32 v3, $0x1  }
0x156: {  	v3 =	vand.u32 $0x7, v3;
	v4 =	vand.u32 $0xFFFFFFF0, v61  }
0x157: {  	v3 =	vor.u32 v3, v4  }
0x158: {  	v4 =	vperm.xlane v3, v0;
	_ =	sdelay $0x1  }
0x159: {  	v3 =	vperm.xlane v3, v2;
	v4 =	vadd.s32 v1, v4;
	_ =	sdelay $0x1  }
0x15a: {  	v3 =	vadd.s32 v1, v3;
	_ =	sdelay $0x1  }
0x15b: {  	s6 =	simm.s32 $0xD200  }
0x15c: {  	[tilespmem:s6], [sflag:$0x2] =	stream.indirect_vreg.gather [hbm4b:s2+s3], $0x80, v4, vm0, $0xb8;
	[tilespmem:$0x10200] =	vst v63  }
0x15d: {  	s16 =	simm.s32 $0xDA00  }
0x15e: {  	[tilespmem:s16], [sflag:$0x2] =	stream.indirect_vreg.gather [hbm4b:s2+s3], $0x80, v3, vm0, $0xb8;
	[tilespmem:$0x10200] =	vst v63  }
0x15f: {  	v3 =	vld [tilespmem:$0x1E0];
	_ =	sdelay $0x4  }
0x160: {  	v62 =	vshll.u32 v3, $0x1  }
0x161: {  	v3 =	vand.u32 $0x7, v3;
	v4 =	vand.u32 $0xFFFFFFF0, v62  }
0x162: {  	v3 =	vor.u32 v3, v4  }
0x163: {  	v4 =	vperm.xlane v3, v0;
	_ =	sdelay $0x1  }
0x164: {  	v3 =	vperm.xlane v3, v2;
	v4 =	vadd.s32 v1, v4;
	_ =	sdelay $0x1  }
0x165: {  	v3 =	vadd.s32 v1, v3;
	_ =	sdelay $0x1  }
0x166: {  	s6 =	simm.s32 $0xE200  }
0x167: {  	[tilespmem:s6], [sflag:$0x2] =	stream.indirect_vreg.gather [hbm4b:s2+s3], $0x80, v4, vm0, $0xb8;
	[tilespmem:$0x10200] =	vst v63  }
0x168: {  	s16 =	simm.s32 $0xEA00  }
0x169: {  	[tilespmem:s16], [sflag:$0x2] =	stream.indirect_vreg.gather [hbm4b:s2+s3], $0x80, v3, vm0, $0xb8;
	[tilespmem:$0x10200] =	vst v63  }
0x16a: {  	v3 =	vld [tilespmem:$0x1F0];
	_ =	sdelay $0x4  }
0x16b: {  	v63 =	vshll.u32 v3, $0x1  }
0x16c: {  	v3 =	vand.u32 $0x7, v3;
	v4 =	vand.u32 $0xFFFFFFF0, v63  }
0x16d: {  	v3 =	vor.u32 v3, v4  }
0x16e: {  	v4 =	vperm.xlane v3, v0;
	_ =	sdelay $0x1  }
0x16f: {  	v3 =	vperm.xlane v3, v2;
	v4 =	vadd.s32 v1, v4;
	_ =	sdelay $0x1  }
0x170: {  	v3 =	vadd.s32 v1, v3;
	_ =	sdelay $0x1  }
0x171: {  	s6 =	simm.s32 $0xF200  }
0x172: {  	[tilespmem:s6], [sflag:$0x2] =	stream.indirect_vreg.gather [hbm4b:s2+s3], $0x80, v4, vm0, $0xb8;
	[tilespmem:$0x10200] =	vst v63  }
0x173: {  	s16 =	simm.s32 $0xFA00  }
0x174: {  	[tilespmem:s16], [sflag:$0x2] =	stream.indirect_vreg.gather [hbm4b:s2+s3], $0x80, v3, vm0, $0xb8;
	[tilespmem:$0x10200] =	vst v63  }
0x175: {  	_ =	swait.ge [sflag:s13], $0x8000  }
0x176: {  	[sflag:s13] =	ssyncset.done $0x0  }
0x177: {  	s6 =	rddreg [dreg:$0x7];
	[sflag:s13] =	ssyncadd.s32 $0xFFFF8000  }
0x178: {  	[hbm4b:s6+s3] =	stream.linear.scatter [tilespmem:s22], [sflag:$0x4], $0x8000, $0x38;
	[tilespmem:$0x10200] =	vst v63  }
0x179: {  	p0 =	sne.s32 s4, $0x1;
	_ =	swait.ge [sflag:s14], $0x8000  }
.Ltmp0:
0x17a: {  	[sflag:s14] =	ssyncset.done $0x0;
	(pc) =	sbr.rel @p0 .LBB2_1-.Ltmp0, $4  }
0x17b: {  	[sflag:s14] =	ssyncadd.s32 $0xFFFF8000  }
0x17c: {  	_ =	swait.ge [sflag:s15], $0x8000  }
0x17d: {  	[sflag:s15] =	ssyncset.done $0x0  }
0x17e: {  	s4 =	sadd.s32 $0xFFFFFFFF, s4;
	[sflag:s15] =	ssyncadd.s32 $0xFFFF8000  }
0x17f: {  	_ =	sfence.sel $0x180000  }
0x180: {  	[bflag:$0x0] =	sbarrier.arrive $0xFFFF  }
0x181: {  	_ =	strace $0x90000050  }
0x182: {  	s0 =	stileid.u32;
	[bflag:$0x2] =	sbarrier.arrive $0xFFFF  }
0x183: {  	p0 =	sne.s32 s0, $0x0;
	s0 =	rddreg [dreg:$0x2]  }
0x184: {  	s0 =	sadd.s32 @!p0 $0x100000, s0  }
0x185: {  	[sflag:s0] =	ssyncadd.tile.s32 @!p0 $0x1;
	_ =	shalt  }
.Lfunc_end2:
_tile_overlayer_lowered:
.L_overlay_start_2:
0x186: {  	(tag) =	ssettag $0x2  }
0x187: {  	s0 =	rddreg [dreg:$0x0];
	s2 =	stileid.u32  }
0x188: {  	s1 =	rddreg [dreg:$0x1];
	p0 =	sne.s32 s2, $0x0  }
0x189: {  	s3 =	rddreg [dreg:$0x2];
	[bflag:$0x3] =	sbarrier.arrive $0xFFFF;
	s2 =	simm.s32 @!p0 $0x1C05  }
0x18a: {  	[timem:s3], [sflag:s2] =	dma.local @!p0 [hbm:s0], s1  }
0x18b: {  	s0 =	simm.s32 @!p0 $0x5  }
0x18c: {  	_ =	swait.ge @!p0 [sflag:s0], s1  }
0x18d: {  	s1 =	ssub.s32 @!p0 $0x0, s1;
	[sflag:s0] =	ssyncset.done @!p0 $0x0  }
0x18e: {  	[sflag:s0] =	ssyncadd.s32 @!p0 s1  }
0x18f: {  	[bflag:$0x3] =	sbarrier.arrive $0xFFFF  }
0x190: {  	_ =	shalt  }

// kernel: kernel.20.cloned.1.call-start
scs
__scs_entry_jumppad:
0x0: {  	(pc) =	sbr.rel $0x88, $3  }
0x1: {  	(tag) =	ssettag $0x0;
	lr =	simm.s32 $0x1  }
0x2: {  	[smem:$0x3F9D] =	sst lr;
	_ =	strace $0xD0000000  }
0x3: {  	_ = 	snop  }
0x4: {  	_ = 	snop  }
0x5: {  	_ = 	snop  }
0x6: {  	_ = 	snop  }
0x7: {  	_ = 	snop  }
__scs_overlays_trampoline_lowered:
0x8: {  	[smem:$0x3FAC] =	sst s0  }
0x9: {  	[smem:$0x3FAD] =	sst s1  }
0xa: {  	[smem:$0x3FAE] =	sst s2  }
0xb: {  	[smem:$0x3FAF] =	sst s3  }
0xc: {  	[smem:$0x3FB0] =	sst s4  }
0xd: {  	[smem:$0x3FB1] =	sst s5  }
0xe: {  	[smem:$0x3FB2] =	sst s6  }
0xf: {  	[smem:$0x3FB3] =	sst s7  }
0x10: {  	[smem:$0x3FB4] =	sst s8  }
0x11: {  	[smem:$0x3FB5] =	sst s9;
	s0 =	simm.s32 @!p0 $0x0  }
0x12: {  	s1 =	sld [smem:$0x3F9B];
	s0 =	simm.s32 @p0 $0x1  }
0x13: {  	[smem:$0x3FB6] =	sst s0;
	s0 =	simm.s32 @!p1 $0x0  }
0x14: {  	s2 =	sld [smem:$0x3F9A];
	s0 =	simm.s32 @p1 $0x1  }
0x15: {  	[smem:$0x3FB7] =	sst s0;
	s0 =	simm.s32 @!p2 $0x0  }
0x16: {  	s3 =	sld [smem:$0x3FDB];
	s0 =	simm.s32 @p2 $0x1  }
0x17: {  	s4 =	simm.s32 $0x1BF5;
	[smem:$0x3FB9] =	sst s0  }
0x18: {  	s0 =	sld [smem:$0x3F9C];
	_ =	swait.ge [sflag:s4], $0x0  }
0x19: {  	s7 =	sld [smem:$0x3F9D]  }
0x1a: {  	s8 =	sadd.s32 $0xFFFFE003, lr  }
0x1b: {  	s9 =	sadd.s32 $0xFFFFFEF7, lr;
	s5 =	simm.s32 $0xFFFFFFFF;
	p2 =	slt.u32 s8, $0xFFFFF086  }
0x1c: {  	p1 =	slt.u32 s9, $0xF7A;
	s5 =	simm.s32 @!p2 $0x0  }
0x1d: {  	s5 =	simm.s32 @p1 $0x1;
	p0 =	seq.s32 s7, s2  }
0x1e: {  	s7 =	smul.u32 @!p0 $0xF7A, s2;
	p2 =	seq.s32 @!p0 s5, $0x0  }
0x1f: {  	s9 =	smul.u32 $0xF7A, s1;
	s8 =	simm.s32 @!p0 $0x1BF5;
	p2 =	por !p2, p0  }
0x20: {  	[sflag:s8] =	ssyncset.s32 @!p0 $0xFFFFF086;
	s6 =	sadd.s32 @!p0 s3, s7;
	s7 =	simm.s32 @!p0 $0x108  }
0x21: {  	s3 =	sadd.s32 s3, s9;
	s6 =	sadd.s32 @!p0 $0x88, s6;
	s7 =	simm.s32 @p2 $0x1082  }
0x22: {  	[simem:s7], [sflag:s8] =	dma.local @!p0 [hbm:s6], $0xF7A  }
0x23: {  	s9 =	sor.u32 $0xD0000000, s2;
	s6 =	simm.s32 $0x108;
	_ =	swait.ge @!p0 [sflag:s8], $0x0  }
0x24: {  	s3 =	sadd.s32 $0x88, s3;
	s6 =	simm.s32 @!p1 $0x1082;
	[sflag:s4] =	ssyncset.s32 $0xFFFFF086  }
0x25: {  	[simem:s6], [sflag:s4] =	dma.local [hbm:s3], $0xF7A  }
0x26: {  	[smem:$0x3F9D] =	sst s1;
	(tag) =	ssettag s2;
	_ =	strace s9  }
0x27: {  	s1 =	sld [smem:$0x3FAD]  }
0x28: {  	s2 =	sld [smem:$0x3FAE]  }
0x29: {  	s4 =	sld [smem:$0x3FB0]  }
0x2a: {  	p0 =	seq.s32 s5, $0x0;
	s5 =	sld [smem:$0x3FB1]  }
0x2b: {  	s6 =	sld [smem:$0x3FB2]  }
0x2c: {  	s7 =	sld [smem:$0x3FB3]  }
0x2d: {  	s3 =	simm.s32 $0x108;
	s8 =	sld [smem:$0x3FB4]  }
0x2e: {  	s3 =	simm.s32 @!p0 $0x1082;
	s9 =	sld [smem:$0x3FB5]  }
0x2f: {  	lr =	sadd.s32 s0, s3;
	s0 =	sld [smem:$0x3FAC]  }
0x30: {  	s3 =	sld [smem:$0x3FAF]  }
0x31: {  	[smem:$0x3FB8] =	sst s10  }
0x32: {  	s10 =	sld [smem:$0x3FB6];
	_ =	sdelay $0x3  }
0x33: {  	p0 =	seq.s32 s10, $0x1;
	s10 =	sld [smem:$0x3FB8];
	_ =	sdelay $0x3  }
0x34: {  	[smem:$0x3FB8] =	sst s10  }
0x35: {  	s10 =	sld [smem:$0x3FB7];
	_ =	sdelay $0x3  }
0x36: {  	p1 =	seq.s32 s10, $0x1;
	s10 =	sld [smem:$0x3FB8];
	_ =	sdelay $0x3  }
0x37: {  	[smem:$0x3FB8] =	sst s10  }
0x38: {  	s10 =	sld [smem:$0x3FB9]  }
0x39: {  	_ = 	snop;
	(pc) =	sbr.ind lr, $3  }
0x3a: {  	_ = 	snop  }
0x3b: {  	_ = 	snop  }
0x3c: {  	p2 =	seq.s32 s10, $0x1;
	s10 =	sld [smem:$0x3FB8]  }
0x3d: {  	_ =	shalt  }
0x3e: {  	_ =	shalt  }
0x3f: {  	_ =	shalt  }
0x40: {  	_ =	shalt  }
0x41: {  	_ =	shalt  }
0x42: {  	_ =	shalt  }
0x43: {  	_ =	shalt  }
0x44: {  	_ =	shalt  }
0x45: {  	_ =	shalt  }
0x46: {  	_ =	shalt  }
0x47: {  	_ =	shalt  }
0x48: {  	_ =	shalt  }
0x49: {  	_ =	shalt  }
0x4a: {  	_ =	shalt  }
0x4b: {  	_ =	shalt  }
0x4c: {  	_ =	shalt  }
0x4d: {  	_ =	shalt  }
0x4e: {  	_ =	shalt  }
0x4f: {  	_ =	shalt  }
0x50: {  	_ =	shalt  }
0x51: {  	_ =	shalt  }
0x52: {  	_ =	shalt  }
0x53: {  	_ =	shalt  }
0x54: {  	_ =	shalt  }
0x55: {  	_ =	shalt  }
0x56: {  	_ =	shalt  }
0x57: {  	_ =	shalt  }
0x58: {  	_ =	shalt  }
0x59: {  	_ =	shalt  }
0x5a: {  	_ =	shalt  }
0x5b: {  	_ =	shalt  }
0x5c: {  	_ =	shalt  }
0x5d: {  	_ =	shalt  }
0x5e: {  	_ =	shalt  }
0x5f: {  	_ =	shalt  }
0x60: {  	_ =	shalt  }
0x61: {  	_ =	shalt  }
0x62: {  	_ =	shalt  }
0x63: {  	_ =	shalt  }
0x64: {  	_ =	shalt  }
0x65: {  	_ =	shalt  }
0x66: {  	_ =	shalt  }
0x67: {  	_ =	shalt  }
0x68: {  	_ =	shalt  }
0x69: {  	_ =	shalt  }
0x6a: {  	_ =	shalt  }
0x6b: {  	_ =	shalt  }
0x6c: {  	_ =	shalt  }
0x6d: {  	_ =	shalt  }
0x6e: {  	_ =	shalt  }
0x6f: {  	_ =	shalt  }
0x70: {  	_ =	shalt  }
0x71: {  	_ =	shalt  }
0x72: {  	_ =	shalt  }
0x73: {  	_ =	shalt  }
0x74: {  	_ =	shalt  }
0x75: {  	_ =	shalt  }
0x76: {  	_ =	shalt  }
0x77: {  	_ =	shalt  }
0x78: {  	_ =	shalt  }
0x79: {  	_ =	shalt  }
0x7a: {  	_ =	shalt  }
0x7b: {  	_ =	shalt  }
0x7c: {  	_ =	shalt  }
0x7d: {  	_ =	shalt  }
0x7e: {  	_ =	shalt  }
0x7f: {  	_ =	shalt  }
0x80: {  	_ =	shalt  }
0x81: {  	_ =	shalt  }
0x82: {  	_ =	shalt  }
0x83: {  	_ =	shalt  }
0x84: {  	_ =	shalt  }
0x85: {  	_ =	shalt  }
0x86: {  	_ =	shalt  }
0x87: {  	_ =	shalt  }
.Lfunc_end0:
.L_simem_size_0:
called_computation.2_lowered:
.L_overlay_start_0:
0x88: {  	s2 =	sld [smem:$0x3FD9]  }
0x89: {  	s3 =	sld [smem:$0x3FFE];
	_ =	sdelay $0x1  }
0x8a: {  	s1 =	srdreg.scid  }
0x8b: {  	s0 =	sand.u32 $0x1, s1  }
0x8c: {  	s15 =	sshll.u32 s0, $0xA;
	s2 =	sadd.s32 s3, s2  }
0x8d: {  	s2 =	sadd.s32 s2, s15  }
0x8e: {  	[smem:$0x3FC4] =	sst s2  }
0x8f: {  	_ = 	snop  }
0x90: {  	s16 =	sld [smem:$0x3FD0];
	_ =	sdelay $0x2  }
0x91: {  	s4 =	simm.s32 $0xB;
	s5 =	simm.s32 $0x10;
	s2 =	sld [smem:$0x3FC6]  }
0x92: {  	[smem:s5], [sflag:s4] =	dma.local [hbm:s16], $0x1  }
0x93: {  	_ =	swait.eq [sflag:s4], $0x1  }
0x94: {  	[sflag:s4] =	ssyncset.done $0x0  }
0x95: {  	[sflag:s4] =	ssyncadd.s32 $0xFFFFFFFF  }
0x96: {  	s17 =	sld [smem:$0x10];
	(tm) =	ssettm $0x1  }
0x97: {  	s18 =	sld [smem:$0x3FFB];
	_ =	sdelay $0x3  }
0x98: {  	_ =	strace s18  }
0x99: {  	s3 =	sld [smem:$0x3FFC];
	_ =	sdelay $0x3  }
0x9a: {  	_ =	strace s3  }
0x9b: {  	s3 =	sld [smem:$0x3FFD];
	_ =	sdelay $0x3  }
0x9c: {  	_ =	strace s3  }
0x9d: {  	_ =	strace $0x8FFFFFFF  }
0x9e: {  	s19 =	sld [smem:$0x3FDB];
	_ =	sdelay $0x1  }
0x9f: {  	s20 =	simm.s32 $_scs_section_size  }
0xa0: {  	s6 =	simm.s32 $_size__tile_overlayer_lowered;
	s7 =	simm.s32 $_tile_overlayer_lowered  }
0xa1: {  	s8 =	simm.s32 $0x1BFF;
	s21 =	sshll.u32 s7, $0x1;
	s5 =	sadd.s32 s20, s19  }
0xa2: {  	s22 =	simm.s32 $0x0;
	s6 =	sshll.u32 s6, $0x1;
	s7 =	sadd.s32 s21, s5  }
0xa3: {  	[timem:s22], [sflag:s8] =	dma.local [hbm:s7], s6  }
0xa4: {  	_ =	swait.ge [sflag:s8], s6  }
0xa5: {  	s6 =	ssub.s32 $0x0, s6;
	[sflag:s8] =	ssyncset.done $0x0  }
0xa6: {  	[sflag:s8] =	ssyncadd.s32 s6;
	_ =	sdelay $0x1  }
0xa7: {  	s23 =	simm.s32 $0x1B8B  }
0xa8: {  	_ =	swait.ge [sflag:s23], $0x1  }
0xa9: {  	[sflag:s23] =	ssyncset.done $0x0  }
0xaa: {  	[sflag:s23] =	ssyncadd.s32 $0xFFFFFFFF  }
0xab: {  	s6 =	sld [smem:$0x0]  }
0xac: {  	s7 =	sand.u32 $0xFFFFFFFE, s1  }
0xad: {  	p0 =	sne.s32 s1, s7  }
0xae: {  	s7 =	sshll.u32 @p0 s7, $0xE  }
0xaf: {  	s7 =	sadd.s32 @p0 $0x11B8D, s7;
	s8 =	sshll.u32 @p0 s6, $0x11  }
0xb0: {  	s7 =	sor.u32 @p0 s8, s7  }
0xb1: {  	[sflag:s7] =	ssyncadd.remote.s32 @p0 $0x1;
	_ =	sdelay $0x1  }
0xb2: {  	s7 =	simm.s32 @p0 $0x1B8D  }
0xb3: {  	_ =	swait.eq @p0 [sflag:s7], $0x1  }
0xb4: {  	[sflag:s7] =	ssyncadd.s32 @p0 $0xFFFFFFFF  }
0xb5: {  	s8 =	sshll.u32 @!p0 s1, $0xE  }
0xb6: {  	s8 =	sor.u32 @!p0 $0x4000, s8;
	s7 =	simm.s32 @!p0 $0x1B8D  }
0xb7: {  	s6 =	sshll.u32 @!p0 s6, $0x11;
	s8 =	sadd.s32 @!p0 $0x11B8D, s8;
	_ =	swait.eq @!p0 [sflag:s7], $0x1  }
0xb8: {  	s6 =	sor.u32 @!p0 s6, s8;
	[sflag:s7] =	ssyncadd.s32 @!p0 $0xFFFFFFFF  }
0xb9: {  	s25 =	simm.s32 $0x1B8E;
	s24 =	sld [smem:$0x3FFE];
	[sflag:s6] =	ssyncadd.remote.s32 @!p0 $0x1  }
0xba: {  	s26 =	simm.s32 $execute0_lowered;
	[smem:$0x3FD2] =	sst s25  }
0xbb: {  	s7 =	sshll.u32 s26, $0x1;
	_ =	strace $0x80000055;
	[dreg:$0x1] =	wrdreg $0xFFFFFFFF  }
0xbc: {  	s28 =	simm.s32 $_size_execute0_lowered;
	s5 =	sadd.s32 s5, s7;
	[dreg:$0x0] =	wrdreg $0x0  }
0xbd: {  	s7 =	sshll.u32 s28, $0x1;
	[dreg:$0x2] =	wrdreg s5  }
0xbe: {  	[dreg:$0x3] =	wrdreg s7  }
0xbf: {  	[dreg:$0x4] =	wrdreg $0xC0  }
0xc0: {  	_ =	task [dreg:s22], $0x5FFFF  }
0xc1: {  	[dreg:$0x1] =	wrdreg $0xFFFFFFFF  }
0xc2: {  	[dreg:$0x0] =	wrdreg $0x60  }
0xc3: {  	[dreg:$0x2] =	wrdreg s24  }
0xc4: {  	[dreg:$0x3] =	wrdreg s2  }
0xc5: {  	[dreg:$0x4] =	wrdreg s17  }
0xc6: {  	[dreg:$0x5] =	wrdreg $0x9  }
0xc7: {  	_ =	task.clear_ibuf [dreg:s22], $0x6FFFF;
	_ =	strace $0x90000055  }
0xc8: {  	s29 =	simm.s32 $0x9;
	_ =	strace $0x80000057  }
0xc9: {  	_ =	swait.ge [sflag:s29], $0x1  }
0xca: {  	[sflag:s29] =	ssyncadd.s32 $0xFFFFFFFF  }
0xcb: {  	_ =	strace $0x90000057  }
0xcc: {  	_ =	sfence  }
0xcd: {  	s30 =	sld [smem:$0x0];
	_ =	sdelay $0x2  }
0xce: {  	s31 =	sshll.u32 s1, $0xD;
	s1 =	sshrl.u32 s1, $0x2  }
0xcf: {  	s4 =	sand.u32 $0x4000, s31;
	s1 =	sadd.s32 s1, s30  }
0xd0: {  	s0 =	sor.u32 s4, s0;
	s1 =	sshll.u32 s1, $0x11  }
0xd1: {  	s0 =	sor.u32 s1, s0  }
0xd2: {  	s0 =	sadd.s32 $0x8F2B, s0  }
0xd3: {  	[sflag:s0] =	ssyncadd.remote.s32 $0x1  }
0xd4: {  	_ =	sfence.sel $0xFFFF  }
0xd5: {  	[dreg:$0x0] =	wrdreg $0xFFFFFFFF;
	(pc) =	sbr.abs _section_cstart, $3  }
0xd6: {  	[dreg:$0x1] =	wrdreg $0xFFFFFFFF  }
0xd7: {  	_ =	task.clear_ibuf [dreg:s22], $0x2FFFF;
	_ =	strace $0x9FFFFFFF  }
0xd8: {  	(tm) =	ssettm $0x7FFFFFFF  }
0xd9: {  	_ =	shalt  }
tec
execute0_lowered:
.L_overlay_start_1:
0x0: {  	(tag) =	ssettag $0x1  }
0x1: {  	s0 =	rddreg [dreg:$0x0]  }
0x2: {  	s2 =	rddreg [dreg:$0x1]  }
0x3: {  	s3 =	rddreg [dreg:$0x2];
	s1 =	srdreg.scid  }
0x4: {  	s5 =	stileid.u32;
	s4 =	simm.s32 $0x0;
	s9 =	simm.s32 $0x2  }
0x5: {  	s10 =	simm.s32 $0x200;
	s11 =	simm.s32 $0xA00;
	s12 =	simm.s32 $0x1200  }
0x6: {  	s13 =	simm.s32 $0x1A00;
	s14 =	simm.s32 $0x2200;
	s15 =	simm.s32 $0x2A00  }
0x7: {  	s16 =	simm.s32 $0x3200;
	s17 =	simm.s32 $0x3A00;
	s18 =	simm.s32 $0x4200  }
0x8: {  	s19 =	simm.s32 $0x4A00;
	s20 =	simm.s32 $0x5200;
	s21 =	simm.s32 $0x5A00  }
0x9: {  	s22 =	simm.s32 $0x6200;
	s23 =	simm.s32 $0x6A00;
	s1 =	sand.u32 $0x1, s1  }
0xa: {  	s24 =	simm.s32 $0x7200;
	s5 =	sshll.u32 s5, $0xA;
	s6 =	sshll.u32 s1, $0x9  }
0xb: {  	s25 =	simm.s32 $0x7A00;
	s26 =	simm.s32 $0x8200;
	s6 =	sor.u32 s6, s5  }
0xc: {  	s28 =	simm.s32 $0x1;
	s1 =	ssub.s32 $0x2, s1;
	s5 =	sshrl.u32 s6, $0x3  }
0xd: {  	[smem:$0x7FF] =	sst s4;
	s30 =	sshrl.u32 s1, $0x1;
	s7 =	sadd.s32 s5, s0  }
0xe: {  	v2 =	vlaneseq.u32;
	s5 =	sadd.s32 $0x104600, s0;
	s0 =	ssub.s32 s1, s30;
	s31 =	sadd.s32 $0x84800, s7  }
0xf: {  	vm0 =	vmmov $0xffff;
	v1 =	vshrl.u32 v2, $0x3;
	_ =	strace $0x80000056;
	s0 =	smax.u32 s0, $0x1;
	[dreg:$0x4] =	wrdreg s31  }
0x10: {  	v0 =	vand.u32 $0x7, v2;
	v2 =	vor.u32 $0x8, v2;
	v1 =	vmul.u32 $0x8, v1;
	s1 =	simm.s32 $0x0;
	s7 =	sshll.u32 s6, $0x5;
	[dreg:$0x5] =	wrdreg s0  }
.LBB2_1:
0x11: {  	[dreg:$0x6] =	wrdreg s1  }
0x12: {  	s0 =	rddreg [dreg:$0x4]  }
0x13: {  	[tilespmem:s4], [sflag:$0x2] =	stream.linear.gather [hbm4b:s0+s4], $0x200, $0x38;
	[tilespmem:$0x10200] =	vst v63  }
0x14: {  	_ =	swait.ge [sflag:s9], $0x200  }
0x15: {  	[sflag:s9] =	ssyncset.done $0x0  }
0x16: {  	s30 =	simm.s32 $0x0;
	[sflag:s9] =	ssyncadd.s32 $0xFFFFFE00  }
.LBB2_2:
0x17: {  	s0 =	sshll.u32 s30, $0x7  }
0x18: {  	s1 =	sand.u32 $0x3FFFFF80, s0  }
0x19: {  	v3 =	vld [tilespmem:s1+$0x0];
	_ =	sdelay $0x4  }
0x1a: {  	v4 =	vshll.u32 v3, $0x1  }
0x1b: {  	v3 =	vand.u32 $0x7, v3;
	v4 =	vand.u32 $0xFFFFFFF0, v4  }
0x1c: {  	v3 =	vor.u32 v3, v4  }
0x1d: {  	v4 =	vperm.xlane v3, v0;
	_ =	sdelay $0x1  }
0x1e: {  	v3 =	vperm.xlane v3, v2;
	v4 =	vadd.s32 v1, v4;
	_ =	sdelay $0x1  }
0x1f: {  	v3 =	vadd.s32 v1, v3;
	_ =	sdelay $0x1  }
0x20: {  	s6 =	simm.s32 $0x0  }
0x21: {  	[tilespmem:s10], [sflag:$0x1] =	stream.indirect_vreg.gather [hbm4b:s2+s6], $0x80, v4, vm0, $0xb8;
	[tilespmem:$0x10200] =	vst v63  }
0x22: {  	_ = 	snop  }
0x23: {  	[tilespmem:s11], [sflag:$0x1] =	stream.indirect_vreg.gather [hbm4b:s2+s6], $0x80, v3, vm0, $0xb8;
	[tilespmem:$0x10200] =	vst v63  }
0x24: {  	v3 =	vld [tilespmem:s1+$0x10];
	_ =	sdelay $0x4  }
0x25: {  	v4 =	vshll.u32 v3, $0x1  }
0x26: {  	v3 =	vand.u32 $0x7, v3;
	v4 =	vand.u32 $0xFFFFFFF0, v4  }
0x27: {  	v3 =	vor.u32 v3, v4  }
0x28: {  	v4 =	vperm.xlane v3, v0;
	_ =	sdelay $0x1  }
0x29: {  	v3 =	vperm.xlane v3, v2;
	v4 =	vadd.s32 v1, v4;
	_ =	sdelay $0x1  }
0x2a: {  	v3 =	vadd.s32 v1, v3;
	_ =	sdelay $0x2  }
0x2b: {  	[tilespmem:s12], [sflag:$0x1] =	stream.indirect_vreg.gather [hbm4b:s2+s6], $0x80, v4, vm0, $0xb8;
	[tilespmem:$0x10200] =	vst v63  }
0x2c: {  	_ = 	snop  }
0x2d: {  	[tilespmem:s13], [sflag:$0x1] =	stream.indirect_vreg.gather [hbm4b:s2+s6], $0x80, v3, vm0, $0xb8;
	[tilespmem:$0x10200] =	vst v63  }
0x2e: {  	v3 =	vld [tilespmem:s1+$0x20];
	_ =	sdelay $0x4  }
0x2f: {  	v4 =	vshll.u32 v3, $0x1  }
0x30: {  	v3 =	vand.u32 $0x7, v3;
	v4 =	vand.u32 $0xFFFFFFF0, v4  }
0x31: {  	v3 =	vor.u32 v3, v4  }
0x32: {  	v4 =	vperm.xlane v3, v0;
	_ =	sdelay $0x1  }
0x33: {  	v3 =	vperm.xlane v3, v2;
	v4 =	vadd.s32 v1, v4;
	_ =	sdelay $0x1  }
0x34: {  	v3 =	vadd.s32 v1, v3;
	_ =	sdelay $0x2  }
0x35: {  	[tilespmem:s14], [sflag:$0x1] =	stream.indirect_vreg.gather [hbm4b:s2+s6], $0x80, v4, vm0, $0xb8;
	[tilespmem:$0x10200] =	vst v63  }
0x36: {  	_ = 	snop  }
0x37: {  	[tilespmem:s15], [sflag:$0x1] =	stream.indirect_vreg.gather [hbm4b:s2+s6], $0x80, v3, vm0, $0xb8;
	[tilespmem:$0x10200] =	vst v63  }
0x38: {  	v3 =	vld [tilespmem:s1+$0x30];
	_ =	sdelay $0x4  }
0x39: {  	v4 =	vshll.u32 v3, $0x1  }
0x3a: {  	v3 =	vand.u32 $0x7, v3;
	v4 =	vand.u32 $0xFFFFFFF0, v4  }
0x3b: {  	v3 =	vor.u32 v3, v4  }
0x3c: {  	v4 =	vperm.xlane v3, v0;
	_ =	sdelay $0x1  }
0x3d: {  	v3 =	vperm.xlane v3, v2;
	v4 =	vadd.s32 v1, v4;
	_ =	sdelay $0x1  }
0x3e: {  	v3 =	vadd.s32 v1, v3;
	_ =	sdelay $0x2  }
0x3f: {  	[tilespmem:s16], [sflag:$0x1] =	stream.indirect_vreg.gather [hbm4b:s2+s6], $0x80, v4, vm0, $0xb8;
	[tilespmem:$0x10200] =	vst v63  }
0x40: {  	_ = 	snop  }
0x41: {  	[tilespmem:s17], [sflag:$0x1] =	stream.indirect_vreg.gather [hbm4b:s2+s6], $0x80, v3, vm0, $0xb8;
	[tilespmem:$0x10200] =	vst v63  }
0x42: {  	v3 =	vld [tilespmem:s1+$0x40];
	_ =	sdelay $0x4  }
0x43: {  	v4 =	vshll.u32 v3, $0x1  }
0x44: {  	v3 =	vand.u32 $0x7, v3;
	v4 =	vand.u32 $0xFFFFFFF0, v4  }
0x45: {  	v3 =	vor.u32 v3, v4  }
0x46: {  	v4 =	vperm.xlane v3, v0;
	_ =	sdelay $0x1  }
0x47: {  	v3 =	vperm.xlane v3, v2;
	v4 =	vadd.s32 v1, v4;
	_ =	sdelay $0x1  }
0x48: {  	v3 =	vadd.s32 v1, v3;
	_ =	sdelay $0x2  }
0x49: {  	[tilespmem:s18], [sflag:$0x1] =	stream.indirect_vreg.gather [hbm4b:s2+s6], $0x80, v4, vm0, $0xb8;
	[tilespmem:$0x10200] =	vst v63  }
0x4a: {  	_ = 	snop  }
0x4b: {  	[tilespmem:s19], [sflag:$0x1] =	stream.indirect_vreg.gather [hbm4b:s2+s6], $0x80, v3, vm0, $0xb8;
	[tilespmem:$0x10200] =	vst v63  }
0x4c: {  	v3 =	vld [tilespmem:s1+$0x50];
	_ =	sdelay $0x4  }
0x4d: {  	v4 =	vshll.u32 v3, $0x1  }
0x4e: {  	v3 =	vand.u32 $0x7, v3;
	v4 =	vand.u32 $0xFFFFFFF0, v4  }
0x4f: {  	v3 =	vor.u32 v3, v4  }
0x50: {  	v4 =	vperm.xlane v3, v0;
	_ =	sdelay $0x1  }
0x51: {  	v3 =	vperm.xlane v3, v2;
	v4 =	vadd.s32 v1, v4;
	_ =	sdelay $0x1  }
0x52: {  	v3 =	vadd.s32 v1, v3;
	_ =	sdelay $0x2  }
0x53: {  	[tilespmem:s20], [sflag:$0x1] =	stream.indirect_vreg.gather [hbm4b:s2+s6], $0x80, v4, vm0, $0xb8;
	[tilespmem:$0x10200] =	vst v63  }
0x54: {  	_ = 	snop  }
0x55: {  	[tilespmem:s21], [sflag:$0x1] =	stream.indirect_vreg.gather [hbm4b:s2+s6], $0x80, v3, vm0, $0xb8;
	[tilespmem:$0x10200] =	vst v63  }
0x56: {  	v3 =	vld [tilespmem:s1+$0x60];
	_ =	sdelay $0x4  }
0x57: {  	v4 =	vshll.u32 v3, $0x1  }
0x58: {  	v3 =	vand.u32 $0x7, v3;
	v4 =	vand.u32 $0xFFFFFFF0, v4  }
0x59: {  	v3 =	vor.u32 v3, v4  }
0x5a: {  	v4 =	vperm.xlane v3, v0;
	_ =	sdelay $0x1  }
0x5b: {  	v3 =	vperm.xlane v3, v2;
	v4 =	vadd.s32 v1, v4;
	_ =	sdelay $0x1  }
0x5c: {  	v3 =	vadd.s32 v1, v3;
	_ =	sdelay $0x2  }
0x5d: {  	[tilespmem:s22], [sflag:$0x1] =	stream.indirect_vreg.gather [hbm4b:s2+s6], $0x80, v4, vm0, $0xb8;
	[tilespmem:$0x10200] =	vst v63  }
0x5e: {  	_ = 	snop  }
0x5f: {  	[tilespmem:s23], [sflag:$0x1] =	stream.indirect_vreg.gather [hbm4b:s2+s6], $0x80, v3, vm0, $0xb8;
	[tilespmem:$0x10200] =	vst v63  }
0x60: {  	v3 =	vld [tilespmem:s1+$0x70];
	_ =	sdelay $0x4  }
0x61: {  	v4 =	vshll.u32 v3, $0x1  }
0x62: {  	v3 =	vand.u32 $0x7, v3;
	v4 =	vand.u32 $0xFFFFFFF0, v4  }
0x63: {  	v3 =	vor.u32 v3, v4  }
0x64: {  	v4 =	vperm.xlane v3, v0;
	_ =	sdelay $0x1  }
0x65: {  	v3 =	vperm.xlane v3, v2;
	v4 =	vadd.s32 v1, v4;
	_ =	sdelay $0x1  }
0x66: {  	v3 =	vadd.s32 v1, v3;
	_ =	sdelay $0x1  }
0x67: {  	s8 =	sshll.u32 s30, $0xC  }
0x68: {  	[tilespmem:s24], [sflag:$0x1] =	stream.indirect_vreg.gather [hbm4b:s2+s6], $0x80, v4, vm0, $0xb8;
	[tilespmem:$0x10200] =	vst v63  }
0x69: {  	s31 =	sadd.s32 s7, s8  }
0x6a: {  	[tilespmem:s25], [sflag:$0x1] =	stream.indirect_vreg.gather [hbm4b:s2+s6], $0x80, v3, vm0, $0xb8;
	[tilespmem:$0x10200] =	vst v63  }
0x6b: {  	s1 =	sadd.s32 s3, s31  }
0x6c: {  	[tilespmem:s26], [sflag:$0x2] =	stream.linear.gather [hbm4b:s1+s6], $0x8000, $0x38;
	[tilespmem:$0x10200] =	vst v63  }
0x6d: {  	_ =	swait.ge [sflag:s9], $0x8000  }
0x6e: {  	[sflag:s9] =	ssyncset.done $0x0  }
0x6f: {  	[sflag:s9] =	ssyncadd.s32 $0xFFFF8000  }
0x70: {  	_ =	swait.ge [sflag:s28], $0x8000  }
0x71: {  	s29 =	sand.u32 $0x7800, s6;
	s0 =	sand.u32 $0x380, s6;
	[sflag:s28] =	ssyncset.done $0x0  }
0x72: {  	s0 =	sor.u32 s0, s29;
	[sflag:s28] =	ssyncadd.s32 $0xFFFF8000  }
0x73: {  	v10 =	vld [tilespmem:s0+$0x200]  }
0x74: {  	v11 =	vld [tilespmem:s0+$0x210]  }
0x75: {  	v12 =	vld [tilespmem:s0+$0x220]  }
0x76: {  	v13 =	vld [tilespmem:s0+$0x230]  }
0x77: {  	v14 =	vld [tilespmem:s0+$0x240]  }
0x78: {  	v15 =	vld [tilespmem:s0+$0x250]  }
0x79: {  	v16 =	vld [tilespmem:s0+$0x260]  }
0x7a: {  	v17 =	vld [tilespmem:s0+$0x270]  }
0x7b: {  	v18 =	vld [tilespmem:s0+$0x600]  }
0x7c: {  	v9 =	vld [tilespmem:s0+$0x610]  }
0x7d: {  	v8 =	vld [tilespmem:s0+$0x620]  }
0x7e: {  	v7 =	vld [tilespmem:s0+$0x630]  }
0x7f: {  	v6 =	vld [tilespmem:s0+$0x640]  }
0x80: {  	v5 =	vld [tilespmem:s0+$0x650]  }
0x81: {  	v4 =	vld [tilespmem:s0+$0x660]  }
0x82: {  	v3 =	vld [tilespmem:s0+$0x670]  }
0x83: {  	v19 =	vld [tilespmem:s0+$0x8200]  }
0x84: {  	v20 =	vld [tilespmem:s0+$0x8210]  }
0x85: {  	v21 =	vld [tilespmem:s0+$0x8220]  }
0x86: {  	v22 =	vld [tilespmem:s0+$0x8230]  }
0x87: {  	v23 =	vld [tilespmem:s0+$0x8240]  }
0x88: {  	v10 =	vadd.f32 v10, v19;
	v19 =	vld [tilespmem:s0+$0x8250]  }
0x89: {  	v61 =	vld [tilespmem:s0+$0x8260];
	v11 =	vadd.f32 v11, v20  }
0x8a: {  	v62 =	vld [tilespmem:s0+$0x8270];
	[tilespmem:s0+$0x8200] =	vst v10;
	v10 =	vadd.f32 v12, v21  }
0x8b: {  	v63 =	vld [tilespmem:s0+$0x8600];
	[tilespmem:s0+$0x8210] =	vst v11;
	v11 =	vadd.f32 v13, v22  }
0x8c: {  	v13 =	vld [tilespmem:s0+$0x8610];
	[tilespmem:s0+$0x8220] =	vst v10;
	v10 =	vadd.f32 v14, v23  }
0x8d: {  	v12 =	vld [tilespmem:s0+$0x8620];
	[tilespmem:s0+$0x8230] =	vst v11;
	v11 =	vadd.f32 v15, v19  }
0x8e: {  	v14 =	vadd.f32 v16, v61;
	[tilespmem:s0+$0x8240] =	vst v10;
	v10 =	vld [tilespmem:s0+$0x8630]  }
0x8f: {  	v16 =	vadd.f32 v17, v62;
	[tilespmem:s0+$0x8250] =	vst v11;
	v11 =	vld [tilespmem:s0+$0x8640]  }
0x90: {  	s1 =	simm.s32 $0x80;
	s6 =	simm.s32 $0x100;
	v15 =	vadd.f32 v18, v63;
	[tilespmem:s0+$0x8260] =	vst v14;
	v14 =	vld [tilespmem:s0+$0x8650]  }
.LBB2_3:
0x91: {  	s8 =	sand.u32 $0x7800, s6;
	s29 =	sand.u32 $0x380, s1;
	p0 =	sne.s32 s6, $0x7F00;
	[tilespmem:s0+$0x8270] =	vst v16;
	v9 =	vadd.f32 v9, v13;
	v13 =	vld [tilespmem:s0+$0x8660]  }
0x92: {  	s8 =	sor.u32 s29, s8;
	[tilespmem:s0+$0x8600] =	vst v15;
	v8 =	vadd.f32 v8, v12;
	v12 =	vld [tilespmem:s0+$0x8670]  }
0x93: {  	v15 =	vld [tilespmem:s8+$0x200];
	[tilespmem:s0+$0x8610] =	vst v9;
	v7 =	vadd.f32 v7, v10  }
0x94: {  	v10 =	vld [tilespmem:s8+$0x210];
	[tilespmem:s0+$0x8620] =	vst v8;
	v6 =	vadd.f32 v6, v11  }
0x95: {  	v11 =	vld [tilespmem:s8+$0x220];
	[tilespmem:s0+$0x8630] =	vst v7;
	v5 =	vadd.f32 v5, v14  }
0x96: {  	v14 =	vld [tilespmem:s8+$0x230];
	[tilespmem:s0+$0x8640] =	vst v6;
	v4 =	vadd.f32 v4, v13  }
0x97: {  	v13 =	vld [tilespmem:s8+$0x240];
	[tilespmem:s0+$0x8650] =	vst v5;
	v3 =	vadd.f32 v3, v12  }
0x98: {  	v12 =	vld [tilespmem:s8+$0x250];
	[tilespmem:s0+$0x8660] =	vst v4  }
0x99: {  	v16 =	vld [tilespmem:s8+$0x260];
	[tilespmem:s0+$0x8670] =	vst v3;
	s0 =	smov.u32 s8  }
0x9a: {  	v17 =	vld [tilespmem:s0+$0x270]  }
0x9b: {  	v18 =	vld [tilespmem:s0+$0x600]  }
0x9c: {  	v9 =	vld [tilespmem:s0+$0x610]  }
0x9d: {  	v8 =	vld [tilespmem:s0+$0x620]  }
0x9e: {  	v7 =	vld [tilespmem:s0+$0x630]  }
0x9f: {  	v6 =	vld [tilespmem:s0+$0x640]  }
0xa0: {  	v5 =	vld [tilespmem:s0+$0x650]  }
0xa1: {  	v4 =	vld [tilespmem:s0+$0x660]  }
0xa2: {  	v3 =	vld [tilespmem:s0+$0x670]  }
0xa3: {  	v19 =	vld [tilespmem:s0+$0x8200]  }
0xa4: {  	v20 =	vld [tilespmem:s0+$0x8210]  }
0xa5: {  	v21 =	vld [tilespmem:s0+$0x8220]  }
0xa6: {  	v22 =	vld [tilespmem:s0+$0x8230]  }
0xa7: {  	v23 =	vld [tilespmem:s0+$0x8240]  }
0xa8: {  	v15 =	vadd.f32 v15, v19;
	v19 =	vld [tilespmem:s0+$0x8250]  }
0xa9: {  	v10 =	vadd.f32 v10, v20;
	v20 =	vld [tilespmem:s0+$0x8260]  }
0xaa: {  	[tilespmem:s0+$0x8200] =	vst v15;
	v11 =	vadd.f32 v11, v21;
	v15 =	vld [tilespmem:s0+$0x8270]  }
0xab: {  	[tilespmem:s0+$0x8210] =	vst v10;
	v10 =	vadd.f32 v14, v22;
	v14 =	vld [tilespmem:s0+$0x8600]  }
.Ltmp0:
0xac: {  	[tilespmem:s0+$0x8220] =	vst v11;
	v11 =	vadd.f32 v13, v23;
	v13 =	vld [tilespmem:s0+$0x8610];
	(pc) =	sbr.rel @p0 .LBB2_3-.Ltmp0, $4  }
0xad: {  	[tilespmem:s0+$0x8230] =	vst v10;
	v19 =	vadd.f32 v12, v19;
	v12 =	vld [tilespmem:s0+$0x8620]  }
0xae: {  	[tilespmem:s0+$0x8240] =	vst v11;
	v20 =	vadd.f32 v16, v20;
	v10 =	vld [tilespmem:s0+$0x8630]  }
0xaf: {  	[tilespmem:s0+$0x8250] =	vst v19;
	v16 =	vadd.f32 v17, v15;
	v11 =	vld [tilespmem:s0+$0x8640]  }
0xb0: {  	s1 =	sadd.s32 $0x80, s1;
	s6 =	sadd.s32 $0x100, s6;
	[tilespmem:s0+$0x8260] =	vst v20;
	v15 =	vadd.f32 v18, v14;
	v14 =	vld [tilespmem:s0+$0x8650]  }
0xb1: {  	[tilespmem:s0+$0x8270] =	vst v16;
	v9 =	vadd.f32 v9, v13;
	v62 =	vld [tilespmem:s0+$0x8660]  }
0xb2: {  	v63 =	vld [tilespmem:s0+$0x8670];
	[tilespmem:s0+$0x8600] =	vst v15;
	v8 =	vadd.f32 v8, v12  }
0xb3: {  	[tilespmem:s0+$0x8610] =	vst v9;
	v7 =	vadd.f32 v7, v10  }
0xb4: {  	[tilespmem:s0+$0x8620] =	vst v8;
	v6 =	vadd.f32 v6, v11  }
0xb5: {  	[tilespmem:s0+$0x8630] =	vst v7;
	v5 =	vadd.f32 v5, v14  }
0xb6: {  	[tilespmem:s0+$0x8640] =	vst v6;
	v4 =	vadd.f32 v4, v62  }
0xb7: {  	s30 =	sadd.s32 $0x1, s30;
	v3 =	vadd.f32 v3, v63;
	[tilespmem:s0+$0x8650] =	vst v5  }
0xb8: {  	p0 =	sne.s32 s30, $0x4;
	[tilespmem:s0+$0x8660] =	vst v4  }
.Ltmp1:
0xb9: {  	s31 =	sadd.s32 s5, s31;
	[tilespmem:s0+$0x8670] =	vst v3;
	(pc) =	sbr.rel @p0 .LBB2_2-.Ltmp1, $4  }
0xba: {  	[hbm4b:s31+s4] =	stream.linear.scatter [tilespmem:s26], [sflag:$0x2], $0x8000, $0x38;
	[tilespmem:$0x10200] =	vst v63  }
0xbb: {  	_ =	swait.ge [sflag:s9], $0x8000  }
0xbc: {  	[sflag:s9] =	ssyncset.done $0x0  }
0xbd: {  	[sflag:s9] =	ssyncadd.s32 $0xFFFF8000  }
0xbe: {  	s1 =	rddreg [dreg:$0x6]  }
0xbf: {  	s0 =	rddreg [dreg:$0x5];
	s1 =	sadd.s32 $0x1, s1  }
0xc0: {  	p0 =	sne.s32 s1, s0  }
.Ltmp2:
0xc1: {  	_ = 	snop;
	(pc) =	sbr.rel @p0 .LBB2_1-.Ltmp2, $1  }
0xc2: {  	_ =	sdelay $0x3  }
0xc3: {  	_ =	sfence.sel $0x180000  }
0xc4: {  	[bflag:$0x0] =	sbarrier.arrive $0xFFFF  }
0xc5: {  	_ =	strace $0x90000056  }
0xc6: {  	s0 =	stileid.u32;
	[bflag:$0x2] =	sbarrier.arrive $0xFFFF  }
0xc7: {  	p0 =	sne.s32 s0, $0x0;
	s0 =	rddreg [dreg:$0x3]  }
0xc8: {  	s0 =	sadd.s32 @!p0 $0x100000, s0  }
0xc9: {  	[sflag:s0] =	ssyncadd.tile.s32 @!p0 $0x1;
	_ =	shalt  }
.Lfunc_end2:
_tile_overlayer_lowered:
.L_overlay_start_2:
0xca: {  	(tag) =	ssettag $0x2  }
0xcb: {  	s0 =	rddreg [dreg:$0x0];
	s2 =	stileid.u32  }
0xcc: {  	s1 =	rddreg [dreg:$0x1];
	p0 =	sne.s32 s2, $0x0  }
0xcd: {  	s3 =	rddreg [dreg:$0x2];
	[bflag:$0x3] =	sbarrier.arrive $0xFFFF;
	s2 =	simm.s32 @!p0 $0x1C02  }
0xce: {  	[timem:s3], [sflag:s2] =	dma.local @!p0 [hbm:s0], s1  }
0xcf: {  	s0 =	simm.s32 @!p0 $0x2  }
0xd0: {  	_ =	swait.ge @!p0 [sflag:s0], s1  }
0xd1: {  	s1 =	ssub.s32 @!p0 $0x0, s1;
	[sflag:s0] =	ssyncset.done @!p0 $0x0  }
0xd2: {  	[sflag:s0] =	ssyncadd.s32 @!p0 s1  }
0xd3: {  	[bflag:$0x3] =	sbarrier.arrive $0xFFFF  }
0xd4: {  	_ =	shalt  }

// kernel: kernel.23.cloned.1.call-start
scs
__scs_entry_jumppad:
0x0: {  	(pc) =	sbr.rel $0x88, $3  }
0x1: {  	(tag) =	ssettag $0x0;
	lr =	simm.s32 $0x1  }
0x2: {  	[smem:$0x3F9D] =	sst lr;
	_ =	strace $0xD0000000  }
0x3: {  	_ = 	snop  }
0x4: {  	_ = 	snop  }
0x5: {  	_ = 	snop  }
0x6: {  	_ = 	snop  }
0x7: {  	_ = 	snop  }
__scs_overlays_trampoline_lowered:
0x8: {  	[smem:$0x3FAC] =	sst s0  }
0x9: {  	[smem:$0x3FAD] =	sst s1  }
0xa: {  	[smem:$0x3FAE] =	sst s2  }
0xb: {  	[smem:$0x3FAF] =	sst s3  }
0xc: {  	[smem:$0x3FB0] =	sst s4  }
0xd: {  	[smem:$0x3FB1] =	sst s5  }
0xe: {  	[smem:$0x3FB2] =	sst s6  }
0xf: {  	[smem:$0x3FB3] =	sst s7  }
0x10: {  	[smem:$0x3FB4] =	sst s8  }
0x11: {  	[smem:$0x3FB5] =	sst s9;
	s0 =	simm.s32 @!p0 $0x0  }
0x12: {  	s1 =	sld [smem:$0x3F9B];
	s0 =	simm.s32 @p0 $0x1  }
0x13: {  	[smem:$0x3FB6] =	sst s0;
	s0 =	simm.s32 @!p1 $0x0  }
0x14: {  	s2 =	sld [smem:$0x3F9A];
	s0 =	simm.s32 @p1 $0x1  }
0x15: {  	[smem:$0x3FB7] =	sst s0;
	s0 =	simm.s32 @!p2 $0x0  }
0x16: {  	s3 =	sld [smem:$0x3FDB];
	s0 =	simm.s32 @p2 $0x1  }
0x17: {  	s4 =	simm.s32 $0x1BF5;
	[smem:$0x3FB9] =	sst s0  }
0x18: {  	s0 =	sld [smem:$0x3F9C];
	_ =	swait.ge [sflag:s4], $0x0  }
0x19: {  	s7 =	sld [smem:$0x3F9D]  }
0x1a: {  	s8 =	sadd.s32 $0xFFFFE003, lr  }
0x1b: {  	s9 =	sadd.s32 $0xFFFFFEF7, lr;
	s5 =	simm.s32 $0xFFFFFFFF;
	p2 =	slt.u32 s8, $0xFFFFF086  }
0x1c: {  	p1 =	slt.u32 s9, $0xF7A;
	s5 =	simm.s32 @!p2 $0x0  }
0x1d: {  	s5 =	simm.s32 @p1 $0x1;
	p0 =	seq.s32 s7, s2  }
0x1e: {  	s7 =	smul.u32 @!p0 $0xF7A, s2;
	p2 =	seq.s32 @!p0 s5, $0x0  }
0x1f: {  	s9 =	smul.u32 $0xF7A, s1;
	s8 =	simm.s32 @!p0 $0x1BF5;
	p2 =	por !p2, p0  }
0x20: {  	[sflag:s8] =	ssyncset.s32 @!p0 $0xFFFFF086;
	s6 =	sadd.s32 @!p0 s3, s7;
	s7 =	simm.s32 @!p0 $0x108  }
0x21: {  	s3 =	sadd.s32 s3, s9;
	s6 =	sadd.s32 @!p0 $0x88, s6;
	s7 =	simm.s32 @p2 $0x1082  }
0x22: {  	[simem:s7], [sflag:s8] =	dma.local @!p0 [hbm:s6], $0xF7A  }
0x23: {  	s9 =	sor.u32 $0xD0000000, s2;
	s6 =	simm.s32 $0x108;
	_ =	swait.ge @!p0 [sflag:s8], $0x0  }
0x24: {  	s3 =	sadd.s32 $0x88, s3;
	s6 =	simm.s32 @!p1 $0x1082;
	[sflag:s4] =	ssyncset.s32 $0xFFFFF086  }
0x25: {  	[simem:s6], [sflag:s4] =	dma.local [hbm:s3], $0xF7A  }
0x26: {  	[smem:$0x3F9D] =	sst s1;
	(tag) =	ssettag s2;
	_ =	strace s9  }
0x27: {  	s1 =	sld [smem:$0x3FAD]  }
0x28: {  	s2 =	sld [smem:$0x3FAE]  }
0x29: {  	s4 =	sld [smem:$0x3FB0]  }
0x2a: {  	p0 =	seq.s32 s5, $0x0;
	s5 =	sld [smem:$0x3FB1]  }
0x2b: {  	s6 =	sld [smem:$0x3FB2]  }
0x2c: {  	s7 =	sld [smem:$0x3FB3]  }
0x2d: {  	s3 =	simm.s32 $0x108;
	s8 =	sld [smem:$0x3FB4]  }
0x2e: {  	s3 =	simm.s32 @!p0 $0x1082;
	s9 =	sld [smem:$0x3FB5]  }
0x2f: {  	lr =	sadd.s32 s0, s3;
	s0 =	sld [smem:$0x3FAC]  }
0x30: {  	s3 =	sld [smem:$0x3FAF]  }
0x31: {  	[smem:$0x3FB8] =	sst s10  }
0x32: {  	s10 =	sld [smem:$0x3FB6];
	_ =	sdelay $0x3  }
0x33: {  	p0 =	seq.s32 s10, $0x1;
	s10 =	sld [smem:$0x3FB8];
	_ =	sdelay $0x3  }
0x34: {  	[smem:$0x3FB8] =	sst s10  }
0x35: {  	s10 =	sld [smem:$0x3FB7];
	_ =	sdelay $0x3  }
0x36: {  	p1 =	seq.s32 s10, $0x1;
	s10 =	sld [smem:$0x3FB8];
	_ =	sdelay $0x3  }
0x37: {  	[smem:$0x3FB8] =	sst s10  }
0x38: {  	s10 =	sld [smem:$0x3FB9]  }
0x39: {  	_ = 	snop;
	(pc) =	sbr.ind lr, $3  }
0x3a: {  	_ = 	snop  }
0x3b: {  	_ = 	snop  }
0x3c: {  	p2 =	seq.s32 s10, $0x1;
	s10 =	sld [smem:$0x3FB8]  }
0x3d: {  	_ =	shalt  }
0x3e: {  	_ =	shalt  }
0x3f: {  	_ =	shalt  }
0x40: {  	_ =	shalt  }
0x41: {  	_ =	shalt  }
0x42: {  	_ =	shalt  }
0x43: {  	_ =	shalt  }
0x44: {  	_ =	shalt  }
0x45: {  	_ =	shalt  }
0x46: {  	_ =	shalt  }
0x47: {  	_ =	shalt  }
0x48: {  	_ =	shalt  }
0x49: {  	_ =	shalt  }
0x4a: {  	_ =	shalt  }
0x4b: {  	_ =	shalt  }
0x4c: {  	_ =	shalt  }
0x4d: {  	_ =	shalt  }
0x4e: {  	_ =	shalt  }
0x4f: {  	_ =	shalt  }
0x50: {  	_ =	shalt  }
0x51: {  	_ =	shalt  }
0x52: {  	_ =	shalt  }
0x53: {  	_ =	shalt  }
0x54: {  	_ =	shalt  }
0x55: {  	_ =	shalt  }
0x56: {  	_ =	shalt  }
0x57: {  	_ =	shalt  }
0x58: {  	_ =	shalt  }
0x59: {  	_ =	shalt  }
0x5a: {  	_ =	shalt  }
0x5b: {  	_ =	shalt  }
0x5c: {  	_ =	shalt  }
0x5d: {  	_ =	shalt  }
0x5e: {  	_ =	shalt  }
0x5f: {  	_ =	shalt  }
0x60: {  	_ =	shalt  }
0x61: {  	_ =	shalt  }
0x62: {  	_ =	shalt  }
0x63: {  	_ =	shalt  }
0x64: {  	_ =	shalt  }
0x65: {  	_ =	shalt  }
0x66: {  	_ =	shalt  }
0x67: {  	_ =	shalt  }
0x68: {  	_ =	shalt  }
0x69: {  	_ =	shalt  }
0x6a: {  	_ =	shalt  }
0x6b: {  	_ =	shalt  }
0x6c: {  	_ =	shalt  }
0x6d: {  	_ =	shalt  }
0x6e: {  	_ =	shalt  }
0x6f: {  	_ =	shalt  }
0x70: {  	_ =	shalt  }
0x71: {  	_ =	shalt  }
0x72: {  	_ =	shalt  }
0x73: {  	_ =	shalt  }
0x74: {  	_ =	shalt  }
0x75: {  	_ =	shalt  }
0x76: {  	_ =	shalt  }
0x77: {  	_ =	shalt  }
0x78: {  	_ =	shalt  }
0x79: {  	_ =	shalt  }
0x7a: {  	_ =	shalt  }
0x7b: {  	_ =	shalt  }
0x7c: {  	_ =	shalt  }
0x7d: {  	_ =	shalt  }
0x7e: {  	_ =	shalt  }
0x7f: {  	_ =	shalt  }
0x80: {  	_ =	shalt  }
0x81: {  	_ =	shalt  }
0x82: {  	_ =	shalt  }
0x83: {  	_ =	shalt  }
0x84: {  	_ =	shalt  }
0x85: {  	_ =	shalt  }
0x86: {  	_ =	shalt  }
0x87: {  	_ =	shalt  }
.Lfunc_end0:
.L_simem_size_0:
called_computation.3_lowered:
.L_overlay_start_0:
0x88: {  	s2 =	sld [smem:$0x3FD9]  }
0x89: {  	s3 =	sld [smem:$0x3FFE];
	_ =	sdelay $0x1  }
0x8a: {  	s1 =	srdreg.scid  }
0x8b: {  	s0 =	sand.u32 $0x1, s1  }
0x8c: {  	s17 =	sshll.u32 s0, $0xA;
	s2 =	sadd.s32 s3, s2  }
0x8d: {  	s2 =	sadd.s32 s2, s17  }
0x8e: {  	[smem:$0x3FC4] =	sst s2  }
0x8f: {  	_ = 	snop  }
0x90: {  	s2 =	sld [smem:$0x3FC8];
	(tm) =	ssettm $0x1  }
0x91: {  	s18 =	sld [smem:$0x3FFB];
	_ =	sdelay $0x3  }
0x92: {  	_ =	strace s18  }
0x93: {  	s3 =	sld [smem:$0x3FFC];
	_ =	sdelay $0x3  }
0x94: {  	_ =	strace s3  }
0x95: {  	s3 =	sld [smem:$0x3FFD];
	_ =	sdelay $0x3  }
0x96: {  	_ =	strace s3  }
0x97: {  	_ =	strace $0x8FFFFFFF  }
0x98: {  	s19 =	sld [smem:$0x3FDB];
	_ =	sdelay $0x1  }
0x99: {  	s4 =	simm.s32 $_scs_section_size  }
0x9a: {  	s5 =	simm.s32 $_size__tile_overlayer_lowered;
	s6 =	simm.s32 $_tile_overlayer_lowered  }
0x9b: {  	s22 =	simm.s32 $0x1BFF;
	s21 =	sshll.u32 s6, $0x1;
	s3 =	sadd.s32 s4, s19  }
0x9c: {  	s7 =	simm.s32 $0x0;
	s20 =	sshll.u32 s5, $0x1;
	s5 =	sadd.s32 s21, s3  }
0x9d: {  	[timem:s7], [sflag:s22] =	dma.local [hbm:s5], s20  }
0x9e: {  	_ =	swait.ge [sflag:s22], s20  }
0x9f: {  	s4 =	ssub.s32 $0x0, s20;
	[sflag:s22] =	ssyncset.done $0x0  }
0xa0: {  	[sflag:s22] =	ssyncadd.s32 s4;
	_ =	sdelay $0x1  }
0xa1: {  	s23 =	simm.s32 $0x1B8B  }
0xa2: {  	_ =	swait.ge [sflag:s23], $0x1  }
0xa3: {  	[sflag:s23] =	ssyncset.done $0x0  }
0xa4: {  	s25 =	simm.s32 $0x1B8E;
	s24 =	sld [smem:$0x3FFE];
	[sflag:s23] =	ssyncadd.s32 $0xFFFFFFFF  }
0xa5: {  	s26 =	simm.s32 $execute0_lowered;
	[smem:$0x3FD2] =	sst s25  }
0xa6: {  	s5 =	sshll.u32 s26, $0x1;
	_ =	strace $0x80000046;
	[dreg:$0x1] =	wrdreg $0xFFFFFFFF  }
0xa7: {  	s28 =	simm.s32 $_size_execute0_lowered;
	s3 =	sadd.s32 s3, s5;
	[dreg:$0x0] =	wrdreg $0x0  }
0xa8: {  	s5 =	sshll.u32 s28, $0x1;
	[dreg:$0x2] =	wrdreg s3  }
0xa9: {  	[dreg:$0x3] =	wrdreg s5  }
0xaa: {  	[dreg:$0x4] =	wrdreg $0xC0  }
0xab: {  	_ =	task [dreg:s7], $0x5FFFF  }
0xac: {  	[dreg:$0x1] =	wrdreg $0xFFFFFFFF  }
0xad: {  	[dreg:$0x0] =	wrdreg $0x60  }
0xae: {  	[dreg:$0x2] =	wrdreg s24  }
0xaf: {  	[dreg:$0x3] =	wrdreg s2  }
0xb0: {  	[dreg:$0x4] =	wrdreg $0xA  }
0xb1: {  	_ =	task.clear_ibuf [dreg:s7], $0x5FFFF;
	_ =	strace $0x90000046  }
0xb2: {  	s29 =	simm.s32 $0xA;
	_ =	strace $0x80000048  }
0xb3: {  	_ =	swait.ge [sflag:s29], $0x1  }
0xb4: {  	[sflag:s29] =	ssyncadd.s32 $0xFFFFFFFF  }
0xb5: {  	_ =	strace $0x90000048  }
0xb6: {  	_ =	sfence  }
0xb7: {  	s30 =	sld [smem:$0x0];
	_ =	sdelay $0x2  }
0xb8: {  	s31 =	sshll.u32 s1, $0xD;
	s1 =	sshrl.u32 s1, $0x2  }
0xb9: {  	s3 =	sand.u32 $0x4000, s31;
	s1 =	sadd.s32 s1, s30  }
0xba: {  	s0 =	sor.u32 s3, s0;
	s1 =	sshll.u32 s1, $0x11  }
0xbb: {  	s0 =	sor.u32 s1, s0  }
0xbc: {  	s0 =	sadd.s32 $0x8F2B, s0  }
0xbd: {  	[sflag:s0] =	ssyncadd.remote.s32 $0x1  }
0xbe: {  	_ =	sfence.sel $0xFFFF  }
0xbf: {  	[dreg:$0x0] =	wrdreg $0xFFFFFFFF;
	(pc) =	sbr.abs _section_cstart, $3  }
0xc0: {  	[dreg:$0x1] =	wrdreg $0xFFFFFFFF  }
0xc1: {  	_ =	task.clear_ibuf [dreg:s7], $0x2FFFF;
	_ =	strace $0x9FFFFFFF  }
0xc2: {  	(tm) =	ssettm $0x7FFFFFFF  }
0xc3: {  	_ =	shalt  }
tec
execute0_lowered:
.L_overlay_start_1:
0x0: {  	(tag) =	ssettag $0x1  }
0x1: {  	s0 =	srdreg.scid  }
0x2: {  	s2 =	stileid.u32;
	s1 =	rddreg [dreg:$0x0]  }
0x3: {  	s13 =	simm.s32 $0x2;
	s14 =	simm.s32 $0x3;
	s15 =	simm.s32 $0x4  }
0x4: {  	s17 =	simm.s32 $0xA00;
	s18 =	simm.s32 $0x1200;
	s19 =	simm.s32 $0x1A00  }
0x5: {  	s20 =	simm.s32 $0x2200;
	s21 =	simm.s32 $0x2A00;
	s28 =	simm.s32 $0x4A00  }
0x6: {  	s29 =	simm.s32 $0x5200;
	s30 =	simm.s32 $0x5A00;
	s31 =	simm.s32 $0x6200  }
0x7: {  	s7 =	simm.s32 $0x7A00;
	s8 =	simm.s32 $0x8A00;
	s9 =	simm.s32 $0x9200  }
0x8: {  	s10 =	simm.s32 $0x9A00;
	s11 =	simm.s32 $0xA200;
	s0 =	sand.u32 $0x1, s0  }
0x9: {  	s12 =	simm.s32 $0xAA00;
	s3 =	sshll.u32 s2, $0xA;
	s4 =	sshll.u32 s0, $0x9  }
0xa: {  	s2 =	rddreg [dreg:$0x1];
	s0 =	ssub.s32 $0x2, s0;
	s4 =	sor.u32 s4, s3  }
0xb: {  	s3 =	simm.s32 $0x0;
	s25 =	sshrl.u32 s0, $0x1;
	s5 =	sshrl.u32 s4, $0x3  }
0xc: {  	[smem:$0x7FF] =	sst s3;
	s4 =	sshll.u32 s4, $0x5;
	s5 =	sadd.s32 s5, s1  }
0xd: {  	s0 =	ssub.s32 s0, s25;
	s1 =	sadd.s32 s4, s1;
	s22 =	sadd.s32 $0x83A00, s5  }
0xe: {  	_ =	strace $0x80000047;
	s23 =	sadd.s32 $0x84200, s1;
	[dreg:$0x3] =	wrdreg s22  }
0xf: {  	s25 =	simm.s32 $0x3A00;
	s24 =	sadd.s32 $0x85200, s1;
	[dreg:$0x4] =	wrdreg s23  }
0x10: {  	s4 =	smax.u32 s0, $0x1;
	s26 =	sadd.s32 $0x86200, s1;
	[dreg:$0x5] =	wrdreg s24  }
0x11: {  	v2 =	vlaneseq.u32;
	s1 =	sadd.s32 $0x87200, s1;
	s5 =	simm.s32 $0x7200;
	[dreg:$0x6] =	wrdreg s26  }
0x12: {  	vm0 =	vmmov $0xffff;
	v1 =	vshrl.u32 v2, $0x3;
	[dreg:$0x7] =	wrdreg s1;
	s23 =	simm.s32 $0x200;
	s24 =	simm.s32 $0x3200  }
0x13: {  	v0 =	vand.u32 $0x7, v2;
	v2 =	vor.u32 $0x8, v2;
	v1 =	vmul.u32 $0x8, v1;
	s26 =	simm.s32 $0x4200;
	s1 =	simm.s32 $0x6A00;
	s22 =	simm.s32 $0x8200  }
.LBB2_1:
0x14: {  	s16 =	rddreg [dreg:$0x3];
	s0 =	simm.s32 $0x5  }
0x15: {  	[tilespmem:s3], [sflag:$0x5] =	stream.linear.gather [hbm4b:s16+s3], $0x200, $0x38;
	[tilespmem:$0x10200] =	vst v63  }
0x16: {  	_ =	swait.ge [sflag:s0], $0x200  }
0x17: {  	[sflag:s0] =	ssyncset.done $0x0  }
0x18: {  	[sflag:s0] =	ssyncadd.s32 $0xFFFFFE00  }
0x19: {  	v3 =	vld [tilespmem:$0x0];
	_ =	sdelay $0x4  }
0x1a: {  	v4 =	vshll.u32 v3, $0x1  }
0x1b: {  	v3 =	vand.u32 $0x7, v3;
	v4 =	vand.u32 $0xFFFFFFF0, v4  }
0x1c: {  	v3 =	vor.u32 v3, v4  }
0x1d: {  	v4 =	vperm.xlane v3, v0;
	_ =	sdelay $0x1  }
0x1e: {  	v3 =	vperm.xlane v3, v2;
	v4 =	vadd.s32 v1, v4;
	_ =	sdelay $0x1  }
0x1f: {  	v3 =	vadd.s32 v1, v3;
	_ =	sdelay $0x2  }
0x20: {  	[tilespmem:s23], [sflag:$0x1] =	stream.indirect_vreg.gather [hbm4b:s2+s3], $0x80, v4, vm0, $0xb8;
	[tilespmem:$0x10200] =	vst v63  }
0x21: {  	_ = 	snop  }
0x22: {  	[tilespmem:s17], [sflag:$0x1] =	stream.indirect_vreg.gather [hbm4b:s2+s3], $0x80, v3, vm0, $0xb8;
	[tilespmem:$0x10200] =	vst v63  }
0x23: {  	v3 =	vld [tilespmem:$0x10];
	_ =	sdelay $0x4  }
0x24: {  	v33 =	vshll.u32 v3, $0x1  }
0x25: {  	v3 =	vand.u32 $0x7, v3;
	v4 =	vand.u32 $0xFFFFFFF0, v33  }
0x26: {  	v3 =	vor.u32 v3, v4  }
0x27: {  	v4 =	vperm.xlane v3, v0;
	_ =	sdelay $0x1  }
0x28: {  	v3 =	vperm.xlane v3, v2;
	v4 =	vadd.s32 v1, v4;
	_ =	sdelay $0x1  }
0x29: {  	v3 =	vadd.s32 v1, v3;
	_ =	sdelay $0x2  }
0x2a: {  	[tilespmem:s18], [sflag:$0x1] =	stream.indirect_vreg.gather [hbm4b:s2+s3], $0x80, v4, vm0, $0xb8;
	[tilespmem:$0x10200] =	vst v63  }
0x2b: {  	_ = 	snop  }
0x2c: {  	[tilespmem:s19], [sflag:$0x1] =	stream.indirect_vreg.gather [hbm4b:s2+s3], $0x80, v3, vm0, $0xb8;
	[tilespmem:$0x10200] =	vst v63  }
0x2d: {  	v3 =	vld [tilespmem:$0x20];
	_ =	sdelay $0x4  }
0x2e: {  	v34 =	vshll.u32 v3, $0x1  }
0x2f: {  	v3 =	vand.u32 $0x7, v3;
	v4 =	vand.u32 $0xFFFFFFF0, v34  }
0x30: {  	v3 =	vor.u32 v3, v4  }
0x31: {  	v4 =	vperm.xlane v3, v0;
	_ =	sdelay $0x1  }
0x32: {  	v3 =	vperm.xlane v3, v2;
	v4 =	vadd.s32 v1, v4;
	_ =	sdelay $0x1  }
0x33: {  	v3 =	vadd.s32 v1, v3;
	_ =	sdelay $0x2  }
0x34: {  	[tilespmem:s20], [sflag:$0x1] =	stream.indirect_vreg.gather [hbm4b:s2+s3], $0x80, v4, vm0, $0xb8;
	[tilespmem:$0x10200] =	vst v63  }
0x35: {  	_ = 	snop  }
0x36: {  	[tilespmem:s21], [sflag:$0x1] =	stream.indirect_vreg.gather [hbm4b:s2+s3], $0x80, v3, vm0, $0xb8;
	[tilespmem:$0x10200] =	vst v63  }
0x37: {  	v3 =	vld [tilespmem:$0x30];
	_ =	sdelay $0x4  }
0x38: {  	v35 =	vshll.u32 v3, $0x1  }
0x39: {  	v3 =	vand.u32 $0x7, v3;
	v4 =	vand.u32 $0xFFFFFFF0, v35  }
0x3a: {  	v3 =	vor.u32 v3, v4  }
0x3b: {  	v4 =	vperm.xlane v3, v0;
	_ =	sdelay $0x1  }
0x3c: {  	v3 =	vperm.xlane v3, v2;
	v4 =	vadd.s32 v1, v4;
	_ =	sdelay $0x1  }
0x3d: {  	v3 =	vadd.s32 v1, v3;
	_ =	sdelay $0x2  }
0x3e: {  	[tilespmem:s24], [sflag:$0x1] =	stream.indirect_vreg.gather [hbm4b:s2+s3], $0x80, v4, vm0, $0xb8;
	[tilespmem:$0x10200] =	vst v63  }
0x3f: {  	_ = 	snop  }
0x40: {  	[tilespmem:s25], [sflag:$0x1] =	stream.indirect_vreg.gather [hbm4b:s2+s3], $0x80, v3, vm0, $0xb8;
	[tilespmem:$0x10200] =	vst v63  }
0x41: {  	v3 =	vld [tilespmem:$0x40];
	_ =	sdelay $0x4  }
0x42: {  	v36 =	vshll.u32 v3, $0x1  }
0x43: {  	v3 =	vand.u32 $0x7, v3;
	v4 =	vand.u32 $0xFFFFFFF0, v36  }
0x44: {  	v3 =	vor.u32 v3, v4  }
0x45: {  	v4 =	vperm.xlane v3, v0;
	_ =	sdelay $0x1  }
0x46: {  	v3 =	vperm.xlane v3, v2;
	v4 =	vadd.s32 v1, v4;
	_ =	sdelay $0x1  }
0x47: {  	v3 =	vadd.s32 v1, v3;
	_ =	sdelay $0x2  }
0x48: {  	[tilespmem:s26], [sflag:$0x1] =	stream.indirect_vreg.gather [hbm4b:s2+s3], $0x80, v4, vm0, $0xb8;
	[tilespmem:$0x10200] =	vst v63  }
0x49: {  	_ = 	snop  }
0x4a: {  	[tilespmem:s28], [sflag:$0x1] =	stream.indirect_vreg.gather [hbm4b:s2+s3], $0x80, v3, vm0, $0xb8;
	[tilespmem:$0x10200] =	vst v63  }
0x4b: {  	v3 =	vld [tilespmem:$0x50];
	_ =	sdelay $0x4  }
0x4c: {  	v37 =	vshll.u32 v3, $0x1  }
0x4d: {  	v3 =	vand.u32 $0x7, v3;
	v4 =	vand.u32 $0xFFFFFFF0, v37  }
0x4e: {  	v3 =	vor.u32 v3, v4  }
0x4f: {  	v4 =	vperm.xlane v3, v0;
	_ =	sdelay $0x1  }
0x50: {  	v3 =	vperm.xlane v3, v2;
	v4 =	vadd.s32 v1, v4;
	_ =	sdelay $0x1  }
0x51: {  	v3 =	vadd.s32 v1, v3;
	_ =	sdelay $0x2  }
0x52: {  	[tilespmem:s29], [sflag:$0x1] =	stream.indirect_vreg.gather [hbm4b:s2+s3], $0x80, v4, vm0, $0xb8;
	[tilespmem:$0x10200] =	vst v63  }
0x53: {  	_ = 	snop  }
0x54: {  	[tilespmem:s30], [sflag:$0x1] =	stream.indirect_vreg.gather [hbm4b:s2+s3], $0x80, v3, vm0, $0xb8;
	[tilespmem:$0x10200] =	vst v63  }
0x55: {  	v3 =	vld [tilespmem:$0x60];
	_ =	sdelay $0x4  }
0x56: {  	v38 =	vshll.u32 v3, $0x1  }
0x57: {  	v3 =	vand.u32 $0x7, v3;
	v4 =	vand.u32 $0xFFFFFFF0, v38  }
0x58: {  	v3 =	vor.u32 v3, v4  }
0x59: {  	v4 =	vperm.xlane v3, v0;
	_ =	sdelay $0x1  }
0x5a: {  	v3 =	vperm.xlane v3, v2;
	v4 =	vadd.s32 v1, v4;
	_ =	sdelay $0x1  }
0x5b: {  	v3 =	vadd.s32 v1, v3;
	_ =	sdelay $0x2  }
0x5c: {  	[tilespmem:s31], [sflag:$0x1] =	stream.indirect_vreg.gather [hbm4b:s2+s3], $0x80, v4, vm0, $0xb8;
	[tilespmem:$0x10200] =	vst v63  }
0x5d: {  	_ = 	snop  }
0x5e: {  	[tilespmem:s1], [sflag:$0x1] =	stream.indirect_vreg.gather [hbm4b:s2+s3], $0x80, v3, vm0, $0xb8;
	[tilespmem:$0x10200] =	vst v63  }
0x5f: {  	v3 =	vld [tilespmem:$0x70];
	_ =	sdelay $0x4  }
0x60: {  	v39 =	vshll.u32 v3, $0x1  }
0x61: {  	v3 =	vand.u32 $0x7, v3;
	v4 =	vand.u32 $0xFFFFFFF0, v39  }
0x62: {  	v3 =	vor.u32 v3, v4  }
0x63: {  	v4 =	vperm.xlane v3, v0;
	_ =	sdelay $0x1  }
0x64: {  	v3 =	vperm.xlane v3, v2;
	v4 =	vadd.s32 v1, v4;
	_ =	sdelay $0x1  }
0x65: {  	v3 =	vadd.s32 v1, v3;
	_ =	sdelay $0x2  }
0x66: {  	[tilespmem:s5], [sflag:$0x1] =	stream.indirect_vreg.gather [hbm4b:s2+s3], $0x80, v4, vm0, $0xb8;
	[tilespmem:$0x10200] =	vst v63  }
0x67: {  	s0 =	simm.s32 $0x1  }
0x68: {  	[tilespmem:s7], [sflag:$0x1] =	stream.indirect_vreg.gather [hbm4b:s2+s3], $0x80, v3, vm0, $0xb8;
	[tilespmem:$0x10200] =	vst v63  }
0x69: {  	_ =	swait.ge [sflag:s0], $0x8000  }
0x6a: {  	[sflag:s0] =	ssyncset.done $0x0  }
0x6b: {  	s6 =	rddreg [dreg:$0x4];
	[sflag:s0] =	ssyncadd.s32 $0xFFFF8000  }
0x6c: {  	[hbm4b:s6+s3] =	stream.linear.scatter [tilespmem:s23], [sflag:$0x3], $0x8000, $0x38;
	[tilespmem:$0x10200] =	vst v63  }
0x6d: {  	v3 =	vld [tilespmem:$0x80];
	_ =	sdelay $0x4  }
0x6e: {  	v40 =	vshll.u32 v3, $0x1  }
0x6f: {  	v3 =	vand.u32 $0x7, v3;
	v4 =	vand.u32 $0xFFFFFFF0, v40  }
0x70: {  	v3 =	vor.u32 v3, v4  }
0x71: {  	v4 =	vperm.xlane v3, v0;
	_ =	sdelay $0x1  }
0x72: {  	v3 =	vperm.xlane v3, v2;
	v4 =	vadd.s32 v1, v4;
	_ =	sdelay $0x1  }
0x73: {  	v3 =	vadd.s32 v1, v3;
	_ =	sdelay $0x2  }
0x74: {  	[tilespmem:s22], [sflag:$0x2] =	stream.indirect_vreg.gather [hbm4b:s2+s3], $0x80, v4, vm0, $0xb8;
	[tilespmem:$0x10200] =	vst v63  }
0x75: {  	_ = 	snop  }
0x76: {  	[tilespmem:s8], [sflag:$0x2] =	stream.indirect_vreg.gather [hbm4b:s2+s3], $0x80, v3, vm0, $0xb8;
	[tilespmem:$0x10200] =	vst v63  }
0x77: {  	v3 =	vld [tilespmem:$0x90];
	_ =	sdelay $0x4  }
0x78: {  	v41 =	vshll.u32 v3, $0x1  }
0x79: {  	v3 =	vand.u32 $0x7, v3;
	v4 =	vand.u32 $0xFFFFFFF0, v41  }
0x7a: {  	v3 =	vor.u32 v3, v4  }
0x7b: {  	v4 =	vperm.xlane v3, v0;
	_ =	sdelay $0x1  }
0x7c: {  	v3 =	vperm.xlane v3, v2;
	v4 =	vadd.s32 v1, v4;
	_ =	sdelay $0x1  }
0x7d: {  	v3 =	vadd.s32 v1, v3;
	_ =	sdelay $0x2  }
0x7e: {  	[tilespmem:s9], [sflag:$0x2] =	stream.indirect_vreg.gather [hbm4b:s2+s3], $0x80, v4, vm0, $0xb8;
	[tilespmem:$0x10200] =	vst v63  }
0x7f: {  	_ = 	snop  }
0x80: {  	[tilespmem:s10], [sflag:$0x2] =	stream.indirect_vreg.gather [hbm4b:s2+s3], $0x80, v3, vm0, $0xb8;
	[tilespmem:$0x10200] =	vst v63  }
0x81: {  	v3 =	vld [tilespmem:$0xA0];
	_ =	sdelay $0x4  }
0x82: {  	v42 =	vshll.u32 v3, $0x1  }
0x83: {  	v3 =	vand.u32 $0x7, v3;
	v4 =	vand.u32 $0xFFFFFFF0, v42  }
0x84: {  	v3 =	vor.u32 v3, v4  }
0x85: {  	v4 =	vperm.xlane v3, v0;
	_ =	sdelay $0x1  }
0x86: {  	v3 =	vperm.xlane v3, v2;
	v4 =	vadd.s32 v1, v4;
	_ =	sdelay $0x1  }
0x87: {  	v3 =	vadd.s32 v1, v3;
	_ =	sdelay $0x2  }
0x88: {  	[tilespmem:s11], [sflag:$0x2] =	stream.indirect_vreg.gather [hbm4b:s2+s3], $0x80, v4, vm0, $0xb8;
	[tilespmem:$0x10200] =	vst v63  }
0x89: {  	_ = 	snop  }
0x8a: {  	[tilespmem:s12], [sflag:$0x2] =	stream.indirect_vreg.gather [hbm4b:s2+s3], $0x80, v3, vm0, $0xb8;
	[tilespmem:$0x10200] =	vst v63  }
0x8b: {  	v3 =	vld [tilespmem:$0xB0];
	_ =	sdelay $0x4  }
0x8c: {  	v43 =	vshll.u32 v3, $0x1  }
0x8d: {  	v3 =	vand.u32 $0x7, v3;
	v4 =	vand.u32 $0xFFFFFFF0, v43  }
0x8e: {  	v3 =	vor.u32 v3, v4  }
0x8f: {  	v4 =	vperm.xlane v3, v0;
	_ =	sdelay $0x1  }
0x90: {  	v3 =	vperm.xlane v3, v2;
	v4 =	vadd.s32 v1, v4;
	_ =	sdelay $0x1  }
0x91: {  	v3 =	vadd.s32 v1, v3;
	_ =	sdelay $0x1  }
0x92: {  	s6 =	simm.s32 $0xB200  }
0x93: {  	[tilespmem:s6], [sflag:$0x2] =	stream.indirect_vreg.gather [hbm4b:s2+s3], $0x80, v4, vm0, $0xb8;
	[tilespmem:$0x10200] =	vst v63  }
0x94: {  	s6 =	simm.s32 $0xBA00  }
0x95: {  	[tilespmem:s6], [sflag:$0x2] =	stream.indirect_vreg.gather [hbm4b:s2+s3], $0x80, v3, vm0, $0xb8;
	[tilespmem:$0x10200] =	vst v63  }
0x96: {  	v3 =	vld [tilespmem:$0xC0];
	_ =	sdelay $0x4  }
0x97: {  	v44 =	vshll.u32 v3, $0x1  }
0x98: {  	v3 =	vand.u32 $0x7, v3;
	v4 =	vand.u32 $0xFFFFFFF0, v44  }
0x99: {  	v3 =	vor.u32 v3, v4  }
0x9a: {  	v4 =	vperm.xlane v3, v0;
	_ =	sdelay $0x1  }
0x9b: {  	v3 =	vperm.xlane v3, v2;
	v4 =	vadd.s32 v1, v4;
	_ =	sdelay $0x1  }
0x9c: {  	v3 =	vadd.s32 v1, v3;
	_ =	sdelay $0x1  }
0x9d: {  	s16 =	simm.s32 $0xC200  }
0x9e: {  	[tilespmem:s16], [sflag:$0x2] =	stream.indirect_vreg.gather [hbm4b:s2+s3], $0x80, v4, vm0, $0xb8;
	[tilespmem:$0x10200] =	vst v63  }
0x9f: {  	s16 =	simm.s32 $0xCA00  }
0xa0: {  	[tilespmem:s16], [sflag:$0x2] =	stream.indirect_vreg.gather [hbm4b:s2+s3], $0x80, v3, vm0, $0xb8;
	[tilespmem:$0x10200] =	vst v63  }
0xa1: {  	v3 =	vld [tilespmem:$0xD0];
	_ =	sdelay $0x4  }
0xa2: {  	v45 =	vshll.u32 v3, $0x1  }
0xa3: {  	v3 =	vand.u32 $0x7, v3;
	v4 =	vand.u32 $0xFFFFFFF0, v45  }
0xa4: {  	v3 =	vor.u32 v3, v4  }
0xa5: {  	v4 =	vperm.xlane v3, v0;
	_ =	sdelay $0x1  }
0xa6: {  	v3 =	vperm.xlane v3, v2;
	v4 =	vadd.s32 v1, v4;
	_ =	sdelay $0x1  }
0xa7: {  	v3 =	vadd.s32 v1, v3;
	_ =	sdelay $0x1  }
0xa8: {  	s16 =	simm.s32 $0xD200  }
0xa9: {  	[tilespmem:s16], [sflag:$0x2] =	stream.indirect_vreg.gather [hbm4b:s2+s3], $0x80, v4, vm0, $0xb8;
	[tilespmem:$0x10200] =	vst v63  }
0xaa: {  	s16 =	simm.s32 $0xDA00  }
0xab: {  	[tilespmem:s16], [sflag:$0x2] =	stream.indirect_vreg.gather [hbm4b:s2+s3], $0x80, v3, vm0, $0xb8;
	[tilespmem:$0x10200] =	vst v63  }
0xac: {  	v3 =	vld [tilespmem:$0xE0];
	_ =	sdelay $0x4  }
0xad: {  	v46 =	vshll.u32 v3, $0x1  }
0xae: {  	v3 =	vand.u32 $0x7, v3;
	v4 =	vand.u32 $0xFFFFFFF0, v46  }
0xaf: {  	v3 =	vor.u32 v3, v4  }
0xb0: {  	v4 =	vperm.xlane v3, v0;
	_ =	sdelay $0x1  }
0xb1: {  	v3 =	vperm.xlane v3, v2;
	v4 =	vadd.s32 v1, v4;
	_ =	sdelay $0x1  }
0xb2: {  	v3 =	vadd.s32 v1, v3;
	_ =	sdelay $0x1  }
0xb3: {  	s16 =	simm.s32 $0xE200  }
0xb4: {  	[tilespmem:s16], [sflag:$0x2] =	stream.indirect_vreg.gather [hbm4b:s2+s3], $0x80, v4, vm0, $0xb8;
	[tilespmem:$0x10200] =	vst v63  }
0xb5: {  	s16 =	simm.s32 $0xEA00  }
0xb6: {  	[tilespmem:s16], [sflag:$0x2] =	stream.indirect_vreg.gather [hbm4b:s2+s3], $0x80, v3, vm0, $0xb8;
	[tilespmem:$0x10200] =	vst v63  }
0xb7: {  	v3 =	vld [tilespmem:$0xF0];
	_ =	sdelay $0x4  }
0xb8: {  	v47 =	vshll.u32 v3, $0x1  }
0xb9: {  	v3 =	vand.u32 $0x7, v3;
	v4 =	vand.u32 $0xFFFFFFF0, v47  }
0xba: {  	v3 =	vor.u32 v3, v4  }
0xbb: {  	v4 =	vperm.xlane v3, v0;
	_ =	sdelay $0x1  }
0xbc: {  	v3 =	vperm.xlane v3, v2;
	v4 =	vadd.s32 v1, v4;
	_ =	sdelay $0x1  }
0xbd: {  	v3 =	vadd.s32 v1, v3;
	_ =	sdelay $0x1  }
0xbe: {  	s16 =	simm.s32 $0xF200  }
0xbf: {  	[tilespmem:s16], [sflag:$0x2] =	stream.indirect_vreg.gather [hbm4b:s2+s3], $0x80, v4, vm0, $0xb8;
	[tilespmem:$0x10200] =	vst v63  }
0xc0: {  	s16 =	simm.s32 $0xFA00  }
0xc1: {  	[tilespmem:s16], [sflag:$0x2] =	stream.indirect_vreg.gather [hbm4b:s2+s3], $0x80, v3, vm0, $0xb8;
	[tilespmem:$0x10200] =	vst v63  }
0xc2: {  	_ =	swait.ge [sflag:s13], $0x8000  }
0xc3: {  	[sflag:s13] =	ssyncset.done $0x0  }
0xc4: {  	s16 =	rddreg [dreg:$0x5];
	[sflag:s13] =	ssyncadd.s32 $0xFFFF8000  }
0xc5: {  	[hbm4b:s16+s3] =	stream.linear.scatter [tilespmem:s22], [sflag:$0x4], $0x8000, $0x38;
	[tilespmem:$0x10200] =	vst v63  }
0xc6: {  	_ =	swait.ge [sflag:s14], $0x8000  }
0xc7: {  	[sflag:s14] =	ssyncset.done $0x0  }
0xc8: {  	[sflag:s14] =	ssyncadd.s32 $0xFFFF8000  }
0xc9: {  	v3 =	vld [tilespmem:$0x100];
	_ =	sdelay $0x4  }
0xca: {  	v48 =	vshll.u32 v3, $0x1  }
0xcb: {  	v3 =	vand.u32 $0x7, v3;
	v4 =	vand.u32 $0xFFFFFFF0, v48  }
0xcc: {  	v3 =	vor.u32 v3, v4  }
0xcd: {  	v4 =	vperm.xlane v3, v0;
	_ =	sdelay $0x1  }
0xce: {  	v3 =	vperm.xlane v3, v2;
	v4 =	vadd.s32 v1, v4;
	_ =	sdelay $0x1  }
0xcf: {  	v3 =	vadd.s32 v1, v3;
	_ =	sdelay $0x2  }
0xd0: {  	[tilespmem:s23], [sflag:$0x1] =	stream.indirect_vreg.gather [hbm4b:s2+s3], $0x80, v4, vm0, $0xb8;
	[tilespmem:$0x10200] =	vst v63  }
0xd1: {  	_ = 	snop  }
0xd2: {  	[tilespmem:s17], [sflag:$0x1] =	stream.indirect_vreg.gather [hbm4b:s2+s3], $0x80, v3, vm0, $0xb8;
	[tilespmem:$0x10200] =	vst v63  }
0xd3: {  	v3 =	vld [tilespmem:$0x110];
	_ =	sdelay $0x4  }
0xd4: {  	v49 =	vshll.u32 v3, $0x1  }
0xd5: {  	v3 =	vand.u32 $0x7, v3;
	v4 =	vand.u32 $0xFFFFFFF0, v49  }
0xd6: {  	v3 =	vor.u32 v3, v4  }
0xd7: {  	v4 =	vperm.xlane v3, v0;
	_ =	sdelay $0x1  }
0xd8: {  	v3 =	vperm.xlane v3, v2;
	v4 =	vadd.s32 v1, v4;
	_ =	sdelay $0x1  }
0xd9: {  	v3 =	vadd.s32 v1, v3;
	_ =	sdelay $0x2  }
0xda: {  	[tilespmem:s18], [sflag:$0x1] =	stream.indirect_vreg.gather [hbm4b:s2+s3], $0x80, v4, vm0, $0xb8;
	[tilespmem:$0x10200] =	vst v63  }
0xdb: {  	_ = 	snop  }
0xdc: {  	[tilespmem:s19], [sflag:$0x1] =	stream.indirect_vreg.gather [hbm4b:s2+s3], $0x80, v3, vm0, $0xb8;
	[tilespmem:$0x10200] =	vst v63  }
0xdd: {  	v3 =	vld [tilespmem:$0x120];
	_ =	sdelay $0x4  }
0xde: {  	v50 =	vshll.u32 v3, $0x1  }
0xdf: {  	v3 =	vand.u32 $0x7, v3;
	v4 =	vand.u32 $0xFFFFFFF0, v50  }
0xe0: {  	v3 =	vor.u32 v3, v4  }
0xe1: {  	v4 =	vperm.xlane v3, v0;
	_ =	sdelay $0x1  }
0xe2: {  	v3 =	vperm.xlane v3, v2;
	v4 =	vadd.s32 v1, v4;
	_ =	sdelay $0x1  }
0xe3: {  	v3 =	vadd.s32 v1, v3;
	_ =	sdelay $0x2  }
0xe4: {  	[tilespmem:s20], [sflag:$0x1] =	stream.indirect_vreg.gather [hbm4b:s2+s3], $0x80, v4, vm0, $0xb8;
	[tilespmem:$0x10200] =	vst v63  }
0xe5: {  	_ = 	snop  }
0xe6: {  	[tilespmem:s21], [sflag:$0x1] =	stream.indirect_vreg.gather [hbm4b:s2+s3], $0x80, v3, vm0, $0xb8;
	[tilespmem:$0x10200] =	vst v63  }
0xe7: {  	v3 =	vld [tilespmem:$0x130];
	_ =	sdelay $0x4  }
0xe8: {  	v51 =	vshll.u32 v3, $0x1  }
0xe9: {  	v3 =	vand.u32 $0x7, v3;
	v4 =	vand.u32 $0xFFFFFFF0, v51  }
0xea: {  	v3 =	vor.u32 v3, v4  }
0xeb: {  	v4 =	vperm.xlane v3, v0;
	_ =	sdelay $0x1  }
0xec: {  	v3 =	vperm.xlane v3, v2;
	v4 =	vadd.s32 v1, v4;
	_ =	sdelay $0x1  }
0xed: {  	v3 =	vadd.s32 v1, v3;
	_ =	sdelay $0x2  }
0xee: {  	[tilespmem:s24], [sflag:$0x1] =	stream.indirect_vreg.gather [hbm4b:s2+s3], $0x80, v4, vm0, $0xb8;
	[tilespmem:$0x10200] =	vst v63  }
0xef: {  	_ = 	snop  }
0xf0: {  	[tilespmem:s25], [sflag:$0x1] =	stream.indirect_vreg.gather [hbm4b:s2+s3], $0x80, v3, vm0, $0xb8;
	[tilespmem:$0x10200] =	vst v63  }
0xf1: {  	v3 =	vld [tilespmem:$0x140];
	_ =	sdelay $0x4  }
0xf2: {  	v52 =	vshll.u32 v3, $0x1  }
0xf3: {  	v3 =	vand.u32 $0x7, v3;
	v4 =	vand.u32 $0xFFFFFFF0, v52  }
0xf4: {  	v3 =	vor.u32 v3, v4  }
0xf5: {  	v4 =	vperm.xlane v3, v0;
	_ =	sdelay $0x1  }
0xf6: {  	v3 =	vperm.xlane v3, v2;
	v4 =	vadd.s32 v1, v4;
	_ =	sdelay $0x1  }
0xf7: {  	v3 =	vadd.s32 v1, v3;
	_ =	sdelay $0x2  }
0xf8: {  	[tilespmem:s26], [sflag:$0x1] =	stream.indirect_vreg.gather [hbm4b:s2+s3], $0x80, v4, vm0, $0xb8;
	[tilespmem:$0x10200] =	vst v63  }
0xf9: {  	_ = 	snop  }
0xfa: {  	[tilespmem:s28], [sflag:$0x1] =	stream.indirect_vreg.gather [hbm4b:s2+s3], $0x80, v3, vm0, $0xb8;
	[tilespmem:$0x10200] =	vst v63  }
0xfb: {  	v3 =	vld [tilespmem:$0x150];
	_ =	sdelay $0x4  }
0xfc: {  	v53 =	vshll.u32 v3, $0x1  }
0xfd: {  	v3 =	vand.u32 $0x7, v3;
	v4 =	vand.u32 $0xFFFFFFF0, v53  }
0xfe: {  	v3 =	vor.u32 v3, v4  }
0xff: {  	v4 =	vperm.xlane v3, v0;
	_ =	sdelay $0x1  }
0x100: {  	v3 =	vperm.xlane v3, v2;
	v4 =	vadd.s32 v1, v4;
	_ =	sdelay $0x1  }
0x101: {  	v3 =	vadd.s32 v1, v3;
	_ =	sdelay $0x2  }
0x102: {  	[tilespmem:s29], [sflag:$0x1] =	stream.indirect_vreg.gather [hbm4b:s2+s3], $0x80, v4, vm0, $0xb8;
	[tilespmem:$0x10200] =	vst v63  }
0x103: {  	_ = 	snop  }
0x104: {  	[tilespmem:s30], [sflag:$0x1] =	stream.indirect_vreg.gather [hbm4b:s2+s3], $0x80, v3, vm0, $0xb8;
	[tilespmem:$0x10200] =	vst v63  }
0x105: {  	v3 =	vld [tilespmem:$0x160];
	_ =	sdelay $0x4  }
0x106: {  	v54 =	vshll.u32 v3, $0x1  }
0x107: {  	v3 =	vand.u32 $0x7, v3;
	v4 =	vand.u32 $0xFFFFFFF0, v54  }
0x108: {  	v3 =	vor.u32 v3, v4  }
0x109: {  	v4 =	vperm.xlane v3, v0;
	_ =	sdelay $0x1  }
0x10a: {  	v3 =	vperm.xlane v3, v2;
	v4 =	vadd.s32 v1, v4;
	_ =	sdelay $0x1  }
0x10b: {  	v3 =	vadd.s32 v1, v3;
	_ =	sdelay $0x2  }
0x10c: {  	[tilespmem:s31], [sflag:$0x1] =	stream.indirect_vreg.gather [hbm4b:s2+s3], $0x80, v4, vm0, $0xb8;
	[tilespmem:$0x10200] =	vst v63  }
0x10d: {  	_ = 	snop  }
0x10e: {  	[tilespmem:s1], [sflag:$0x1] =	stream.indirect_vreg.gather [hbm4b:s2+s3], $0x80, v3, vm0, $0xb8;
	[tilespmem:$0x10200] =	vst v63  }
0x10f: {  	v3 =	vld [tilespmem:$0x170];
	_ =	sdelay $0x4  }
0x110: {  	v55 =	vshll.u32 v3, $0x1  }
0x111: {  	v3 =	vand.u32 $0x7, v3;
	v4 =	vand.u32 $0xFFFFFFF0, v55  }
0x112: {  	v3 =	vor.u32 v3, v4  }
0x113: {  	v4 =	vperm.xlane v3, v0;
	_ =	sdelay $0x1  }
0x114: {  	v3 =	vperm.xlane v3, v2;
	v4 =	vadd.s32 v1, v4;
	_ =	sdelay $0x1  }
0x115: {  	v3 =	vadd.s32 v1, v3;
	_ =	sdelay $0x2  }
0x116: {  	[tilespmem:s5], [sflag:$0x1] =	stream.indirect_vreg.gather [hbm4b:s2+s3], $0x80, v4, vm0, $0xb8;
	[tilespmem:$0x10200] =	vst v63  }
0x117: {  	_ = 	snop  }
0x118: {  	[tilespmem:s7], [sflag:$0x1] =	stream.indirect_vreg.gather [hbm4b:s2+s3], $0x80, v3, vm0, $0xb8;
	[tilespmem:$0x10200] =	vst v63  }
0x119: {  	_ =	swait.ge [sflag:s0], $0x8000  }
0x11a: {  	[sflag:s0] =	ssyncset.done $0x0  }
0x11b: {  	s16 =	rddreg [dreg:$0x6];
	[sflag:s0] =	ssyncadd.s32 $0xFFFF8000  }
0x11c: {  	[hbm4b:s16+s3] =	stream.linear.scatter [tilespmem:s23], [sflag:$0x3], $0x8000, $0x38;
	[tilespmem:$0x10200] =	vst v63  }
0x11d: {  	_ =	swait.ge [sflag:s15], $0x8000  }
0x11e: {  	[sflag:s15] =	ssyncset.done $0x0  }
0x11f: {  	[sflag:s15] =	ssyncadd.s32 $0xFFFF8000  }
0x120: {  	v3 =	vld [tilespmem:$0x180];
	_ =	sdelay $0x4  }
0x121: {  	v56 =	vshll.u32 v3, $0x1  }
0x122: {  	v3 =	vand.u32 $0x7, v3;
	v4 =	vand.u32 $0xFFFFFFF0, v56  }
0x123: {  	v3 =	vor.u32 v3, v4  }
0x124: {  	v4 =	vperm.xlane v3, v0;
	_ =	sdelay $0x1  }
0x125: {  	v3 =	vperm.xlane v3, v2;
	v4 =	vadd.s32 v1, v4;
	_ =	sdelay $0x1  }
0x126: {  	v3 =	vadd.s32 v1, v3;
	_ =	sdelay $0x2  }
0x127: {  	[tilespmem:s22], [sflag:$0x2] =	stream.indirect_vreg.gather [hbm4b:s2+s3], $0x80, v4, vm0, $0xb8;
	[tilespmem:$0x10200] =	vst v63  }
0x128: {  	_ = 	snop  }
0x129: {  	[tilespmem:s8], [sflag:$0x2] =	stream.indirect_vreg.gather [hbm4b:s2+s3], $0x80, v3, vm0, $0xb8;
	[tilespmem:$0x10200] =	vst v63  }
0x12a: {  	v3 =	vld [tilespmem:$0x190];
	_ =	sdelay $0x4  }
0x12b: {  	v57 =	vshll.u32 v3, $0x1  }
0x12c: {  	v3 =	vand.u32 $0x7, v3;
	v4 =	vand.u32 $0xFFFFFFF0, v57  }
0x12d: {  	v3 =	vor.u32 v3, v4  }
0x12e: {  	v4 =	vperm.xlane v3, v0;
	_ =	sdelay $0x1  }
0x12f: {  	v3 =	vperm.xlane v3, v2;
	v4 =	vadd.s32 v1, v4;
	_ =	sdelay $0x1  }
0x130: {  	v3 =	vadd.s32 v1, v3;
	_ =	sdelay $0x2  }
0x131: {  	[tilespmem:s9], [sflag:$0x2] =	stream.indirect_vreg.gather [hbm4b:s2+s3], $0x80, v4, vm0, $0xb8;
	[tilespmem:$0x10200] =	vst v63  }
0x132: {  	_ = 	snop  }
0x133: {  	[tilespmem:s10], [sflag:$0x2] =	stream.indirect_vreg.gather [hbm4b:s2+s3], $0x80, v3, vm0, $0xb8;
	[tilespmem:$0x10200] =	vst v63  }
0x134: {  	v3 =	vld [tilespmem:$0x1A0];
	_ =	sdelay $0x4  }
0x135: {  	v58 =	vshll.u32 v3, $0x1  }
0x136: {  	v3 =	vand.u32 $0x7, v3;
	v4 =	vand.u32 $0xFFFFFFF0, v58  }
0x137: {  	v3 =	vor.u32 v3, v4  }
0x138: {  	v4 =	vperm.xlane v3, v0;
	_ =	sdelay $0x1  }
0x139: {  	v3 =	vperm.xlane v3, v2;
	v4 =	vadd.s32 v1, v4;
	_ =	sdelay $0x1  }
0x13a: {  	v3 =	vadd.s32 v1, v3;
	_ =	sdelay $0x2  }
0x13b: {  	[tilespmem:s11], [sflag:$0x2] =	stream.indirect_vreg.gather [hbm4b:s2+s3], $0x80, v4, vm0, $0xb8;
	[tilespmem:$0x10200] =	vst v63  }
0x13c: {  	_ = 	snop  }
0x13d: {  	[tilespmem:s12], [sflag:$0x2] =	stream.indirect_vreg.gather [hbm4b:s2+s3], $0x80, v3, vm0, $0xb8;
	[tilespmem:$0x10200] =	vst v63  }
0x13e: {  	v3 =	vld [tilespmem:$0x1B0];
	_ =	sdelay $0x4  }
0x13f: {  	v59 =	vshll.u32 v3, $0x1  }
0x140: {  	v3 =	vand.u32 $0x7, v3;
	v4 =	vand.u32 $0xFFFFFFF0, v59  }
0x141: {  	v3 =	vor.u32 v3, v4  }
0x142: {  	v4 =	vperm.xlane v3, v0;
	_ =	sdelay $0x1  }
0x143: {  	v3 =	vperm.xlane v3, v2;
	v4 =	vadd.s32 v1, v4;
	_ =	sdelay $0x1  }
0x144: {  	v3 =	vadd.s32 v1, v3;
	_ =	sdelay $0x1  }
0x145: {  	s16 =	simm.s32 $0xB200  }
0x146: {  	[tilespmem:s16], [sflag:$0x2] =	stream.indirect_vreg.gather [hbm4b:s2+s3], $0x80, v4, vm0, $0xb8;
	[tilespmem:$0x10200] =	vst v63  }
0x147: {  	_ = 	snop  }
0x148: {  	[tilespmem:s6], [sflag:$0x2] =	stream.indirect_vreg.gather [hbm4b:s2+s3], $0x80, v3, vm0, $0xb8;
	[tilespmem:$0x10200] =	vst v63  }
0x149: {  	v3 =	vld [tilespmem:$0x1C0];
	_ =	sdelay $0x4  }
0x14a: {  	v60 =	vshll.u32 v3, $0x1  }
0x14b: {  	v3 =	vand.u32 $0x7, v3;
	v4 =	vand.u32 $0xFFFFFFF0, v60  }
0x14c: {  	v3 =	vor.u32 v3, v4  }
0x14d: {  	v4 =	vperm.xlane v3, v0;
	_ =	sdelay $0x1  }
0x14e: {  	v3 =	vperm.xlane v3, v2;
	v4 =	vadd.s32 v1, v4;
	_ =	sdelay $0x1  }
0x14f: {  	v3 =	vadd.s32 v1, v3;
	_ =	sdelay $0x1  }
0x150: {  	s6 =	simm.s32 $0xC200  }
0x151: {  	[tilespmem:s6], [sflag:$0x2] =	stream.indirect_vreg.gather [hbm4b:s2+s3], $0x80, v4, vm0, $0xb8;
	[tilespmem:$0x10200] =	vst v63  }
0x152: {  	s16 =	simm.s32 $0xCA00  }
0x153: {  	[tilespmem:s16], [sflag:$0x2] =	stream.indirect_vreg.gather [hbm4b:s2+s3], $0x80, v3, vm0, $0xb8;
	[tilespmem:$0x10200] =	vst v63  }
0x154: {  	v3 =	vld [tilespmem:$0x1D0];
	_ =	sdelay $0x4  }
0x155: {  	v61 =	vshll.u32 v3, $0x1  }
0x156: {  	v3 =	vand.u32 $0x7, v3;
	v4 =	vand.u32 $0xFFFFFFF0, v61  }
0x157: {  	v3 =	vor.u32 v3, v4  }
0x158: {  	v4 =	vperm.xlane v3, v0;
	_ =	sdelay $0x1  }
0x159: {  	v3 =	vperm.xlane v3, v2;
	v4 =	vadd.s32 v1, v4;
	_ =	sdelay $0x1  }
0x15a: {  	v3 =	vadd.s32 v1, v3;
	_ =	sdelay $0x1  }
0x15b: {  	s6 =	simm.s32 $0xD200  }
0x15c: {  	[tilespmem:s6], [sflag:$0x2] =	stream.indirect_vreg.gather [hbm4b:s2+s3], $0x80, v4, vm0, $0xb8;
	[tilespmem:$0x10200] =	vst v63  }
0x15d: {  	s16 =	simm.s32 $0xDA00  }
0x15e: {  	[tilespmem:s16], [sflag:$0x2] =	stream.indirect_vreg.gather [hbm4b:s2+s3], $0x80, v3, vm0, $0xb8;
	[tilespmem:$0x10200] =	vst v63  }
0x15f: {  	v3 =	vld [tilespmem:$0x1E0];
	_ =	sdelay $0x4  }
0x160: {  	v62 =	vshll.u32 v3, $0x1  }
0x161: {  	v3 =	vand.u32 $0x7, v3;
	v4 =	vand.u32 $0xFFFFFFF0, v62  }
0x162: {  	v3 =	vor.u32 v3, v4  }
0x163: {  	v4 =	vperm.xlane v3, v0;
	_ =	sdelay $0x1  }
0x164: {  	v3 =	vperm.xlane v3, v2;
	v4 =	vadd.s32 v1, v4;
	_ =	sdelay $0x1  }
0x165: {  	v3 =	vadd.s32 v1, v3;
	_ =	sdelay $0x1  }
0x166: {  	s6 =	simm.s32 $0xE200  }
0x167: {  	[tilespmem:s6], [sflag:$0x2] =	stream.indirect_vreg.gather [hbm4b:s2+s3], $0x80, v4, vm0, $0xb8;
	[tilespmem:$0x10200] =	vst v63  }
0x168: {  	s16 =	simm.s32 $0xEA00  }
0x169: {  	[tilespmem:s16], [sflag:$0x2] =	stream.indirect_vreg.gather [hbm4b:s2+s3], $0x80, v3, vm0, $0xb8;
	[tilespmem:$0x10200] =	vst v63  }
0x16a: {  	v3 =	vld [tilespmem:$0x1F0];
	_ =	sdelay $0x4  }
0x16b: {  	v63 =	vshll.u32 v3, $0x1  }
0x16c: {  	v3 =	vand.u32 $0x7, v3;
	v4 =	vand.u32 $0xFFFFFFF0, v63  }
0x16d: {  	v3 =	vor.u32 v3, v4  }
0x16e: {  	v4 =	vperm.xlane v3, v0;
	_ =	sdelay $0x1  }
0x16f: {  	v3 =	vperm.xlane v3, v2;
	v4 =	vadd.s32 v1, v4;
	_ =	sdelay $0x1  }
0x170: {  	v3 =	vadd.s32 v1, v3;
	_ =	sdelay $0x1  }
0x171: {  	s6 =	simm.s32 $0xF200  }
0x172: {  	[tilespmem:s6], [sflag:$0x2] =	stream.indirect_vreg.gather [hbm4b:s2+s3], $0x80, v4, vm0, $0xb8;
	[tilespmem:$0x10200] =	vst v63  }
0x173: {  	s16 =	simm.s32 $0xFA00  }
0x174: {  	[tilespmem:s16], [sflag:$0x2] =	stream.indirect_vreg.gather [hbm4b:s2+s3], $0x80, v3, vm0, $0xb8;
	[tilespmem:$0x10200] =	vst v63  }
0x175: {  	_ =	swait.ge [sflag:s13], $0x8000  }
0x176: {  	[sflag:s13] =	ssyncset.done $0x0  }
0x177: {  	s6 =	rddreg [dreg:$0x7];
	[sflag:s13] =	ssyncadd.s32 $0xFFFF8000  }
0x178: {  	[hbm4b:s6+s3] =	stream.linear.scatter [tilespmem:s22], [sflag:$0x4], $0x8000, $0x38;
	[tilespmem:$0x10200] =	vst v63  }
0x179: {  	p0 =	sne.s32 s4, $0x1;
	_ =	swait.ge [sflag:s14], $0x8000  }
.Ltmp0:
0x17a: {  	[sflag:s14] =	ssyncset.done $0x0;
	(pc) =	sbr.rel @p0 .LBB2_1-.Ltmp0, $4  }
0x17b: {  	[sflag:s14] =	ssyncadd.s32 $0xFFFF8000  }
0x17c: {  	_ =	swait.ge [sflag:s15], $0x8000  }
0x17d: {  	[sflag:s15] =	ssyncset.done $0x0  }
0x17e: {  	s4 =	sadd.s32 $0xFFFFFFFF, s4;
	[sflag:s15] =	ssyncadd.s32 $0xFFFF8000  }
0x17f: {  	_ =	sfence.sel $0x180000  }
0x180: {  	[bflag:$0x0] =	sbarrier.arrive $0xFFFF  }
0x181: {  	_ =	strace $0x90000047  }
0x182: {  	s0 =	stileid.u32;
	[bflag:$0x2] =	sbarrier.arrive $0xFFFF  }
0x183: {  	p0 =	sne.s32 s0, $0x0;
	s0 =	rddreg [dreg:$0x2]  }
0x184: {  	s0 =	sadd.s32 @!p0 $0x100000, s0  }
0x185: {  	[sflag:s0] =	ssyncadd.tile.s32 @!p0 $0x1;
	_ =	shalt  }
.Lfunc_end2:
_tile_overlayer_lowered:
.L_overlay_start_2:
0x186: {  	(tag) =	ssettag $0x2  }
0x187: {  	s0 =	rddreg [dreg:$0x0];
	s2 =	stileid.u32  }
0x188: {  	s1 =	rddreg [dreg:$0x1];
	p0 =	sne.s32 s2, $0x0  }
0x189: {  	s3 =	rddreg [dreg:$0x2];
	[bflag:$0x3] =	sbarrier.arrive $0xFFFF;
	s2 =	simm.s32 @!p0 $0x1C05  }
0x18a: {  	[timem:s3], [sflag:s2] =	dma.local @!p0 [hbm:s0], s1  }
0x18b: {  	s0 =	simm.s32 @!p0 $0x5  }
0x18c: {  	_ =	swait.ge @!p0 [sflag:s0], s1  }
0x18d: {  	s1 =	ssub.s32 @!p0 $0x0, s1;
	[sflag:s0] =	ssyncset.done @!p0 $0x0  }
0x18e: {  	[sflag:s0] =	ssyncadd.s32 @!p0 s1  }
0x18f: {  	[bflag:$0x3] =	sbarrier.arrive $0xFFFF  }
0x190: {  	_ =	shalt  }

// kernel: kernel.26.cloned.1.call-start
scs
__scs_entry_jumppad:
0x0: {  	(pc) =	sbr.rel $0x88, $3  }
0x1: {  	(tag) =	ssettag $0x0;
	lr =	simm.s32 $0x1  }
0x2: {  	[smem:$0x3F9D] =	sst lr;
	_ =	strace $0xD0000000  }
0x3: {  	_ = 	snop  }
0x4: {  	_ = 	snop  }
0x5: {  	_ = 	snop  }
0x6: {  	_ = 	snop  }
0x7: {  	_ = 	snop  }
__scs_overlays_trampoline_lowered:
0x8: {  	[smem:$0x3FAC] =	sst s0  }
0x9: {  	[smem:$0x3FAD] =	sst s1  }
0xa: {  	[smem:$0x3FAE] =	sst s2  }
0xb: {  	[smem:$0x3FAF] =	sst s3  }
0xc: {  	[smem:$0x3FB0] =	sst s4  }
0xd: {  	[smem:$0x3FB1] =	sst s5  }
0xe: {  	[smem:$0x3FB2] =	sst s6  }
0xf: {  	[smem:$0x3FB3] =	sst s7  }
0x10: {  	[smem:$0x3FB4] =	sst s8  }
0x11: {  	[smem:$0x3FB5] =	sst s9;
	s0 =	simm.s32 @!p0 $0x0  }
0x12: {  	s1 =	sld [smem:$0x3F9B];
	s0 =	simm.s32 @p0 $0x1  }
0x13: {  	[smem:$0x3FB6] =	sst s0;
	s0 =	simm.s32 @!p1 $0x0  }
0x14: {  	s2 =	sld [smem:$0x3F9A];
	s0 =	simm.s32 @p1 $0x1  }
0x15: {  	[smem:$0x3FB7] =	sst s0;
	s0 =	simm.s32 @!p2 $0x0  }
0x16: {  	s3 =	sld [smem:$0x3FDB];
	s0 =	simm.s32 @p2 $0x1  }
0x17: {  	s4 =	simm.s32 $0x1BF5;
	[smem:$0x3FB9] =	sst s0  }
0x18: {  	s0 =	sld [smem:$0x3F9C];
	_ =	swait.ge [sflag:s4], $0x0  }
0x19: {  	s7 =	sld [smem:$0x3F9D]  }
0x1a: {  	s8 =	sadd.s32 $0xFFFFE003, lr  }
0x1b: {  	s9 =	sadd.s32 $0xFFFFFEF7, lr;
	s5 =	simm.s32 $0xFFFFFFFF;
	p2 =	slt.u32 s8, $0xFFFFF086  }
0x1c: {  	p1 =	slt.u32 s9, $0xF7A;
	s5 =	simm.s32 @!p2 $0x0  }
0x1d: {  	s5 =	simm.s32 @p1 $0x1;
	p0 =	seq.s32 s7, s2  }
0x1e: {  	s7 =	smul.u32 @!p0 $0xF7A, s2;
	p2 =	seq.s32 @!p0 s5, $0x0  }
0x1f: {  	s9 =	smul.u32 $0xF7A, s1;
	s8 =	simm.s32 @!p0 $0x1BF5;
	p2 =	por !p2, p0  }
0x20: {  	[sflag:s8] =	ssyncset.s32 @!p0 $0xFFFFF086;
	s6 =	sadd.s32 @!p0 s3, s7;
	s7 =	simm.s32 @!p0 $0x108  }
0x21: {  	s3 =	sadd.s32 s3, s9;
	s6 =	sadd.s32 @!p0 $0x88, s6;
	s7 =	simm.s32 @p2 $0x1082  }
0x22: {  	[simem:s7], [sflag:s8] =	dma.local @!p0 [hbm:s6], $0xF7A  }
0x23: {  	s9 =	sor.u32 $0xD0000000, s2;
	s6 =	simm.s32 $0x108;
	_ =	swait.ge @!p0 [sflag:s8], $0x0  }
0x24: {  	s3 =	sadd.s32 $0x88, s3;
	s6 =	simm.s32 @!p1 $0x1082;
	[sflag:s4] =	ssyncset.s32 $0xFFFFF086  }
0x25: {  	[simem:s6], [sflag:s4] =	dma.local [hbm:s3], $0xF7A  }
0x26: {  	[smem:$0x3F9D] =	sst s1;
	(tag) =	ssettag s2;
	_ =	strace s9  }
0x27: {  	s1 =	sld [smem:$0x3FAD]  }
0x28: {  	s2 =	sld [smem:$0x3FAE]  }
0x29: {  	s4 =	sld [smem:$0x3FB0]  }
0x2a: {  	p0 =	seq.s32 s5, $0x0;
	s5 =	sld [smem:$0x3FB1]  }
0x2b: {  	s6 =	sld [smem:$0x3FB2]  }
0x2c: {  	s7 =	sld [smem:$0x3FB3]  }
0x2d: {  	s3 =	simm.s32 $0x108;
	s8 =	sld [smem:$0x3FB4]  }
0x2e: {  	s3 =	simm.s32 @!p0 $0x1082;
	s9 =	sld [smem:$0x3FB5]  }
0x2f: {  	lr =	sadd.s32 s0, s3;
	s0 =	sld [smem:$0x3FAC]  }
0x30: {  	s3 =	sld [smem:$0x3FAF]  }
0x31: {  	[smem:$0x3FB8] =	sst s10  }
0x32: {  	s10 =	sld [smem:$0x3FB6];
	_ =	sdelay $0x3  }
0x33: {  	p0 =	seq.s32 s10, $0x1;
	s10 =	sld [smem:$0x3FB8];
	_ =	sdelay $0x3  }
0x34: {  	[smem:$0x3FB8] =	sst s10  }
0x35: {  	s10 =	sld [smem:$0x3FB7];
	_ =	sdelay $0x3  }
0x36: {  	p1 =	seq.s32 s10, $0x1;
	s10 =	sld [smem:$0x3FB8];
	_ =	sdelay $0x3  }
0x37: {  	[smem:$0x3FB8] =	sst s10  }
0x38: {  	s10 =	sld [smem:$0x3FB9]  }
0x39: {  	_ = 	snop;
	(pc) =	sbr.ind lr, $3  }
0x3a: {  	_ = 	snop  }
0x3b: {  	_ = 	snop  }
0x3c: {  	p2 =	seq.s32 s10, $0x1;
	s10 =	sld [smem:$0x3FB8]  }
0x3d: {  	_ =	shalt  }
0x3e: {  	_ =	shalt  }
0x3f: {  	_ =	shalt  }
0x40: {  	_ =	shalt  }
0x41: {  	_ =	shalt  }
0x42: {  	_ =	shalt  }
0x43: {  	_ =	shalt  }
0x44: {  	_ =	shalt  }
0x45: {  	_ =	shalt  }
0x46: {  	_ =	shalt  }
0x47: {  	_ =	shalt  }
0x48: {  	_ =	shalt  }
0x49: {  	_ =	shalt  }
0x4a: {  	_ =	shalt  }
0x4b: {  	_ =	shalt  }
0x4c: {  	_ =	shalt  }
0x4d: {  	_ =	shalt  }
0x4e: {  	_ =	shalt  }
0x4f: {  	_ =	shalt  }
0x50: {  	_ =	shalt  }
0x51: {  	_ =	shalt  }
0x52: {  	_ =	shalt  }
0x53: {  	_ =	shalt  }
0x54: {  	_ =	shalt  }
0x55: {  	_ =	shalt  }
0x56: {  	_ =	shalt  }
0x57: {  	_ =	shalt  }
0x58: {  	_ =	shalt  }
0x59: {  	_ =	shalt  }
0x5a: {  	_ =	shalt  }
0x5b: {  	_ =	shalt  }
0x5c: {  	_ =	shalt  }
0x5d: {  	_ =	shalt  }
0x5e: {  	_ =	shalt  }
0x5f: {  	_ =	shalt  }
0x60: {  	_ =	shalt  }
0x61: {  	_ =	shalt  }
0x62: {  	_ =	shalt  }
0x63: {  	_ =	shalt  }
0x64: {  	_ =	shalt  }
0x65: {  	_ =	shalt  }
0x66: {  	_ =	shalt  }
0x67: {  	_ =	shalt  }
0x68: {  	_ =	shalt  }
0x69: {  	_ =	shalt  }
0x6a: {  	_ =	shalt  }
0x6b: {  	_ =	shalt  }
0x6c: {  	_ =	shalt  }
0x6d: {  	_ =	shalt  }
0x6e: {  	_ =	shalt  }
0x6f: {  	_ =	shalt  }
0x70: {  	_ =	shalt  }
0x71: {  	_ =	shalt  }
0x72: {  	_ =	shalt  }
0x73: {  	_ =	shalt  }
0x74: {  	_ =	shalt  }
0x75: {  	_ =	shalt  }
0x76: {  	_ =	shalt  }
0x77: {  	_ =	shalt  }
0x78: {  	_ =	shalt  }
0x79: {  	_ =	shalt  }
0x7a: {  	_ =	shalt  }
0x7b: {  	_ =	shalt  }
0x7c: {  	_ =	shalt  }
0x7d: {  	_ =	shalt  }
0x7e: {  	_ =	shalt  }
0x7f: {  	_ =	shalt  }
0x80: {  	_ =	shalt  }
0x81: {  	_ =	shalt  }
0x82: {  	_ =	shalt  }
0x83: {  	_ =	shalt  }
0x84: {  	_ =	shalt  }
0x85: {  	_ =	shalt  }
0x86: {  	_ =	shalt  }
0x87: {  	_ =	shalt  }
.Lfunc_end0:
.L_simem_size_0:
called_computation.4_lowered:
.L_overlay_start_0:
0x88: {  	s2 =	sld [smem:$0x3FD9]  }
0x89: {  	s3 =	sld [smem:$0x3FFE];
	_ =	sdelay $0x1  }
0x8a: {  	s1 =	srdreg.scid  }
0x8b: {  	s0 =	sand.u32 $0x1, s1  }
0x8c: {  	s17 =	sshll.u32 s0, $0xA;
	s2 =	sadd.s32 s3, s2  }
0x8d: {  	s2 =	sadd.s32 s2, s17  }
0x8e: {  	[smem:$0x3FC4] =	sst s2  }
0x8f: {  	_ = 	snop  }
0x90: {  	s18 =	sld [smem:$0x3FC7];
	(tm) =	ssettm $0x1  }
0x91: {  	s19 =	sld [smem:$0x3FFB];
	_ =	sdelay $0x3  }
0x92: {  	_ =	strace s19  }
0x93: {  	s2 =	sld [smem:$0x3FFC];
	_ =	sdelay $0x3  }
0x94: {  	_ =	strace s2  }
0x95: {  	s2 =	sld [smem:$0x3FFD];
	_ =	sdelay $0x3  }
0x96: {  	_ =	strace s2  }
0x97: {  	_ =	strace $0x8FFFFFFF  }
0x98: {  	s20 =	sld [smem:$0x3FDB];
	_ =	sdelay $0x1  }
0x99: {  	s4 =	simm.s32 $_scs_section_size  }
0x9a: {  	s5 =	simm.s32 $_size__tile_overlayer_lowered;
	s6 =	simm.s32 $_tile_overlayer_lowered  }
0x9b: {  	s7 =	simm.s32 $0x1BFF;
	s21 =	sshll.u32 s6, $0x1;
	s4 =	sadd.s32 s4, s20  }
0x9c: {  	s22 =	simm.s32 $0x0;
	s5 =	sshll.u32 s5, $0x1;
	s6 =	sadd.s32 s21, s4  }
0x9d: {  	[timem:s22], [sflag:s7] =	dma.local [hbm:s6], s5  }
0x9e: {  	_ =	swait.ge [sflag:s7], s5  }
0x9f: {  	s5 =	ssub.s32 $0x0, s5;
	[sflag:s7] =	ssyncset.done $0x0  }
0xa0: {  	[sflag:s7] =	ssyncadd.s32 s5;
	_ =	sdelay $0x1  }
0xa1: {  	s23 =	simm.s32 $0x1B8B  }
0xa2: {  	_ =	swait.ge [sflag:s23], $0x1  }
0xa3: {  	[sflag:s23] =	ssyncset.done $0x0  }
0xa4: {  	[sflag:s23] =	ssyncadd.s32 $0xFFFFFFFF  }
0xa5: {  	s5 =	sld [smem:$0x0]  }
0xa6: {  	s6 =	sand.u32 $0xFFFFFFFE, s1  }
0xa7: {  	p0 =	sne.s32 s1, s6  }
0xa8: {  	s6 =	sshll.u32 @p0 s6, $0xE  }
0xa9: {  	s6 =	sadd.s32 @p0 $0x11B8D, s6;
	s7 =	sshll.u32 @p0 s5, $0x11  }
0xaa: {  	s6 =	sor.u32 @p0 s7, s6  }
0xab: {  	[sflag:s6] =	ssyncadd.remote.s32 @p0 $0x1;
	_ =	sdelay $0x1  }
0xac: {  	s6 =	simm.s32 @p0 $0x1B8D  }
0xad: {  	_ =	swait.eq @p0 [sflag:s6], $0x1  }
0xae: {  	[sflag:s6] =	ssyncadd.s32 @p0 $0xFFFFFFFF  }
0xaf: {  	s7 =	sshll.u32 @!p0 s1, $0xE  }
0xb0: {  	s7 =	sor.u32 @!p0 $0x4000, s7;
	s6 =	simm.s32 @!p0 $0x1B8D  }
0xb1: {  	s5 =	sshll.u32 @!p0 s5, $0x11;
	s7 =	sadd.s32 @!p0 $0x11B8D, s7;
	_ =	swait.eq @!p0 [sflag:s6], $0x1  }
0xb2: {  	s5 =	sor.u32 @!p0 s5, s7;
	[sflag:s6] =	ssyncadd.s32 @!p0 $0xFFFFFFFF  }
0xb3: {  	s25 =	simm.s32 $0x1B8E;
	s24 =	sld [smem:$0x3FFE];
	[sflag:s5] =	ssyncadd.remote.s32 @!p0 $0x1  }
0xb4: {  	s26 =	simm.s32 $execute0_lowered;
	[smem:$0x3FD2] =	sst s25  }
0xb5: {  	s6 =	sshll.u32 s26, $0x1;
	_ =	strace $0x8000004C;
	[dreg:$0x1] =	wrdreg $0xFFFFFFFF  }
0xb6: {  	s28 =	simm.s32 $_size_execute0_lowered;
	s4 =	sadd.s32 s4, s6;
	[dreg:$0x0] =	wrdreg $0x0  }
0xb7: {  	s6 =	sshll.u32 s28, $0x1;
	[dreg:$0x2] =	wrdreg s4  }
0xb8: {  	[dreg:$0x3] =	wrdreg s6  }
0xb9: {  	[dreg:$0x4] =	wrdreg $0xC0  }
0xba: {  	_ =	task [dreg:s22], $0x5FFFF  }
0xbb: {  	[dreg:$0x1] =	wrdreg $0xFFFFFFFF  }
0xbc: {  	[dreg:$0x0] =	wrdreg $0x60  }
0xbd: {  	[dreg:$0x2] =	wrdreg s24  }
0xbe: {  	[dreg:$0x3] =	wrdreg s18  }
0xbf: {  	[dreg:$0x4] =	wrdreg $0xA  }
0xc0: {  	_ =	task.clear_ibuf [dreg:s22], $0x5FFFF;
	_ =	strace $0x9000004C  }
0xc1: {  	s29 =	simm.s32 $0xA;
	_ =	strace $0x8000004E  }
0xc2: {  	_ =	swait.ge [sflag:s29], $0x1  }
0xc3: {  	[sflag:s29] =	ssyncadd.s32 $0xFFFFFFFF  }
0xc4: {  	_ =	strace $0x9000004E  }
0xc5: {  	_ =	sfence  }
0xc6: {  	s30 =	sld [smem:$0x0];
	_ =	sdelay $0x2  }
0xc7: {  	s31 =	sshll.u32 s1, $0xD;
	s1 =	sshrl.u32 s1, $0x2  }
0xc8: {  	s4 =	sand.u32 $0x4000, s31;
	s1 =	sadd.s32 s1, s30  }
0xc9: {  	s0 =	sor.u32 s4, s0;
	s1 =	sshll.u32 s1, $0x11  }
0xca: {  	s0 =	sor.u32 s1, s0  }
0xcb: {  	s0 =	sadd.s32 $0x8F2B, s0  }
0xcc: {  	[sflag:s0] =	ssyncadd.remote.s32 $0x1  }
0xcd: {  	_ =	sfence.sel $0xFFFF  }
0xce: {  	[dreg:$0x0] =	wrdreg $0xFFFFFFFF;
	(pc) =	sbr.abs _section_cstart, $3  }
0xcf: {  	[dreg:$0x1] =	wrdreg $0xFFFFFFFF  }
0xd0: {  	_ =	task.clear_ibuf [dreg:s22], $0x2FFFF;
	_ =	strace $0x9FFFFFFF  }
0xd1: {  	(tm) =	ssettm $0x7FFFFFFF  }
tec
execute0_lowered:
.L_overlay_start_1:
0x0: {  	(tag) =	ssettag $0x1  }
0x1: {  	s0 =	srdreg.scid  }
0x2: {  	s2 =	stileid.u32;
	s1 =	rddreg [dreg:$0x0]  }
0x3: {  	s13 =	simm.s32 $0x2;
	s14 =	simm.s32 $0x3;
	s15 =	simm.s32 $0x4  }
0x4: {  	s17 =	simm.s32 $0xA00;
	s18 =	simm.s32 $0x1200;
	s19 =	simm.s32 $0x1A00  }
0x5: {  	s20 =	simm.s32 $0x2200;
	s21 =	simm.s32 $0x2A00;
	s28 =	simm.s32 $0x4A00  }
0x6: {  	s29 =	simm.s32 $0x5200;
	s30 =	simm.s32 $0x5A00;
	s31 =	simm.s32 $0x6200  }
0x7: {  	s7 =	simm.s32 $0x7A00;
	s8 =	simm.s32 $0x8A00;
	s9 =	simm.s32 $0x9200  }
0x8: {  	s10 =	simm.s32 $0x9A00;
	s11 =	simm.s32 $0xA200;
	s0 =	sand.u32 $0x1, s0  }
0x9: {  	s12 =	simm.s32 $0xAA00;
	s3 =	sshll.u32 s2, $0xA;
	s4 =	sshll.u32 s0, $0x9  }
0xa: {  	s2 =	rddreg [dreg:$0x1];
	s0 =	ssub.s32 $0x2, s0;
	s4 =	sor.u32 s4, s3  }
0xb: {  	s3 =	simm.s32 $0x0;
	s25 =	sshrl.u32 s0, $0x1;
	s5 =	sshrl.u32 s4, $0x3  }
0xc: {  	[smem:$0x7FF] =	sst s3;
	s4 =	sshll.u32 s4, $0x5;
	s5 =	sadd.s32 s5, s1  }
0xd: {  	s0 =	ssub.s32 s0, s25;
	s1 =	sadd.s32 s4, s1;
	s22 =	sadd.s32 $0x184C00, s5  }
0xe: {  	_ =	strace $0x8000004D;
	s23 =	sadd.s32 $0x185400, s1;
	[dreg:$0x3] =	wrdreg s22  }
0xf: {  	s25 =	simm.s32 $0x3A00;
	s24 =	sadd.s32 $0x186400, s1;
	[dreg:$0x4] =	wrdreg s23  }
0x10: {  	s4 =	smax.u32 s0, $0x1;
	s26 =	sadd.s32 $0x187400, s1;
	[dreg:$0x5] =	wrdreg s24  }
0x11: {  	v2 =	vlaneseq.u32;
	s1 =	sadd.s32 $0x188400, s1;
	s5 =	simm.s32 $0x7200;
	[dreg:$0x6] =	wrdreg s26  }
0x12: {  	vm0 =	vmmov $0xffff;
	v1 =	vshrl.u32 v2, $0x3;
	[dreg:$0x7] =	wrdreg s1;
	s23 =	simm.s32 $0x200;
	s24 =	simm.s32 $0x3200  }
0x13: {  	v0 =	vand.u32 $0x7, v2;
	v2 =	vor.u32 $0x8, v2;
	v1 =	vmul.u32 $0x8, v1;
	s26 =	simm.s32 $0x4200;
	s1 =	simm.s32 $0x6A00;
	s22 =	simm.s32 $0x8200  }
.LBB2_1:
0x14: {  	s16 =	rddreg [dreg:$0x3];
	s0 =	simm.s32 $0x5  }
0x15: {  	[tilespmem:s3], [sflag:$0x5] =	stream.linear.gather [hbm4b:s16+s3], $0x200, $0x38;
	[tilespmem:$0x10200] =	vst v63  }
0x16: {  	_ =	swait.ge [sflag:s0], $0x200  }
0x17: {  	[sflag:s0] =	ssyncset.done $0x0  }
0x18: {  	[sflag:s0] =	ssyncadd.s32 $0xFFFFFE00  }
0x19: {  	v3 =	vld [tilespmem:$0x0];
	_ =	sdelay $0x4  }
0x1a: {  	v4 =	vshll.u32 v3, $0x1  }
0x1b: {  	v3 =	vand.u32 $0x7, v3;
	v4 =	vand.u32 $0xFFFFFFF0, v4  }
0x1c: {  	v3 =	vor.u32 v3, v4  }
0x1d: {  	v4 =	vperm.xlane v3, v0;
	_ =	sdelay $0x1  }
0x1e: {  	v3 =	vperm.xlane v3, v2;
	v4 =	vadd.s32 v1, v4;
	_ =	sdelay $0x1  }
0x1f: {  	v3 =	vadd.s32 v1, v3;
	_ =	sdelay $0x2  }
0x20: {  	[tilespmem:s23], [sflag:$0x1] =	stream.indirect_vreg.gather [hbm4b:s2+s3], $0x80, v4, vm0, $0xb8;
	[tilespmem:$0x10200] =	vst v63  }
0x21: {  	_ = 	snop  }
0x22: {  	[tilespmem:s17], [sflag:$0x1] =	stream.indirect_vreg.gather [hbm4b:s2+s3], $0x80, v3, vm0, $0xb8;
	[tilespmem:$0x10200] =	vst v63  }
0x23: {  	v3 =	vld [tilespmem:$0x10];
	_ =	sdelay $0x4  }
0x24: {  	v33 =	vshll.u32 v3, $0x1  }
0x25: {  	v3 =	vand.u32 $0x7, v3;
	v4 =	vand.u32 $0xFFFFFFF0, v33  }
0x26: {  	v3 =	vor.u32 v3, v4  }
0x27: {  	v4 =	vperm.xlane v3, v0;
	_ =	sdelay $0x1  }
0x28: {  	v3 =	vperm.xlane v3, v2;
	v4 =	vadd.s32 v1, v4;
	_ =	sdelay $0x1  }
0x29: {  	v3 =	vadd.s32 v1, v3;
	_ =	sdelay $0x2  }
0x2a: {  	[tilespmem:s18], [sflag:$0x1] =	stream.indirect_vreg.gather [hbm4b:s2+s3], $0x80, v4, vm0, $0xb8;
	[tilespmem:$0x10200] =	vst v63  }
0x2b: {  	_ = 	snop  }
0x2c: {  	[tilespmem:s19], [sflag:$0x1] =	stream.indirect_vreg.gather [hbm4b:s2+s3], $0x80, v3, vm0, $0xb8;
	[tilespmem:$0x10200] =	vst v63  }
0x2d: {  	v3 =	vld [tilespmem:$0x20];
	_ =	sdelay $0x4  }
0x2e: {  	v34 =	vshll.u32 v3, $0x1  }
0x2f: {  	v3 =	vand.u32 $0x7, v3;
	v4 =	vand.u32 $0xFFFFFFF0, v34  }
0x30: {  	v3 =	vor.u32 v3, v4  }
0x31: {  	v4 =	vperm.xlane v3, v0;
	_ =	sdelay $0x1  }
0x32: {  	v3 =	vperm.xlane v3, v2;
	v4 =	vadd.s32 v1, v4;
	_ =	sdelay $0x1  }
0x33: {  	v3 =	vadd.s32 v1, v3;
	_ =	sdelay $0x2  }
0x34: {  	[tilespmem:s20], [sflag:$0x1] =	stream.indirect_vreg.gather [hbm4b:s2+s3], $0x80, v4, vm0, $0xb8;
	[tilespmem:$0x10200] =	vst v63  }
0x35: {  	_ = 	snop  }
0x36: {  	[tilespmem:s21], [sflag:$0x1] =	stream.indirect_vreg.gather [hbm4b:s2+s3], $0x80, v3, vm0, $0xb8;
	[tilespmem:$0x10200] =	vst v63  }
0x37: {  	v3 =	vld [tilespmem:$0x30];
	_ =	sdelay $0x4  }
0x38: {  	v35 =	vshll.u32 v3, $0x1  }
0x39: {  	v3 =	vand.u32 $0x7, v3;
	v4 =	vand.u32 $0xFFFFFFF0, v35  }
0x3a: {  	v3 =	vor.u32 v3, v4  }
0x3b: {  	v4 =	vperm.xlane v3, v0;
	_ =	sdelay $0x1  }
0x3c: {  	v3 =	vperm.xlane v3, v2;
	v4 =	vadd.s32 v1, v4;
	_ =	sdelay $0x1  }
0x3d: {  	v3 =	vadd.s32 v1, v3;
	_ =	sdelay $0x2  }
0x3e: {  	[tilespmem:s24], [sflag:$0x1] =	stream.indirect_vreg.gather [hbm4b:s2+s3], $0x80, v4, vm0, $0xb8;
	[tilespmem:$0x10200] =	vst v63  }
0x3f: {  	_ = 	snop  }
0x40: {  	[tilespmem:s25], [sflag:$0x1] =	stream.indirect_vreg.gather [hbm4b:s2+s3], $0x80, v3, vm0, $0xb8;
	[tilespmem:$0x10200] =	vst v63  }
0x41: {  	v3 =	vld [tilespmem:$0x40];
	_ =	sdelay $0x4  }
0x42: {  	v36 =	vshll.u32 v3, $0x1  }
0x43: {  	v3 =	vand.u32 $0x7, v3;
	v4 =	vand.u32 $0xFFFFFFF0, v36  }
0x44: {  	v3 =	vor.u32 v3, v4  }
0x45: {  	v4 =	vperm.xlane v3, v0;
	_ =	sdelay $0x1  }
0x46: {  	v3 =	vperm.xlane v3, v2;
	v4 =	vadd.s32 v1, v4;
	_ =	sdelay $0x1  }
0x47: {  	v3 =	vadd.s32 v1, v3;
	_ =	sdelay $0x2  }
0x48: {  	[tilespmem:s26], [sflag:$0x1] =	stream.indirect_vreg.gather [hbm4b:s2+s3], $0x80, v4, vm0, $0xb8;
	[tilespmem:$0x10200] =	vst v63  }
0x49: {  	_ = 	snop  }
0x4a: {  	[tilespmem:s28], [sflag:$0x1] =	stream.indirect_vreg.gather [hbm4b:s2+s3], $0x80, v3, vm0, $0xb8;
	[tilespmem:$0x10200] =	vst v63  }
0x4b: {  	v3 =	vld [tilespmem:$0x50];
	_ =	sdelay $0x4  }
0x4c: {  	v37 =	vshll.u32 v3, $0x1  }
0x4d: {  	v3 =	vand.u32 $0x7, v3;
	v4 =	vand.u32 $0xFFFFFFF0, v37  }
0x4e: {  	v3 =	vor.u32 v3, v4  }
0x4f: {  	v4 =	vperm.xlane v3, v0;
	_ =	sdelay $0x1  }
0x50: {  	v3 =	vperm.xlane v3, v2;
	v4 =	vadd.s32 v1, v4;
	_ =	sdelay $0x1  }
0x51: {  	v3 =	vadd.s32 v1, v3;
	_ =	sdelay $0x2  }
0x52: {  	[tilespmem:s29], [sflag:$0x1] =	stream.indirect_vreg.gather [hbm4b:s2+s3], $0x80, v4, vm0, $0xb8;
	[tilespmem:$0x10200] =	vst v63  }
0x53: {  	_ = 	snop  }
0x54: {  	[tilespmem:s30], [sflag:$0x1] =	stream.indirect_vreg.gather [hbm4b:s2+s3], $0x80, v3, vm0, $0xb8;
	[tilespmem:$0x10200] =	vst v63  }
0x55: {  	v3 =	vld [tilespmem:$0x60];
	_ =	sdelay $0x4  }
0x56: {  	v38 =	vshll.u32 v3, $0x1  }
0x57: {  	v3 =	vand.u32 $0x7, v3;
	v4 =	vand.u32 $0xFFFFFFF0, v38  }
0x58: {  	v3 =	vor.u32 v3, v4  }
0x59: {  	v4 =	vperm.xlane v3, v0;
	_ =	sdelay $0x1  }
0x5a: {  	v3 =	vperm.xlane v3, v2;
	v4 =	vadd.s32 v1, v4;
	_ =	sdelay $0x1  }
0x5b: {  	v3 =	vadd.s32 v1, v3;
	_ =	sdelay $0x2  }
0x5c: {  	[tilespmem:s31], [sflag:$0x1] =	stream.indirect_vreg.gather [hbm4b:s2+s3], $0x80, v4, vm0, $0xb8;
	[tilespmem:$0x10200] =	vst v63  }
0x5d: {  	_ = 	snop  }
0x5e: {  	[tilespmem:s1], [sflag:$0x1] =	stream.indirect_vreg.gather [hbm4b:s2+s3], $0x80, v3, vm0, $0xb8;
	[tilespmem:$0x10200] =	vst v63  }
0x5f: {  	v3 =	vld [tilespmem:$0x70];
	_ =	sdelay $0x4  }
0x60: {  	v39 =	vshll.u32 v3, $0x1  }
0x61: {  	v3 =	vand.u32 $0x7, v3;
	v4 =	vand.u32 $0xFFFFFFF0, v39  }
0x62: {  	v3 =	vor.u32 v3, v4  }
0x63: {  	v4 =	vperm.xlane v3, v0;
	_ =	sdelay $0x1  }
0x64: {  	v3 =	vperm.xlane v3, v2;
	v4 =	vadd.s32 v1, v4;
	_ =	sdelay $0x1  }
0x65: {  	v3 =	vadd.s32 v1, v3;
	_ =	sdelay $0x2  }
0x66: {  	[tilespmem:s5], [sflag:$0x1] =	stream.indirect_vreg.gather [hbm4b:s2+s3], $0x80, v4, vm0, $0xb8;
	[tilespmem:$0x10200] =	vst v63  }
0x67: {  	s0 =	simm.s32 $0x1  }
0x68: {  	[tilespmem:s7], [sflag:$0x1] =	stream.indirect_vreg.gather [hbm4b:s2+s3], $0x80, v3, vm0, $0xb8;
	[tilespmem:$0x10200] =	vst v63  }
0x69: {  	_ =	swait.ge [sflag:s0], $0x8000  }
0x6a: {  	[sflag:s0] =	ssyncset.done $0x0  }
0x6b: {  	s6 =	rddreg [dreg:$0x4];
	[sflag:s0] =	ssyncadd.s32 $0xFFFF8000  }
0x6c: {  	[hbm4b:s6+s3] =	stream.linear.scatter [tilespmem:s23], [sflag:$0x3], $0x8000, $0x38;
	[tilespmem:$0x10200] =	vst v63  }
0x6d: {  	v3 =	vld [tilespmem:$0x80];
	_ =	sdelay $0x4  }
0x6e: {  	v40 =	vshll.u32 v3, $0x1  }
0x6f: {  	v3 =	vand.u32 $0x7, v3;
	v4 =	vand.u32 $0xFFFFFFF0, v40  }
0x70: {  	v3 =	vor.u32 v3, v4  }
0x71: {  	v4 =	vperm.xlane v3, v0;
	_ =	sdelay $0x1  }
0x72: {  	v3 =	vperm.xlane v3, v2;
	v4 =	vadd.s32 v1, v4;
	_ =	sdelay $0x1  }
0x73: {  	v3 =	vadd.s32 v1, v3;
	_ =	sdelay $0x2  }
0x74: {  	[tilespmem:s22], [sflag:$0x2] =	stream.indirect_vreg.gather [hbm4b:s2+s3], $0x80, v4, vm0, $0xb8;
	[tilespmem:$0x10200] =	vst v63  }
0x75: {  	_ = 	snop  }
0x76: {  	[tilespmem:s8], [sflag:$0x2] =	stream.indirect_vreg.gather [hbm4b:s2+s3], $0x80, v3, vm0, $0xb8;
	[tilespmem:$0x10200] =	vst v63  }
0x77: {  	v3 =	vld [tilespmem:$0x90];
	_ =	sdelay $0x4  }
0x78: {  	v41 =	vshll.u32 v3, $0x1  }
0x79: {  	v3 =	vand.u32 $0x7, v3;
	v4 =	vand.u32 $0xFFFFFFF0, v41  }
0x7a: {  	v3 =	vor.u32 v3, v4  }
0x7b: {  	v4 =	vperm.xlane v3, v0;
	_ =	sdelay $0x1  }
0x7c: {  	v3 =	vperm.xlane v3, v2;
	v4 =	vadd.s32 v1, v4;
	_ =	sdelay $0x1  }
0x7d: {  	v3 =	vadd.s32 v1, v3;
	_ =	sdelay $0x2  }
0x7e: {  	[tilespmem:s9], [sflag:$0x2] =	stream.indirect_vreg.gather [hbm4b:s2+s3], $0x80, v4, vm0, $0xb8;
	[tilespmem:$0x10200] =	vst v63  }
0x7f: {  	_ = 	snop  }
0x80: {  	[tilespmem:s10], [sflag:$0x2] =	stream.indirect_vreg.gather [hbm4b:s2+s3], $0x80, v3, vm0, $0xb8;
	[tilespmem:$0x10200] =	vst v63  }
0x81: {  	v3 =	vld [tilespmem:$0xA0];
	_ =	sdelay $0x4  }
0x82: {  	v42 =	vshll.u32 v3, $0x1  }
0x83: {  	v3 =	vand.u32 $0x7, v3;
	v4 =	vand.u32 $0xFFFFFFF0, v42  }
0x84: {  	v3 =	vor.u32 v3, v4  }
0x85: {  	v4 =	vperm.xlane v3, v0;
	_ =	sdelay $0x1  }
0x86: {  	v3 =	vperm.xlane v3, v2;
	v4 =	vadd.s32 v1, v4;
	_ =	sdelay $0x1  }
0x87: {  	v3 =	vadd.s32 v1, v3;
	_ =	sdelay $0x2  }
0x88: {  	[tilespmem:s11], [sflag:$0x2] =	stream.indirect_vreg.gather [hbm4b:s2+s3], $0x80, v4, vm0, $0xb8;
	[tilespmem:$0x10200] =	vst v63  }
0x89: {  	_ = 	snop  }
0x8a: {  	[tilespmem:s12], [sflag:$0x2] =	stream.indirect_vreg.gather [hbm4b:s2+s3], $0x80, v3, vm0, $0xb8;
	[tilespmem:$0x10200] =	vst v63  }
0x8b: {  	v3 =	vld [tilespmem:$0xB0];
	_ =	sdelay $0x4  }
0x8c: {  	v43 =	vshll.u32 v3, $0x1  }
0x8d: {  	v3 =	vand.u32 $0x7, v3;
	v4 =	vand.u32 $0xFFFFFFF0, v43  }
0x8e: {  	v3 =	vor.u32 v3, v4  }
0x8f: {  	v4 =	vperm.xlane v3, v0;
	_ =	sdelay $0x1  }
0x90: {  	v3 =	vperm.xlane v3, v2;
	v4 =	vadd.s32 v1, v4;
	_ =	sdelay $0x1  }
0x91: {  	v3 =	vadd.s32 v1, v3;
	_ =	sdelay $0x1  }
0x92: {  	s6 =	simm.s32 $0xB200  }
0x93: {  	[tilespmem:s6], [sflag:$0x2] =	stream.indirect_vreg.gather [hbm4b:s2+s3], $0x80, v4, vm0, $0xb8;
	[tilespmem:$0x10200] =	vst v63  }
0x94: {  	s6 =	simm.s32 $0xBA00  }
0x95: {  	[tilespmem:s6], [sflag:$0x2] =	stream.indirect_vreg.gather [hbm4b:s2+s3], $0x80, v3, vm0, $0xb8;
	[tilespmem:$0x10200] =	vst v63  }
0x96: {  	v3 =	vld [tilespmem:$0xC0];
	_ =	sdelay $0x4  }
0x97: {  	v44 =	vshll.u32 v3, $0x1  }
0x98: {  	v3 =	vand.u32 $0x7, v3;
	v4 =	vand.u32 $0xFFFFFFF0, v44  }
0x99: {  	v3 =	vor.u32 v3, v4  }
0x9a: {  	v4 =	vperm.xlane v3, v0;
	_ =	sdelay $0x1  }
0x9b: {  	v3 =	vperm.xlane v3, v2;
	v4 =	vadd.s32 v1, v4;
	_ =	sdelay $0x1  }
0x9c: {  	v3 =	vadd.s32 v1, v3;
	_ =	sdelay $0x1  }
0x9d: {  	s16 =	simm.s32 $0xC200  }
0x9e: {  	[tilespmem:s16], [sflag:$0x2] =	stream.indirect_vreg.gather [hbm4b:s2+s3], $0x80, v4, vm0, $0xb8;
	[tilespmem:$0x10200] =	vst v63  }
0x9f: {  	s16 =	simm.s32 $0xCA00  }
0xa0: {  	[tilespmem:s16], [sflag:$0x2] =	stream.indirect_vreg.gather [hbm4b:s2+s3], $0x80, v3, vm0, $0xb8;
	[tilespmem:$0x10200] =	vst v63  }
0xa1: {  	v3 =	vld [tilespmem:$0xD0];
	_ =	sdelay $0x4  }
0xa2: {  	v45 =	vshll.u32 v3, $0x1  }
0xa3: {  	v3 =	vand.u32 $0x7, v3;
	v4 =	vand.u32 $0xFFFFFFF0, v45  }
0xa4: {  	v3 =	vor.u32 v3, v4  }
0xa5: {  	v4 =	vperm.xlane v3, v0;
	_ =	sdelay $0x1  }
0xa6: {  	v3 =	vperm.xlane v3, v2;
	v4 =	vadd.s32 v1, v4;
	_ =	sdelay $0x1  }
0xa7: {  	v3 =	vadd.s32 v1, v3;
	_ =	sdelay $0x1  }
0xa8: {  	s16 =	simm.s32 $0xD200  }
0xa9: {  	[tilespmem:s16], [sflag:$0x2] =	stream.indirect_vreg.gather [hbm4b:s2+s3], $0x80, v4, vm0, $0xb8;
	[tilespmem:$0x10200] =	vst v63  }
0xaa: {  	s16 =	simm.s32 $0xDA00  }
0xab: {  	[tilespmem:s16], [sflag:$0x2] =	stream.indirect_vreg.gather [hbm4b:s2+s3], $0x80, v3, vm0, $0xb8;
	[tilespmem:$0x10200] =	vst v63  }
0xac: {  	v3 =	vld [tilespmem:$0xE0];
	_ =	sdelay $0x4  }
0xad: {  	v46 =	vshll.u32 v3, $0x1  }
0xae: {  	v3 =	vand.u32 $0x7, v3;
	v4 =	vand.u32 $0xFFFFFFF0, v46  }
0xaf: {  	v3 =	vor.u32 v3, v4  }
0xb0: {  	v4 =	vperm.xlane v3, v0;
	_ =	sdelay $0x1  }
0xb1: {  	v3 =	vperm.xlane v3, v2;
	v4 =	vadd.s32 v1, v4;
	_ =	sdelay $0x1  }
0xb2: {  	v3 =	vadd.s32 v1, v3;
	_ =	sdelay $0x1  }
0xb3: {  	s16 =	simm.s32 $0xE200  }
0xb4: {  	[tilespmem:s16], [sflag:$0x2] =	stream.indirect_vreg.gather [hbm4b:s2+s3], $0x80, v4, vm0, $0xb8;
	[tilespmem:$0x10200] =	vst v63  }
0xb5: {  	s16 =	simm.s32 $0xEA00  }
0xb6: {  	[tilespmem:s16], [sflag:$0x2] =	stream.indirect_vreg.gather [hbm4b:s2+s3], $0x80, v3, vm0, $0xb8;
	[tilespmem:$0x10200] =	vst v63  }
0xb7: {  	v3 =	vld [tilespmem:$0xF0];
	_ =	sdelay $0x4  }
0xb8: {  	v47 =	vshll.u32 v3, $0x1  }
0xb9: {  	v3 =	vand.u32 $0x7, v3;
	v4 =	vand.u32 $0xFFFFFFF0, v47  }
0xba: {  	v3 =	vor.u32 v3, v4  }
0xbb: {  	v4 =	vperm.xlane v3, v0;
	_ =	sdelay $0x1  }
0xbc: {  	v3 =	vperm.xlane v3, v2;
	v4 =	vadd.s32 v1, v4;
	_ =	sdelay $0x1  }
0xbd: {  	v3 =	vadd.s32 v1, v3;
	_ =	sdelay $0x1  }
0xbe: {  	s16 =	simm.s32 $0xF200  }
0xbf: {  	[tilespmem:s16], [sflag:$0x2] =	stream.indirect_vreg.gather [hbm4b:s2+s3], $0x80, v4, vm0, $0xb8;
	[tilespmem:$0x10200] =	vst v63  }
0xc0: {  	s16 =	simm.s32 $0xFA00  }
0xc1: {  	[tilespmem:s16], [sflag:$0x2] =	stream.indirect_vreg.gather [hbm4b:s2+s3], $0x80, v3, vm0, $0xb8;
	[tilespmem:$0x10200] =	vst v63  }
0xc2: {  	_ =	swait.ge [sflag:s13], $0x8000  }
0xc3: {  	[sflag:s13] =	ssyncset.done $0x0  }
0xc4: {  	s16 =	rddreg [dreg:$0x5];
	[sflag:s13] =	ssyncadd.s32 $0xFFFF8000  }
0xc5: {  	[hbm4b:s16+s3] =	stream.linear.scatter [tilespmem:s22], [sflag:$0x4], $0x8000, $0x38;
	[tilespmem:$0x10200] =	vst v63  }
0xc6: {  	_ =	swait.ge [sflag:s14], $0x8000  }
0xc7: {  	[sflag:s14] =	ssyncset.done $0x0  }
0xc8: {  	[sflag:s14] =	ssyncadd.s32 $0xFFFF8000  }
0xc9: {  	v3 =	vld [tilespmem:$0x100];
	_ =	sdelay $0x4  }
0xca: {  	v48 =	vshll.u32 v3, $0x1  }
0xcb: {  	v3 =	vand.u32 $0x7, v3;
	v4 =	vand.u32 $0xFFFFFFF0, v48  }
0xcc: {  	v3 =	vor.u32 v3, v4  }
0xcd: {  	v4 =	vperm.xlane v3, v0;
	_ =	sdelay $0x1  }
0xce: {  	v3 =	vperm.xlane v3, v2;
	v4 =	vadd.s32 v1, v4;
	_ =	sdelay $0x1  }
0xcf: {  	v3 =	vadd.s32 v1, v3;
	_ =	sdelay $0x2  }
0xd0: {  	[tilespmem:s23], [sflag:$0x1] =	stream.indirect_vreg.gather [hbm4b:s2+s3], $0x80, v4, vm0, $0xb8;
	[tilespmem:$0x10200] =	vst v63  }
0xd1: {  	_ = 	snop  }
0xd2: {  	[tilespmem:s17], [sflag:$0x1] =	stream.indirect_vreg.gather [hbm4b:s2+s3], $0x80, v3, vm0, $0xb8;
	[tilespmem:$0x10200] =	vst v63  }
0xd3: {  	v3 =	vld [tilespmem:$0x110];
	_ =	sdelay $0x4  }
0xd4: {  	v49 =	vshll.u32 v3, $0x1  }
0xd5: {  	v3 =	vand.u32 $0x7, v3;
	v4 =	vand.u32 $0xFFFFFFF0, v49  }
0xd6: {  	v3 =	vor.u32 v3, v4  }
0xd7: {  	v4 =	vperm.xlane v3, v0;
	_ =	sdelay $0x1  }
0xd8: {  	v3 =	vperm.xlane v3, v2;
	v4 =	vadd.s32 v1, v4;
	_ =	sdelay $0x1  }
0xd9: {  	v3 =	vadd.s32 v1, v3;
	_ =	sdelay $0x2  }
0xda: {  	[tilespmem:s18], [sflag:$0x1] =	stream.indirect_vreg.gather [hbm4b:s2+s3], $0x80, v4, vm0, $0xb8;
	[tilespmem:$0x10200] =	vst v63  }
0xdb: {  	_ = 	snop  }
0xdc: {  	[tilespmem:s19], [sflag:$0x1] =	stream.indirect_vreg.gather [hbm4b:s2+s3], $0x80, v3, vm0, $0xb8;
	[tilespmem:$0x10200] =	vst v63  }
0xdd: {  	v3 =	vld [tilespmem:$0x120];
	_ =	sdelay $0x4  }
0xde: {  	v50 =	vshll.u32 v3, $0x1  }
0xdf: {  	v3 =	vand.u32 $0x7, v3;
	v4 =	vand.u32 $0xFFFFFFF0, v50  }
0xe0: {  	v3 =	vor.u32 v3, v4  }
0xe1: {  	v4 =	vperm.xlane v3, v0;
	_ =	sdelay $0x1  }
0xe2: {  	v3 =	vperm.xlane v3, v2;
	v4 =	vadd.s32 v1, v4;
	_ =	sdelay $0x1  }
0xe3: {  	v3 =	vadd.s32 v1, v3;
	_ =	sdelay $0x2  }
0xe4: {  	[tilespmem:s20], [sflag:$0x1] =	stream.indirect_vreg.gather [hbm4b:s2+s3], $0x80, v4, vm0, $0xb8;
	[tilespmem:$0x10200] =	vst v63  }
0xe5: {  	_ = 	snop  }
0xe6: {  	[tilespmem:s21], [sflag:$0x1] =	stream.indirect_vreg.gather [hbm4b:s2+s3], $0x80, v3, vm0, $0xb8;
	[tilespmem:$0x10200] =	vst v63  }
0xe7: {  	v3 =	vld [tilespmem:$0x130];
	_ =	sdelay $0x4  }
0xe8: {  	v51 =	vshll.u32 v3, $0x1  }
0xe9: {  	v3 =	vand.u32 $0x7, v3;
	v4 =	vand.u32 $0xFFFFFFF0, v51  }
0xea: {  	v3 =	vor.u32 v3, v4  }
0xeb: {  	v4 =	vperm.xlane v3, v0;
	_ =	sdelay $0x1  }
0xec: {  	v3 =	vperm.xlane v3, v2;
	v4 =	vadd.s32 v1, v4;
	_ =	sdelay $0x1  }
0xed: {  	v3 =	vadd.s32 v1, v3;
	_ =	sdelay $0x2  }
0xee: {  	[tilespmem:s24], [sflag:$0x1] =	stream.indirect_vreg.gather [hbm4b:s2+s3], $0x80, v4, vm0, $0xb8;
	[tilespmem:$0x10200] =	vst v63  }
0xef: {  	_ = 	snop  }
0xf0: {  	[tilespmem:s25], [sflag:$0x1] =	stream.indirect_vreg.gather [hbm4b:s2+s3], $0x80, v3, vm0, $0xb8;
	[tilespmem:$0x10200] =	vst v63  }
0xf1: {  	v3 =	vld [tilespmem:$0x140];
	_ =	sdelay $0x4  }
0xf2: {  	v52 =	vshll.u32 v3, $0x1  }
0xf3: {  	v3 =	vand.u32 $0x7, v3;
	v4 =	vand.u32 $0xFFFFFFF0, v52  }
0xf4: {  	v3 =	vor.u32 v3, v4  }
0xf5: {  	v4 =	vperm.xlane v3, v0;
	_ =	sdelay $0x1  }
0xf6: {  	v3 =	vperm.xlane v3, v2;
	v4 =	vadd.s32 v1, v4;
	_ =	sdelay $0x1  }
0xf7: {  	v3 =	vadd.s32 v1, v3;
	_ =	sdelay $0x2  }
0xf8: {  	[tilespmem:s26], [sflag:$0x1] =	stream.indirect_vreg.gather [hbm4b:s2+s3], $0x80, v4, vm0, $0xb8;
	[tilespmem:$0x10200] =	vst v63  }
0xf9: {  	_ = 	snop  }
0xfa: {  	[tilespmem:s28], [sflag:$0x1] =	stream.indirect_vreg.gather [hbm4b:s2+s3], $0x80, v3, vm0, $0xb8;
	[tilespmem:$0x10200] =	vst v63  }
0xfb: {  	v3 =	vld [tilespmem:$0x150];
	_ =	sdelay $0x4  }
0xfc: {  	v53 =	vshll.u32 v3, $0x1  }
0xfd: {  	v3 =	vand.u32 $0x7, v3;
	v4 =	vand.u32 $0xFFFFFFF0, v53  }
0xfe: {  	v3 =	vor.u32 v3, v4  }
0xff: {  	v4 =	vperm.xlane v3, v0;
	_ =	sdelay $0x1  }
0x100: {  	v3 =	vperm.xlane v3, v2;
	v4 =	vadd.s32 v1, v4;
	_ =	sdelay $0x1  }
0x101: {  	v3 =	vadd.s32 v1, v3;
	_ =	sdelay $0x2  }
0x102: {  	[tilespmem:s29], [sflag:$0x1] =	stream.indirect_vreg.gather [hbm4b:s2+s3], $0x80, v4, vm0, $0xb8;
	[tilespmem:$0x10200] =	vst v63  }
0x103: {  	_ = 	snop  }
0x104: {  	[tilespmem:s30], [sflag:$0x1] =	stream.indirect_vreg.gather [hbm4b:s2+s3], $0x80, v3, vm0, $0xb8;
	[tilespmem:$0x10200] =	vst v63  }
0x105: {  	v3 =	vld [tilespmem:$0x160];
	_ =	sdelay $0x4  }
0x106: {  	v54 =	vshll.u32 v3, $0x1  }
0x107: {  	v3 =	vand.u32 $0x7, v3;
	v4 =	vand.u32 $0xFFFFFFF0, v54  }
0x108: {  	v3 =	vor.u32 v3, v4  }
0x109: {  	v4 =	vperm.xlane v3, v0;
	_ =	sdelay $0x1  }
0x10a: {  	v3 =	vperm.xlane v3, v2;
	v4 =	vadd.s32 v1, v4;
	_ =	sdelay $0x1  }
0x10b: {  	v3 =	vadd.s32 v1, v3;
	_ =	sdelay $0x2  }
0x10c: {  	[tilespmem:s31], [sflag:$0x1] =	stream.indirect_vreg.gather [hbm4b:s2+s3], $0x80, v4, vm0, $0xb8;
	[tilespmem:$0x10200] =	vst v63  }
0x10d: {  	_ = 	snop  }
0x10e: {  	[tilespmem:s1], [sflag:$0x1] =	stream.indirect_vreg.gather [hbm4b:s2+s3], $0x80, v3, vm0, $0xb8;
	[tilespmem:$0x10200] =	vst v63  }
0x10f: {  	v3 =	vld [tilespmem:$0x170];
	_ =	sdelay $0x4  }
0x110: {  	v55 =	vshll.u32 v3, $0x1  }
0x111: {  	v3 =	vand.u32 $0x7, v3;
	v4 =	vand.u32 $0xFFFFFFF0, v55  }
0x112: {  	v3 =	vor.u32 v3, v4  }
0x113: {  	v4 =	vperm.xlane v3, v0;
	_ =	sdelay $0x1  }
0x114: {  	v3 =	vperm.xlane v3, v2;
	v4 =	vadd.s32 v1, v4;
	_ =	sdelay $0x1  }
0x115: {  	v3 =	vadd.s32 v1, v3;
	_ =	sdelay $0x2  }
0x116: {  	[tilespmem:s5], [sflag:$0x1] =	stream.indirect_vreg.gather [hbm4b:s2+s3], $0x80, v4, vm0, $0xb8;
	[tilespmem:$0x10200] =	vst v63  }
0x117: {  	_ = 	snop  }
0x118: {  	[tilespmem:s7], [sflag:$0x1] =	stream.indirect_vreg.gather [hbm4b:s2+s3], $0x80, v3, vm0, $0xb8;
	[tilespmem:$0x10200] =	vst v63  }
0x119: {  	_ =	swait.ge [sflag:s0], $0x8000  }
0x11a: {  	[sflag:s0] =	ssyncset.done $0x0  }
0x11b: {  	s16 =	rddreg [dreg:$0x6];
	[sflag:s0] =	ssyncadd.s32 $0xFFFF8000  }
0x11c: {  	[hbm4b:s16+s3] =	stream.linear.scatter [tilespmem:s23], [sflag:$0x3], $0x8000, $0x38;
	[tilespmem:$0x10200] =	vst v63  }
0x11d: {  	_ =	swait.ge [sflag:s15], $0x8000  }
0x11e: {  	[sflag:s15] =	ssyncset.done $0x0  }
0x11f: {  	[sflag:s15] =	ssyncadd.s32 $0xFFFF8000  }
0x120: {  	v3 =	vld [tilespmem:$0x180];
	_ =	sdelay $0x4  }
0x121: {  	v56 =	vshll.u32 v3, $0x1  }
0x122: {  	v3 =	vand.u32 $0x7, v3;
	v4 =	vand.u32 $0xFFFFFFF0, v56  }
0x123: {  	v3 =	vor.u32 v3, v4  }
0x124: {  	v4 =	vperm.xlane v3, v0;
	_ =	sdelay $0x1  }
0x125: {  	v3 =	vperm.xlane v3, v2;
	v4 =	vadd.s32 v1, v4;
	_ =	sdelay $0x1  }
0x126: {  	v3 =	vadd.s32 v1, v3;
	_ =	sdelay $0x2  }
0x127: {  	[tilespmem:s22], [sflag:$0x2] =	stream.indirect_vreg.gather [hbm4b:s2+s3], $0x80, v4, vm0, $0xb8;
	[tilespmem:$0x10200] =	vst v63  }
0x128: {  	_ = 	snop  }
0x129: {  	[tilespmem:s8], [sflag:$0x2] =	stream.indirect_vreg.gather [hbm4b:s2+s3], $0x80, v3, vm0, $0xb8;
	[tilespmem:$0x10200] =	vst v63  }
0x12a: {  	v3 =	vld [tilespmem:$0x190];
	_ =	sdelay $0x4  }
0x12b: {  	v57 =	vshll.u32 v3, $0x1  }
0x12c: {  	v3 =	vand.u32 $0x7, v3;
	v4 =	vand.u32 $0xFFFFFFF0, v57  }
0x12d: {  	v3 =	vor.u32 v3, v4  }
0x12e: {  	v4 =	vperm.xlane v3, v0;
	_ =	sdelay $0x1  }
0x12f: {  	v3 =	vperm.xlane v3, v2;
	v4 =	vadd.s32 v1, v4;
	_ =	sdelay $0x1  }
0x130: {  	v3 =	vadd.s32 v1, v3;
	_ =	sdelay $0x2  }
0x131: {  	[tilespmem:s9], [sflag:$0x2] =	stream.indirect_vreg.gather [hbm4b:s2+s3], $0x80, v4, vm0, $0xb8;
	[tilespmem:$0x10200] =	vst v63  }
0x132: {  	_ = 	snop  }
0x133: {  	[tilespmem:s10], [sflag:$0x2] =	stream.indirect_vreg.gather [hbm4b:s2+s3], $0x80, v3, vm0, $0xb8;
	[tilespmem:$0x10200] =	vst v63  }
0x134: {  	v3 =	vld [tilespmem:$0x1A0];
	_ =	sdelay $0x4  }
0x135: {  	v58 =	vshll.u32 v3, $0x1  }
0x136: {  	v3 =	vand.u32 $0x7, v3;
	v4 =	vand.u32 $0xFFFFFFF0, v58  }
0x137: {  	v3 =	vor.u32 v3, v4  }
0x138: {  	v4 =	vperm.xlane v3, v0;
	_ =	sdelay $0x1  }
0x139: {  	v3 =	vperm.xlane v3, v2;
	v4 =	vadd.s32 v1, v4;
	_ =	sdelay $0x1  }
0x13a: {  	v3 =	vadd.s32 v1, v3;
	_ =	sdelay $0x2  }
0x13b: {  	[tilespmem:s11], [sflag:$0x2] =	stream.indirect_vreg.gather [hbm4b:s2+s3], $0x80, v4, vm0, $0xb8;
	[tilespmem:$0x10200] =	vst v63  }
0x13c: {  	_ = 	snop  }
0x13d: {  	[tilespmem:s12], [sflag:$0x2] =	stream.indirect_vreg.gather [hbm4b:s2+s3], $0x80, v3, vm0, $0xb8;
	[tilespmem:$0x10200] =	vst v63  }
0x13e: {  	v3 =	vld [tilespmem:$0x1B0];
	_ =	sdelay $0x4  }
0x13f: {  	v59 =	vshll.u32 v3, $0x1  }
0x140: {  	v3 =	vand.u32 $0x7, v3;
	v4 =	vand.u32 $0xFFFFFFF0, v59  }
0x141: {  	v3 =	vor.u32 v3, v4  }
0x142: {  	v4 =	vperm.xlane v3, v0;
	_ =	sdelay $0x1  }
0x143: {  	v3 =	vperm.xlane v3, v2;
	v4 =	vadd.s32 v1, v4;
	_ =	sdelay $0x1  }
0x144: {  	v3 =	vadd.s32 v1, v3;
	_ =	sdelay $0x1  }
0x145: {  	s16 =	simm.s32 $0xB200  }
0x146: {  	[tilespmem:s16], [sflag:$0x2] =	stream.indirect_vreg.gather [hbm4b:s2+s3], $0x80, v4, vm0, $0xb8;
	[tilespmem:$0x10200] =	vst v63  }
0x147: {  	_ = 	snop  }
0x148: {  	[tilespmem:s6], [sflag:$0x2] =	stream.indirect_vreg.gather [hbm4b:s2+s3], $0x80, v3, vm0, $0xb8;
	[tilespmem:$0x10200] =	vst v63  }
0x149: {  	v3 =	vld [tilespmem:$0x1C0];
	_ =	sdelay $0x4  }
0x14a: {  	v60 =	vshll.u32 v3, $0x1  }
0x14b: {  	v3 =	vand.u32 $0x7, v3;
	v4 =	vand.u32 $0xFFFFFFF0, v60  }
0x14c: {  	v3 =	vor.u32 v3, v4  }
0x14d: {  	v4 =	vperm.xlane v3, v0;
	_ =	sdelay $0x1  }
0x14e: {  	v3 =	vperm.xlane v3, v2;
	v4 =	vadd.s32 v1, v4;
	_ =	sdelay $0x1  }
0x14f: {  	v3 =	vadd.s32 v1, v3;
	_ =	sdelay $0x1  }
0x150: {  	s6 =	simm.s32 $0xC200  }
0x151: {  	[tilespmem:s6], [sflag:$0x2] =	stream.indirect_vreg.gather [hbm4b:s2+s3], $0x80, v4, vm0, $0xb8;
	[tilespmem:$0x10200] =	vst v63  }
0x152: {  	s16 =	simm.s32 $0xCA00  }
0x153: {  	[tilespmem:s16], [sflag:$0x2] =	stream.indirect_vreg.gather [hbm4b:s2+s3], $0x80, v3, vm0, $0xb8;
	[tilespmem:$0x10200] =	vst v63  }
0x154: {  	v3 =	vld [tilespmem:$0x1D0];
	_ =	sdelay $0x4  }
0x155: {  	v61 =	vshll.u32 v3, $0x1  }
0x156: {  	v3 =	vand.u32 $0x7, v3;
	v4 =	vand.u32 $0xFFFFFFF0, v61  }
0x157: {  	v3 =	vor.u32 v3, v4  }
0x158: {  	v4 =	vperm.xlane v3, v0;
	_ =	sdelay $0x1  }
0x159: {  	v3 =	vperm.xlane v3, v2;
	v4 =	vadd.s32 v1, v4;
	_ =	sdelay $0x1  }
0x15a: {  	v3 =	vadd.s32 v1, v3;
	_ =	sdelay $0x1  }
0x15b: {  	s6 =	simm.s32 $0xD200  }
0x15c: {  	[tilespmem:s6], [sflag:$0x2] =	stream.indirect_vreg.gather [hbm4b:s2+s3], $0x80, v4, vm0, $0xb8;
	[tilespmem:$0x10200] =	vst v63  }
0x15d: {  	s16 =	simm.s32 $0xDA00  }
0x15e: {  	[tilespmem:s16], [sflag:$0x2] =	stream.indirect_vreg.gather [hbm4b:s2+s3], $0x80, v3, vm0, $0xb8;
	[tilespmem:$0x10200] =	vst v63  }
0x15f: {  	v3 =	vld [tilespmem:$0x1E0];
	_ =	sdelay $0x4  }
0x160: {  	v62 =	vshll.u32 v3, $0x1  }
0x161: {  	v3 =	vand.u32 $0x7, v3;
	v4 =	vand.u32 $0xFFFFFFF0, v62  }
0x162: {  	v3 =	vor.u32 v3, v4  }
0x163: {  	v4 =	vperm.xlane v3, v0;
	_ =	sdelay $0x1  }
0x164: {  	v3 =	vperm.xlane v3, v2;
	v4 =	vadd.s32 v1, v4;
	_ =	sdelay $0x1  }
0x165: {  	v3 =	vadd.s32 v1, v3;
	_ =	sdelay $0x1  }
0x166: {  	s6 =	simm.s32 $0xE200  }
0x167: {  	[tilespmem:s6], [sflag:$0x2] =	stream.indirect_vreg.gather [hbm4b:s2+s3], $0x80, v4, vm0, $0xb8;
	[tilespmem:$0x10200] =	vst v63  }
0x168: {  	s16 =	simm.s32 $0xEA00  }
0x169: {  	[tilespmem:s16], [sflag:$0x2] =	stream.indirect_vreg.gather [hbm4b:s2+s3], $0x80, v3, vm0, $0xb8;
	[tilespmem:$0x10200] =	vst v63  }
0x16a: {  	v3 =	vld [tilespmem:$0x1F0];
	_ =	sdelay $0x4  }
0x16b: {  	v63 =	vshll.u32 v3, $0x1  }
0x16c: {  	v3 =	vand.u32 $0x7, v3;
	v4 =	vand.u32 $0xFFFFFFF0, v63  }
0x16d: {  	v3 =	vor.u32 v3, v4  }
0x16e: {  	v4 =	vperm.xlane v3, v0;
	_ =	sdelay $0x1  }
0x16f: {  	v3 =	vperm.xlane v3, v2;
	v4 =	vadd.s32 v1, v4;
	_ =	sdelay $0x1  }
0x170: {  	v3 =	vadd.s32 v1, v3;
	_ =	sdelay $0x1  }
0x171: {  	s6 =	simm.s32 $0xF200  }
0x172: {  	[tilespmem:s6], [sflag:$0x2] =	stream.indirect_vreg.gather [hbm4b:s2+s3], $0x80, v4, vm0, $0xb8;
	[tilespmem:$0x10200] =	vst v63  }
0x173: {  	s16 =	simm.s32 $0xFA00  }
0x174: {  	[tilespmem:s16], [sflag:$0x2] =	stream.indirect_vreg.gather [hbm4b:s2+s3], $0x80, v3, vm0, $0xb8;
	[tilespmem:$0x10200] =	vst v63  }
0x175: {  	_ =	swait.ge [sflag:s13], $0x8000  }
0x176: {  	[sflag:s13] =	ssyncset.done $0x0  }
0x177: {  	s6 =	rddreg [dreg:$0x7];
	[sflag:s13] =	ssyncadd.s32 $0xFFFF8000  }
0x178: {  	[hbm4b:s6+s3] =	stream.linear.scatter [tilespmem:s22], [sflag:$0x4], $0x8000, $0x38;
	[tilespmem:$0x10200] =	vst v63  }
0x179: {  	p0 =	sne.s32 s4, $0x1;
	_ =	swait.ge [sflag:s14], $0x8000  }
.Ltmp0:
0x17a: {  	[sflag:s14] =	ssyncset.done $0x0;
	(pc) =	sbr.rel @p0 .LBB2_1-.Ltmp0, $4  }
0x17b: {  	[sflag:s14] =	ssyncadd.s32 $0xFFFF8000  }
0x17c: {  	_ =	swait.ge [sflag:s15], $0x8000  }
0x17d: {  	[sflag:s15] =	ssyncset.done $0x0  }
0x17e: {  	s4 =	sadd.s32 $0xFFFFFFFF, s4;
	[sflag:s15] =	ssyncadd.s32 $0xFFFF8000  }
0x17f: {  	_ =	sfence.sel $0x180000  }
0x180: {  	[bflag:$0x0] =	sbarrier.arrive $0xFFFF  }
0x181: {  	_ =	strace $0x9000004D  }
0x182: {  	s0 =	stileid.u32;
	[bflag:$0x2] =	sbarrier.arrive $0xFFFF  }
0x183: {  	p0 =	sne.s32 s0, $0x0;
	s0 =	rddreg [dreg:$0x2]  }
0x184: {  	s0 =	sadd.s32 @!p0 $0x100000, s0  }
0x185: {  	[sflag:s0] =	ssyncadd.tile.s32 @!p0 $0x1;
	_ =	shalt  }
.Lfunc_end2:
_tile_overlayer_lowered:
.L_overlay_start_2:
0x186: {  	(tag) =	ssettag $0x2  }
0x187: {  	s0 =	rddreg [dreg:$0x0];
	s2 =	stileid.u32  }
0x188: {  	s1 =	rddreg [dreg:$0x1];
	p0 =	sne.s32 s2, $0x0  }
0x189: {  	s3 =	rddreg [dreg:$0x2];
	[bflag:$0x3] =	sbarrier.arrive $0xFFFF;
	s2 =	simm.s32 @!p0 $0x1C05  }
0x18a: {  	[timem:s3], [sflag:s2] =	dma.local @!p0 [hbm:s0], s1  }
0x18b: {  	s0 =	simm.s32 @!p0 $0x5  }
0x18c: {  	_ =	swait.ge @!p0 [sflag:s0], s1  }
0x18d: {  	s1 =	ssub.s32 @!p0 $0x0, s1;
	[sflag:s0] =	ssyncset.done @!p0 $0x0  }
0x18e: {  	[sflag:s0] =	ssyncadd.s32 @!p0 s1  }
0x18f: {  	[bflag:$0x3] =	sbarrier.arrive $0xFFFF  }
0x190: {  	_ =	shalt  }

// kernel: kernel.29.cloned.1.call-start
scs
__scs_entry_jumppad:
0x0: {  	(pc) =	sbr.rel $0x88, $3  }
0x1: {  	(tag) =	ssettag $0x0;
	lr =	simm.s32 $0x1  }
0x2: {  	[smem:$0x3F9D] =	sst lr;
	_ =	strace $0xD0000000  }
0x3: {  	_ = 	snop  }
0x4: {  	_ = 	snop  }
0x5: {  	_ = 	snop  }
0x6: {  	_ = 	snop  }
0x7: {  	_ = 	snop  }
__scs_overlays_trampoline_lowered:
0x8: {  	[smem:$0x3FAC] =	sst s0  }
0x9: {  	[smem:$0x3FAD] =	sst s1  }
0xa: {  	[smem:$0x3FAE] =	sst s2  }
0xb: {  	[smem:$0x3FAF] =	sst s3  }
0xc: {  	[smem:$0x3FB0] =	sst s4  }
0xd: {  	[smem:$0x3FB1] =	sst s5  }
0xe: {  	[smem:$0x3FB2] =	sst s6  }
0xf: {  	[smem:$0x3FB3] =	sst s7  }
0x10: {  	[smem:$0x3FB4] =	sst s8  }
0x11: {  	[smem:$0x3FB5] =	sst s9;
	s0 =	simm.s32 @!p0 $0x0  }
0x12: {  	s1 =	sld [smem:$0x3F9B];
	s0 =	simm.s32 @p0 $0x1  }
0x13: {  	[smem:$0x3FB6] =	sst s0;
	s0 =	simm.s32 @!p1 $0x0  }
0x14: {  	s2 =	sld [smem:$0x3F9A];
	s0 =	simm.s32 @p1 $0x1  }
0x15: {  	[smem:$0x3FB7] =	sst s0;
	s0 =	simm.s32 @!p2 $0x0  }
0x16: {  	s3 =	sld [smem:$0x3FDB];
	s0 =	simm.s32 @p2 $0x1  }
0x17: {  	s4 =	simm.s32 $0x1BF5;
	[smem:$0x3FB9] =	sst s0  }
0x18: {  	s0 =	sld [smem:$0x3F9C];
	_ =	swait.ge [sflag:s4], $0x0  }
0x19: {  	s7 =	sld [smem:$0x3F9D]  }
0x1a: {  	s8 =	sadd.s32 $0xFFFFE003, lr  }
0x1b: {  	s9 =	sadd.s32 $0xFFFFFEF7, lr;
	s5 =	simm.s32 $0xFFFFFFFF;
	p2 =	slt.u32 s8, $0xFFFFF086  }
0x1c: {  	p1 =	slt.u32 s9, $0xF7A;
	s5 =	simm.s32 @!p2 $0x0  }
0x1d: {  	s5 =	simm.s32 @p1 $0x1;
	p0 =	seq.s32 s7, s2  }
0x1e: {  	s7 =	smul.u32 @!p0 $0xF7A, s2;
	p2 =	seq.s32 @!p0 s5, $0x0  }
0x1f: {  	s9 =	smul.u32 $0xF7A, s1;
	s8 =	simm.s32 @!p0 $0x1BF5;
	p2 =	por !p2, p0  }
0x20: {  	[sflag:s8] =	ssyncset.s32 @!p0 $0xFFFFF086;
	s6 =	sadd.s32 @!p0 s3, s7;
	s7 =	simm.s32 @!p0 $0x108  }
0x21: {  	s3 =	sadd.s32 s3, s9;
	s6 =	sadd.s32 @!p0 $0x88, s6;
	s7 =	simm.s32 @p2 $0x1082  }
0x22: {  	[simem:s7], [sflag:s8] =	dma.local @!p0 [hbm:s6], $0xF7A  }
0x23: {  	s9 =	sor.u32 $0xD0000000, s2;
	s6 =	simm.s32 $0x108;
	_ =	swait.ge @!p0 [sflag:s8], $0x0  }
0x24: {  	s3 =	sadd.s32 $0x88, s3;
	s6 =	simm.s32 @!p1 $0x1082;
	[sflag:s4] =	ssyncset.s32 $0xFFFFF086  }
0x25: {  	[simem:s6], [sflag:s4] =	dma.local [hbm:s3], $0xF7A  }
0x26: {  	[smem:$0x3F9D] =	sst s1;
	(tag) =	ssettag s2;
	_ =	strace s9  }
0x27: {  	s1 =	sld [smem:$0x3FAD]  }
0x28: {  	s2 =	sld [smem:$0x3FAE]  }
0x29: {  	s4 =	sld [smem:$0x3FB0]  }
0x2a: {  	p0 =	seq.s32 s5, $0x0;
	s5 =	sld [smem:$0x3FB1]  }
0x2b: {  	s6 =	sld [smem:$0x3FB2]  }
0x2c: {  	s7 =	sld [smem:$0x3FB3]  }
0x2d: {  	s3 =	simm.s32 $0x108;
	s8 =	sld [smem:$0x3FB4]  }
0x2e: {  	s3 =	simm.s32 @!p0 $0x1082;
	s9 =	sld [smem:$0x3FB5]  }
0x2f: {  	lr =	sadd.s32 s0, s3;
	s0 =	sld [smem:$0x3FAC]  }
0x30: {  	s3 =	sld [smem:$0x3FAF]  }
0x31: {  	[smem:$0x3FB8] =	sst s10  }
0x32: {  	s10 =	sld [smem:$0x3FB6];
	_ =	sdelay $0x3  }
0x33: {  	p0 =	seq.s32 s10, $0x1;
	s10 =	sld [smem:$0x3FB8];
	_ =	sdelay $0x3  }
0x34: {  	[smem:$0x3FB8] =	sst s10  }
0x35: {  	s10 =	sld [smem:$0x3FB7];
	_ =	sdelay $0x3  }
0x36: {  	p1 =	seq.s32 s10, $0x1;
	s10 =	sld [smem:$0x3FB8];
	_ =	sdelay $0x3  }
0x37: {  	[smem:$0x3FB8] =	sst s10  }
0x38: {  	s10 =	sld [smem:$0x3FB9]  }
0x39: {  	_ = 	snop;
	(pc) =	sbr.ind lr, $3  }
0x3a: {  	_ = 	snop  }
0x3b: {  	_ = 	snop  }
0x3c: {  	p2 =	seq.s32 s10, $0x1;
	s10 =	sld [smem:$0x3FB8]  }
0x3d: {  	_ =	shalt  }
0x3e: {  	_ =	shalt  }
0x3f: {  	_ =	shalt  }
0x40: {  	_ =	shalt  }
0x41: {  	_ =	shalt  }
0x42: {  	_ =	shalt  }
0x43: {  	_ =	shalt  }
0x44: {  	_ =	shalt  }
0x45: {  	_ =	shalt  }
0x46: {  	_ =	shalt  }
0x47: {  	_ =	shalt  }
0x48: {  	_ =	shalt  }
0x49: {  	_ =	shalt  }
0x4a: {  	_ =	shalt  }
0x4b: {  	_ =	shalt  }
0x4c: {  	_ =	shalt  }
0x4d: {  	_ =	shalt  }
0x4e: {  	_ =	shalt  }
0x4f: {  	_ =	shalt  }
0x50: {  	_ =	shalt  }
0x51: {  	_ =	shalt  }
0x52: {  	_ =	shalt  }
0x53: {  	_ =	shalt  }
0x54: {  	_ =	shalt  }
0x55: {  	_ =	shalt  }
0x56: {  	_ =	shalt  }
0x57: {  	_ =	shalt  }
0x58: {  	_ =	shalt  }
0x59: {  	_ =	shalt  }
0x5a: {  	_ =	shalt  }
0x5b: {  	_ =	shalt  }
0x5c: {  	_ =	shalt  }
0x5d: {  	_ =	shalt  }
0x5e: {  	_ =	shalt  }
0x5f: {  	_ =	shalt  }
0x60: {  	_ =	shalt  }
0x61: {  	_ =	shalt  }
0x62: {  	_ =	shalt  }
0x63: {  	_ =	shalt  }
0x64: {  	_ =	shalt  }
0x65: {  	_ =	shalt  }
0x66: {  	_ =	shalt  }
0x67: {  	_ =	shalt  }
0x68: {  	_ =	shalt  }
0x69: {  	_ =	shalt  }
0x6a: {  	_ =	shalt  }
0x6b: {  	_ =	shalt  }
0x6c: {  	_ =	shalt  }
0x6d: {  	_ =	shalt  }
0x6e: {  	_ =	shalt  }
0x6f: {  	_ =	shalt  }
0x70: {  	_ =	shalt  }
0x71: {  	_ =	shalt  }
0x72: {  	_ =	shalt  }
0x73: {  	_ =	shalt  }
0x74: {  	_ =	shalt  }
0x75: {  	_ =	shalt  }
0x76: {  	_ =	shalt  }
0x77: {  	_ =	shalt  }
0x78: {  	_ =	shalt  }
0x79: {  	_ =	shalt  }
0x7a: {  	_ =	shalt  }
0x7b: {  	_ =	shalt  }
0x7c: {  	_ =	shalt  }
0x7d: {  	_ =	shalt  }
0x7e: {  	_ =	shalt  }
0x7f: {  	_ =	shalt  }
0x80: {  	_ =	shalt  }
0x81: {  	_ =	shalt  }
0x82: {  	_ =	shalt  }
0x83: {  	_ =	shalt  }
0x84: {  	_ =	shalt  }
0x85: {  	_ =	shalt  }
0x86: {  	_ =	shalt  }
0x87: {  	_ =	shalt  }
.Lfunc_end0:
.L_simem_size_0:
called_computation.5_lowered:
.L_overlay_start_0:
0x88: {  	s2 =	sld [smem:$0x3FD9]  }
0x89: {  	s3 =	sld [smem:$0x3FFE];
	_ =	sdelay $0x1  }
0x8a: {  	s1 =	srdreg.scid  }
0x8b: {  	s0 =	sand.u32 $0x1, s1  }
0x8c: {  	s17 =	sshll.u32 s0, $0xA;
	s2 =	sadd.s32 s3, s2  }
0x8d: {  	s2 =	sadd.s32 s2, s17  }
0x8e: {  	[smem:$0x3FC4] =	sst s2  }
0x8f: {  	_ = 	snop  }
0x90: {  	s18 =	sld [smem:$0x3FC6];
	(tm) =	ssettm $0x1  }
0x91: {  	s19 =	sld [smem:$0x3FFB];
	_ =	sdelay $0x3  }
0x92: {  	_ =	strace s19  }
0x93: {  	s2 =	sld [smem:$0x3FFC];
	_ =	sdelay $0x3  }
0x94: {  	_ =	strace s2  }
0x95: {  	s2 =	sld [smem:$0x3FFD];
	_ =	sdelay $0x3  }
0x96: {  	_ =	strace s2  }
0x97: {  	_ =	strace $0x8FFFFFFF  }
0x98: {  	s20 =	sld [smem:$0x3FDB];
	_ =	sdelay $0x1  }
0x99: {  	s4 =	simm.s32 $_scs_section_size  }
0x9a: {  	s5 =	simm.s32 $_size__tile_overlayer_lowered;
	s6 =	simm.s32 $_tile_overlayer_lowered  }
0x9b: {  	s7 =	simm.s32 $0x1BFF;
	s21 =	sshll.u32 s6, $0x1;
	s4 =	sadd.s32 s4, s20  }
0x9c: {  	s22 =	simm.s32 $0x0;
	s5 =	sshll.u32 s5, $0x1;
	s6 =	sadd.s32 s21, s4  }
0x9d: {  	[timem:s22], [sflag:s7] =	dma.local [hbm:s6], s5  }
0x9e: {  	_ =	swait.ge [sflag:s7], s5  }
0x9f: {  	s5 =	ssub.s32 $0x0, s5;
	[sflag:s7] =	ssyncset.done $0x0  }
0xa0: {  	[sflag:s7] =	ssyncadd.s32 s5;
	_ =	sdelay $0x1  }
0xa1: {  	s23 =	simm.s32 $0x1B8B  }
0xa2: {  	_ =	swait.ge [sflag:s23], $0x1  }
0xa3: {  	[sflag:s23] =	ssyncset.done $0x0  }
0xa4: {  	[sflag:s23] =	ssyncadd.s32 $0xFFFFFFFF  }
0xa5: {  	s5 =	sld [smem:$0x0]  }
0xa6: {  	s6 =	sand.u32 $0xFFFFFFFE, s1  }
0xa7: {  	p0 =	sne.s32 s1, s6  }
0xa8: {  	s6 =	sshll.u32 @p0 s6, $0xE  }
0xa9: {  	s6 =	sadd.s32 @p0 $0x11B8D, s6;
	s7 =	sshll.u32 @p0 s5, $0x11  }
0xaa: {  	s6 =	sor.u32 @p0 s7, s6  }
0xab: {  	[sflag:s6] =	ssyncadd.remote.s32 @p0 $0x1;
	_ =	sdelay $0x1  }
0xac: {  	s6 =	simm.s32 @p0 $0x1B8D  }
0xad: {  	_ =	swait.eq @p0 [sflag:s6], $0x1  }
0xae: {  	[sflag:s6] =	ssyncadd.s32 @p0 $0xFFFFFFFF  }
0xaf: {  	s7 =	sshll.u32 @!p0 s1, $0xE  }
0xb0: {  	s7 =	sor.u32 @!p0 $0x4000, s7;
	s6 =	simm.s32 @!p0 $0x1B8D  }
0xb1: {  	s5 =	sshll.u32 @!p0 s5, $0x11;
	s7 =	sadd.s32 @!p0 $0x11B8D, s7;
	_ =	swait.eq @!p0 [sflag:s6], $0x1  }
0xb2: {  	s5 =	sor.u32 @!p0 s5, s7;
	[sflag:s6] =	ssyncadd.s32 @!p0 $0xFFFFFFFF  }
0xb3: {  	s25 =	simm.s32 $0x1B8E;
	s24 =	sld [smem:$0x3FFE];
	[sflag:s5] =	ssyncadd.remote.s32 @!p0 $0x1  }
0xb4: {  	s26 =	simm.s32 $execute0_lowered;
	[smem:$0x3FD2] =	sst s25  }
0xb5: {  	s6 =	sshll.u32 s26, $0x1;
	_ =	strace $0x80000052;
	[dreg:$0x1] =	wrdreg $0xFFFFFFFF  }
0xb6: {  	s28 =	simm.s32 $_size_execute0_lowered;
	s4 =	sadd.s32 s4, s6;
	[dreg:$0x0] =	wrdreg $0x0  }
0xb7: {  	s6 =	sshll.u32 s28, $0x1;
	[dreg:$0x2] =	wrdreg s4  }
0xb8: {  	[dreg:$0x3] =	wrdreg s6  }
0xb9: {  	[dreg:$0x4] =	wrdreg $0xC0  }
0xba: {  	_ =	task [dreg:s22], $0x5FFFF  }
0xbb: {  	[dreg:$0x1] =	wrdreg $0xFFFFFFFF  }
0xbc: {  	[dreg:$0x0] =	wrdreg $0x60  }
0xbd: {  	[dreg:$0x2] =	wrdreg s24  }
0xbe: {  	[dreg:$0x3] =	wrdreg s18  }
0xbf: {  	[dreg:$0x4] =	wrdreg $0xA  }
0xc0: {  	_ =	task.clear_ibuf [dreg:s22], $0x5FFFF;
	_ =	strace $0x90000052  }
0xc1: {  	s29 =	simm.s32 $0xA;
	_ =	strace $0x80000054  }
0xc2: {  	_ =	swait.ge [sflag:s29], $0x1  }
0xc3: {  	[sflag:s29] =	ssyncadd.s32 $0xFFFFFFFF  }
0xc4: {  	_ =	strace $0x90000054  }
0xc5: {  	_ =	sfence  }
0xc6: {  	s30 =	sld [smem:$0x0];
	_ =	sdelay $0x2  }
0xc7: {  	s31 =	sshll.u32 s1, $0xD;
	s1 =	sshrl.u32 s1, $0x2  }
0xc8: {  	s4 =	sand.u32 $0x4000, s31;
	s1 =	sadd.s32 s1, s30  }
0xc9: {  	s0 =	sor.u32 s4, s0;
	s1 =	sshll.u32 s1, $0x11  }
0xca: {  	s0 =	sor.u32 s1, s0  }
0xcb: {  	s0 =	sadd.s32 $0x8F2B, s0  }
0xcc: {  	[sflag:s0] =	ssyncadd.remote.s32 $0x1  }
0xcd: {  	_ =	sfence.sel $0xFFFF  }
0xce: {  	[dreg:$0x0] =	wrdreg $0xFFFFFFFF;
	(pc) =	sbr.abs _section_cstart, $3  }
0xcf: {  	[dreg:$0x1] =	wrdreg $0xFFFFFFFF  }
0xd0: {  	_ =	task.clear_ibuf [dreg:s22], $0x2FFFF;
	_ =	strace $0x9FFFFFFF  }
0xd1: {  	(tm) =	ssettm $0x7FFFFFFF  }
tec
execute0_lowered:
.L_overlay_start_1:
0x0: {  	(tag) =	ssettag $0x1  }
0x1: {  	s0 =	srdreg.scid;
	s1 =	rddreg [dreg:$0x0]  }
0x2: {  	s3 =	stileid.u32;
	s2 =	rddreg [dreg:$0x1]  }
0x3: {  	s9 =	simm.s32 $0x2;
	s10 =	simm.s32 $0x200;
	s11 =	simm.s32 $0xA00  }
0x4: {  	s12 =	simm.s32 $0x1200;
	s13 =	simm.s32 $0x1A00;
	s14 =	simm.s32 $0x2200  }
0x5: {  	s15 =	simm.s32 $0x2A00;
	s16 =	simm.s32 $0x3200;
	s17 =	simm.s32 $0x3A00  }
0x6: {  	s18 =	simm.s32 $0x4200;
	s19 =	simm.s32 $0x4A00;
	s20 =	simm.s32 $0x5200  }
0x7: {  	s21 =	simm.s32 $0x5A00;
	s22 =	simm.s32 $0x6200;
	s23 =	simm.s32 $0x6A00  }
0x8: {  	s24 =	simm.s32 $0x7200;
	s25 =	simm.s32 $0x7A00;
	s26 =	simm.s32 $0x8200  }
0x9: {  	s28 =	simm.s32 $0x1;
	s0 =	sand.u32 $0x1, s0;
	s4 =	sshll.u32 s3, $0xA  }
0xa: {  	s3 =	simm.s32 $0x0;
	s5 =	sshll.u32 s0, $0x9;
	s0 =	ssub.s32 $0x2, s0  }
0xb: {  	[smem:$0x7FF] =	sst s3;
	s6 =	sor.u32 s5, s4;
	s30 =	sshrl.u32 s0, $0x1  }
0xc: {  	_ =	strace $0x80000053;
	s4 =	sshrl.u32 s6, $0x3;
	s0 =	ssub.s32 s0, s30  }
0xd: {  	v2 =	vlaneseq.u32;
	s5 =	sadd.s32 $0x184C00, s1;
	s7 =	sadd.s32 s4, s1;
	s0 =	smax.u32 s0, $0x1  }
0xe: {  	vm0 =	vmmov $0xffff;
	v1 =	vshrl.u32 v2, $0x3;
	s4 =	sadd.s32 $0x3A00, s1;
	s31 =	sadd.s32 $0x84000, s7;
	[dreg:$0x4] =	wrdreg s0  }
0xf: {  	v0 =	vand.u32 $0x7, v2;
	v2 =	vor.u32 $0x8, v2;
	v1 =	vmul.u32 $0x8, v1;
	s1 =	simm.s32 $0x0;
	s7 =	sshll.u32 s6, $0x5;
	[dreg:$0x3] =	wrdreg s31  }
.LBB2_1:
0x10: {  	[dreg:$0x5] =	wrdreg s1  }
0x11: {  	s0 =	rddreg [dreg:$0x3]  }
0x12: {  	[tilespmem:s3], [sflag:$0x2] =	stream.linear.gather [hbm4b:s0+s3], $0x200, $0x38;
	[tilespmem:$0x10200] =	vst v63  }
0x13: {  	_ =	swait.ge [sflag:s9], $0x200  }
0x14: {  	[sflag:s9] =	ssyncset.done $0x0  }
0x15: {  	s30 =	simm.s32 $0x0;
	[sflag:s9] =	ssyncadd.s32 $0xFFFFFE00  }
.LBB2_2:
0x16: {  	s0 =	sshll.u32 s30, $0x7  }
0x17: {  	s1 =	sand.u32 $0x3FFFFF80, s0  }
0x18: {  	v3 =	vld [tilespmem:s1+$0x0];
	_ =	sdelay $0x4  }
0x19: {  	v4 =	vshll.u32 v3, $0x1  }
0x1a: {  	v3 =	vand.u32 $0x7, v3;
	v4 =	vand.u32 $0xFFFFFFF0, v4  }
0x1b: {  	v3 =	vor.u32 v3, v4  }
0x1c: {  	v4 =	vperm.xlane v3, v0;
	_ =	sdelay $0x1  }
0x1d: {  	v3 =	vperm.xlane v3, v2;
	v4 =	vadd.s32 v1, v4;
	_ =	sdelay $0x1  }
0x1e: {  	v3 =	vadd.s32 v1, v3;
	_ =	sdelay $0x1  }
0x1f: {  	s6 =	simm.s32 $0x0  }
0x20: {  	[tilespmem:s10], [sflag:$0x1] =	stream.indirect_vreg.gather [hbm4b:s2+s6], $0x80, v4, vm0, $0xb8;
	[tilespmem:$0x10200] =	vst v63  }
0x21: {  	_ = 	snop  }
0x22: {  	[tilespmem:s11], [sflag:$0x1] =	stream.indirect_vreg.gather [hbm4b:s2+s6], $0x80, v3, vm0, $0xb8;
	[tilespmem:$0x10200] =	vst v63  }
0x23: {  	v3 =	vld [tilespmem:s1+$0x10];
	_ =	sdelay $0x4  }
0x24: {  	v4 =	vshll.u32 v3, $0x1  }
0x25: {  	v3 =	vand.u32 $0x7, v3;
	v4 =	vand.u32 $0xFFFFFFF0, v4  }
0x26: {  	v3 =	vor.u32 v3, v4  }
0x27: {  	v4 =	vperm.xlane v3, v0;
	_ =	sdelay $0x1  }
0x28: {  	v3 =	vperm.xlane v3, v2;
	v4 =	vadd.s32 v1, v4;
	_ =	sdelay $0x1  }
0x29: {  	v3 =	vadd.s32 v1, v3;
	_ =	sdelay $0x2  }
0x2a: {  	[tilespmem:s12], [sflag:$0x1] =	stream.indirect_vreg.gather [hbm4b:s2+s6], $0x80, v4, vm0, $0xb8;
	[tilespmem:$0x10200] =	vst v63  }
0x2b: {  	_ = 	snop  }
0x2c: {  	[tilespmem:s13], [sflag:$0x1] =	stream.indirect_vreg.gather [hbm4b:s2+s6], $0x80, v3, vm0, $0xb8;
	[tilespmem:$0x10200] =	vst v63  }
0x2d: {  	v3 =	vld [tilespmem:s1+$0x20];
	_ =	sdelay $0x4  }
0x2e: {  	v4 =	vshll.u32 v3, $0x1  }
0x2f: {  	v3 =	vand.u32 $0x7, v3;
	v4 =	vand.u32 $0xFFFFFFF0, v4  }
0x30: {  	v3 =	vor.u32 v3, v4  }
0x31: {  	v4 =	vperm.xlane v3, v0;
	_ =	sdelay $0x1  }
0x32: {  	v3 =	vperm.xlane v3, v2;
	v4 =	vadd.s32 v1, v4;
	_ =	sdelay $0x1  }
0x33: {  	v3 =	vadd.s32 v1, v3;
	_ =	sdelay $0x2  }
0x34: {  	[tilespmem:s14], [sflag:$0x1] =	stream.indirect_vreg.gather [hbm4b:s2+s6], $0x80, v4, vm0, $0xb8;
	[tilespmem:$0x10200] =	vst v63  }
0x35: {  	_ = 	snop  }
0x36: {  	[tilespmem:s15], [sflag:$0x1] =	stream.indirect_vreg.gather [hbm4b:s2+s6], $0x80, v3, vm0, $0xb8;
	[tilespmem:$0x10200] =	vst v63  }
0x37: {  	v3 =	vld [tilespmem:s1+$0x30];
	_ =	sdelay $0x4  }
0x38: {  	v4 =	vshll.u32 v3, $0x1  }
0x39: {  	v3 =	vand.u32 $0x7, v3;
	v4 =	vand.u32 $0xFFFFFFF0, v4  }
0x3a: {  	v3 =	vor.u32 v3, v4  }
0x3b: {  	v4 =	vperm.xlane v3, v0;
	_ =	sdelay $0x1  }
0x3c: {  	v3 =	vperm.xlane v3, v2;
	v4 =	vadd.s32 v1, v4;
	_ =	sdelay $0x1  }
0x3d: {  	v3 =	vadd.s32 v1, v3;
	_ =	sdelay $0x2  }
0x3e: {  	[tilespmem:s16], [sflag:$0x1] =	stream.indirect_vreg.gather [hbm4b:s2+s6], $0x80, v4, vm0, $0xb8;
	[tilespmem:$0x10200] =	vst v63  }
0x3f: {  	_ = 	snop  }
0x40: {  	[tilespmem:s17], [sflag:$0x1] =	stream.indirect_vreg.gather [hbm4b:s2+s6], $0x80, v3, vm0, $0xb8;
	[tilespmem:$0x10200] =	vst v63  }
0x41: {  	v3 =	vld [tilespmem:s1+$0x40];
	_ =	sdelay $0x4  }
0x42: {  	v4 =	vshll.u32 v3, $0x1  }
0x43: {  	v3 =	vand.u32 $0x7, v3;
	v4 =	vand.u32 $0xFFFFFFF0, v4  }
0x44: {  	v3 =	vor.u32 v3, v4  }
0x45: {  	v4 =	vperm.xlane v3, v0;
	_ =	sdelay $0x1  }
0x46: {  	v3 =	vperm.xlane v3, v2;
	v4 =	vadd.s32 v1, v4;
	_ =	sdelay $0x1  }
0x47: {  	v3 =	vadd.s32 v1, v3;
	_ =	sdelay $0x2  }
0x48: {  	[tilespmem:s18], [sflag:$0x1] =	stream.indirect_vreg.gather [hbm4b:s2+s6], $0x80, v4, vm0, $0xb8;
	[tilespmem:$0x10200] =	vst v63  }
0x49: {  	_ = 	snop  }
0x4a: {  	[tilespmem:s19], [sflag:$0x1] =	stream.indirect_vreg.gather [hbm4b:s2+s6], $0x80, v3, vm0, $0xb8;
	[tilespmem:$0x10200] =	vst v63  }
0x4b: {  	v3 =	vld [tilespmem:s1+$0x50];
	_ =	sdelay $0x4  }
0x4c: {  	v4 =	vshll.u32 v3, $0x1  }
0x4d: {  	v3 =	vand.u32 $0x7, v3;
	v4 =	vand.u32 $0xFFFFFFF0, v4  }
0x4e: {  	v3 =	vor.u32 v3, v4  }
0x4f: {  	v4 =	vperm.xlane v3, v0;
	_ =	sdelay $0x1  }
0x50: {  	v3 =	vperm.xlane v3, v2;
	v4 =	vadd.s32 v1, v4;
	_ =	sdelay $0x1  }
0x51: {  	v3 =	vadd.s32 v1, v3;
	_ =	sdelay $0x2  }
0x52: {  	[tilespmem:s20], [sflag:$0x1] =	stream.indirect_vreg.gather [hbm4b:s2+s6], $0x80, v4, vm0, $0xb8;
	[tilespmem:$0x10200] =	vst v63  }
0x53: {  	_ = 	snop  }
0x54: {  	[tilespmem:s21], [sflag:$0x1] =	stream.indirect_vreg.gather [hbm4b:s2+s6], $0x80, v3, vm0, $0xb8;
	[tilespmem:$0x10200] =	vst v63  }
0x55: {  	v3 =	vld [tilespmem:s1+$0x60];
	_ =	sdelay $0x4  }
0x56: {  	v4 =	vshll.u32 v3, $0x1  }
0x57: {  	v3 =	vand.u32 $0x7, v3;
	v4 =	vand.u32 $0xFFFFFFF0, v4  }
0x58: {  	v3 =	vor.u32 v3, v4  }
0x59: {  	v4 =	vperm.xlane v3, v0;
	_ =	sdelay $0x1  }
0x5a: {  	v3 =	vperm.xlane v3, v2;
	v4 =	vadd.s32 v1, v4;
	_ =	sdelay $0x1  }
0x5b: {  	v3 =	vadd.s32 v1, v3;
	_ =	sdelay $0x2  }
0x5c: {  	[tilespmem:s22], [sflag:$0x1] =	stream.indirect_vreg.gather [hbm4b:s2+s6], $0x80, v4, vm0, $0xb8;
	[tilespmem:$0x10200] =	vst v63  }
0x5d: {  	_ = 	snop  }
0x5e: {  	[tilespmem:s23], [sflag:$0x1] =	stream.indirect_vreg.gather [hbm4b:s2+s6], $0x80, v3, vm0, $0xb8;
	[tilespmem:$0x10200] =	vst v63  }
0x5f: {  	v3 =	vld [tilespmem:s1+$0x70];
	_ =	sdelay $0x4  }
0x60: {  	v4 =	vshll.u32 v3, $0x1  }
0x61: {  	v3 =	vand.u32 $0x7, v3;
	v4 =	vand.u32 $0xFFFFFFF0, v4  }
0x62: {  	v3 =	vor.u32 v3, v4  }
0x63: {  	v4 =	vperm.xlane v3, v0;
	_ =	sdelay $0x1  }
0x64: {  	v3 =	vperm.xlane v3, v2;
	v4 =	vadd.s32 v1, v4;
	_ =	sdelay $0x1  }
0x65: {  	v3 =	vadd.s32 v1, v3;
	_ =	sdelay $0x1  }
0x66: {  	s8 =	sshll.u32 s30, $0xC  }
0x67: {  	[tilespmem:s24], [sflag:$0x1] =	stream.indirect_vreg.gather [hbm4b:s2+s6], $0x80, v4, vm0, $0xb8;
	[tilespmem:$0x10200] =	vst v63  }
0x68: {  	s31 =	sadd.s32 s7, s8  }
0x69: {  	[tilespmem:s25], [sflag:$0x1] =	stream.indirect_vreg.gather [hbm4b:s2+s6], $0x80, v3, vm0, $0xb8;
	[tilespmem:$0x10200] =	vst v63  }
0x6a: {  	s1 =	sadd.s32 s4, s31  }
0x6b: {  	[tilespmem:s26], [sflag:$0x2] =	stream.linear.gather [hbm4b:s1+s6], $0x8000, $0x38;
	[tilespmem:$0x10200] =	vst v63  }
0x6c: {  	_ =	swait.ge [sflag:s9], $0x8000  }
0x6d: {  	[sflag:s9] =	ssyncset.done $0x0  }
0x6e: {  	[sflag:s9] =	ssyncadd.s32 $0xFFFF8000  }
0x6f: {  	_ =	swait.ge [sflag:s28], $0x8000  }
0x70: {  	s29 =	sand.u32 $0x7800, s6;
	s0 =	sand.u32 $0x380, s6;
	[sflag:s28] =	ssyncset.done $0x0  }
0x71: {  	s1 =	sor.u32 s0, s29;
	[sflag:s28] =	ssyncadd.s32 $0xFFFF8000  }
0x72: {  	v10 =	vld [tilespmem:s1+$0x200]  }
0x73: {  	v11 =	vld [tilespmem:s1+$0x210]  }
0x74: {  	v12 =	vld [tilespmem:s1+$0x220]  }
0x75: {  	v13 =	vld [tilespmem:s1+$0x230]  }
0x76: {  	v14 =	vld [tilespmem:s1+$0x240]  }
0x77: {  	v15 =	vld [tilespmem:s1+$0x250]  }
0x78: {  	v16 =	vld [tilespmem:s1+$0x260]  }
0x79: {  	v17 =	vld [tilespmem:s1+$0x270]  }
0x7a: {  	v18 =	vld [tilespmem:s1+$0x600]  }
0x7b: {  	v9 =	vld [tilespmem:s1+$0x610]  }
0x7c: {  	v8 =	vld [tilespmem:s1+$0x620]  }
0x7d: {  	v7 =	vld [tilespmem:s1+$0x630]  }
0x7e: {  	v6 =	vld [tilespmem:s1+$0x640]  }
0x7f: {  	v5 =	vld [tilespmem:s1+$0x650]  }
0x80: {  	v4 =	vld [tilespmem:s1+$0x660]  }
0x81: {  	v3 =	vld [tilespmem:s1+$0x670]  }
0x82: {  	v19 =	vld [tilespmem:s1+$0x8200]  }
0x83: {  	v20 =	vld [tilespmem:s1+$0x8210]  }
0x84: {  	v21 =	vld [tilespmem:s1+$0x8220]  }
0x85: {  	v22 =	vld [tilespmem:s1+$0x8230]  }
0x86: {  	v23 =	vld [tilespmem:s1+$0x8240]  }
0x87: {  	v10 =	vadd.f32 v10, v19;
	v19 =	vld [tilespmem:s1+$0x8250]  }
0x88: {  	v61 =	vld [tilespmem:s1+$0x8260];
	v11 =	vadd.f32 v11, v20  }
0x89: {  	v62 =	vld [tilespmem:s1+$0x8270];
	[tilespmem:s1+$0x8200] =	vst v10;
	v10 =	vadd.f32 v12, v21  }
0x8a: {  	v63 =	vld [tilespmem:s1+$0x8600];
	[tilespmem:s1+$0x8210] =	vst v11;
	v11 =	vadd.f32 v13, v22  }
0x8b: {  	v13 =	vld [tilespmem:s1+$0x8610];
	[tilespmem:s1+$0x8220] =	vst v10;
	v10 =	vadd.f32 v14, v23  }
0x8c: {  	v12 =	vld [tilespmem:s1+$0x8620];
	[tilespmem:s1+$0x8230] =	vst v11;
	v11 =	vadd.f32 v15, v19  }
0x8d: {  	v14 =	vadd.f32 v16, v61;
	[tilespmem:s1+$0x8240] =	vst v10;
	v10 =	vld [tilespmem:s1+$0x8630]  }
0x8e: {  	v16 =	vadd.f32 v17, v62;
	[tilespmem:s1+$0x8250] =	vst v11;
	v11 =	vld [tilespmem:s1+$0x8640]  }
0x8f: {  	s0 =	simm.s32 $0x80;
	s6 =	simm.s32 $0x100;
	v15 =	vadd.f32 v18, v63;
	[tilespmem:s1+$0x8260] =	vst v14;
	v14 =	vld [tilespmem:s1+$0x8650]  }
.LBB2_3:
0x90: {  	s8 =	sand.u32 $0x7800, s6;
	s29 =	sand.u32 $0x380, s0;
	p0 =	sne.s32 s6, $0x7F00;
	[tilespmem:s1+$0x8270] =	vst v16;
	v9 =	vadd.f32 v9, v13;
	v13 =	vld [tilespmem:s1+$0x8660]  }
0x91: {  	s8 =	sor.u32 s29, s8;
	[tilespmem:s1+$0x8600] =	vst v15;
	v8 =	vadd.f32 v8, v12;
	v12 =	vld [tilespmem:s1+$0x8670]  }
0x92: {  	v15 =	vld [tilespmem:s8+$0x200];
	[tilespmem:s1+$0x8610] =	vst v9;
	v7 =	vadd.f32 v7, v10  }
0x93: {  	v10 =	vld [tilespmem:s8+$0x210];
	[tilespmem:s1+$0x8620] =	vst v8;
	v6 =	vadd.f32 v6, v11  }
0x94: {  	v11 =	vld [tilespmem:s8+$0x220];
	[tilespmem:s1+$0x8630] =	vst v7;
	v5 =	vadd.f32 v5, v14  }
0x95: {  	v14 =	vld [tilespmem:s8+$0x230];
	[tilespmem:s1+$0x8640] =	vst v6;
	v4 =	vadd.f32 v4, v13  }
0x96: {  	v13 =	vld [tilespmem:s8+$0x240];
	[tilespmem:s1+$0x8650] =	vst v5;
	v3 =	vadd.f32 v3, v12  }
0x97: {  	v12 =	vld [tilespmem:s8+$0x250];
	[tilespmem:s1+$0x8660] =	vst v4  }
0x98: {  	v16 =	vld [tilespmem:s8+$0x260];
	[tilespmem:s1+$0x8670] =	vst v3;
	s1 =	smov.u32 s8  }
0x99: {  	v17 =	vld [tilespmem:s1+$0x270]  }
0x9a: {  	v18 =	vld [tilespmem:s1+$0x600]  }
0x9b: {  	v9 =	vld [tilespmem:s1+$0x610]  }
0x9c: {  	v8 =	vld [tilespmem:s1+$0x620]  }
0x9d: {  	v7 =	vld [tilespmem:s1+$0x630]  }
0x9e: {  	v6 =	vld [tilespmem:s1+$0x640]  }
0x9f: {  	v5 =	vld [tilespmem:s1+$0x650]  }
0xa0: {  	v4 =	vld [tilespmem:s1+$0x660]  }
0xa1: {  	v3 =	vld [tilespmem:s1+$0x670]  }
0xa2: {  	v19 =	vld [tilespmem:s1+$0x8200]  }
0xa3: {  	v20 =	vld [tilespmem:s1+$0x8210]  }
0xa4: {  	v21 =	vld [tilespmem:s1+$0x8220]  }
0xa5: {  	v22 =	vld [tilespmem:s1+$0x8230]  }
0xa6: {  	v23 =	vld [tilespmem:s1+$0x8240]  }
0xa7: {  	v15 =	vadd.f32 v15, v19;
	v19 =	vld [tilespmem:s1+$0x8250]  }
0xa8: {  	v10 =	vadd.f32 v10, v20;
	v20 =	vld [tilespmem:s1+$0x8260]  }
0xa9: {  	[tilespmem:s1+$0x8200] =	vst v15;
	v11 =	vadd.f32 v11, v21;
	v15 =	vld [tilespmem:s1+$0x8270]  }
0xaa: {  	[tilespmem:s1+$0x8210] =	vst v10;
	v10 =	vadd.f32 v14, v22;
	v14 =	vld [tilespmem:s1+$0x8600]  }
.Ltmp0:
0xab: {  	[tilespmem:s1+$0x8220] =	vst v11;
	v11 =	vadd.f32 v13, v23;
	v13 =	vld [tilespmem:s1+$0x8610];
	(pc) =	sbr.rel @p0 .LBB2_3-.Ltmp0, $4  }
0xac: {  	[tilespmem:s1+$0x8230] =	vst v10;
	v19 =	vadd.f32 v12, v19;
	v12 =	vld [tilespmem:s1+$0x8620]  }
0xad: {  	[tilespmem:s1+$0x8240] =	vst v11;
	v20 =	vadd.f32 v16, v20;
	v10 =	vld [tilespmem:s1+$0x8630]  }
0xae: {  	[tilespmem:s1+$0x8250] =	vst v19;
	v16 =	vadd.f32 v17, v15;
	v11 =	vld [tilespmem:s1+$0x8640]  }
0xaf: {  	s0 =	sadd.s32 $0x80, s0;
	s6 =	sadd.s32 $0x100, s6;
	[tilespmem:s1+$0x8260] =	vst v20;
	v15 =	vadd.f32 v18, v14;
	v14 =	vld [tilespmem:s1+$0x8650]  }
0xb0: {  	[tilespmem:s1+$0x8270] =	vst v16;
	v9 =	vadd.f32 v9, v13;
	v62 =	vld [tilespmem:s1+$0x8660]  }
0xb1: {  	v63 =	vld [tilespmem:s1+$0x8670];
	[tilespmem:s1+$0x8600] =	vst v15;
	v8 =	vadd.f32 v8, v12  }
0xb2: {  	[tilespmem:s1+$0x8610] =	vst v9;
	v7 =	vadd.f32 v7, v10  }
0xb3: {  	[tilespmem:s1+$0x8620] =	vst v8;
	v6 =	vadd.f32 v6, v11  }
0xb4: {  	[tilespmem:s1+$0x8630] =	vst v7;
	v5 =	vadd.f32 v5, v14  }
0xb5: {  	[tilespmem:s1+$0x8640] =	vst v6;
	v4 =	vadd.f32 v4, v62  }
0xb6: {  	s30 =	sadd.s32 $0x1, s30;
	v3 =	vadd.f32 v3, v63;
	[tilespmem:s1+$0x8650] =	vst v5  }
0xb7: {  	p0 =	sne.s32 s30, $0x4;
	[tilespmem:s1+$0x8660] =	vst v4  }
.Ltmp1:
0xb8: {  	s0 =	sadd.s32 s5, s31;
	[tilespmem:s1+$0x8670] =	vst v3;
	(pc) =	sbr.rel @p0 .LBB2_2-.Ltmp1, $4  }
0xb9: {  	[hbm4b:s0+s3] =	stream.linear.scatter [tilespmem:s26], [sflag:$0x2], $0x8000, $0x38;
	[tilespmem:$0x10200] =	vst v63  }
0xba: {  	_ =	swait.ge [sflag:s9], $0x8000  }
0xbb: {  	[sflag:s9] =	ssyncset.done $0x0  }
0xbc: {  	[sflag:s9] =	ssyncadd.s32 $0xFFFF8000  }
0xbd: {  	s1 =	rddreg [dreg:$0x5]  }
0xbe: {  	s0 =	rddreg [dreg:$0x4];
	s1 =	sadd.s32 $0x1, s1  }
0xbf: {  	p0 =	sne.s32 s1, s0  }
.Ltmp2:
0xc0: {  	_ = 	snop;
	(pc) =	sbr.rel @p0 .LBB2_1-.Ltmp2, $1  }
0xc1: {  	_ =	sdelay $0x3  }
0xc2: {  	_ =	sfence.sel $0x180000  }
0xc3: {  	[bflag:$0x0] =	sbarrier.arrive $0xFFFF  }
0xc4: {  	_ =	strace $0x90000053  }
0xc5: {  	s0 =	stileid.u32;
	[bflag:$0x2] =	sbarrier.arrive $0xFFFF  }
0xc6: {  	p0 =	sne.s32 s0, $0x0;
	s0 =	rddreg [dreg:$0x2]  }
0xc7: {  	s0 =	sadd.s32 @!p0 $0x100000, s0  }
0xc8: {  	[sflag:s0] =	ssyncadd.tile.s32 @!p0 $0x1;
	_ =	shalt  }
.Lfunc_end2:
_tile_overlayer_lowered:
.L_overlay_start_2:
0xc9: {  	(tag) =	ssettag $0x2  }
0xca: {  	s0 =	rddreg [dreg:$0x0];
	s2 =	stileid.u32  }
0xcb: {  	s1 =	rddreg [dreg:$0x1];
	p0 =	sne.s32 s2, $0x0  }
0xcc: {  	s3 =	rddreg [dreg:$0x2];
	[bflag:$0x3] =	sbarrier.arrive $0xFFFF;
	s2 =	simm.s32 @!p0 $0x1C02  }
0xcd: {  	[timem:s3], [sflag:s2] =	dma.local @!p0 [hbm:s0], s1  }
0xce: {  	s0 =	simm.s32 @!p0 $0x2  }
0xcf: {  	_ =	swait.ge @!p0 [sflag:s0], s1  }
0xd0: {  	s1 =	ssub.s32 @!p0 $0x0, s1;
	[sflag:s0] =	ssyncset.done @!p0 $0x0  }
0xd1: {  	[sflag:s0] =	ssyncadd.s32 @!p0 s1  }
0xd2: {  	[bflag:$0x3] =	sbarrier.arrive $0xFFFF  }
0xd3: {  	_ =	shalt  }

</sc_bundles>
